<compile_context>
chip_gen: v7x
topology: tpu7x:2x2x1
jax: 0.10.2.dev20260603
libtpu: 0.0.44.dev20260713+nightly
codegen_flags: <defaults>
</compile_context>

<pallas_src>
import jax
import jax.numpy as jnp
from jax import lax
from jax.experimental import pallas as pl
from jax.experimental.pallas import tpu as pltpu
from jax.experimental.pallas import tpu_sc as plsc

NB = 256
NS = 129
T0 = 256
NCDF = 257
NSP = 144
NC = 2
NSUB = 16
NW = NC * NSUB
RB = 128


def _bucket(c):
    x = c * 129.0 - 0.5
    ti = x.astype(jnp.int32)
    inc = ti.astype(jnp.float32) < x
    m = ti + jnp.where(inc, 1, 0)
    return jnp.minimum(m, 129)


_GD = lax.GatherDimensionNumbers(
    offset_dims=(), collapsed_slice_dims=(0,), start_index_map=(0,))


def _lanegather(v, idx):
    return lax.gather(v, idx[:, None], _GD, slice_sizes=(1,),
                      mode=lax.GatherScatterMode.PROMISE_IN_BOUNDS)


def _sc_body(bins_hbm, w_hbm, u_hbm, out_hbm,
             uv, wv, binsv, outv, cdfb0, idxb0, mbuf0, cdfb1, idxb1, mbuf1):
    wid = lax.axis_index("s") * NC + lax.axis_index("c")
    n = out_hbm.shape[0]
    per_w = n // NW
    nbatch = per_w // RB
    pltpu.sync_copy(u_hbm, uv)
    iota16 = lax.iota(jnp.int32, 16)
    lane15 = jnp.full((16,), 15, jnp.int32)

    def ray_body(r, cdfb, idxb, mbuf):
        zi = jnp.zeros((16,), jnp.int32)
        off = jnp.zeros((16,), jnp.float32)
        cdfb[pl.ds(0, 16)] = off
        mbuf[pl.ds(0, 16)] = zi
        for g in range(2):
            css = [plsc.cumsum(wv[r, pl.ds((8 * g + i) * 16, 16)] + 0.01)
                   for i in range(8)]
            tots = [_lanegather(cs, lane15) for cs in css]
            offs = [off]
            for i in range(1, 8):
                offs.append(offs[i - 1] + tots[i - 1])
            off = offs[7] + tots[7]
            for i in range(8):
                cdfb[pl.ds((8 * g + i) * 16 + 1, 16)] = css[i] + offs[i]
        inv = 1.0 / off

        for i in range(16):
            cv = jnp.minimum(cdfb[pl.ds(i * 16 + 1, 16)] * inv, 1.0)
            cdfb[pl.ds(i * 16 + 1, 16)] = cv
            mbuf[pl.ds(i * 16 + 1, 16)] = _bucket(cv)

        for c in range(9):
            idxb[pl.ds(c * 16, 16)] = zi

        for i in range(16):
            ma = mbuf[pl.ds(i * 16, 16)]
            mb = mbuf[pl.ds(i * 16 + 1, 16)]
            msk = ma != mb
            plsc.store_scatter(idxb, [ma], iota16 + (i * 16 + 1), mask=msk)

        scans = [plsc.cummax(idxb[pl.ds(c * 16, 16)]) for c in range(9)]
        lasts = [_lanegather(s, lane15) for s in scans]
        pref = [lasts[0]]
        for c in range(1, 8):
            pref.append(jnp.maximum(pref[c - 1], lasts[c]))

        rsplat = jnp.full((16,), 0, jnp.int32) + r
        for c in range(9):
            y = scans[c] if c == 0 else jnp.maximum(scans[c], pref[c - 1])
            below = y - 1
            g0 = plsc.load_gather(cdfb, [below])
            g1 = plsc.load_gather(cdfb, [y])
            b0 = plsc.load_gather(binsv, [rsplat, below])
            b1 = plsc.load_gather(binsv, [rsplat, y])
            uc = uv[pl.ds(c * 16, 16)]
            den = g1 - g0
            num = uc - g0
            t = num / den
            t = jnp.where(den == 0.0, jnp.where(num > 0.0, 1.0, 0.0), t)
            t = jnp.clip(t, 0.0, 1.0)
            outv[r, pl.ds(c * 16, 16)] = b0 + t * (b1 - b0)

    def pair_body(pp, _):
        ray_body(2 * pp, cdfb0, idxb0, mbuf0)
        ray_body(2 * pp + 1, cdfb1, idxb1, mbuf1)
        return 0

    def batch_body(bi, _):
        base = wid * per_w + bi * RB
        pltpu.sync_copy(w_hbm.at[pl.ds(base, RB)], wv)
        pltpu.sync_copy(bins_hbm.at[pl.ds(base, RB)], binsv)
        lax.fori_loop(0, RB // 2, pair_body, 0)
        pltpu.sync_copy(outv, out_hbm.at[pl.ds(base, RB)])
        return 0

    lax.fori_loop(0, nbatch, batch_body, 0)


def _tc_epilogue(ro_ref, rd_ref, nb_ref, aabb_ref, rx_ref, ry_ref, rz_ref,
                 out_ref):
    nb = nb_ref[:, 0:NS]

    o = ro_ref[...]
    d = rd_ref[...]
    amin = aabb_ref[:, 0:3]
    amax = aabb_ref[:, 3:6]
    tmin = (amin - o) / (d + 1e-15)
    tmax = (amax - o) / (d + 1e-15)
    lo = jnp.where(tmin < tmax, tmin, tmax)
    hi = jnp.where(tmin > tmax, tmin, tmax)
    near = jnp.max(lo, axis=1, keepdims=True)
    far = jnp.min(hi, axis=1, keepdims=True)
    bad = far < near
    near = jnp.where(bad, 1e9, near)
    far = jnp.where(bad, 1e9, far)
    near = jnp.maximum(near, 0.05)

    def spacing(x):
        return jnp.where(x < 1.0, x / 2.0, 1.0 - 1.0 / (2.0 * x))

    sn = spacing(near)
    sf = spacing(far)

    ones129 = jnp.ones((1, NS), jnp.float32)
    snb = jnp.dot(sn, ones129, preferred_element_type=jnp.float32, precision=lax.Precision.HIGHEST)
    sfb = jnp.dot(sf, ones129, preferred_element_type=jnp.float32, precision=lax.Precision.HIGHEST)
    x = snb * (1.0 - nb) + sfb * nb
    real = jnp.where(x < 0.5, 2.0 * x, 1.0 / (2.0 - 2.0 * x))
    tmid = (real[:, 1:NS] + real[:, 0:NS - 1]) * 0.5

    i3 = lax.broadcasted_iota(jnp.int32, (3, 128), 0)
    e0 = (i3 == 0).astype(jnp.float32)
    e1 = (i3 == 1).astype(jnp.float32)
    e2 = (i3 == 2).astype(jnp.float32)
    oxb = jnp.dot(o, e0, preferred_element_type=jnp.float32, precision=lax.Precision.HIGHEST)
    oyb = jnp.dot(o, e1, preferred_element_type=jnp.float32, precision=lax.Precision.HIGHEST)
    ozb = jnp.dot(o, e2, preferred_element_type=jnp.float32, precision=lax.Precision.HIGHEST)
    dxb = jnp.dot(d, e0, preferred_element_type=jnp.float32, precision=lax.Precision.HIGHEST)
    dyb = jnp.dot(d, e1, preferred_element_type=jnp.float32, precision=lax.Precision.HIGHEST)
    dzb = jnp.dot(d, e2, preferred_element_type=jnp.float32, precision=lax.Precision.HIGHEST)
    px = oxb + dxb * tmid
    py = oyb + dyb * tmid
    pz = ozb + dzb * tmid
    ax = jnp.abs(px)
    ay = jnp.abs(py)
    az = jnp.abs(pz)
    mag = jnp.maximum(ax, jnp.maximum(ay, az))
    inv0 = 1.0 / mag
    sarg = (2.0 - inv0) / mag
    ex = ax == mag
    ey = (ay == mag) & jnp.logical_not(ex)
    ez = (az == mag) & jnp.logical_not(ex) & jnp.logical_not(ey)
    sx = jnp.where(ex, sarg, inv0)
    sy = jnp.where(ey, sarg, inv0)
    sz = jnp.where(ez, sarg, inv0)
    small = mag < 1.0
    zx = jnp.where(small, px, px * sx)
    zy = jnp.where(small, py, py * sy)
    zz = jnp.where(small, pz, pz * sz)

    out_ref[...] = (
        jnp.dot(zx, rx_ref[...], preferred_element_type=jnp.float32)
        + jnp.dot(zy, ry_ref[...], preferred_element_type=jnp.float32)
        + jnp.dot(zz, rz_ref[...], preferred_element_type=jnp.float32))


def kernel(rays_o, rays_d, bins, weights, aabb, T):
    n = rays_o.shape[0]
    u = jnp.linspace(0.5 / T, 1.0 - 0.5 / T, NS).astype(jnp.float32)
    u_pad = jnp.concatenate([u, jnp.ones((NSP - NS,), jnp.float32)])
    aabb2 = aabb[None, :]

    mesh = plsc.VectorSubcoreMesh(
        core_axis_name="c", subcore_axis_name="s",
        num_cores=NC, num_subcores=NSUB)

    sc_sample = pl.kernel(
        _sc_body,
        out_type=jax.ShapeDtypeStruct((n, NSP), jnp.float32),
        mesh=mesh,
        compiler_params=pltpu.CompilerParams(needs_layout_passes=False),
        scratch_types=[
            pltpu.VMEM((NSP,), jnp.float32),
            pltpu.VMEM((RB, T0), jnp.float32),
            pltpu.VMEM((RB, NCDF), jnp.float32),
            pltpu.VMEM((RB, NSP), jnp.float32),
            pltpu.VMEM((NCDF,), jnp.float32),
            pltpu.VMEM((NSP,), jnp.int32),
            pltpu.VMEM((NCDF + 7,), jnp.int32),
            pltpu.VMEM((NCDF,), jnp.float32),
            pltpu.VMEM((NSP,), jnp.int32),
            pltpu.VMEM((NCDF + 7,), jnp.int32),
        ],
    )
    newb = sc_sample(bins, weights, u_pad)

    m128 = jnp.arange(128)
    zero_sel = jnp.zeros((128, 384), jnp.float32)
    rx = zero_sel.at[m128, 3 * m128].set(1.0)
    ry = zero_sel.at[m128, 3 * m128 + 1].set(1.0)
    rz = zero_sel.at[m128, 3 * m128 + 2].set(1.0)

    grid = n // NB
    out = pl.pallas_call(
        _tc_epilogue,
        grid=(grid,),
        in_specs=[
            pl.BlockSpec((NB, 3), lambda i: (i, 0)),
            pl.BlockSpec((NB, 3), lambda i: (i, 0)),
            pl.BlockSpec((NB, NSP), lambda i: (i, 0)),
            pl.BlockSpec((1, 6), lambda i: (0, 0)),
            pl.BlockSpec((128, 384), lambda i: (0, 0)),
            pl.BlockSpec((128, 384), lambda i: (0, 0)),
            pl.BlockSpec((128, 384), lambda i: (0, 0)),
        ],
        out_specs=pl.BlockSpec((NB, 384), lambda i: (i, 0)),
        out_shape=jax.ShapeDtypeStruct((n, 384), jnp.float32),
    )(rays_o, rays_d, newb, aabb2, rx, ry, rz)
    return out.reshape(n, 128, 3)

# --- scband reference (transcript-rebuilt; emitter-appended) ---
"""Pipeline reference for scband-ne-rfrenderer-31954556682972 (READ-ONLY COPY).

The authoritative reference and input builder live on the scoring server;
editing this copy changes nothing except your own understanding.
"""

import jax, jax.numpy as jnp
import numpy as np


def _spacing_fn(x):
    return jnp.where(x < 1, x / 2, 1 - 1 / (2 * x))


def _spacing_fn_inv(x):
    return jnp.where(x < 0.5, 2 * x, 1 / (2 - 2 * x))


def _contract(x):
    shape = x.shape
    C = shape[-1]
    x = x.reshape(-1, C)
    absx = jnp.abs(x)
    mag = jnp.max(absx, axis=1, keepdims=True)
    idx = jnp.argmax(absx, axis=1)
    scale = jnp.broadcast_to(1.0 / mag, x.shape)
    rows = jnp.arange(x.shape[0])
    scale = scale.at[rows, idx].set(((2 - 1 / mag) / mag)[:, 0])
    z = jnp.where(mag < 1, x, x * scale)
    return z.reshape(shape)


def _near_far_from_aabb(rays_o, rays_d, aabb, min_near=0.05):
    tmin = (aabb[:3] - rays_o) / (rays_d + 1e-15)
    tmax = (aabb[3:] - rays_o) / (rays_d + 1e-15)
    near = jnp.max(jnp.where(tmin < tmax, tmin, tmax), axis=-1, keepdims=True)
    far = jnp.min(jnp.where(tmin > tmax, tmin, tmax), axis=-1, keepdims=True)
    mask = far < near
    near = jnp.where(mask, 1e9, near)
    far = jnp.where(mask, 1e9, far)
    near = jnp.maximum(near, min_near)
    return near, far


def _sample_pdf(bins, weights, T):
    N, T0 = weights.shape
    weights = weights + 0.01
    weights_sum = jnp.sum(weights, -1, keepdims=True)
    pdf = weights / weights_sum
    cdf = jnp.minimum(jnp.cumsum(pdf, -1), 1.0)
    cdf = jnp.concatenate([jnp.zeros_like(cdf[..., :1]), cdf], -1)
    u = jnp.linspace(0.5 / T, 1 - 0.5 / T, 129)
    u = jnp.broadcast_to(u, (N, 129))
    inds = jax.vmap(lambda c, uu: jnp.searchsorted(c, uu, side='right'))(cdf, u)
    below = jnp.clip(inds - 1, 0, T0)
    above = jnp.clip(inds, 0, T0)
    cdf_g0 = jnp.take_along_axis(cdf, below, axis=-1)
    cdf_g1 = jnp.take_along_axis(cdf, above, axis=-1)
    bins_g0 = jnp.take_along_axis(bins, below, axis=-1)
    bins_g1 = jnp.take_along_axis(bins, above, axis=-1)
    bins_t = jnp.clip(jnp.nan_to_num((u - cdf_g0) / (cdf_g1 - cdf_g0)), 0.0, 1.0)
    return bins_g0 + bins_t * (bins_g1 - bins_g0)


def setup_inputs(seed: int = 0) -> dict:
    key = jax.random.key(seed)
    k1, k2, k3, k4 = jax.random.split(key, 4)
    N, T0 = 16384, 256
    rays_o = jax.random.uniform(k1, (N, 3), minval=-0.5, maxval=0.5, dtype=jnp.float32)
    d = jax.random.normal(k2, (N, 3), dtype=jnp.float32)
    rays_d = d / jnp.linalg.norm(d, axis=-1, keepdims=True)
    w = jax.random.uniform(k3, (N, T0), minval=0.1, maxval=1.0, dtype=jnp.float32)
    bins = jnp.concatenate([jnp.zeros((N, 1), dtype=jnp.float32), jnp.cumsum(w / jnp.sum(w, -1, keepdims=True), -1)], -1)
    bins = jnp.minimum(bins, 1.0)
    weights = jax.random.uniform(k4, (N, T0), dtype=jnp.float32)
    aabb = jnp.array([-2.0, -2.0, -2.0, 2.0, 2.0, 2.0], dtype=jnp.float32)
    return {"rays_o": rays_o, "rays_d": rays_d, "bins": bins, "weights": weights, "aabb": aabb, "T": 129}


def reference(rays_o, rays_d, bins, weights, aabb, T):
    nears, fars = _near_far_from_aabb(rays_o, rays_d, aabb, 0.05)
    s_nears = _spacing_fn(nears)
    s_fars = _spacing_fn(fars)
    new_bins = jax.lax.stop_gradient(_sample_pdf(bins, weights, T))
    real_bins = _spacing_fn_inv(s_nears * (1 - new_bins) + s_fars * new_bins)
    rays_t = (real_bins[..., 1:] + real_bins[..., :-1]) / 2
    xyzs = rays_o[:, None, :] + rays_d[:, None, :] * rays_t[..., None]
    xyzs = _contract(xyzs)
    return xyzs

if __name__ == "__main__":
    import jax
    _d = setup_inputs()
    print(jax.jit(kernel)(*tuple(_d.values())))

</pallas_src>

<mosaic_0001>
#map = affine_map<(d0, d1) -> (0, 0)>
#map1 = affine_map<(d0, d1) -> (0)>
module attributes {stable_mosaic.version = 14 : i64} {
  func.func @_sc_body(%arg0: i32, %arg1: i32, %arg2: memref<16384x257xf32, #tpu.memory_space<hbm>>, %arg3: memref<16384x256xf32, #tpu.memory_space<hbm>>, %arg4: memref<144xf32, #tpu.memory_space<hbm>>, %arg5: memref<16384x144xf32, #tpu.memory_space<hbm>>, %arg6: memref<144xf32, #tpu.memory_space<vmem>>, %arg7: memref<128x256xf32, #tpu.memory_space<vmem>>, %arg8: memref<128x257xf32, #tpu.memory_space<vmem>>, %arg9: memref<128x144xf32, #tpu.memory_space<vmem>>, %arg10: memref<257xf32, #tpu.memory_space<vmem>>, %arg11: memref<144xi32, #tpu.memory_space<vmem>>, %arg12: memref<264xi32, #tpu.memory_space<vmem>>, %arg13: memref<257xf32, #tpu.memory_space<vmem>>, %arg14: memref<144xi32, #tpu.memory_space<vmem>>, %arg15: memref<264xi32, #tpu.memory_space<vmem>>) attributes {dimension_semantics = [#tpu.dimension_semantics<core_parallel>, #tpu.dimension_semantics<subcore_parallel>], iteration_bounds = array<i64: 2, 16>, scalar_prefetch = 0 : i64, scratch_operands = 10 : i64, tpu.core_type = #tpu.core_type<sc_vector_subcore>, window_params = [{transform_indices = #map}, {transform_indices = #map}, {transform_indices = #map1}, {transform_indices = #map}]} {
    %mul3A = arith.constant 2 : i32
    %mul3A_0 = arith.muli %arg1, %mul3A : i32
    %add3A = arith.addi %mul3A_0, %arg0 : i32
    "tpu.region"() ({
      %run_scoped3A = tpu.sem_alloc : memref<!tpu.dma_semaphore, #tpu.memory_space<semaphore_mem>>
      tpu.enqueue_dma source(%arg4 : memref<144xf32, #tpu.memory_space<hbm>>) target(%arg6 : memref<144xf32, #tpu.memory_space<vmem>>) target_semaphore(%run_scoped3A : memref<!tpu.dma_semaphore, #tpu.memory_space<semaphore_mem>>)
      tpu.wait_dma2 semaphore(%run_scoped3A : memref<!tpu.dma_semaphore, #tpu.memory_space<semaphore_mem>>) src(%arg4 : memref<144xf32, #tpu.memory_space<hbm>>) dst(%arg6 : memref<144xf32, #tpu.memory_space<vmem>>)
      tpu.yield
    }) : () -> ()
    %iota3A = tpu.iota {dimensions = array<i32: 0>} : vector<16xi32>
    %broadcast_in_dim3A = arith.constant 15 : i32
    %broadcast_in_dim3A_1 = vector.broadcast %broadcast_in_dim3A : i32 to vector<16xi32>
    %scan3A = arith.constant 0 : i32
    %scan3A_2 = arith.constant 0 : i32
    %scan3A_3 = arith.constant 4 : i32
    %scan3A_4 = arith.addi %scan3A_2, %scan3A_3 : i32
    %scan3A_5 = arith.constant 1 : i32
    %scan3A_6 = scf.for %scan3A_8 = %scan3A_2 to %scan3A_4 step %scan3A_5 iter_args(%scan3A_9 = %scan3A) -> (i32)  : i32 {
      %mul3A_10 = arith.constant 512 : i32
      %mul3A_11 = arith.muli %add3A, %mul3A_10 : i32
      %mul3A_12 = arith.constant 128 : i32
      %mul3A_13 = arith.muli %scan3A_8, %mul3A_12 : i32
      %add3A_14 = arith.addi %mul3A_11, %mul3A_13 : i32
      "tpu.region"() ({
        %run_scoped3A = tpu.sem_alloc : memref<!tpu.dma_semaphore, #tpu.memory_space<semaphore_mem>>
        %dma_start3A = arith.constant 0 : i32
        %dma_start3A_23 = tpu.memref_slice %arg3[%add3A_14, %dma_start3A] : memref<16384x256xf32, #tpu.memory_space<hbm>> -> memref<128x256xf32, #tpu.memory_space<hbm>>
        %dma_start3A_24 = arith.constant 0 : i32
        %dma_start3A_25 = tpu.memref_slice %arg3[%add3A_14, %dma_start3A_24] : memref<16384x256xf32, #tpu.memory_space<hbm>> -> memref<128x256xf32, #tpu.memory_space<hbm>>
        tpu.enqueue_dma source(%dma_start3A_25 : memref<128x256xf32, #tpu.memory_space<hbm>>) target(%arg7 : memref<128x256xf32, #tpu.memory_space<vmem>>) target_semaphore(%run_scoped3A : memref<!tpu.dma_semaphore, #tpu.memory_space<semaphore_mem>>)
        %dma_wait3A = arith.constant 0 : i32
        %dma_wait3A_26 = tpu.memref_slice %arg3[%add3A_14, %dma_wait3A] : memref<16384x256xf32, #tpu.memory_space<hbm>> -> memref<128x256xf32, #tpu.memory_space<hbm>>
        %dma_wait3A_27 = arith.constant 0 : i32
        %dma_wait3A_28 = tpu.memref_slice %arg3[%add3A_14, %dma_wait3A_27] : memref<16384x256xf32, #tpu.memory_space<hbm>> -> memref<128x256xf32, #tpu.memory_space<hbm>>
        tpu.wait_dma2 semaphore(%run_scoped3A : memref<!tpu.dma_semaphore, #tpu.memory_space<semaphore_mem>>) src(%dma_wait3A_28 : memref<128x256xf32, #tpu.memory_space<hbm>>) dst(%arg7 : memref<128x256xf32, #tpu.memory_space<vmem>>)
        tpu.yield
      }) : () -> ()
      "tpu.region"() ({
        %run_scoped3A = tpu.sem_alloc : memref<!tpu.dma_semaphore, #tpu.memory_space<semaphore_mem>>
        %dma_start3A = arith.constant 0 : i32
        %dma_start3A_23 = tpu.memref_slice %arg2[%add3A_14, %dma_start3A] : memref<16384x257xf32, #tpu.memory_space<hbm>> -> memref<128x257xf32, #tpu.memory_space<hbm>>
        %dma_start3A_24 = arith.constant 0 : i32
        %dma_start3A_25 = tpu.memref_slice %arg2[%add3A_14, %dma_start3A_24] : memref<16384x257xf32, #tpu.memory_space<hbm>> -> memref<128x257xf32, #tpu.memory_space<hbm>>
        tpu.enqueue_dma source(%dma_start3A_25 : memref<128x257xf32, #tpu.memory_space<hbm>>) target(%arg8 : memref<128x257xf32, #tpu.memory_space<vmem>>) target_semaphore(%run_scoped3A : memref<!tpu.dma_semaphore, #tpu.memory_space<semaphore_mem>>)
        %dma_wait3A = arith.constant 0 : i32
        %dma_wait3A_26 = tpu.memref_slice %arg2[%add3A_14, %dma_wait3A] : memref<16384x257xf32, #tpu.memory_space<hbm>> -> memref<128x257xf32, #tpu.memory_space<hbm>>
        %dma_wait3A_27 = arith.constant 0 : i32
        %dma_wait3A_28 = tpu.memref_slice %arg2[%add3A_14, %dma_wait3A_27] : memref<16384x257xf32, #tpu.memory_space<hbm>> -> memref<128x257xf32, #tpu.memory_space<hbm>>
        tpu.wait_dma2 semaphore(%run_scoped3A : memref<!tpu.dma_semaphore, #tpu.memory_space<semaphore_mem>>) src(%dma_wait3A_28 : memref<128x257xf32, #tpu.memory_space<hbm>>) dst(%arg8 : memref<128x257xf32, #tpu.memory_space<vmem>>)
        tpu.yield
      }) : () -> ()
      %scan3A_15 = arith.constant 0 : i32
      %scan3A_16 = arith.constant 0 : i32
      %scan3A_17 = arith.constant 64 : i32
      %scan3A_18 = arith.addi %scan3A_16, %scan3A_17 : i32
      %scan3A_19 = arith.constant 1 : i32
      %scan3A_20 = scf.for %scan3A_23 = %scan3A_16 to %scan3A_18 step %scan3A_19 iter_args(%scan3A_24 = %scan3A_15) -> (i32)  : i32 {
        %mul3A_25 = arith.constant 2 : i32
        %mul3A_26 = arith.muli %mul3A_25, %scan3A_23 : i32
        %broadcast_in_dim3A_27 = arith.constant 0 : i32
        %broadcast_in_dim3A_28 = vector.broadcast %broadcast_in_dim3A_27 : i32 to vector<16xi32>
        %broadcast_in_dim3A_29 = arith.constant 0.000000e+00 : f32
        %broadcast_in_dim3A_30 = vector.broadcast %broadcast_in_dim3A_29 : f32 to vector<16xf32>
        %swap3A = arith.constant 0 : index
        %swap3A_31 = tpu.vector_load %arg10[%swap3A] {strides = array<i32>} : memref<257xf32, #tpu.memory_space<vmem>>, vector<16xf32>,
        tpu.vector_store %arg10[%swap3A], %broadcast_in_dim3A_30 {strides = array<i32>} : memref<257xf32, #tpu.memory_space<vmem>>, vector<16xf32>,
        %swap3A_32 = arith.constant 0 : index
        %swap3A_33 = tpu.vector_load %arg12[%swap3A_32] {strides = array<i32>} : memref<264xi32, #tpu.memory_space<vmem>>, vector<16xi32>,
        tpu.vector_store %arg12[%swap3A_32], %broadcast_in_dim3A_28 {strides = array<i32>} : memref<264xi32, #tpu.memory_space<vmem>>, vector<16xi32>,
        %get3A = arith.index_cast %mul3A_26 : i32 to index
        %get3A_34 = arith.constant 0 : index
        %get3A_35 = tpu.vector_load %arg7[%get3A, %get3A_34] {strides = array<i32>} : memref<128x256xf32, #tpu.memory_space<vmem>>, vector<16xf32>,
        %add3A_36 = arith.constant 0.00999999977 : f32
        %add3A_37 = vector.broadcast %add3A_36 : f32 to vector<16xf32>
        %add3A_38 = arith.addf %get3A_35, %add3A_37 : vector<16xf32>
        %broadcast_in_dim3A_39 = arith.constant true
        %broadcast_in_dim3A_40 = vector.broadcast %broadcast_in_dim3A_39 : i1 to vector<16xi1>
        %masked_cumsum3A = tpu.scan <sum>, %add3A_38 masked %broadcast_in_dim3A_40 : vector<16xf32>, vector<16xi1> -> vector<16xf32>
        %get3A_41 = arith.index_cast %mul3A_26 : i32 to index
        %get3A_42 = arith.constant 16 : index
        %get3A_43 = tpu.vector_load %arg7[%get3A_41, %get3A_42] {strides = array<i32>} : memref<128x256xf32, #tpu.memory_space<vmem>>, vector<16xf32>,
        %add3A_44 = arith.constant 0.00999999977 : f32
        %add3A_45 = vector.broadcast %add3A_44 : f32 to vector<16xf32>
        %add3A_46 = arith.addf %get3A_43, %add3A_45 : vector<16xf32>
        %broadcast_in_dim3A_47 = arith.constant true
        %broadcast_in_dim3A_48 = vector.broadcast %broadcast_in_dim3A_47 : i1 to vector<16xi1>
        %masked_cumsum3A_49 = tpu.scan <sum>, %add3A_46 masked %broadcast_in_dim3A_48 : vector<16xf32>, vector<16xi1> -> vector<16xf32>
        %get3A_50 = arith.index_cast %mul3A_26 : i32 to index
        %get3A_51 = arith.constant 32 : index
        %get3A_52 = tpu.vector_load %arg7[%get3A_50, %get3A_51] {strides = array<i32>} : memref<128x256xf32, #tpu.memory_space<vmem>>, vector<16xf32>,
        %add3A_53 = arith.constant 0.00999999977 : f32
        %add3A_54 = vector.broadcast %add3A_53 : f32 to vector<16xf32>
        %add3A_55 = arith.addf %get3A_52, %add3A_54 : vector<16xf32>
        %broadcast_in_dim3A_56 = arith.constant true
        %broadcast_in_dim3A_57 = vector.broadcast %broadcast_in_dim3A_56 : i1 to vector<16xi1>
        %masked_cumsum3A_58 = tpu.scan <sum>, %add3A_55 masked %broadcast_in_dim3A_57 : vector<16xf32>, vector<16xi1> -> vector<16xf32>
        %get3A_59 = arith.index_cast %mul3A_26 : i32 to index
        %get3A_60 = arith.constant 48 : index
        %get3A_61 = tpu.vector_load %arg7[%get3A_59, %get3A_60] {strides = array<i32>} : memref<128x256xf32, #tpu.memory_space<vmem>>, vector<16xf32>,
        %add3A_62 = arith.constant 0.00999999977 : f32
        %add3A_63 = vector.broadcast %add3A_62 : f32 to vector<16xf32>
        %add3A_64 = arith.addf %get3A_61, %add3A_63 : vector<16xf32>
        %broadcast_in_dim3A_65 = arith.constant true
        %broadcast_in_dim3A_66 = vector.broadcast %broadcast_in_dim3A_65 : i1 to vector<16xi1>
        %masked_cumsum3A_67 = tpu.scan <sum>, %add3A_64 masked %broadcast_in_dim3A_66 : vector<16xf32>, vector<16xi1> -> vector<16xf32>
        %get3A_68 = arith.index_cast %mul3A_26 : i32 to index
        %get3A_69 = arith.constant 64 : index
        %get3A_70 = tpu.vector_load %arg7[%get3A_68, %get3A_69] {strides = array<i32>} : memref<128x256xf32, #tpu.memory_space<vmem>>, vector<16xf32>,
        %add3A_71 = arith.constant 0.00999999977 : f32
        %add3A_72 = vector.broadcast %add3A_71 : f32 to vector<16xf32>
        %add3A_73 = arith.addf %get3A_70, %add3A_72 : vector<16xf32>
        %broadcast_in_dim3A_74 = arith.constant true
        %broadcast_in_dim3A_75 = vector.broadcast %broadcast_in_dim3A_74 : i1 to vector<16xi1>
        %masked_cumsum3A_76 = tpu.scan <sum>, %add3A_73 masked %broadcast_in_dim3A_75 : vector<16xf32>, vector<16xi1> -> vector<16xf32>
        %get3A_77 = arith.index_cast %mul3A_26 : i32 to index
        %get3A_78 = arith.constant 80 : index
        %get3A_79 = tpu.vector_load %arg7[%get3A_77, %get3A_78] {strides = array<i32>} : memref<128x256xf32, #tpu.memory_space<vmem>>, vector<16xf32>,
        %add3A_80 = arith.constant 0.00999999977 : f32
        %add3A_81 = vector.broadcast %add3A_80 : f32 to vector<16xf32>
        %add3A_82 = arith.addf %get3A_79, %add3A_81 : vector<16xf32>
        %broadcast_in_dim3A_83 = arith.constant true
        %broadcast_in_dim3A_84 = vector.broadcast %broadcast_in_dim3A_83 : i1 to vector<16xi1>
        %masked_cumsum3A_85 = tpu.scan <sum>, %add3A_82 masked %broadcast_in_dim3A_84 : vector<16xf32>, vector<16xi1> -> vector<16xf32>
        %get3A_86 = arith.index_cast %mul3A_26 : i32 to index
        %get3A_87 = arith.constant 96 : index
        %get3A_88 = tpu.vector_load %arg7[%get3A_86, %get3A_87] {strides = array<i32>} : memref<128x256xf32, #tpu.memory_space<vmem>>, vector<16xf32>,
        %add3A_89 = arith.constant 0.00999999977 : f32
        %add3A_90 = vector.broadcast %add3A_89 : f32 to vector<16xf32>
        %add3A_91 = arith.addf %get3A_88, %add3A_90 : vector<16xf32>
        %broadcast_in_dim3A_92 = arith.constant true
        %broadcast_in_dim3A_93 = vector.broadcast %broadcast_in_dim3A_92 : i1 to vector<16xi1>
        %masked_cumsum3A_94 = tpu.scan <sum>, %add3A_91 masked %broadcast_in_dim3A_93 : vector<16xf32>, vector<16xi1> -> vector<16xf32>
        %get3A_95 = arith.index_cast %mul3A_26 : i32 to index
        %get3A_96 = arith.constant 112 : index
        %get3A_97 = tpu.vector_load %arg7[%get3A_95, %get3A_96] {strides = array<i32>} : memref<128x256xf32, #tpu.memory_space<vmem>>, vector<16xf32>,
        %add3A_98 = arith.constant 0.00999999977 : f32
        %add3A_99 = vector.broadcast %add3A_98 : f32 to vector<16xf32>
        %add3A_100 = arith.addf %get3A_97, %add3A_99 : vector<16xf32>
        %broadcast_in_dim3A_101 = arith.constant true
        %broadcast_in_dim3A_102 = vector.broadcast %broadcast_in_dim3A_101 : i1 to vector<16xi1>
        %masked_cumsum3A_103 = tpu.scan <sum>, %add3A_100 masked %broadcast_in_dim3A_102 : vector<16xf32>, vector<16xi1> -> vector<16xf32>
        %broadcast_in_dim3A_104 = vector.shape_cast %broadcast_in_dim3A_1 : vector<16xi32> to vector<16x1xi32>
        %gather3A = vector.shape_cast %broadcast_in_dim3A_104 : vector<16x1xi32> to vector<16xi32>
        %gather3A_105 = tpu.dynamic_gather %masked_cumsum3A[%gather3A] in [0] : vector<16xf32>, vector<16xi32> -> vector<16xf32>
        %broadcast_in_dim3A_106 = vector.shape_cast %broadcast_in_dim3A_1 : vector<16xi32> to vector<16x1xi32>
        %gather3A_107 = vector.shape_cast %broadcast_in_dim3A_106 : vector<16x1xi32> to vector<16xi32>
        %gather3A_108 = tpu.dynamic_gather %masked_cumsum3A_49[%gather3A_107] in [0] : vector<16xf32>, vector<16xi32> -> vector<16xf32>
        %broadcast_in_dim3A_109 = vector.shape_cast %broadcast_in_dim3A_1 : vector<16xi32> to vector<16x1xi32>
        %gather3A_110 = vector.shape_cast %broadcast_in_dim3A_109 : vector<16x1xi32> to vector<16xi32>
        %gather3A_111 = tpu.dynamic_gather %masked_cumsum3A_58[%gather3A_110] in [0] : vector<16xf32>, vector<16xi32> -> vector<16xf32>
        %broadcast_in_dim3A_112 = vector.shape_cast %broadcast_in_dim3A_1 : vector<16xi32> to vector<16x1xi32>
        %gather3A_113 = vector.shape_cast %broadcast_in_dim3A_112 : vector<16x1xi32> to vector<16xi32>
        %gather3A_114 = tpu.dynamic_gather %masked_cumsum3A_67[%gather3A_113] in [0] : vector<16xf32>, vector<16xi32> -> vector<16xf32>
        %broadcast_in_dim3A_115 = vector.shape_cast %broadcast_in_dim3A_1 : vector<16xi32> to vector<16x1xi32>
        %gather3A_116 = vector.shape_cast %broadcast_in_dim3A_115 : vector<16x1xi32> to vector<16xi32>
        %gather3A_117 = tpu.dynamic_gather %masked_cumsum3A_76[%gather3A_116] in [0] : vector<16xf32>, vector<16xi32> -> vector<16xf32>
        %broadcast_in_dim3A_118 = vector.shape_cast %broadcast_in_dim3A_1 : vector<16xi32> to vector<16x1xi32>
        %gather3A_119 = vector.shape_cast %broadcast_in_dim3A_118 : vector<16x1xi32> to vector<16xi32>
        %gather3A_120 = tpu.dynamic_gather %masked_cumsum3A_85[%gather3A_119] in [0] : vector<16xf32>, vector<16xi32> -> vector<16xf32>
        %broadcast_in_dim3A_121 = vector.shape_cast %broadcast_in_dim3A_1 : vector<16xi32> to vector<16x1xi32>
        %gather3A_122 = vector.shape_cast %broadcast_in_dim3A_121 : vector<16x1xi32> to vector<16xi32>
        %gather3A_123 = tpu.dynamic_gather %masked_cumsum3A_94[%gather3A_122] in [0] : vector<16xf32>, vector<16xi32> -> vector<16xf32>
        %broadcast_in_dim3A_124 = vector.shape_cast %broadcast_in_dim3A_1 : vector<16xi32> to vector<16x1xi32>
        %gather3A_125 = vector.shape_cast %broadcast_in_dim3A_124 : vector<16x1xi32> to vector<16xi32>
        %gather3A_126 = tpu.dynamic_gather %masked_cumsum3A_103[%gather3A_125] in [0] : vector<16xf32>, vector<16xi32> -> vector<16xf32>
        %add3A_127 = arith.addf %broadcast_in_dim3A_30, %gather3A_105 : vector<16xf32>
        %add3A_128 = arith.addf %add3A_127, %gather3A_108 : vector<16xf32>
        %add3A_129 = arith.addf %add3A_128, %gather3A_111 : vector<16xf32>
        %add3A_130 = arith.addf %add3A_129, %gather3A_114 : vector<16xf32>
        %add3A_131 = arith.addf %add3A_130, %gather3A_117 : vector<16xf32>
        %add3A_132 = arith.addf %add3A_131, %gather3A_120 : vector<16xf32>
        %add3A_133 = arith.addf %add3A_132, %gather3A_123 : vector<16xf32>
        %add3A_134 = arith.addf %add3A_133, %gather3A_126 : vector<16xf32>
        %add3A_135 = arith.addf %masked_cumsum3A, %broadcast_in_dim3A_30 : vector<16xf32>
        %swap3A_136 = arith.constant 1 : index
        %swap3A_137 = tpu.vector_load %arg10[%swap3A_136] {strides = array<i32>} : memref<257xf32, #tpu.memory_space<vmem>>, vector<16xf32>,
        tpu.vector_store %arg10[%swap3A_136], %add3A_135 {strides = array<i32>} : memref<257xf32, #tpu.memory_space<vmem>>, vector<16xf32>,
        %add3A_138 = arith.addf %masked_cumsum3A_49, %add3A_127 : vector<16xf32>
        %swap3A_139 = arith.constant 17 : index
        %swap3A_140 = tpu.vector_load %arg10[%swap3A_139] {strides = array<i32>} : memref<257xf32, #tpu.memory_space<vmem>>, vector<16xf32>,
        tpu.vector_store %arg10[%swap3A_139], %add3A_138 {strides = array<i32>} : memref<257xf32, #tpu.memory_space<vmem>>, vector<16xf32>,
        %add3A_141 = arith.addf %masked_cumsum3A_58, %add3A_128 : vector<16xf32>
        %swap3A_142 = arith.constant 33 : index
        %swap3A_143 = tpu.vector_load %arg10[%swap3A_142] {strides = array<i32>} : memref<257xf32, #tpu.memory_space<vmem>>, vector<16xf32>,
        tpu.vector_store %arg10[%swap3A_142], %add3A_141 {strides = array<i32>} : memref<257xf32, #tpu.memory_space<vmem>>, vector<16xf32>,
        %add3A_144 = arith.addf %masked_cumsum3A_67, %add3A_129 : vector<16xf32>
        %swap3A_145 = arith.constant 49 : index
        %swap3A_146 = tpu.vector_load %arg10[%swap3A_145] {strides = array<i32>} : memref<257xf32, #tpu.memory_space<vmem>>, vector<16xf32>,
        tpu.vector_store %arg10[%swap3A_145], %add3A_144 {strides = array<i32>} : memref<257xf32, #tpu.memory_space<vmem>>, vector<16xf32>,
        %add3A_147 = arith.addf %masked_cumsum3A_76, %add3A_130 : vector<16xf32>
        %swap3A_148 = arith.constant 65 : index
        %swap3A_149 = tpu.vector_load %arg10[%swap3A_148] {strides = array<i32>} : memref<257xf32, #tpu.memory_space<vmem>>, vector<16xf32>,
        tpu.vector_store %arg10[%swap3A_148], %add3A_147 {strides = array<i32>} : memref<257xf32, #tpu.memory_space<vmem>>, vector<16xf32>,
        %add3A_150 = arith.addf %masked_cumsum3A_85, %add3A_131 : vector<16xf32>
        %swap3A_151 = arith.constant 81 : index
        %swap3A_152 = tpu.vector_load %arg10[%swap3A_151] {strides = array<i32>} : memref<257xf32, #tpu.memory_space<vmem>>, vector<16xf32>,
        tpu.vector_store %arg10[%swap3A_151], %add3A_150 {strides = array<i32>} : memref<257xf32, #tpu.memory_space<vmem>>, vector<16xf32>,
        %add3A_153 = arith.addf %masked_cumsum3A_94, %add3A_132 : vector<16xf32>
        %swap3A_154 = arith.constant 97 : index
        %swap3A_155 = tpu.vector_load %arg10[%swap3A_154] {strides = array<i32>} : memref<257xf32, #tpu.memory_space<vmem>>, vector<16xf32>,
        tpu.vector_store %arg10[%swap3A_154], %add3A_153 {strides = array<i32>} : memref<257xf32, #tpu.memory_space<vmem>>, vector<16xf32>,
        %add3A_156 = arith.addf %masked_cumsum3A_103, %add3A_133 : vector<16xf32>
        %swap3A_157 = arith.constant 113 : index
        %swap3A_158 = tpu.vector_load %arg10[%swap3A_157] {strides = array<i32>} : memref<257xf32, #tpu.memory_space<vmem>>, vector<16xf32>,
        tpu.vector_store %arg10[%swap3A_157], %add3A_156 {strides = array<i32>} : memref<257xf32, #tpu.memory_space<vmem>>, vector<16xf32>,
        %get3A_159 = arith.index_cast %mul3A_26 : i32 to index
        %get3A_160 = arith.constant 128 : index
        %get3A_161 = tpu.vector_load %arg7[%get3A_159, %get3A_160] {strides = array<i32>} : memref<128x256xf32, #tpu.memory_space<vmem>>, vector<16xf32>,
        %add3A_162 = arith.constant 0.00999999977 : f32
        %add3A_163 = vector.broadcast %add3A_162 : f32 to vector<16xf32>
        %add3A_164 = arith.addf %get3A_161, %add3A_163 : vector<16xf32>
        %broadcast_in_dim3A_165 = arith.constant true
        %broadcast_in_dim3A_166 = vector.broadcast %broadcast_in_dim3A_165 : i1 to vector<16xi1>
        %masked_cumsum3A_167 = tpu.scan <sum>, %add3A_164 masked %broadcast_in_dim3A_166 : vector<16xf32>, vector<16xi1> -> vector<16xf32>
        %get3A_168 = arith.index_cast %mul3A_26 : i32 to index
        %get3A_169 = arith.constant 144 : index
        %get3A_170 = tpu.vector_load %arg7[%get3A_168, %get3A_169] {strides = array<i32>} : memref<128x256xf32, #tpu.memory_space<vmem>>, vector<16xf32>,
        %add3A_171 = arith.constant 0.00999999977 : f32
        %add3A_172 = vector.broadcast %add3A_171 : f32 to vector<16xf32>
        %add3A_173 = arith.addf %get3A_170, %add3A_172 : vector<16xf32>
        %broadcast_in_dim3A_174 = arith.constant true
        %broadcast_in_dim3A_175 = vector.broadcast %broadcast_in_dim3A_174 : i1 to vector<16xi1>
        %masked_cumsum3A_176 = tpu.scan <sum>, %add3A_173 masked %broadcast_in_dim3A_175 : vector<16xf32>, vector<16xi1> -> vector<16xf32>
        %get3A_177 = arith.index_cast %mul3A_26 : i32 to index
        %get3A_178 = arith.constant 160 : index
        %get3A_179 = tpu.vector_load %arg7[%get3A_177, %get3A_178] {strides = array<i32>} : memref<128x256xf32, #tpu.memory_space<vmem>>, vector<16xf32>,
        %add3A_180 = arith.constant 0.00999999977 : f32
        %add3A_181 = vector.broadcast %add3A_180 : f32 to vector<16xf32>
        %add3A_182 = arith.addf %get3A_179, %add3A_181 : vector<16xf32>
        %broadcast_in_dim3A_183 = arith.constant true
        %broadcast_in_dim3A_184 = vector.broadcast %broadcast_in_dim3A_183 : i1 to vector<16xi1>
        %masked_cumsum3A_185 = tpu.scan <sum>, %add3A_182 masked %broadcast_in_dim3A_184 : vector<16xf32>, vector<16xi1> -> vector<16xf32>
        %get3A_186 = arith.index_cast %mul3A_26 : i32 to index
        %get3A_187 = arith.constant 176 : index
        %get3A_188 = tpu.vector_load %arg7[%get3A_186, %get3A_187] {strides = array<i32>} : memref<128x256xf32, #tpu.memory_space<vmem>>, vector<16xf32>,
        %add3A_189 = arith.constant 0.00999999977 : f32
        %add3A_190 = vector.broadcast %add3A_189 : f32 to vector<16xf32>
        %add3A_191 = arith.addf %get3A_188, %add3A_190 : vector<16xf32>
        %broadcast_in_dim3A_192 = arith.constant true
        %broadcast_in_dim3A_193 = vector.broadcast %broadcast_in_dim3A_192 : i1 to vector<16xi1>
        %masked_cumsum3A_194 = tpu.scan <sum>, %add3A_191 masked %broadcast_in_dim3A_193 : vector<16xf32>, vector<16xi1> -> vector<16xf32>
        %get3A_195 = arith.index_cast %mul3A_26 : i32 to index
        %get3A_196 = arith.constant 192 : index
        %get3A_197 = tpu.vector_load %arg7[%get3A_195, %get3A_196] {strides = array<i32>} : memref<128x256xf32, #tpu.memory_space<vmem>>, vector<16xf32>,
        %add3A_198 = arith.constant 0.00999999977 : f32
        %add3A_199 = vector.broadcast %add3A_198 : f32 to vector<16xf32>
        %add3A_200 = arith.addf %get3A_197, %add3A_199 : vector<16xf32>
        %broadcast_in_dim3A_201 = arith.constant true
        %broadcast_in_dim3A_202 = vector.broadcast %broadcast_in_dim3A_201 : i1 to vector<16xi1>
        %masked_cumsum3A_203 = tpu.scan <sum>, %add3A_200 masked %broadcast_in_dim3A_202 : vector<16xf32>, vector<16xi1> -> vector<16xf32>
        %get3A_204 = arith.index_cast %mul3A_26 : i32 to index
        %get3A_205 = arith.constant 208 : index
        %get3A_206 = tpu.vector_load %arg7[%get3A_204, %get3A_205] {strides = array<i32>} : memref<128x256xf32, #tpu.memory_space<vmem>>, vector<16xf32>,
        %add3A_207 = arith.constant 0.00999999977 : f32
        %add3A_208 = vector.broadcast %add3A_207 : f32 to vector<16xf32>
        %add3A_209 = arith.addf %get3A_206, %add3A_208 : vector<16xf32>
        %broadcast_in_dim3A_210 = arith.constant true
        %broadcast_in_dim3A_211 = vector.broadcast %broadcast_in_dim3A_210 : i1 to vector<16xi1>
        %masked_cumsum3A_212 = tpu.scan <sum>, %add3A_209 masked %broadcast_in_dim3A_211 : vector<16xf32>, vector<16xi1> -> vector<16xf32>
        %get3A_213 = arith.index_cast %mul3A_26 : i32 to index
        %get3A_214 = arith.constant 224 : index
        %get3A_215 = tpu.vector_load %arg7[%get3A_213, %get3A_214] {strides = array<i32>} : memref<128x256xf32, #tpu.memory_space<vmem>>, vector<16xf32>,
        %add3A_216 = arith.constant 0.00999999977 : f32
        %add3A_217 = vector.broadcast %add3A_216 : f32 to vector<16xf32>
        %add3A_218 = arith.addf %get3A_215, %add3A_217 : vector<16xf32>
        %broadcast_in_dim3A_219 = arith.constant true
        %broadcast_in_dim3A_220 = vector.broadcast %broadcast_in_dim3A_219 : i1 to vector<16xi1>
        %masked_cumsum3A_221 = tpu.scan <sum>, %add3A_218 masked %broadcast_in_dim3A_220 : vector<16xf32>, vector<16xi1> -> vector<16xf32>
        %get3A_222 = arith.index_cast %mul3A_26 : i32 to index
        %get3A_223 = arith.constant 240 : index
        %get3A_224 = tpu.vector_load %arg7[%get3A_222, %get3A_223] {strides = array<i32>} : memref<128x256xf32, #tpu.memory_space<vmem>>, vector<16xf32>,
        %add3A_225 = arith.constant 0.00999999977 : f32
        %add3A_226 = vector.broadcast %add3A_225 : f32 to vector<16xf32>
        %add3A_227 = arith.addf %get3A_224, %add3A_226 : vector<16xf32>
        %broadcast_in_dim3A_228 = arith.constant true
        %broadcast_in_dim3A_229 = vector.broadcast %broadcast_in_dim3A_228 : i1 to vector<16xi1>
        %masked_cumsum3A_230 = tpu.scan <sum>, %add3A_227 masked %broadcast_in_dim3A_229 : vector<16xf32>, vector<16xi1> -> vector<16xf32>
        %broadcast_in_dim3A_231 = vector.shape_cast %broadcast_in_dim3A_1 : vector<16xi32> to vector<16x1xi32>
        %gather3A_232 = vector.shape_cast %broadcast_in_dim3A_231 : vector<16x1xi32> to vector<16xi32>
        %gather3A_233 = tpu.dynamic_gather %masked_cumsum3A_167[%gather3A_232] in [0] : vector<16xf32>, vector<16xi32> -> vector<16xf32>
        %broadcast_in_dim3A_234 = vector.shape_cast %broadcast_in_dim3A_1 : vector<16xi32> to vector<16x1xi32>
        %gather3A_235 = vector.shape_cast %broadcast_in_dim3A_234 : vector<16x1xi32> to vector<16xi32>
        %gather3A_236 = tpu.dynamic_gather %masked_cumsum3A_176[%gather3A_235] in [0] : vector<16xf32>, vector<16xi32> -> vector<16xf32>
        %broadcast_in_dim3A_237 = vector.shape_cast %broadcast_in_dim3A_1 : vector<16xi32> to vector<16x1xi32>
        %gather3A_238 = vector.shape_cast %broadcast_in_dim3A_237 : vector<16x1xi32> to vector<16xi32>
        %gather3A_239 = tpu.dynamic_gather %masked_cumsum3A_185[%gather3A_238] in [0] : vector<16xf32>, vector<16xi32> -> vector<16xf32>
        %broadcast_in_dim3A_240 = vector.shape_cast %broadcast_in_dim3A_1 : vector<16xi32> to vector<16x1xi32>
        %gather3A_241 = vector.shape_cast %broadcast_in_dim3A_240 : vector<16x1xi32> to vector<16xi32>
        %gather3A_242 = tpu.dynamic_gather %masked_cumsum3A_194[%gather3A_241] in [0] : vector<16xf32>, vector<16xi32> -> vector<16xf32>
        %broadcast_in_dim3A_243 = vector.shape_cast %broadcast_in_dim3A_1 : vector<16xi32> to vector<16x1xi32>
        %gather3A_244 = vector.shape_cast %broadcast_in_dim3A_243 : vector<16x1xi32> to vector<16xi32>
        %gather3A_245 = tpu.dynamic_gather %masked_cumsum3A_203[%gather3A_244] in [0] : vector<16xf32>, vector<16xi32> -> vector<16xf32>
        %broadcast_in_dim3A_246 = vector.shape_cast %broadcast_in_dim3A_1 : vector<16xi32> to vector<16x1xi32>
        %gather3A_247 = vector.shape_cast %broadcast_in_dim3A_246 : vector<16x1xi32> to vector<16xi32>
        %gather3A_248 = tpu.dynamic_gather %masked_cumsum3A_212[%gather3A_247] in [0] : vector<16xf32>, vector<16xi32> -> vector<16xf32>
        %broadcast_in_dim3A_249 = vector.shape_cast %broadcast_in_dim3A_1 : vector<16xi32> to vector<16x1xi32>
        %gather3A_250 = vector.shape_cast %broadcast_in_dim3A_249 : vector<16x1xi32> to vector<16xi32>
        %gather3A_251 = tpu.dynamic_gather %masked_cumsum3A_221[%gather3A_250] in [0] : vector<16xf32>, vector<16xi32> -> vector<16xf32>
        %broadcast_in_dim3A_252 = vector.shape_cast %broadcast_in_dim3A_1 : vector<16xi32> to vector<16x1xi32>
        %gather3A_253 = vector.shape_cast %broadcast_in_dim3A_252 : vector<16x1xi32> to vector<16xi32>
        %gather3A_254 = tpu.dynamic_gather %masked_cumsum3A_230[%gather3A_253] in [0] : vector<16xf32>, vector<16xi32> -> vector<16xf32>
        %add3A_255 = arith.addf %add3A_134, %gather3A_233 : vector<16xf32>
        %add3A_256 = arith.addf %add3A_255, %gather3A_236 : vector<16xf32>
        %add3A_257 = arith.addf %add3A_256, %gather3A_239 : vector<16xf32>
        %add3A_258 = arith.addf %add3A_257, %gather3A_242 : vector<16xf32>
        %add3A_259 = arith.addf %add3A_258, %gather3A_245 : vector<16xf32>
        %add3A_260 = arith.addf %add3A_259, %gather3A_248 : vector<16xf32>
        %add3A_261 = arith.addf %add3A_260, %gather3A_251 : vector<16xf32>
        %add3A_262 = arith.addf %add3A_261, %gather3A_254 : vector<16xf32>
        %add3A_263 = arith.addf %masked_cumsum3A_167, %add3A_134 : vector<16xf32>
        %swap3A_264 = arith.constant 129 : index
        %swap3A_265 = tpu.vector_load %arg10[%swap3A_264] {strides = array<i32>} : memref<257xf32, #tpu.memory_space<vmem>>, vector<16xf32>,
        tpu.vector_store %arg10[%swap3A_264], %add3A_263 {strides = array<i32>} : memref<257xf32, #tpu.memory_space<vmem>>, vector<16xf32>,
        %add3A_266 = arith.addf %masked_cumsum3A_176, %add3A_255 : vector<16xf32>
        %swap3A_267 = arith.constant 145 : index
        %swap3A_268 = tpu.vector_load %arg10[%swap3A_267] {strides = array<i32>} : memref<257xf32, #tpu.memory_space<vmem>>, vector<16xf32>,
        tpu.vector_store %arg10[%swap3A_267], %add3A_266 {strides = array<i32>} : memref<257xf32, #tpu.memory_space<vmem>>, vector<16xf32>,
        %add3A_269 = arith.addf %masked_cumsum3A_185, %add3A_256 : vector<16xf32>
        %swap3A_270 = arith.constant 161 : index
        %swap3A_271 = tpu.vector_load %arg10[%swap3A_270] {strides = array<i32>} : memref<257xf32, #tpu.memory_space<vmem>>, vector<16xf32>,
        tpu.vector_store %arg10[%swap3A_270], %add3A_269 {strides = array<i32>} : memref<257xf32, #tpu.memory_space<vmem>>, vector<16xf32>,
        %add3A_272 = arith.addf %masked_cumsum3A_194, %add3A_257 : vector<16xf32>
        %swap3A_273 = arith.constant 177 : index
        %swap3A_274 = tpu.vector_load %arg10[%swap3A_273] {strides = array<i32>} : memref<257xf32, #tpu.memory_space<vmem>>, vector<16xf32>,
        tpu.vector_store %arg10[%swap3A_273], %add3A_272 {strides = array<i32>} : memref<257xf32, #tpu.memory_space<vmem>>, vector<16xf32>,
        %add3A_275 = arith.addf %masked_cumsum3A_203, %add3A_258 : vector<16xf32>
        %swap3A_276 = arith.constant 193 : index
        %swap3A_277 = tpu.vector_load %arg10[%swap3A_276] {strides = array<i32>} : memref<257xf32, #tpu.memory_space<vmem>>, vector<16xf32>,
        tpu.vector_store %arg10[%swap3A_276], %add3A_275 {strides = array<i32>} : memref<257xf32, #tpu.memory_space<vmem>>, vector<16xf32>,
        %add3A_278 = arith.addf %masked_cumsum3A_212, %add3A_259 : vector<16xf32>
        %swap3A_279 = arith.constant 209 : index
        %swap3A_280 = tpu.vector_load %arg10[%swap3A_279] {strides = array<i32>} : memref<257xf32, #tpu.memory_space<vmem>>, vector<16xf32>,
        tpu.vector_store %arg10[%swap3A_279], %add3A_278 {strides = array<i32>} : memref<257xf32, #tpu.memory_space<vmem>>, vector<16xf32>,
        %add3A_281 = arith.addf %masked_cumsum3A_221, %add3A_260 : vector<16xf32>
        %swap3A_282 = arith.constant 225 : index
        %swap3A_283 = tpu.vector_load %arg10[%swap3A_282] {strides = array<i32>} : memref<257xf32, #tpu.memory_space<vmem>>, vector<16xf32>,
        tpu.vector_store %arg10[%swap3A_282], %add3A_281 {strides = array<i32>} : memref<257xf32, #tpu.memory_space<vmem>>, vector<16xf32>,
        %add3A_284 = arith.addf %masked_cumsum3A_230, %add3A_261 : vector<16xf32>
        %swap3A_285 = arith.constant 241 : index
        %swap3A_286 = tpu.vector_load %arg10[%swap3A_285] {strides = array<i32>} : memref<257xf32, #tpu.memory_space<vmem>>, vector<16xf32>,
        tpu.vector_store %arg10[%swap3A_285], %add3A_284 {strides = array<i32>} : memref<257xf32, #tpu.memory_space<vmem>>, vector<16xf32>,
        %div3A = arith.constant 1.000000e+00 : f32
        %div3A_287 = vector.broadcast %div3A : f32 to vector<16xf32>
        %div3A_288 = arith.divf %div3A_287, %add3A_262 : vector<16xf32>
        %get3A_289 = arith.constant 1 : index
        %get3A_290 = tpu.vector_load %arg10[%get3A_289] {strides = array<i32>} : memref<257xf32, #tpu.memory_space<vmem>>, vector<16xf32>,
        %mul3A_291 = arith.mulf %get3A_290, %div3A_288 : vector<16xf32>
        %min3A = arith.constant 1.000000e+00 : f32
        %min3A_292 = vector.broadcast %min3A : f32 to vector<16xf32>
        %min3A_293 = arith.minimumf %mul3A_291, %min3A_292 : vector<16xf32>
        %swap3A_294 = arith.constant 1 : index
        %swap3A_295 = tpu.vector_load %arg10[%swap3A_294] {strides = array<i32>} : memref<257xf32, #tpu.memory_space<vmem>>, vector<16xf32>,
        tpu.vector_store %arg10[%swap3A_294], %min3A_293 {strides = array<i32>} : memref<257xf32, #tpu.memory_space<vmem>>, vector<16xf32>,
        %mul3A_296 = arith.constant 1.290000e+02 : f32
        %mul3A_297 = vector.broadcast %mul3A_296 : f32 to vector<16xf32>
        %mul3A_298 = arith.mulf %min3A_293, %mul3A_297 : vector<16xf32>
        %sub3A = arith.constant 5.000000e-01 : f32
        %sub3A_299 = vector.broadcast %sub3A : f32 to vector<16xf32>
        %sub3A_300 = arith.subf %mul3A_298, %sub3A_299 : vector<16xf32>
        %convert_element_type3A = arith.fptosi %sub3A_300 : vector<16xf32> to vector<16xi32>
        %convert_element_type3A_301 = arith.sitofp %convert_element_type3A : vector<16xi32> to vector<16xf32>
        %lt3A = arith.cmpf olt, %convert_element_type3A_301, %sub3A_300 : vector<16xf32>
        %jit3A = arith.constant 1 : i32
        %jit3A_302 = arith.constant 0 : i32
        %broadcast_in_dim3A_303 = vector.broadcast %jit3A : i32 to vector<16xi32>
        %broadcast_in_dim3A_304 = vector.broadcast %jit3A_302 : i32 to vector<16xi32>
        %select_n3A = arith.select %lt3A, %broadcast_in_dim3A_303, %broadcast_in_dim3A_304 : vector<16xi1>, vector<16xi32>
        %add3A_305 = arith.addi %convert_element_type3A, %select_n3A : vector<16xi32>
        %min3A_306 = arith.constant 129 : i32
        %min3A_307 = vector.broadcast %min3A_306 : i32 to vector<16xi32>
        %min3A_308 = arith.minsi %add3A_305, %min3A_307 : vector<16xi32>
        %swap3A_309 = arith.constant 1 : index
        %swap3A_310 = tpu.vector_load %arg12[%swap3A_309] {strides = array<i32>} : memref<264xi32, #tpu.memory_space<vmem>>, vector<16xi32>,
        tpu.vector_store %arg12[%swap3A_309], %min3A_308 {strides = array<i32>} : memref<264xi32, #tpu.memory_space<vmem>>, vector<16xi32>,
        %get3A_311 = arith.constant 17 : index
        %get3A_312 = tpu.vector_load %arg10[%get3A_311] {strides = array<i32>} : memref<257xf32, #tpu.memory_space<vmem>>, vector<16xf32>,
        %mul3A_313 = arith.mulf %get3A_312, %div3A_288 : vector<16xf32>
        %min3A_314 = arith.constant 1.000000e+00 : f32
        %min3A_315 = vector.broadcast %min3A_314 : f32 to vector<16xf32>
        %min3A_316 = arith.minimumf %mul3A_313, %min3A_315 : vector<16xf32>
        %swap3A_317 = arith.constant 17 : index
        %swap3A_318 = tpu.vector_load %arg10[%swap3A_317] {strides = array<i32>} : memref<257xf32, #tpu.memory_space<vmem>>, vector<16xf32>,
        tpu.vector_store %arg10[%swap3A_317], %min3A_316 {strides = array<i32>} : memref<257xf32, #tpu.memory_space<vmem>>, vector<16xf32>,
        %mul3A_319 = arith.constant 1.290000e+02 : f32
        %mul3A_320 = vector.broadcast %mul3A_319 : f32 to vector<16xf32>
        %mul3A_321 = arith.mulf %min3A_316, %mul3A_320 : vector<16xf32>
        %sub3A_322 = arith.constant 5.000000e-01 : f32
        %sub3A_323 = vector.broadcast %sub3A_322 : f32 to vector<16xf32>
        %sub3A_324 = arith.subf %mul3A_321, %sub3A_323 : vector<16xf32>
        %convert_element_type3A_325 = arith.fptosi %sub3A_324 : vector<16xf32> to vector<16xi32>
        %convert_element_type3A_326 = arith.sitofp %convert_element_type3A_325 : vector<16xi32> to vector<16xf32>
        %lt3A_327 = arith.cmpf olt, %convert_element_type3A_326, %sub3A_324 : vector<16xf32>
        %jit3A_328 = arith.constant 1 : i32
        %jit3A_329 = arith.constant 0 : i32
        %broadcast_in_dim3A_330 = vector.broadcast %jit3A_328 : i32 to vector<16xi32>
        %broadcast_in_dim3A_331 = vector.broadcast %jit3A_329 : i32 to vector<16xi32>
        %select_n3A_332 = arith.select %lt3A_327, %broadcast_in_dim3A_330, %broadcast_in_dim3A_331 : vector<16xi1>, vector<16xi32>
        %add3A_333 = arith.addi %convert_element_type3A_325, %select_n3A_332 : vector<16xi32>
        %min3A_334 = arith.constant 129 : i32
        %min3A_335 = vector.broadcast %min3A_334 : i32 to vector<16xi32>
        %min3A_336 = arith.minsi %add3A_333, %min3A_335 : vector<16xi32>
        %swap3A_337 = arith.constant 17 : index
        %swap3A_338 = tpu.vector_load %arg12[%swap3A_337] {strides = array<i32>} : memref<264xi32, #tpu.memory_space<vmem>>, vector<16xi32>,
        tpu.vector_store %arg12[%swap3A_337], %min3A_336 {strides = array<i32>} : memref<264xi32, #tpu.memory_space<vmem>>, vector<16xi32>,
        %get3A_339 = arith.constant 33 : index
        %get3A_340 = tpu.vector_load %arg10[%get3A_339] {strides = array<i32>} : memref<257xf32, #tpu.memory_space<vmem>>, vector<16xf32>,
        %mul3A_341 = arith.mulf %get3A_340, %div3A_288 : vector<16xf32>
        %min3A_342 = arith.constant 1.000000e+00 : f32
        %min3A_343 = vector.broadcast %min3A_342 : f32 to vector<16xf32>
        %min3A_344 = arith.minimumf %mul3A_341, %min3A_343 : vector<16xf32>
        %swap3A_345 = arith.constant 33 : index
        %swap3A_346 = tpu.vector_load %arg10[%swap3A_345] {strides = array<i32>} : memref<257xf32, #tpu.memory_space<vmem>>, vector<16xf32>,
        tpu.vector_store %arg10[%swap3A_345], %min3A_344 {strides = array<i32>} : memref<257xf32, #tpu.memory_space<vmem>>, vector<16xf32>,
        %mul3A_347 = arith.constant 1.290000e+02 : f32
        %mul3A_348 = vector.broadcast %mul3A_347 : f32 to vector<16xf32>
        %mul3A_349 = arith.mulf %min3A_344, %mul3A_348 : vector<16xf32>
        %sub3A_350 = arith.constant 5.000000e-01 : f32
        %sub3A_351 = vector.broadcast %sub3A_350 : f32 to vector<16xf32>
        %sub3A_352 = arith.subf %mul3A_349, %sub3A_351 : vector<16xf32>
        %convert_element_type3A_353 = arith.fptosi %sub3A_352 : vector<16xf32> to vector<16xi32>
        %convert_element_type3A_354 = arith.sitofp %convert_element_type3A_353 : vector<16xi32> to vector<16xf32>
        %lt3A_355 = arith.cmpf olt, %convert_element_type3A_354, %sub3A_352 : vector<16xf32>
        %jit3A_356 = arith.constant 1 : i32
        %jit3A_357 = arith.constant 0 : i32
        %broadcast_in_dim3A_358 = vector.broadcast %jit3A_356 : i32 to vector<16xi32>
        %broadcast_in_dim3A_359 = vector.broadcast %jit3A_357 : i32 to vector<16xi32>
        %select_n3A_360 = arith.select %lt3A_355, %broadcast_in_dim3A_358, %broadcast_in_dim3A_359 : vector<16xi1>, vector<16xi32>
        %add3A_361 = arith.addi %convert_element_type3A_353, %select_n3A_360 : vector<16xi32>
        %min3A_362 = arith.constant 129 : i32
        %min3A_363 = vector.broadcast %min3A_362 : i32 to vector<16xi32>
        %min3A_364 = arith.minsi %add3A_361, %min3A_363 : vector<16xi32>
        %swap3A_365 = arith.constant 33 : index
        %swap3A_366 = tpu.vector_load %arg12[%swap3A_365] {strides = array<i32>} : memref<264xi32, #tpu.memory_space<vmem>>, vector<16xi32>,
        tpu.vector_store %arg12[%swap3A_365], %min3A_364 {strides = array<i32>} : memref<264xi32, #tpu.memory_space<vmem>>, vector<16xi32>,
        %get3A_367 = arith.constant 49 : index
        %get3A_368 = tpu.vector_load %arg10[%get3A_367] {strides = array<i32>} : memref<257xf32, #tpu.memory_space<vmem>>, vector<16xf32>,
        %mul3A_369 = arith.mulf %get3A_368, %div3A_288 : vector<16xf32>
        %min3A_370 = arith.constant 1.000000e+00 : f32
        %min3A_371 = vector.broadcast %min3A_370 : f32 to vector<16xf32>
        %min3A_372 = arith.minimumf %mul3A_369, %min3A_371 : vector<16xf32>
        %swap3A_373 = arith.constant 49 : index
        %swap3A_374 = tpu.vector_load %arg10[%swap3A_373] {strides = array<i32>} : memref<257xf32, #tpu.memory_space<vmem>>, vector<16xf32>,
        tpu.vector_store %arg10[%swap3A_373], %min3A_372 {strides = array<i32>} : memref<257xf32, #tpu.memory_space<vmem>>, vector<16xf32>,
        %mul3A_375 = arith.constant 1.290000e+02 : f32
        %mul3A_376 = vector.broadcast %mul3A_375 : f32 to vector<16xf32>
        %mul3A_377 = arith.mulf %min3A_372, %mul3A_376 : vector<16xf32>
        %sub3A_378 = arith.constant 5.000000e-01 : f32
        %sub3A_379 = vector.broadcast %sub3A_378 : f32 to vector<16xf32>
        %sub3A_380 = arith.subf %mul3A_377, %sub3A_379 : vector<16xf32>
        %convert_element_type3A_381 = arith.fptosi %sub3A_380 : vector<16xf32> to vector<16xi32>
        %convert_element_type3A_382 = arith.sitofp %convert_element_type3A_381 : vector<16xi32> to vector<16xf32>
        %lt3A_383 = arith.cmpf olt, %convert_element_type3A_382, %sub3A_380 : vector<16xf32>
        %jit3A_384 = arith.constant 1 : i32
        %jit3A_385 = arith.constant 0 : i32
        %broadcast_in_dim3A_386 = vector.broadcast %jit3A_384 : i32 to vector<16xi32>
        %broadcast_in_dim3A_387 = vector.broadcast %jit3A_385 : i32 to vector<16xi32>
        %select_n3A_388 = arith.select %lt3A_383, %broadcast_in_dim3A_386, %broadcast_in_dim3A_387 : vector<16xi1>, vector<16xi32>
        %add3A_389 = arith.addi %convert_element_type3A_381, %select_n3A_388 : vector<16xi32>
        %min3A_390 = arith.constant 129 : i32
        %min3A_391 = vector.broadcast %min3A_390 : i32 to vector<16xi32>
        %min3A_392 = arith.minsi %add3A_389, %min3A_391 : vector<16xi32>
        %swap3A_393 = arith.constant 49 : index
        %swap3A_394 = tpu.vector_load %arg12[%swap3A_393] {strides = array<i32>} : memref<264xi32, #tpu.memory_space<vmem>>, vector<16xi32>,
        tpu.vector_store %arg12[%swap3A_393], %min3A_392 {strides = array<i32>} : memref<264xi32, #tpu.memory_space<vmem>>, vector<16xi32>,
        %get3A_395 = arith.constant 65 : index
        %get3A_396 = tpu.vector_load %arg10[%get3A_395] {strides = array<i32>} : memref<257xf32, #tpu.memory_space<vmem>>, vector<16xf32>,
        %mul3A_397 = arith.mulf %get3A_396, %div3A_288 : vector<16xf32>
        %min3A_398 = arith.constant 1.000000e+00 : f32
        %min3A_399 = vector.broadcast %min3A_398 : f32 to vector<16xf32>
        %min3A_400 = arith.minimumf %mul3A_397, %min3A_399 : vector<16xf32>
        %swap3A_401 = arith.constant 65 : index
        %swap3A_402 = tpu.vector_load %arg10[%swap3A_401] {strides = array<i32>} : memref<257xf32, #tpu.memory_space<vmem>>, vector<16xf32>,
        tpu.vector_store %arg10[%swap3A_401], %min3A_400 {strides = array<i32>} : memref<257xf32, #tpu.memory_space<vmem>>, vector<16xf32>,
        %mul3A_403 = arith.constant 1.290000e+02 : f32
        %mul3A_404 = vector.broadcast %mul3A_403 : f32 to vector<16xf32>
        %mul3A_405 = arith.mulf %min3A_400, %mul3A_404 : vector<16xf32>
        %sub3A_406 = arith.constant 5.000000e-01 : f32
        %sub3A_407 = vector.broadcast %sub3A_406 : f32 to vector<16xf32>
        %sub3A_408 = arith.subf %mul3A_405, %sub3A_407 : vector<16xf32>
        %convert_element_type3A_409 = arith.fptosi %sub3A_408 : vector<16xf32> to vector<16xi32>
        %convert_element_type3A_410 = arith.sitofp %convert_element_type3A_409 : vector<16xi32> to vector<16xf32>
        %lt3A_411 = arith.cmpf olt, %convert_element_type3A_410, %sub3A_408 : vector<16xf32>
        %jit3A_412 = arith.constant 1 : i32
        %jit3A_413 = arith.constant 0 : i32
        %broadcast_in_dim3A_414 = vector.broadcast %jit3A_412 : i32 to vector<16xi32>
        %broadcast_in_dim3A_415 = vector.broadcast %jit3A_413 : i32 to vector<16xi32>
        %select_n3A_416 = arith.select %lt3A_411, %broadcast_in_dim3A_414, %broadcast_in_dim3A_415 : vector<16xi1>, vector<16xi32>
        %add3A_417 = arith.addi %convert_element_type3A_409, %select_n3A_416 : vector<16xi32>
        %min3A_418 = arith.constant 129 : i32
        %min3A_419 = vector.broadcast %min3A_418 : i32 to vector<16xi32>
        %min3A_420 = arith.minsi %add3A_417, %min3A_419 : vector<16xi32>
        %swap3A_421 = arith.constant 65 : index
        %swap3A_422 = tpu.vector_load %arg12[%swap3A_421] {strides = array<i32>} : memref<264xi32, #tpu.memory_space<vmem>>, vector<16xi32>,
        tpu.vector_store %arg12[%swap3A_421], %min3A_420 {strides = array<i32>} : memref<264xi32, #tpu.memory_space<vmem>>, vector<16xi32>,
        %get3A_423 = arith.constant 81 : index
        %get3A_424 = tpu.vector_load %arg10[%get3A_423] {strides = array<i32>} : memref<257xf32, #tpu.memory_space<vmem>>, vector<16xf32>,
        %mul3A_425 = arith.mulf %get3A_424, %div3A_288 : vector<16xf32>
        %min3A_426 = arith.constant 1.000000e+00 : f32
        %min3A_427 = vector.broadcast %min3A_426 : f32 to vector<16xf32>
        %min3A_428 = arith.minimumf %mul3A_425, %min3A_427 : vector<16xf32>
        %swap3A_429 = arith.constant 81 : index
        %swap3A_430 = tpu.vector_load %arg10[%swap3A_429] {strides = array<i32>} : memref<257xf32, #tpu.memory_space<vmem>>, vector<16xf32>,
        tpu.vector_store %arg10[%swap3A_429], %min3A_428 {strides = array<i32>} : memref<257xf32, #tpu.memory_space<vmem>>, vector<16xf32>,
        %mul3A_431 = arith.constant 1.290000e+02 : f32
        %mul3A_432 = vector.broadcast %mul3A_431 : f32 to vector<16xf32>
        %mul3A_433 = arith.mulf %min3A_428, %mul3A_432 : vector<16xf32>
        %sub3A_434 = arith.constant 5.000000e-01 : f32
        %sub3A_435 = vector.broadcast %sub3A_434 : f32 to vector<16xf32>
        %sub3A_436 = arith.subf %mul3A_433, %sub3A_435 : vector<16xf32>
        %convert_element_type3A_437 = arith.fptosi %sub3A_436 : vector<16xf32> to vector<16xi32>
        %convert_element_type3A_438 = arith.sitofp %convert_element_type3A_437 : vector<16xi32> to vector<16xf32>
        %lt3A_439 = arith.cmpf olt, %convert_element_type3A_438, %sub3A_436 : vector<16xf32>
        %jit3A_440 = arith.constant 1 : i32
        %jit3A_441 = arith.constant 0 : i32
        %broadcast_in_dim3A_442 = vector.broadcast %jit3A_440 : i32 to vector<16xi32>
        %broadcast_in_dim3A_443 = vector.broadcast %jit3A_441 : i32 to vector<16xi32>
        %select_n3A_444 = arith.select %lt3A_439, %broadcast_in_dim3A_442, %broadcast_in_dim3A_443 : vector<16xi1>, vector<16xi32>
        %add3A_445 = arith.addi %convert_element_type3A_437, %select_n3A_444 : vector<16xi32>
        %min3A_446 = arith.constant 129 : i32
        %min3A_447 = vector.broadcast %min3A_446 : i32 to vector<16xi32>
        %min3A_448 = arith.minsi %add3A_445, %min3A_447 : vector<16xi32>
        %swap3A_449 = arith.constant 81 : index
        %swap3A_450 = tpu.vector_load %arg12[%swap3A_449] {strides = array<i32>} : memref<264xi32, #tpu.memory_space<vmem>>, vector<16xi32>,
        tpu.vector_store %arg12[%swap3A_449], %min3A_448 {strides = array<i32>} : memref<264xi32, #tpu.memory_space<vmem>>, vector<16xi32>,
        %get3A_451 = arith.constant 97 : index
        %get3A_452 = tpu.vector_load %arg10[%get3A_451] {strides = array<i32>} : memref<257xf32, #tpu.memory_space<vmem>>, vector<16xf32>,
        %mul3A_453 = arith.mulf %get3A_452, %div3A_288 : vector<16xf32>
        %min3A_454 = arith.constant 1.000000e+00 : f32
        %min3A_455 = vector.broadcast %min3A_454 : f32 to vector<16xf32>
        %min3A_456 = arith.minimumf %mul3A_453, %min3A_455 : vector<16xf32>
        %swap3A_457 = arith.constant 97 : index
        %swap3A_458 = tpu.vector_load %arg10[%swap3A_457] {strides = array<i32>} : memref<257xf32, #tpu.memory_space<vmem>>, vector<16xf32>,
        tpu.vector_store %arg10[%swap3A_457], %min3A_456 {strides = array<i32>} : memref<257xf32, #tpu.memory_space<vmem>>, vector<16xf32>,
        %mul3A_459 = arith.constant 1.290000e+02 : f32
        %mul3A_460 = vector.broadcast %mul3A_459 : f32 to vector<16xf32>
        %mul3A_461 = arith.mulf %min3A_456, %mul3A_460 : vector<16xf32>
        %sub3A_462 = arith.constant 5.000000e-01 : f32
        %sub3A_463 = vector.broadcast %sub3A_462 : f32 to vector<16xf32>
        %sub3A_464 = arith.subf %mul3A_461, %sub3A_463 : vector<16xf32>
        %convert_element_type3A_465 = arith.fptosi %sub3A_464 : vector<16xf32> to vector<16xi32>
        %convert_element_type3A_466 = arith.sitofp %convert_element_type3A_465 : vector<16xi32> to vector<16xf32>
        %lt3A_467 = arith.cmpf olt, %convert_element_type3A_466, %sub3A_464 : vector<16xf32>
        %jit3A_468 = arith.constant 1 : i32
        %jit3A_469 = arith.constant 0 : i32
        %broadcast_in_dim3A_470 = vector.broadcast %jit3A_468 : i32 to vector<16xi32>
        %broadcast_in_dim3A_471 = vector.broadcast %jit3A_469 : i32 to vector<16xi32>
        %select_n3A_472 = arith.select %lt3A_467, %broadcast_in_dim3A_470, %broadcast_in_dim3A_471 : vector<16xi1>, vector<16xi32>
        %add3A_473 = arith.addi %convert_element_type3A_465, %select_n3A_472 : vector<16xi32>
        %min3A_474 = arith.constant 129 : i32
        %min3A_475 = vector.broadcast %min3A_474 : i32 to vector<16xi32>
        %min3A_476 = arith.minsi %add3A_473, %min3A_475 : vector<16xi32>
        %swap3A_477 = arith.constant 97 : index
        %swap3A_478 = tpu.vector_load %arg12[%swap3A_477] {strides = array<i32>} : memref<264xi32, #tpu.memory_space<vmem>>, vector<16xi32>,
        tpu.vector_store %arg12[%swap3A_477], %min3A_476 {strides = array<i32>} : memref<264xi32, #tpu.memory_space<vmem>>, vector<16xi32>,
        %get3A_479 = arith.constant 113 : index
        %get3A_480 = tpu.vector_load %arg10[%get3A_479] {strides = array<i32>} : memref<257xf32, #tpu.memory_space<vmem>>, vector<16xf32>,
        %mul3A_481 = arith.mulf %get3A_480, %div3A_288 : vector<16xf32>
        %min3A_482 = arith.constant 1.000000e+00 : f32
        %min3A_483 = vector.broadcast %min3A_482 : f32 to vector<16xf32>
        %min3A_484 = arith.minimumf %mul3A_481, %min3A_483 : vector<16xf32>
        %swap3A_485 = arith.constant 113 : index
        %swap3A_486 = tpu.vector_load %arg10[%swap3A_485] {strides = array<i32>} : memref<257xf32, #tpu.memory_space<vmem>>, vector<16xf32>,
        tpu.vector_store %arg10[%swap3A_485], %min3A_484 {strides = array<i32>} : memref<257xf32, #tpu.memory_space<vmem>>, vector<16xf32>,
        %mul3A_487 = arith.constant 1.290000e+02 : f32
        %mul3A_488 = vector.broadcast %mul3A_487 : f32 to vector<16xf32>
        %mul3A_489 = arith.mulf %min3A_484, %mul3A_488 : vector<16xf32>
        %sub3A_490 = arith.constant 5.000000e-01 : f32
        %sub3A_491 = vector.broadcast %sub3A_490 : f32 to vector<16xf32>
        %sub3A_492 = arith.subf %mul3A_489, %sub3A_491 : vector<16xf32>
        %convert_element_type3A_493 = arith.fptosi %sub3A_492 : vector<16xf32> to vector<16xi32>
        %convert_element_type3A_494 = arith.sitofp %convert_element_type3A_493 : vector<16xi32> to vector<16xf32>
        %lt3A_495 = arith.cmpf olt, %convert_element_type3A_494, %sub3A_492 : vector<16xf32>
        %jit3A_496 = arith.constant 1 : i32
        %jit3A_497 = arith.constant 0 : i32
        %broadcast_in_dim3A_498 = vector.broadcast %jit3A_496 : i32 to vector<16xi32>
        %broadcast_in_dim3A_499 = vector.broadcast %jit3A_497 : i32 to vector<16xi32>
        %select_n3A_500 = arith.select %lt3A_495, %broadcast_in_dim3A_498, %broadcast_in_dim3A_499 : vector<16xi1>, vector<16xi32>
        %add3A_501 = arith.addi %convert_element_type3A_493, %select_n3A_500 : vector<16xi32>
        %min3A_502 = arith.constant 129 : i32
        %min3A_503 = vector.broadcast %min3A_502 : i32 to vector<16xi32>
        %min3A_504 = arith.minsi %add3A_501, %min3A_503 : vector<16xi32>
        %swap3A_505 = arith.constant 113 : index
        %swap3A_506 = tpu.vector_load %arg12[%swap3A_505] {strides = array<i32>} : memref<264xi32, #tpu.memory_space<vmem>>, vector<16xi32>,
        tpu.vector_store %arg12[%swap3A_505], %min3A_504 {strides = array<i32>} : memref<264xi32, #tpu.memory_space<vmem>>, vector<16xi32>,
        %get3A_507 = arith.constant 129 : index
        %get3A_508 = tpu.vector_load %arg10[%get3A_507] {strides = array<i32>} : memref<257xf32, #tpu.memory_space<vmem>>, vector<16xf32>,
        %mul3A_509 = arith.mulf %get3A_508, %div3A_288 : vector<16xf32>
        %min3A_510 = arith.constant 1.000000e+00 : f32
        %min3A_511 = vector.broadcast %min3A_510 : f32 to vector<16xf32>
        %min3A_512 = arith.minimumf %mul3A_509, %min3A_511 : vector<16xf32>
        %swap3A_513 = arith.constant 129 : index
        %swap3A_514 = tpu.vector_load %arg10[%swap3A_513] {strides = array<i32>} : memref<257xf32, #tpu.memory_space<vmem>>, vector<16xf32>,
        tpu.vector_store %arg10[%swap3A_513], %min3A_512 {strides = array<i32>} : memref<257xf32, #tpu.memory_space<vmem>>, vector<16xf32>,
        %mul3A_515 = arith.constant 1.290000e+02 : f32
        %mul3A_516 = vector.broadcast %mul3A_515 : f32 to vector<16xf32>
        %mul3A_517 = arith.mulf %min3A_512, %mul3A_516 : vector<16xf32>
        %sub3A_518 = arith.constant 5.000000e-01 : f32
        %sub3A_519 = vector.broadcast %sub3A_518 : f32 to vector<16xf32>
        %sub3A_520 = arith.subf %mul3A_517, %sub3A_519 : vector<16xf32>
        %convert_element_type3A_521 = arith.fptosi %sub3A_520 : vector<16xf32> to vector<16xi32>
        %convert_element_type3A_522 = arith.sitofp %convert_element_type3A_521 : vector<16xi32> to vector<16xf32>
        %lt3A_523 = arith.cmpf olt, %convert_element_type3A_522, %sub3A_520 : vector<16xf32>
        %jit3A_524 = arith.constant 1 : i32
        %jit3A_525 = arith.constant 0 : i32
        %broadcast_in_dim3A_526 = vector.broadcast %jit3A_524 : i32 to vector<16xi32>
        %broadcast_in_dim3A_527 = vector.broadcast %jit3A_525 : i32 to vector<16xi32>
        %select_n3A_528 = arith.select %lt3A_523, %broadcast_in_dim3A_526, %broadcast_in_dim3A_527 : vector<16xi1>, vector<16xi32>
        %add3A_529 = arith.addi %convert_element_type3A_521, %select_n3A_528 : vector<16xi32>
        %min3A_530 = arith.constant 129 : i32
        %min3A_531 = vector.broadcast %min3A_530 : i32 to vector<16xi32>
        %min3A_532 = arith.minsi %add3A_529, %min3A_531 : vector<16xi32>
        %swap3A_533 = arith.constant 129 : index
        %swap3A_534 = tpu.vector_load %arg12[%swap3A_533] {strides = array<i32>} : memref<264xi32, #tpu.memory_space<vmem>>, vector<16xi32>,
        tpu.vector_store %arg12[%swap3A_533], %min3A_532 {strides = array<i32>} : memref<264xi32, #tpu.memory_space<vmem>>, vector<16xi32>,
        %get3A_535 = arith.constant 145 : index
        %get3A_536 = tpu.vector_load %arg10[%get3A_535] {strides = array<i32>} : memref<257xf32, #tpu.memory_space<vmem>>, vector<16xf32>,
        %mul3A_537 = arith.mulf %get3A_536, %div3A_288 : vector<16xf32>
        %min3A_538 = arith.constant 1.000000e+00 : f32
        %min3A_539 = vector.broadcast %min3A_538 : f32 to vector<16xf32>
        %min3A_540 = arith.minimumf %mul3A_537, %min3A_539 : vector<16xf32>
        %swap3A_541 = arith.constant 145 : index
        %swap3A_542 = tpu.vector_load %arg10[%swap3A_541] {strides = array<i32>} : memref<257xf32, #tpu.memory_space<vmem>>, vector<16xf32>,
        tpu.vector_store %arg10[%swap3A_541], %min3A_540 {strides = array<i32>} : memref<257xf32, #tpu.memory_space<vmem>>, vector<16xf32>,
        %mul3A_543 = arith.constant 1.290000e+02 : f32
        %mul3A_544 = vector.broadcast %mul3A_543 : f32 to vector<16xf32>
        %mul3A_545 = arith.mulf %min3A_540, %mul3A_544 : vector<16xf32>
        %sub3A_546 = arith.constant 5.000000e-01 : f32
        %sub3A_547 = vector.broadcast %sub3A_546 : f32 to vector<16xf32>
        %sub3A_548 = arith.subf %mul3A_545, %sub3A_547 : vector<16xf32>
        %convert_element_type3A_549 = arith.fptosi %sub3A_548 : vector<16xf32> to vector<16xi32>
        %convert_element_type3A_550 = arith.sitofp %convert_element_type3A_549 : vector<16xi32> to vector<16xf32>
        %lt3A_551 = arith.cmpf olt, %convert_element_type3A_550, %sub3A_548 : vector<16xf32>
        %jit3A_552 = arith.constant 1 : i32
        %jit3A_553 = arith.constant 0 : i32
        %broadcast_in_dim3A_554 = vector.broadcast %jit3A_552 : i32 to vector<16xi32>
        %broadcast_in_dim3A_555 = vector.broadcast %jit3A_553 : i32 to vector<16xi32>
        %select_n3A_556 = arith.select %lt3A_551, %broadcast_in_dim3A_554, %broadcast_in_dim3A_555 : vector<16xi1>, vector<16xi32>
        %add3A_557 = arith.addi %convert_element_type3A_549, %select_n3A_556 : vector<16xi32>
        %min3A_558 = arith.constant 129 : i32
        %min3A_559 = vector.broadcast %min3A_558 : i32 to vector<16xi32>
        %min3A_560 = arith.minsi %add3A_557, %min3A_559 : vector<16xi32>
        %swap3A_561 = arith.constant 145 : index
        %swap3A_562 = tpu.vector_load %arg12[%swap3A_561] {strides = array<i32>} : memref<264xi32, #tpu.memory_space<vmem>>, vector<16xi32>,
        tpu.vector_store %arg12[%swap3A_561], %min3A_560 {strides = array<i32>} : memref<264xi32, #tpu.memory_space<vmem>>, vector<16xi32>,
        %get3A_563 = arith.constant 161 : index
        %get3A_564 = tpu.vector_load %arg10[%get3A_563] {strides = array<i32>} : memref<257xf32, #tpu.memory_space<vmem>>, vector<16xf32>,
        %mul3A_565 = arith.mulf %get3A_564, %div3A_288 : vector<16xf32>
        %min3A_566 = arith.constant 1.000000e+00 : f32
        %min3A_567 = vector.broadcast %min3A_566 : f32 to vector<16xf32>
        %min3A_568 = arith.minimumf %mul3A_565, %min3A_567 : vector<16xf32>
        %swap3A_569 = arith.constant 161 : index
        %swap3A_570 = tpu.vector_load %arg10[%swap3A_569] {strides = array<i32>} : memref<257xf32, #tpu.memory_space<vmem>>, vector<16xf32>,
        tpu.vector_store %arg10[%swap3A_569], %min3A_568 {strides = array<i32>} : memref<257xf32, #tpu.memory_space<vmem>>, vector<16xf32>,
        %mul3A_571 = arith.constant 1.290000e+02 : f32
        %mul3A_572 = vector.broadcast %mul3A_571 : f32 to vector<16xf32>
        %mul3A_573 = arith.mulf %min3A_568, %mul3A_572 : vector<16xf32>
        %sub3A_574 = arith.constant 5.000000e-01 : f32
        %sub3A_575 = vector.broadcast %sub3A_574 : f32 to vector<16xf32>
        %sub3A_576 = arith.subf %mul3A_573, %sub3A_575 : vector<16xf32>
        %convert_element_type3A_577 = arith.fptosi %sub3A_576 : vector<16xf32> to vector<16xi32>
        %convert_element_type3A_578 = arith.sitofp %convert_element_type3A_577 : vector<16xi32> to vector<16xf32>
        %lt3A_579 = arith.cmpf olt, %convert_element_type3A_578, %sub3A_576 : vector<16xf32>
        %jit3A_580 = arith.constant 1 : i32
        %jit3A_581 = arith.constant 0 : i32
        %broadcast_in_dim3A_582 = vector.broadcast %jit3A_580 : i32 to vector<16xi32>
        %broadcast_in_dim3A_583 = vector.broadcast %jit3A_581 : i32 to vector<16xi32>
        %select_n3A_584 = arith.select %lt3A_579, %broadcast_in_dim3A_582, %broadcast_in_dim3A_583 : vector<16xi1>, vector<16xi32>
        %add3A_585 = arith.addi %convert_element_type3A_577, %select_n3A_584 : vector<16xi32>
        %min3A_586 = arith.constant 129 : i32
        %min3A_587 = vector.broadcast %min3A_586 : i32 to vector<16xi32>
        %min3A_588 = arith.minsi %add3A_585, %min3A_587 : vector<16xi32>
        %swap3A_589 = arith.constant 161 : index
        %swap3A_590 = tpu.vector_load %arg12[%swap3A_589] {strides = array<i32>} : memref<264xi32, #tpu.memory_space<vmem>>, vector<16xi32>,
        tpu.vector_store %arg12[%swap3A_589], %min3A_588 {strides = array<i32>} : memref<264xi32, #tpu.memory_space<vmem>>, vector<16xi32>,
        %get3A_591 = arith.constant 177 : index
        %get3A_592 = tpu.vector_load %arg10[%get3A_591] {strides = array<i32>} : memref<257xf32, #tpu.memory_space<vmem>>, vector<16xf32>,
        %mul3A_593 = arith.mulf %get3A_592, %div3A_288 : vector<16xf32>
        %min3A_594 = arith.constant 1.000000e+00 : f32
        %min3A_595 = vector.broadcast %min3A_594 : f32 to vector<16xf32>
        %min3A_596 = arith.minimumf %mul3A_593, %min3A_595 : vector<16xf32>
        %swap3A_597 = arith.constant 177 : index
        %swap3A_598 = tpu.vector_load %arg10[%swap3A_597] {strides = array<i32>} : memref<257xf32, #tpu.memory_space<vmem>>, vector<16xf32>,
        tpu.vector_store %arg10[%swap3A_597], %min3A_596 {strides = array<i32>} : memref<257xf32, #tpu.memory_space<vmem>>, vector<16xf32>,
        %mul3A_599 = arith.constant 1.290000e+02 : f32
        %mul3A_600 = vector.broadcast %mul3A_599 : f32 to vector<16xf32>
        %mul3A_601 = arith.mulf %min3A_596, %mul3A_600 : vector<16xf32>
        %sub3A_602 = arith.constant 5.000000e-01 : f32
        %sub3A_603 = vector.broadcast %sub3A_602 : f32 to vector<16xf32>
        %sub3A_604 = arith.subf %mul3A_601, %sub3A_603 : vector<16xf32>
        %convert_element_type3A_605 = arith.fptosi %sub3A_604 : vector<16xf32> to vector<16xi32>
        %convert_element_type3A_606 = arith.sitofp %convert_element_type3A_605 : vector<16xi32> to vector<16xf32>
        %lt3A_607 = arith.cmpf olt, %convert_element_type3A_606, %sub3A_604 : vector<16xf32>
        %jit3A_608 = arith.constant 1 : i32
        %jit3A_609 = arith.constant 0 : i32
        %broadcast_in_dim3A_610 = vector.broadcast %jit3A_608 : i32 to vector<16xi32>
        %broadcast_in_dim3A_611 = vector.broadcast %jit3A_609 : i32 to vector<16xi32>
        %select_n3A_612 = arith.select %lt3A_607, %broadcast_in_dim3A_610, %broadcast_in_dim3A_611 : vector<16xi1>, vector<16xi32>
        %add3A_613 = arith.addi %convert_element_type3A_605, %select_n3A_612 : vector<16xi32>
        %min3A_614 = arith.constant 129 : i32
        %min3A_615 = vector.broadcast %min3A_614 : i32 to vector<16xi32>
        %min3A_616 = arith.minsi %add3A_613, %min3A_615 : vector<16xi32>
        %swap3A_617 = arith.constant 177 : index
        %swap3A_618 = tpu.vector_load %arg12[%swap3A_617] {strides = array<i32>} : memref<264xi32, #tpu.memory_space<vmem>>, vector<16xi32>,
        tpu.vector_store %arg12[%swap3A_617], %min3A_616 {strides = array<i32>} : memref<264xi32, #tpu.memory_space<vmem>>, vector<16xi32>,
        %get3A_619 = arith.constant 193 : index
        %get3A_620 = tpu.vector_load %arg10[%get3A_619] {strides = array<i32>} : memref<257xf32, #tpu.memory_space<vmem>>, vector<16xf32>,
        %mul3A_621 = arith.mulf %get3A_620, %div3A_288 : vector<16xf32>
        %min3A_622 = arith.constant 1.000000e+00 : f32
        %min3A_623 = vector.broadcast %min3A_622 : f32 to vector<16xf32>
        %min3A_624 = arith.minimumf %mul3A_621, %min3A_623 : vector<16xf32>
        %swap3A_625 = arith.constant 193 : index
        %swap3A_626 = tpu.vector_load %arg10[%swap3A_625] {strides = array<i32>} : memref<257xf32, #tpu.memory_space<vmem>>, vector<16xf32>,
        tpu.vector_store %arg10[%swap3A_625], %min3A_624 {strides = array<i32>} : memref<257xf32, #tpu.memory_space<vmem>>, vector<16xf32>,
        %mul3A_627 = arith.constant 1.290000e+02 : f32
        %mul3A_628 = vector.broadcast %mul3A_627 : f32 to vector<16xf32>
        %mul3A_629 = arith.mulf %min3A_624, %mul3A_628 : vector<16xf32>
        %sub3A_630 = arith.constant 5.000000e-01 : f32
        %sub3A_631 = vector.broadcast %sub3A_630 : f32 to vector<16xf32>
        %sub3A_632 = arith.subf %mul3A_629, %sub3A_631 : vector<16xf32>
        %convert_element_type3A_633 = arith.fptosi %sub3A_632 : vector<16xf32> to vector<16xi32>
        %convert_element_type3A_634 = arith.sitofp %convert_element_type3A_633 : vector<16xi32> to vector<16xf32>
        %lt3A_635 = arith.cmpf olt, %convert_element_type3A_634, %sub3A_632 : vector<16xf32>
        %jit3A_636 = arith.constant 1 : i32
        %jit3A_637 = arith.constant 0 : i32
        %broadcast_in_dim3A_638 = vector.broadcast %jit3A_636 : i32 to vector<16xi32>
        %broadcast_in_dim3A_639 = vector.broadcast %jit3A_637 : i32 to vector<16xi32>
        %select_n3A_640 = arith.select %lt3A_635, %broadcast_in_dim3A_638, %broadcast_in_dim3A_639 : vector<16xi1>, vector<16xi32>
        %add3A_641 = arith.addi %convert_element_type3A_633, %select_n3A_640 : vector<16xi32>
        %min3A_642 = arith.constant 129 : i32
        %min3A_643 = vector.broadcast %min3A_642 : i32 to vector<16xi32>
        %min3A_644 = arith.minsi %add3A_641, %min3A_643 : vector<16xi32>
        %swap3A_645 = arith.constant 193 : index
        %swap3A_646 = tpu.vector_load %arg12[%swap3A_645] {strides = array<i32>} : memref<264xi32, #tpu.memory_space<vmem>>, vector<16xi32>,
        tpu.vector_store %arg12[%swap3A_645], %min3A_644 {strides = array<i32>} : memref<264xi32, #tpu.memory_space<vmem>>, vector<16xi32>,
        %get3A_647 = arith.constant 209 : index
        %get3A_648 = tpu.vector_load %arg10[%get3A_647] {strides = array<i32>} : memref<257xf32, #tpu.memory_space<vmem>>, vector<16xf32>,
        %mul3A_649 = arith.mulf %get3A_648, %div3A_288 : vector<16xf32>
        %min3A_650 = arith.constant 1.000000e+00 : f32
        %min3A_651 = vector.broadcast %min3A_650 : f32 to vector<16xf32>
        %min3A_652 = arith.minimumf %mul3A_649, %min3A_651 : vector<16xf32>
        %swap3A_653 = arith.constant 209 : index
        %swap3A_654 = tpu.vector_load %arg10[%swap3A_653] {strides = array<i32>} : memref<257xf32, #tpu.memory_space<vmem>>, vector<16xf32>,
        tpu.vector_store %arg10[%swap3A_653], %min3A_652 {strides = array<i32>} : memref<257xf32, #tpu.memory_space<vmem>>, vector<16xf32>,
        %mul3A_655 = arith.constant 1.290000e+02 : f32
        %mul3A_656 = vector.broadcast %mul3A_655 : f32 to vector<16xf32>
        %mul3A_657 = arith.mulf %min3A_652, %mul3A_656 : vector<16xf32>
        %sub3A_658 = arith.constant 5.000000e-01 : f32
        %sub3A_659 = vector.broadcast %sub3A_658 : f32 to vector<16xf32>
        %sub3A_660 = arith.subf %mul3A_657, %sub3A_659 : vector<16xf32>
        %convert_element_type3A_661 = arith.fptosi %sub3A_660 : vector<16xf32> to vector<16xi32>
        %convert_element_type3A_662 = arith.sitofp %convert_element_type3A_661 : vector<16xi32> to vector<16xf32>
        %lt3A_663 = arith.cmpf olt, %convert_element_type3A_662, %sub3A_660 : vector<16xf32>
        %jit3A_664 = arith.constant 1 : i32
        %jit3A_665 = arith.constant 0 : i32
        %broadcast_in_dim3A_666 = vector.broadcast %jit3A_664 : i32 to vector<16xi32>
        %broadcast_in_dim3A_667 = vector.broadcast %jit3A_665 : i32 to vector<16xi32>
        %select_n3A_668 = arith.select %lt3A_663, %broadcast_in_dim3A_666, %broadcast_in_dim3A_667 : vector<16xi1>, vector<16xi32>
        %add3A_669 = arith.addi %convert_element_type3A_661, %select_n3A_668 : vector<16xi32>
        %min3A_670 = arith.constant 129 : i32
        %min3A_671 = vector.broadcast %min3A_670 : i32 to vector<16xi32>
        %min3A_672 = arith.minsi %add3A_669, %min3A_671 : vector<16xi32>
        %swap3A_673 = arith.constant 209 : index
        %swap3A_674 = tpu.vector_load %arg12[%swap3A_673] {strides = array<i32>} : memref<264xi32, #tpu.memory_space<vmem>>, vector<16xi32>,
        tpu.vector_store %arg12[%swap3A_673], %min3A_672 {strides = array<i32>} : memref<264xi32, #tpu.memory_space<vmem>>, vector<16xi32>,
        %get3A_675 = arith.constant 225 : index
        %get3A_676 = tpu.vector_load %arg10[%get3A_675] {strides = array<i32>} : memref<257xf32, #tpu.memory_space<vmem>>, vector<16xf32>,
        %mul3A_677 = arith.mulf %get3A_676, %div3A_288 : vector<16xf32>
        %min3A_678 = arith.constant 1.000000e+00 : f32
        %min3A_679 = vector.broadcast %min3A_678 : f32 to vector<16xf32>
        %min3A_680 = arith.minimumf %mul3A_677, %min3A_679 : vector<16xf32>
        %swap3A_681 = arith.constant 225 : index
        %swap3A_682 = tpu.vector_load %arg10[%swap3A_681] {strides = array<i32>} : memref<257xf32, #tpu.memory_space<vmem>>, vector<16xf32>,
        tpu.vector_store %arg10[%swap3A_681], %min3A_680 {strides = array<i32>} : memref<257xf32, #tpu.memory_space<vmem>>, vector<16xf32>,
        %mul3A_683 = arith.constant 1.290000e+02 : f32
        %mul3A_684 = vector.broadcast %mul3A_683 : f32 to vector<16xf32>
        %mul3A_685 = arith.mulf %min3A_680, %mul3A_684 : vector<16xf32>
        %sub3A_686 = arith.constant 5.000000e-01 : f32
        %sub3A_687 = vector.broadcast %sub3A_686 : f32 to vector<16xf32>
        %sub3A_688 = arith.subf %mul3A_685, %sub3A_687 : vector<16xf32>
        %convert_element_type3A_689 = arith.fptosi %sub3A_688 : vector<16xf32> to vector<16xi32>
        %convert_element_type3A_690 = arith.sitofp %convert_element_type3A_689 : vector<16xi32> to vector<16xf32>
        %lt3A_691 = arith.cmpf olt, %convert_element_type3A_690, %sub3A_688 : vector<16xf32>
        %jit3A_692 = arith.constant 1 : i32
        %jit3A_693 = arith.constant 0 : i32
        %broadcast_in_dim3A_694 = vector.broadcast %jit3A_692 : i32 to vector<16xi32>
        %broadcast_in_dim3A_695 = vector.broadcast %jit3A_693 : i32 to vector<16xi32>
        %select_n3A_696 = arith.select %lt3A_691, %broadcast_in_dim3A_694, %broadcast_in_dim3A_695 : vector<16xi1>, vector<16xi32>
        %add3A_697 = arith.addi %convert_element_type3A_689, %select_n3A_696 : vector<16xi32>
        %min3A_698 = arith.constant 129 : i32
        %min3A_699 = vector.broadcast %min3A_698 : i32 to vector<16xi32>
        %min3A_700 = arith.minsi %add3A_697, %min3A_699 : vector<16xi32>
        %swap3A_701 = arith.constant 225 : index
        %swap3A_702 = tpu.vector_load %arg12[%swap3A_701] {strides = array<i32>} : memref<264xi32, #tpu.memory_space<vmem>>, vector<16xi32>,
        tpu.vector_store %arg12[%swap3A_701], %min3A_700 {strides = array<i32>} : memref<264xi32, #tpu.memory_space<vmem>>, vector<16xi32>,
        %get3A_703 = arith.constant 241 : index
        %get3A_704 = tpu.vector_load %arg10[%get3A_703] {strides = array<i32>} : memref<257xf32, #tpu.memory_space<vmem>>, vector<16xf32>,
        %mul3A_705 = arith.mulf %get3A_704, %div3A_288 : vector<16xf32>
        %min3A_706 = arith.constant 1.000000e+00 : f32
        %min3A_707 = vector.broadcast %min3A_706 : f32 to vector<16xf32>
        %min3A_708 = arith.minimumf %mul3A_705, %min3A_707 : vector<16xf32>
        %swap3A_709 = arith.constant 241 : index
        %swap3A_710 = tpu.vector_load %arg10[%swap3A_709] {strides = array<i32>} : memref<257xf32, #tpu.memory_space<vmem>>, vector<16xf32>,
        tpu.vector_store %arg10[%swap3A_709], %min3A_708 {strides = array<i32>} : memref<257xf32, #tpu.memory_space<vmem>>, vector<16xf32>,
        %mul3A_711 = arith.constant 1.290000e+02 : f32
        %mul3A_712 = vector.broadcast %mul3A_711 : f32 to vector<16xf32>
        %mul3A_713 = arith.mulf %min3A_708, %mul3A_712 : vector<16xf32>
        %sub3A_714 = arith.constant 5.000000e-01 : f32
        %sub3A_715 = vector.broadcast %sub3A_714 : f32 to vector<16xf32>
        %sub3A_716 = arith.subf %mul3A_713, %sub3A_715 : vector<16xf32>
        %convert_element_type3A_717 = arith.fptosi %sub3A_716 : vector<16xf32> to vector<16xi32>
        %convert_element_type3A_718 = arith.sitofp %convert_element_type3A_717 : vector<16xi32> to vector<16xf32>
        %lt3A_719 = arith.cmpf olt, %convert_element_type3A_718, %sub3A_716 : vector<16xf32>
        %jit3A_720 = arith.constant 1 : i32
        %jit3A_721 = arith.constant 0 : i32
        %broadcast_in_dim3A_722 = vector.broadcast %jit3A_720 : i32 to vector<16xi32>
        %broadcast_in_dim3A_723 = vector.broadcast %jit3A_721 : i32 to vector<16xi32>
        %select_n3A_724 = arith.select %lt3A_719, %broadcast_in_dim3A_722, %broadcast_in_dim3A_723 : vector<16xi1>, vector<16xi32>
        %add3A_725 = arith.addi %convert_element_type3A_717, %select_n3A_724 : vector<16xi32>
        %min3A_726 = arith.constant 129 : i32
        %min3A_727 = vector.broadcast %min3A_726 : i32 to vector<16xi32>
        %min3A_728 = arith.minsi %add3A_725, %min3A_727 : vector<16xi32>
        %swap3A_729 = arith.constant 241 : index
        %swap3A_730 = tpu.vector_load %arg12[%swap3A_729] {strides = array<i32>} : memref<264xi32, #tpu.memory_space<vmem>>, vector<16xi32>,
        tpu.vector_store %arg12[%swap3A_729], %min3A_728 {strides = array<i32>} : memref<264xi32, #tpu.memory_space<vmem>>, vector<16xi32>,
        %swap3A_731 = arith.constant 0 : index
        %swap3A_732 = tpu.vector_load %arg11[%swap3A_731] {strides = array<i32>} : memref<144xi32, #tpu.memory_space<vmem>>, vector<16xi32>,
        tpu.vector_store %arg11[%swap3A_731], %broadcast_in_dim3A_28 {strides = array<i32>} : memref<144xi32, #tpu.memory_space<vmem>>, vector<16xi32>,
        %swap3A_733 = arith.constant 16 : index
        %swap3A_734 = tpu.vector_load %arg11[%swap3A_733] {strides = array<i32>} : memref<144xi32, #tpu.memory_space<vmem>>, vector<16xi32>,
        tpu.vector_store %arg11[%swap3A_733], %broadcast_in_dim3A_28 {strides = array<i32>} : memref<144xi32, #tpu.memory_space<vmem>>, vector<16xi32>,
        %swap3A_735 = arith.constant 32 : index
        %swap3A_736 = tpu.vector_load %arg11[%swap3A_735] {strides = array<i32>} : memref<144xi32, #tpu.memory_space<vmem>>, vector<16xi32>,
        tpu.vector_store %arg11[%swap3A_735], %broadcast_in_dim3A_28 {strides = array<i32>} : memref<144xi32, #tpu.memory_space<vmem>>, vector<16xi32>,
        %swap3A_737 = arith.constant 48 : index
        %swap3A_738 = tpu.vector_load %arg11[%swap3A_737] {strides = array<i32>} : memref<144xi32, #tpu.memory_space<vmem>>, vector<16xi32>,
        tpu.vector_store %arg11[%swap3A_737], %broadcast_in_dim3A_28 {strides = array<i32>} : memref<144xi32, #tpu.memory_space<vmem>>, vector<16xi32>,
        %swap3A_739 = arith.constant 64 : index
        %swap3A_740 = tpu.vector_load %arg11[%swap3A_739] {strides = array<i32>} : memref<144xi32, #tpu.memory_space<vmem>>, vector<16xi32>,
        tpu.vector_store %arg11[%swap3A_739], %broadcast_in_dim3A_28 {strides = array<i32>} : memref<144xi32, #tpu.memory_space<vmem>>, vector<16xi32>,
        %swap3A_741 = arith.constant 80 : index
        %swap3A_742 = tpu.vector_load %arg11[%swap3A_741] {strides = array<i32>} : memref<144xi32, #tpu.memory_space<vmem>>, vector<16xi32>,
        tpu.vector_store %arg11[%swap3A_741], %broadcast_in_dim3A_28 {strides = array<i32>} : memref<144xi32, #tpu.memory_space<vmem>>, vector<16xi32>,
        %swap3A_743 = arith.constant 96 : index
        %swap3A_744 = tpu.vector_load %arg11[%swap3A_743] {strides = array<i32>} : memref<144xi32, #tpu.memory_space<vmem>>, vector<16xi32>,
        tpu.vector_store %arg11[%swap3A_743], %broadcast_in_dim3A_28 {strides = array<i32>} : memref<144xi32, #tpu.memory_space<vmem>>, vector<16xi32>,
        %swap3A_745 = arith.constant 112 : index
        %swap3A_746 = tpu.vector_load %arg11[%swap3A_745] {strides = array<i32>} : memref<144xi32, #tpu.memory_space<vmem>>, vector<16xi32>,
        tpu.vector_store %arg11[%swap3A_745], %broadcast_in_dim3A_28 {strides = array<i32>} : memref<144xi32, #tpu.memory_space<vmem>>, vector<16xi32>,
        %swap3A_747 = arith.constant 128 : index
        %swap3A_748 = tpu.vector_load %arg11[%swap3A_747] {strides = array<i32>} : memref<144xi32, #tpu.memory_space<vmem>>, vector<16xi32>,
        tpu.vector_store %arg11[%swap3A_747], %broadcast_in_dim3A_28 {strides = array<i32>} : memref<144xi32, #tpu.memory_space<vmem>>, vector<16xi32>,
        %get3A_749 = arith.constant 0 : index
        %get3A_750 = tpu.vector_load %arg12[%get3A_749] {strides = array<i32>} : memref<264xi32, #tpu.memory_space<vmem>>, vector<16xi32>,
        %get3A_751 = arith.constant 1 : index
        %get3A_752 = tpu.vector_load %arg12[%get3A_751] {strides = array<i32>} : memref<264xi32, #tpu.memory_space<vmem>>, vector<16xi32>,
        %ne3A = arith.cmpi ne, %get3A_750, %get3A_752 : vector<16xi32>
        %add3A_753 = arith.constant 1 : i32
        %add3A_754 = vector.broadcast %add3A_753 : i32 to vector<16xi32>
        %add3A_755 = arith.addi %iota3A, %add3A_754 : vector<16xi32>
        tpu.vector_store_idx %arg11[%get3A_750], %add3A_755 masked %ne3A : memref<144xi32, #tpu.memory_space<vmem>>[vector<16xi32>], vector<16xi32>, vector<16xi1>
        %get3A_756 = arith.constant 16 : index
        %get3A_757 = tpu.vector_load %arg12[%get3A_756] {strides = array<i32>} : memref<264xi32, #tpu.memory_space<vmem>>, vector<16xi32>,
        %get3A_758 = arith.constant 17 : index
        %get3A_759 = tpu.vector_load %arg12[%get3A_758] {strides = array<i32>} : memref<264xi32, #tpu.memory_space<vmem>>, vector<16xi32>,
        %ne3A_760 = arith.cmpi ne, %get3A_757, %get3A_759 : vector<16xi32>
        %add3A_761 = arith.constant 17 : i32
        %add3A_762 = vector.broadcast %add3A_761 : i32 to vector<16xi32>
        %add3A_763 = arith.addi %iota3A, %add3A_762 : vector<16xi32>
        tpu.vector_store_idx %arg11[%get3A_757], %add3A_763 masked %ne3A_760 : memref<144xi32, #tpu.memory_space<vmem>>[vector<16xi32>], vector<16xi32>, vector<16xi1>
        %get3A_764 = arith.constant 32 : index
        %get3A_765 = tpu.vector_load %arg12[%get3A_764] {strides = array<i32>} : memref<264xi32, #tpu.memory_space<vmem>>, vector<16xi32>,
        %get3A_766 = arith.constant 33 : index
        %get3A_767 = tpu.vector_load %arg12[%get3A_766] {strides = array<i32>} : memref<264xi32, #tpu.memory_space<vmem>>, vector<16xi32>,
        %ne3A_768 = arith.cmpi ne, %get3A_765, %get3A_767 : vector<16xi32>
        %add3A_769 = arith.constant 33 : i32
        %add3A_770 = vector.broadcast %add3A_769 : i32 to vector<16xi32>
        %add3A_771 = arith.addi %iota3A, %add3A_770 : vector<16xi32>
        tpu.vector_store_idx %arg11[%get3A_765], %add3A_771 masked %ne3A_768 : memref<144xi32, #tpu.memory_space<vmem>>[vector<16xi32>], vector<16xi32>, vector<16xi1>
        %get3A_772 = arith.constant 48 : index
        %get3A_773 = tpu.vector_load %arg12[%get3A_772] {strides = array<i32>} : memref<264xi32, #tpu.memory_space<vmem>>, vector<16xi32>,
        %get3A_774 = arith.constant 49 : index
        %get3A_775 = tpu.vector_load %arg12[%get3A_774] {strides = array<i32>} : memref<264xi32, #tpu.memory_space<vmem>>, vector<16xi32>,
        %ne3A_776 = arith.cmpi ne, %get3A_773, %get3A_775 : vector<16xi32>
        %add3A_777 = arith.constant 49 : i32
        %add3A_778 = vector.broadcast %add3A_777 : i32 to vector<16xi32>
        %add3A_779 = arith.addi %iota3A, %add3A_778 : vector<16xi32>
        tpu.vector_store_idx %arg11[%get3A_773], %add3A_779 masked %ne3A_776 : memref<144xi32, #tpu.memory_space<vmem>>[vector<16xi32>], vector<16xi32>, vector<16xi1>
        %get3A_780 = arith.constant 64 : index
        %get3A_781 = tpu.vector_load %arg12[%get3A_780] {strides = array<i32>} : memref<264xi32, #tpu.memory_space<vmem>>, vector<16xi32>,
        %get3A_782 = arith.constant 65 : index
        %get3A_783 = tpu.vector_load %arg12[%get3A_782] {strides = array<i32>} : memref<264xi32, #tpu.memory_space<vmem>>, vector<16xi32>,
        %ne3A_784 = arith.cmpi ne, %get3A_781, %get3A_783 : vector<16xi32>
        %add3A_785 = arith.constant 65 : i32
        %add3A_786 = vector.broadcast %add3A_785 : i32 to vector<16xi32>
        %add3A_787 = arith.addi %iota3A, %add3A_786 : vector<16xi32>
        tpu.vector_store_idx %arg11[%get3A_781], %add3A_787 masked %ne3A_784 : memref<144xi32, #tpu.memory_space<vmem>>[vector<16xi32>], vector<16xi32>, vector<16xi1>
        %get3A_788 = arith.constant 80 : index
        %get3A_789 = tpu.vector_load %arg12[%get3A_788] {strides = array<i32>} : memref<264xi32, #tpu.memory_space<vmem>>, vector<16xi32>,
        %get3A_790 = arith.constant 81 : index
        %get3A_791 = tpu.vector_load %arg12[%get3A_790] {strides = array<i32>} : memref<264xi32, #tpu.memory_space<vmem>>, vector<16xi32>,
        %ne3A_792 = arith.cmpi ne, %get3A_789, %get3A_791 : vector<16xi32>
        %add3A_793 = arith.constant 81 : i32
        %add3A_794 = vector.broadcast %add3A_793 : i32 to vector<16xi32>
        %add3A_795 = arith.addi %iota3A, %add3A_794 : vector<16xi32>
        tpu.vector_store_idx %arg11[%get3A_789], %add3A_795 masked %ne3A_792 : memref<144xi32, #tpu.memory_space<vmem>>[vector<16xi32>], vector<16xi32>, vector<16xi1>
        %get3A_796 = arith.constant 96 : index
        %get3A_797 = tpu.vector_load %arg12[%get3A_796] {strides = array<i32>} : memref<264xi32, #tpu.memory_space<vmem>>, vector<16xi32>,
        %get3A_798 = arith.constant 97 : index
        %get3A_799 = tpu.vector_load %arg12[%get3A_798] {strides = array<i32>} : memref<264xi32, #tpu.memory_space<vmem>>, vector<16xi32>,
        %ne3A_800 = arith.cmpi ne, %get3A_797, %get3A_799 : vector<16xi32>
        %add3A_801 = arith.constant 97 : i32
        %add3A_802 = vector.broadcast %add3A_801 : i32 to vector<16xi32>
        %add3A_803 = arith.addi %iota3A, %add3A_802 : vector<16xi32>
        tpu.vector_store_idx %arg11[%get3A_797], %add3A_803 masked %ne3A_800 : memref<144xi32, #tpu.memory_space<vmem>>[vector<16xi32>], vector<16xi32>, vector<16xi1>
        %get3A_804 = arith.constant 112 : index
        %get3A_805 = tpu.vector_load %arg12[%get3A_804] {strides = array<i32>} : memref<264xi32, #tpu.memory_space<vmem>>, vector<16xi32>,
        %get3A_806 = arith.constant 113 : index
        %get3A_807 = tpu.vector_load %arg12[%get3A_806] {strides = array<i32>} : memref<264xi32, #tpu.memory_space<vmem>>, vector<16xi32>,
        %ne3A_808 = arith.cmpi ne, %get3A_805, %get3A_807 : vector<16xi32>
        %add3A_809 = arith.constant 113 : i32
        %add3A_810 = vector.broadcast %add3A_809 : i32 to vector<16xi32>
        %add3A_811 = arith.addi %iota3A, %add3A_810 : vector<16xi32>
        tpu.vector_store_idx %arg11[%get3A_805], %add3A_811 masked %ne3A_808 : memref<144xi32, #tpu.memory_space<vmem>>[vector<16xi32>], vector<16xi32>, vector<16xi1>
        %get3A_812 = arith.constant 128 : index
        %get3A_813 = tpu.vector_load %arg12[%get3A_812] {strides = array<i32>} : memref<264xi32, #tpu.memory_space<vmem>>, vector<16xi32>,
        %get3A_814 = arith.constant 129 : index
        %get3A_815 = tpu.vector_load %arg12[%get3A_814] {strides = array<i32>} : memref<264xi32, #tpu.memory_space<vmem>>, vector<16xi32>,
        %ne3A_816 = arith.cmpi ne, %get3A_813, %get3A_815 : vector<16xi32>
        %add3A_817 = arith.constant 129 : i32
        %add3A_818 = vector.broadcast %add3A_817 : i32 to vector<16xi32>
        %add3A_819 = arith.addi %iota3A, %add3A_818 : vector<16xi32>
        tpu.vector_store_idx %arg11[%get3A_813], %add3A_819 masked %ne3A_816 : memref<144xi32, #tpu.memory_space<vmem>>[vector<16xi32>], vector<16xi32>, vector<16xi1>
        %get3A_820 = arith.constant 144 : index
        %get3A_821 = tpu.vector_load %arg12[%get3A_820] {strides = array<i32>} : memref<264xi32, #tpu.memory_space<vmem>>, vector<16xi32>,
        %get3A_822 = arith.constant 145 : index
        %get3A_823 = tpu.vector_load %arg12[%get3A_822] {strides = array<i32>} : memref<264xi32, #tpu.memory_space<vmem>>, vector<16xi32>,
        %ne3A_824 = arith.cmpi ne, %get3A_821, %get3A_823 : vector<16xi32>
        %add3A_825 = arith.constant 145 : i32
        %add3A_826 = vector.broadcast %add3A_825 : i32 to vector<16xi32>
        %add3A_827 = arith.addi %iota3A, %add3A_826 : vector<16xi32>
        tpu.vector_store_idx %arg11[%get3A_821], %add3A_827 masked %ne3A_824 : memref<144xi32, #tpu.memory_space<vmem>>[vector<16xi32>], vector<16xi32>, vector<16xi1>
        %get3A_828 = arith.constant 160 : index
        %get3A_829 = tpu.vector_load %arg12[%get3A_828] {strides = array<i32>} : memref<264xi32, #tpu.memory_space<vmem>>, vector<16xi32>,
        %get3A_830 = arith.constant 161 : index
        %get3A_831 = tpu.vector_load %arg12[%get3A_830] {strides = array<i32>} : memref<264xi32, #tpu.memory_space<vmem>>, vector<16xi32>,
        %ne3A_832 = arith.cmpi ne, %get3A_829, %get3A_831 : vector<16xi32>
        %add3A_833 = arith.constant 161 : i32
        %add3A_834 = vector.broadcast %add3A_833 : i32 to vector<16xi32>
        %add3A_835 = arith.addi %iota3A, %add3A_834 : vector<16xi32>
        tpu.vector_store_idx %arg11[%get3A_829], %add3A_835 masked %ne3A_832 : memref<144xi32, #tpu.memory_space<vmem>>[vector<16xi32>], vector<16xi32>, vector<16xi1>
        %get3A_836 = arith.constant 176 : index
        %get3A_837 = tpu.vector_load %arg12[%get3A_836] {strides = array<i32>} : memref<264xi32, #tpu.memory_space<vmem>>, vector<16xi32>,
        %get3A_838 = arith.constant 177 : index
        %get3A_839 = tpu.vector_load %arg12[%get3A_838] {strides = array<i32>} : memref<264xi32, #tpu.memory_space<vmem>>, vector<16xi32>,
        %ne3A_840 = arith.cmpi ne, %get3A_837, %get3A_839 : vector<16xi32>
        %add3A_841 = arith.constant 177 : i32
        %add3A_842 = vector.broadcast %add3A_841 : i32 to vector<16xi32>
        %add3A_843 = arith.addi %iota3A, %add3A_842 : vector<16xi32>
        tpu.vector_store_idx %arg11[%get3A_837], %add3A_843 masked %ne3A_840 : memref<144xi32, #tpu.memory_space<vmem>>[vector<16xi32>], vector<16xi32>, vector<16xi1>
        %get3A_844 = arith.constant 192 : index
        %get3A_845 = tpu.vector_load %arg12[%get3A_844] {strides = array<i32>} : memref<264xi32, #tpu.memory_space<vmem>>, vector<16xi32>,
        %get3A_846 = arith.constant 193 : index
        %get3A_847 = tpu.vector_load %arg12[%get3A_846] {strides = array<i32>} : memref<264xi32, #tpu.memory_space<vmem>>, vector<16xi32>,
        %ne3A_848 = arith.cmpi ne, %get3A_845, %get3A_847 : vector<16xi32>
        %add3A_849 = arith.constant 193 : i32
        %add3A_850 = vector.broadcast %add3A_849 : i32 to vector<16xi32>
        %add3A_851 = arith.addi %iota3A, %add3A_850 : vector<16xi32>
        tpu.vector_store_idx %arg11[%get3A_845], %add3A_851 masked %ne3A_848 : memref<144xi32, #tpu.memory_space<vmem>>[vector<16xi32>], vector<16xi32>, vector<16xi1>
        %get3A_852 = arith.constant 208 : index
        %get3A_853 = tpu.vector_load %arg12[%get3A_852] {strides = array<i32>} : memref<264xi32, #tpu.memory_space<vmem>>, vector<16xi32>,
        %get3A_854 = arith.constant 209 : index
        %get3A_855 = tpu.vector_load %arg12[%get3A_854] {strides = array<i32>} : memref<264xi32, #tpu.memory_space<vmem>>, vector<16xi32>,
        %ne3A_856 = arith.cmpi ne, %get3A_853, %get3A_855 : vector<16xi32>
        %add3A_857 = arith.constant 209 : i32
        %add3A_858 = vector.broadcast %add3A_857 : i32 to vector<16xi32>
        %add3A_859 = arith.addi %iota3A, %add3A_858 : vector<16xi32>
        tpu.vector_store_idx %arg11[%get3A_853], %add3A_859 masked %ne3A_856 : memref<144xi32, #tpu.memory_space<vmem>>[vector<16xi32>], vector<16xi32>, vector<16xi1>
        %get3A_860 = arith.constant 224 : index
        %get3A_861 = tpu.vector_load %arg12[%get3A_860] {strides = array<i32>} : memref<264xi32, #tpu.memory_space<vmem>>, vector<16xi32>,
        %get3A_862 = arith.constant 225 : index
        %get3A_863 = tpu.vector_load %arg12[%get3A_862] {strides = array<i32>} : memref<264xi32, #tpu.memory_space<vmem>>, vector<16xi32>,
        %ne3A_864 = arith.cmpi ne, %get3A_861, %get3A_863 : vector<16xi32>
        %add3A_865 = arith.constant 225 : i32
        %add3A_866 = vector.broadcast %add3A_865 : i32 to vector<16xi32>
        %add3A_867 = arith.addi %iota3A, %add3A_866 : vector<16xi32>
        tpu.vector_store_idx %arg11[%get3A_861], %add3A_867 masked %ne3A_864 : memref<144xi32, #tpu.memory_space<vmem>>[vector<16xi32>], vector<16xi32>, vector<16xi1>
        %get3A_868 = arith.constant 240 : index
        %get3A_869 = tpu.vector_load %arg12[%get3A_868] {strides = array<i32>} : memref<264xi32, #tpu.memory_space<vmem>>, vector<16xi32>,
        %get3A_870 = arith.constant 241 : index
        %get3A_871 = tpu.vector_load %arg12[%get3A_870] {strides = array<i32>} : memref<264xi32, #tpu.memory_space<vmem>>, vector<16xi32>,
        %ne3A_872 = arith.cmpi ne, %get3A_869, %get3A_871 : vector<16xi32>
        %add3A_873 = arith.constant 241 : i32
        %add3A_874 = vector.broadcast %add3A_873 : i32 to vector<16xi32>
        %add3A_875 = arith.addi %iota3A, %add3A_874 : vector<16xi32>
        tpu.vector_store_idx %arg11[%get3A_869], %add3A_875 masked %ne3A_872 : memref<144xi32, #tpu.memory_space<vmem>>[vector<16xi32>], vector<16xi32>, vector<16xi1>
        %get3A_876 = arith.constant 0 : index
        %get3A_877 = tpu.vector_load %arg11[%get3A_876] {strides = array<i32>} : memref<144xi32, #tpu.memory_space<vmem>>, vector<16xi32>,
        %broadcast_in_dim3A_878 = arith.constant true
        %broadcast_in_dim3A_879 = vector.broadcast %broadcast_in_dim3A_878 : i1 to vector<16xi1>
        %masked_cummax3A = arith.constant -2147483648 : i32
        %masked_cummax3A_880 = vector.broadcast %masked_cummax3A : i32 to vector<16xi32>
        %masked_cummax3A_881 = arith.xori %get3A_877, %masked_cummax3A_880 : vector<16xi32>
        %masked_cummax3A_882 = tpu.scan <max>, %masked_cummax3A_881 masked %broadcast_in_dim3A_879 : vector<16xi32>, vector<16xi1> -> vector<16xi32>
        %masked_cummax3A_883 = arith.xori %masked_cummax3A_882, %masked_cummax3A_880 : vector<16xi32>
        %get3A_884 = arith.constant 16 : index
        %get3A_885 = tpu.vector_load %arg11[%get3A_884] {strides = array<i32>} : memref<144xi32, #tpu.memory_space<vmem>>, vector<16xi32>,
        %broadcast_in_dim3A_886 = arith.constant true
        %broadcast_in_dim3A_887 = vector.broadcast %broadcast_in_dim3A_886 : i1 to vector<16xi1>
        %masked_cummax3A_888 = arith.constant -2147483648 : i32
        %masked_cummax3A_889 = vector.broadcast %masked_cummax3A_888 : i32 to vector<16xi32>
        %masked_cummax3A_890 = arith.xori %get3A_885, %masked_cummax3A_889 : vector<16xi32>
        %masked_cummax3A_891 = tpu.scan <max>, %masked_cummax3A_890 masked %broadcast_in_dim3A_887 : vector<16xi32>, vector<16xi1> -> vector<16xi32>
        %masked_cummax3A_892 = arith.xori %masked_cummax3A_891, %masked_cummax3A_889 : vector<16xi32>
        %get3A_893 = arith.constant 32 : index
        %get3A_894 = tpu.vector_load %arg11[%get3A_893] {strides = array<i32>} : memref<144xi32, #tpu.memory_space<vmem>>, vector<16xi32>,
        %broadcast_in_dim3A_895 = arith.constant true
        %broadcast_in_dim3A_896 = vector.broadcast %broadcast_in_dim3A_895 : i1 to vector<16xi1>
        %masked_cummax3A_897 = arith.constant -2147483648 : i32
        %masked_cummax3A_898 = vector.broadcast %masked_cummax3A_897 : i32 to vector<16xi32>
        %masked_cummax3A_899 = arith.xori %get3A_894, %masked_cummax3A_898 : vector<16xi32>
        %masked_cummax3A_900 = tpu.scan <max>, %masked_cummax3A_899 masked %broadcast_in_dim3A_896 : vector<16xi32>, vector<16xi1> -> vector<16xi32>
        %masked_cummax3A_901 = arith.xori %masked_cummax3A_900, %masked_cummax3A_898 : vector<16xi32>
        %get3A_902 = arith.constant 48 : index
        %get3A_903 = tpu.vector_load %arg11[%get3A_902] {strides = array<i32>} : memref<144xi32, #tpu.memory_space<vmem>>, vector<16xi32>,
        %broadcast_in_dim3A_904 = arith.constant true
        %broadcast_in_dim3A_905 = vector.broadcast %broadcast_in_dim3A_904 : i1 to vector<16xi1>
        %masked_cummax3A_906 = arith.constant -2147483648 : i32
        %masked_cummax3A_907 = vector.broadcast %masked_cummax3A_906 : i32 to vector<16xi32>
        %masked_cummax3A_908 = arith.xori %get3A_903, %masked_cummax3A_907 : vector<16xi32>
        %masked_cummax3A_909 = tpu.scan <max>, %masked_cummax3A_908 masked %broadcast_in_dim3A_905 : vector<16xi32>, vector<16xi1> -> vector<16xi32>
        %masked_cummax3A_910 = arith.xori %masked_cummax3A_909, %masked_cummax3A_907 : vector<16xi32>
        %get3A_911 = arith.constant 64 : index
        %get3A_912 = tpu.vector_load %arg11[%get3A_911] {strides = array<i32>} : memref<144xi32, #tpu.memory_space<vmem>>, vector<16xi32>,
        %broadcast_in_dim3A_913 = arith.constant true
        %broadcast_in_dim3A_914 = vector.broadcast %broadcast_in_dim3A_913 : i1 to vector<16xi1>
        %masked_cummax3A_915 = arith.constant -2147483648 : i32
        %masked_cummax3A_916 = vector.broadcast %masked_cummax3A_915 : i32 to vector<16xi32>
        %masked_cummax3A_917 = arith.xori %get3A_912, %masked_cummax3A_916 : vector<16xi32>
        %masked_cummax3A_918 = tpu.scan <max>, %masked_cummax3A_917 masked %broadcast_in_dim3A_914 : vector<16xi32>, vector<16xi1> -> vector<16xi32>
        %masked_cummax3A_919 = arith.xori %masked_cummax3A_918, %masked_cummax3A_916 : vector<16xi32>
        %get3A_920 = arith.constant 80 : index
        %get3A_921 = tpu.vector_load %arg11[%get3A_920] {strides = array<i32>} : memref<144xi32, #tpu.memory_space<vmem>>, vector<16xi32>,
        %broadcast_in_dim3A_922 = arith.constant true
        %broadcast_in_dim3A_923 = vector.broadcast %broadcast_in_dim3A_922 : i1 to vector<16xi1>
        %masked_cummax3A_924 = arith.constant -2147483648 : i32
        %masked_cummax3A_925 = vector.broadcast %masked_cummax3A_924 : i32 to vector<16xi32>
        %masked_cummax3A_926 = arith.xori %get3A_921, %masked_cummax3A_925 : vector<16xi32>
        %masked_cummax3A_927 = tpu.scan <max>, %masked_cummax3A_926 masked %broadcast_in_dim3A_923 : vector<16xi32>, vector<16xi1> -> vector<16xi32>
        %masked_cummax3A_928 = arith.xori %masked_cummax3A_927, %masked_cummax3A_925 : vector<16xi32>
        %get3A_929 = arith.constant 96 : index
        %get3A_930 = tpu.vector_load %arg11[%get3A_929] {strides = array<i32>} : memref<144xi32, #tpu.memory_space<vmem>>, vector<16xi32>,
        %broadcast_in_dim3A_931 = arith.constant true
        %broadcast_in_dim3A_932 = vector.broadcast %broadcast_in_dim3A_931 : i1 to vector<16xi1>
        %masked_cummax3A_933 = arith.constant -2147483648 : i32
        %masked_cummax3A_934 = vector.broadcast %masked_cummax3A_933 : i32 to vector<16xi32>
        %masked_cummax3A_935 = arith.xori %get3A_930, %masked_cummax3A_934 : vector<16xi32>
        %masked_cummax3A_936 = tpu.scan <max>, %masked_cummax3A_935 masked %broadcast_in_dim3A_932 : vector<16xi32>, vector<16xi1> -> vector<16xi32>
        %masked_cummax3A_937 = arith.xori %masked_cummax3A_936, %masked_cummax3A_934 : vector<16xi32>
        %get3A_938 = arith.constant 112 : index
        %get3A_939 = tpu.vector_load %arg11[%get3A_938] {strides = array<i32>} : memref<144xi32, #tpu.memory_space<vmem>>, vector<16xi32>,
        %broadcast_in_dim3A_940 = arith.constant true
        %broadcast_in_dim3A_941 = vector.broadcast %broadcast_in_dim3A_940 : i1 to vector<16xi1>
        %masked_cummax3A_942 = arith.constant -2147483648 : i32
        %masked_cummax3A_943 = vector.broadcast %masked_cummax3A_942 : i32 to vector<16xi32>
        %masked_cummax3A_944 = arith.xori %get3A_939, %masked_cummax3A_943 : vector<16xi32>
        %masked_cummax3A_945 = tpu.scan <max>, %masked_cummax3A_944 masked %broadcast_in_dim3A_941 : vector<16xi32>, vector<16xi1> -> vector<16xi32>
        %masked_cummax3A_946 = arith.xori %masked_cummax3A_945, %masked_cummax3A_943 : vector<16xi32>
        %get3A_947 = arith.constant 128 : index
        %get3A_948 = tpu.vector_load %arg11[%get3A_947] {strides = array<i32>} : memref<144xi32, #tpu.memory_space<vmem>>, vector<16xi32>,
        %broadcast_in_dim3A_949 = arith.constant true
        %broadcast_in_dim3A_950 = vector.broadcast %broadcast_in_dim3A_949 : i1 to vector<16xi1>
        %masked_cummax3A_951 = arith.constant -2147483648 : i32
        %masked_cummax3A_952 = vector.broadcast %masked_cummax3A_951 : i32 to vector<16xi32>
        %masked_cummax3A_953 = arith.xori %get3A_948, %masked_cummax3A_952 : vector<16xi32>
        %masked_cummax3A_954 = tpu.scan <max>, %masked_cummax3A_953 masked %broadcast_in_dim3A_950 : vector<16xi32>, vector<16xi1> -> vector<16xi32>
        %masked_cummax3A_955 = arith.xori %masked_cummax3A_954, %masked_cummax3A_952 : vector<16xi32>
        %broadcast_in_dim3A_956 = vector.shape_cast %broadcast_in_dim3A_1 : vector<16xi32> to vector<16x1xi32>
        %gather3A_957 = vector.shape_cast %broadcast_in_dim3A_956 : vector<16x1xi32> to vector<16xi32>
        %gather3A_958 = tpu.dynamic_gather %masked_cummax3A_883[%gather3A_957] in [0] : vector<16xi32>, vector<16xi32> -> vector<16xi32>
        %broadcast_in_dim3A_959 = vector.shape_cast %broadcast_in_dim3A_1 : vector<16xi32> to vector<16x1xi32>
        %gather3A_960 = vector.shape_cast %broadcast_in_dim3A_959 : vector<16x1xi32> to vector<16xi32>
        %gather3A_961 = tpu.dynamic_gather %masked_cummax3A_892[%gather3A_960] in [0] : vector<16xi32>, vector<16xi32> -> vector<16xi32>
        %broadcast_in_dim3A_962 = vector.shape_cast %broadcast_in_dim3A_1 : vector<16xi32> to vector<16x1xi32>
        %gather3A_963 = vector.shape_cast %broadcast_in_dim3A_962 : vector<16x1xi32> to vector<16xi32>
        %gather3A_964 = tpu.dynamic_gather %masked_cummax3A_901[%gather3A_963] in [0] : vector<16xi32>, vector<16xi32> -> vector<16xi32>
        %broadcast_in_dim3A_965 = vector.shape_cast %broadcast_in_dim3A_1 : vector<16xi32> to vector<16x1xi32>
        %gather3A_966 = vector.shape_cast %broadcast_in_dim3A_965 : vector<16x1xi32> to vector<16xi32>
        %gather3A_967 = tpu.dynamic_gather %masked_cummax3A_910[%gather3A_966] in [0] : vector<16xi32>, vector<16xi32> -> vector<16xi32>
        %broadcast_in_dim3A_968 = vector.shape_cast %broadcast_in_dim3A_1 : vector<16xi32> to vector<16x1xi32>
        %gather3A_969 = vector.shape_cast %broadcast_in_dim3A_968 : vector<16x1xi32> to vector<16xi32>
        %gather3A_970 = tpu.dynamic_gather %masked_cummax3A_919[%gather3A_969] in [0] : vector<16xi32>, vector<16xi32> -> vector<16xi32>
        %broadcast_in_dim3A_971 = vector.shape_cast %broadcast_in_dim3A_1 : vector<16xi32> to vector<16x1xi32>
        %gather3A_972 = vector.shape_cast %broadcast_in_dim3A_971 : vector<16x1xi32> to vector<16xi32>
        %gather3A_973 = tpu.dynamic_gather %masked_cummax3A_928[%gather3A_972] in [0] : vector<16xi32>, vector<16xi32> -> vector<16xi32>
        %broadcast_in_dim3A_974 = vector.shape_cast %broadcast_in_dim3A_1 : vector<16xi32> to vector<16x1xi32>
        %gather3A_975 = vector.shape_cast %broadcast_in_dim3A_974 : vector<16x1xi32> to vector<16xi32>
        %gather3A_976 = tpu.dynamic_gather %masked_cummax3A_937[%gather3A_975] in [0] : vector<16xi32>, vector<16xi32> -> vector<16xi32>
        %broadcast_in_dim3A_977 = vector.shape_cast %broadcast_in_dim3A_1 : vector<16xi32> to vector<16x1xi32>
        %gather3A_978 = vector.shape_cast %broadcast_in_dim3A_977 : vector<16x1xi32> to vector<16xi32>
        %gather3A_979 = tpu.dynamic_gather %masked_cummax3A_946[%gather3A_978] in [0] : vector<16xi32>, vector<16xi32> -> vector<16xi32>
        %broadcast_in_dim3A_980 = vector.shape_cast %broadcast_in_dim3A_1 : vector<16xi32> to vector<16x1xi32>
        %gather3A_981 = vector.shape_cast %broadcast_in_dim3A_980 : vector<16x1xi32> to vector<16xi32>
        %gather3A_982 = tpu.dynamic_gather %masked_cummax3A_955[%gather3A_981] in [0] : vector<16xi32>, vector<16xi32> -> vector<16xi32>
        %max3A = arith.maxsi %gather3A_958, %gather3A_961 : vector<16xi32>
        %max3A_983 = arith.maxsi %max3A, %gather3A_964 : vector<16xi32>
        %max3A_984 = arith.maxsi %max3A_983, %gather3A_967 : vector<16xi32>
        %max3A_985 = arith.maxsi %max3A_984, %gather3A_970 : vector<16xi32>
        %max3A_986 = arith.maxsi %max3A_985, %gather3A_973 : vector<16xi32>
        %max3A_987 = arith.maxsi %max3A_986, %gather3A_976 : vector<16xi32>
        %max3A_988 = arith.maxsi %max3A_987, %gather3A_979 : vector<16xi32>
        %broadcast_in_dim3A_989 = arith.constant 0 : i32
        %broadcast_in_dim3A_990 = vector.broadcast %broadcast_in_dim3A_989 : i32 to vector<16xi32>
        %add3A_991 = vector.broadcast %mul3A_26 : i32 to vector<16xi32>
        %add3A_992 = arith.addi %broadcast_in_dim3A_990, %add3A_991 : vector<16xi32>
        %sub3A_993 = arith.constant 1 : i32
        %sub3A_994 = vector.broadcast %sub3A_993 : i32 to vector<16xi32>
        %sub3A_995 = arith.subi %masked_cummax3A_883, %sub3A_994 : vector<16xi32>
        %gather3A_996 = tpu.vector_load_idx %arg10[%sub3A_995] : memref<257xf32, #tpu.memory_space<vmem>>[vector<16xi32>], vector<16xf32>,
        %gather3A_997 = tpu.vector_load_idx %arg10[%masked_cummax3A_883] : memref<257xf32, #tpu.memory_space<vmem>>[vector<16xi32>], vector<16xf32>,
        %gather3A_998 = tpu.vector_load_idx %arg8[%add3A_992, %sub3A_995] : memref<128x257xf32, #tpu.memory_space<vmem>>[vector<16xi32>, vector<16xi32>], vector<16xf32>,
        %gather3A_999 = tpu.vector_load_idx %arg8[%add3A_992, %masked_cummax3A_883] : memref<128x257xf32, #tpu.memory_space<vmem>>[vector<16xi32>, vector<16xi32>], vector<16xf32>,
        %get3A_1000 = arith.constant 0 : index
        %get3A_1001 = tpu.vector_load %arg6[%get3A_1000] {strides = array<i32>} : memref<144xf32, #tpu.memory_space<vmem>>, vector<16xf32>,
        %sub3A_1002 = arith.subf %gather3A_997, %gather3A_996 : vector<16xf32>
        %sub3A_1003 = arith.subf %get3A_1001, %gather3A_996 : vector<16xf32>
        %div3A_1004 = arith.divf %sub3A_1003, %sub3A_1002 : vector<16xf32>
        %eq3A = arith.constant 0.000000e+00 : f32
        %eq3A_1005 = vector.broadcast %eq3A : f32 to vector<16xf32>
        %eq3A_1006 = arith.cmpf oeq, %sub3A_1002, %eq3A_1005 : vector<16xf32>
        %gt3A = arith.constant 0.000000e+00 : f32
        %gt3A_1007 = vector.broadcast %gt3A : f32 to vector<16xf32>
        %gt3A_1008 = arith.cmpf ogt, %sub3A_1003, %gt3A_1007 : vector<16xf32>
        %jit3A_1009 = arith.constant 1.000000e+00 : f32
        %jit3A_1010 = arith.constant 0.000000e+00 : f32
        %broadcast_in_dim3A_1011 = vector.broadcast %jit3A_1009 : f32 to vector<16xf32>
        %broadcast_in_dim3A_1012 = vector.broadcast %jit3A_1010 : f32 to vector<16xf32>
        %select_n3A_1013 = arith.select %gt3A_1008, %broadcast_in_dim3A_1011, %broadcast_in_dim3A_1012 : vector<16xi1>, vector<16xf32>
        %select_n3A_1014 = arith.select %eq3A_1006, %select_n3A_1013, %div3A_1004 : vector<16xi1>, vector<16xf32>
        %jit3A_1015 = arith.constant 0.000000e+00 : f32
        %jit3A_1016 = arith.constant 1.000000e+00 : f32
        %max3A_1017 = vector.broadcast %jit3A_1015 : f32 to vector<16xf32>
        %max3A_1018 = arith.maximumf %max3A_1017, %select_n3A_1014 : vector<16xf32>
        %min3A_1019 = vector.broadcast %jit3A_1016 : f32 to vector<16xf32>
        %min3A_1020 = arith.minimumf %min3A_1019, %max3A_1018 : vector<16xf32>
        %sub3A_1021 = arith.subf %gather3A_999, %gather3A_998 : vector<16xf32>
        %mul3A_1022 = arith.mulf %min3A_1020, %sub3A_1021 : vector<16xf32>
        %add3A_1023 = arith.addf %gather3A_998, %mul3A_1022 : vector<16xf32>
        %swap3A_1024 = arith.index_cast %mul3A_26 : i32 to index
        %swap3A_1025 = arith.constant 0 : index
        %swap3A_1026 = tpu.vector_load %arg9[%swap3A_1024, %swap3A_1025] {strides = array<i32>} : memref<128x144xf32, #tpu.memory_space<vmem>>, vector<16xf32>,
        tpu.vector_store %arg9[%swap3A_1024, %swap3A_1025], %add3A_1023 {strides = array<i32>} : memref<128x144xf32, #tpu.memory_space<vmem>>, vector<16xf32>,
        %max3A_1027 = arith.maxsi %masked_cummax3A_892, %gather3A_958 : vector<16xi32>
        %sub3A_1028 = arith.constant 1 : i32
        %sub3A_1029 = vector.broadcast %sub3A_1028 : i32 to vector<16xi32>
        %sub3A_1030 = arith.subi %max3A_1027, %sub3A_1029 : vector<16xi32>
        %gather3A_1031 = tpu.vector_load_idx %arg10[%sub3A_1030] : memref<257xf32, #tpu.memory_space<vmem>>[vector<16xi32>], vector<16xf32>,
        %gather3A_1032 = tpu.vector_load_idx %arg10[%max3A_1027] : memref<257xf32, #tpu.memory_space<vmem>>[vector<16xi32>], vector<16xf32>,
        %gather3A_1033 = tpu.vector_load_idx %arg8[%add3A_992, %sub3A_1030] : memref<128x257xf32, #tpu.memory_space<vmem>>[vector<16xi32>, vector<16xi32>], vector<16xf32>,
        %gather3A_1034 = tpu.vector_load_idx %arg8[%add3A_992, %max3A_1027] : memref<128x257xf32, #tpu.memory_space<vmem>>[vector<16xi32>, vector<16xi32>], vector<16xf32>,
        %get3A_1035 = arith.constant 16 : index
        %get3A_1036 = tpu.vector_load %arg6[%get3A_1035] {strides = array<i32>} : memref<144xf32, #tpu.memory_space<vmem>>, vector<16xf32>,
        %sub3A_1037 = arith.subf %gather3A_1032, %gather3A_1031 : vector<16xf32>
        %sub3A_1038 = arith.subf %get3A_1036, %gather3A_1031 : vector<16xf32>
        %div3A_1039 = arith.divf %sub3A_1038, %sub3A_1037 : vector<16xf32>
        %eq3A_1040 = arith.constant 0.000000e+00 : f32
        %eq3A_1041 = vector.broadcast %eq3A_1040 : f32 to vector<16xf32>
        %eq3A_1042 = arith.cmpf oeq, %sub3A_1037, %eq3A_1041 : vector<16xf32>
        %gt3A_1043 = arith.constant 0.000000e+00 : f32
        %gt3A_1044 = vector.broadcast %gt3A_1043 : f32 to vector<16xf32>
        %gt3A_1045 = arith.cmpf ogt, %sub3A_1038, %gt3A_1044 : vector<16xf32>
        %jit3A_1046 = arith.constant 1.000000e+00 : f32
        %jit3A_1047 = arith.constant 0.000000e+00 : f32
        %broadcast_in_dim3A_1048 = vector.broadcast %jit3A_1046 : f32 to vector<16xf32>
        %broadcast_in_dim3A_1049 = vector.broadcast %jit3A_1047 : f32 to vector<16xf32>
        %select_n3A_1050 = arith.select %gt3A_1045, %broadcast_in_dim3A_1048, %broadcast_in_dim3A_1049 : vector<16xi1>, vector<16xf32>
        %select_n3A_1051 = arith.select %eq3A_1042, %select_n3A_1050, %div3A_1039 : vector<16xi1>, vector<16xf32>
        %jit3A_1052 = arith.constant 0.000000e+00 : f32
        %jit3A_1053 = arith.constant 1.000000e+00 : f32
        %max3A_1054 = vector.broadcast %jit3A_1052 : f32 to vector<16xf32>
        %max3A_1055 = arith.maximumf %max3A_1054, %select_n3A_1051 : vector<16xf32>
        %min3A_1056 = vector.broadcast %jit3A_1053 : f32 to vector<16xf32>
        %min3A_1057 = arith.minimumf %min3A_1056, %max3A_1055 : vector<16xf32>
        %sub3A_1058 = arith.subf %gather3A_1034, %gather3A_1033 : vector<16xf32>
        %mul3A_1059 = arith.mulf %min3A_1057, %sub3A_1058 : vector<16xf32>
        %add3A_1060 = arith.addf %gather3A_1033, %mul3A_1059 : vector<16xf32>
        %swap3A_1061 = arith.index_cast %mul3A_26 : i32 to index
        %swap3A_1062 = arith.constant 16 : index
        %swap3A_1063 = tpu.vector_load %arg9[%swap3A_1061, %swap3A_1062] {strides = array<i32>} : memref<128x144xf32, #tpu.memory_space<vmem>>, vector<16xf32>,
        tpu.vector_store %arg9[%swap3A_1061, %swap3A_1062], %add3A_1060 {strides = array<i32>} : memref<128x144xf32, #tpu.memory_space<vmem>>, vector<16xf32>,
        %max3A_1064 = arith.maxsi %masked_cummax3A_901, %max3A : vector<16xi32>
        %sub3A_1065 = arith.constant 1 : i32
        %sub3A_1066 = vector.broadcast %sub3A_1065 : i32 to vector<16xi32>
        %sub3A_1067 = arith.subi %max3A_1064, %sub3A_1066 : vector<16xi32>
        %gather3A_1068 = tpu.vector_load_idx %arg10[%sub3A_1067] : memref<257xf32, #tpu.memory_space<vmem>>[vector<16xi32>], vector<16xf32>,
        %gather3A_1069 = tpu.vector_load_idx %arg10[%max3A_1064] : memref<257xf32, #tpu.memory_space<vmem>>[vector<16xi32>], vector<16xf32>,
        %gather3A_1070 = tpu.vector_load_idx %arg8[%add3A_992, %sub3A_1067] : memref<128x257xf32, #tpu.memory_space<vmem>>[vector<16xi32>, vector<16xi32>], vector<16xf32>,
        %gather3A_1071 = tpu.vector_load_idx %arg8[%add3A_992, %max3A_1064] : memref<128x257xf32, #tpu.memory_space<vmem>>[vector<16xi32>, vector<16xi32>], vector<16xf32>,
        %get3A_1072 = arith.constant 32 : index
        %get3A_1073 = tpu.vector_load %arg6[%get3A_1072] {strides = array<i32>} : memref<144xf32, #tpu.memory_space<vmem>>, vector<16xf32>,
        %sub3A_1074 = arith.subf %gather3A_1069, %gather3A_1068 : vector<16xf32>
        %sub3A_1075 = arith.subf %get3A_1073, %gather3A_1068 : vector<16xf32>
        %div3A_1076 = arith.divf %sub3A_1075, %sub3A_1074 : vector<16xf32>
        %eq3A_1077 = arith.constant 0.000000e+00 : f32
        %eq3A_1078 = vector.broadcast %eq3A_1077 : f32 to vector<16xf32>
        %eq3A_1079 = arith.cmpf oeq, %sub3A_1074, %eq3A_1078 : vector<16xf32>
        %gt3A_1080 = arith.constant 0.000000e+00 : f32
        %gt3A_1081 = vector.broadcast %gt3A_1080 : f32 to vector<16xf32>
        %gt3A_1082 = arith.cmpf ogt, %sub3A_1075, %gt3A_1081 : vector<16xf32>
        %jit3A_1083 = arith.constant 1.000000e+00 : f32
        %jit3A_1084 = arith.constant 0.000000e+00 : f32
        %broadcast_in_dim3A_1085 = vector.broadcast %jit3A_1083 : f32 to vector<16xf32>
        %broadcast_in_dim3A_1086 = vector.broadcast %jit3A_1084 : f32 to vector<16xf32>
        %select_n3A_1087 = arith.select %gt3A_1082, %broadcast_in_dim3A_1085, %broadcast_in_dim3A_1086 : vector<16xi1>, vector<16xf32>
        %select_n3A_1088 = arith.select %eq3A_1079, %select_n3A_1087, %div3A_1076 : vector<16xi1>, vector<16xf32>
        %jit3A_1089 = arith.constant 0.000000e+00 : f32
        %jit3A_1090 = arith.constant 1.000000e+00 : f32
        %max3A_1091 = vector.broadcast %jit3A_1089 : f32 to vector<16xf32>
        %max3A_1092 = arith.maximumf %max3A_1091, %select_n3A_1088 : vector<16xf32>
        %min3A_1093 = vector.broadcast %jit3A_1090 : f32 to vector<16xf32>
        %min3A_1094 = arith.minimumf %min3A_1093, %max3A_1092 : vector<16xf32>
        %sub3A_1095 = arith.subf %gather3A_1071, %gather3A_1070 : vector<16xf32>
        %mul3A_1096 = arith.mulf %min3A_1094, %sub3A_1095 : vector<16xf32>
        %add3A_1097 = arith.addf %gather3A_1070, %mul3A_1096 : vector<16xf32>
        %swap3A_1098 = arith.index_cast %mul3A_26 : i32 to index
        %swap3A_1099 = arith.constant 32 : index
        %swap3A_1100 = tpu.vector_load %arg9[%swap3A_1098, %swap3A_1099] {strides = array<i32>} : memref<128x144xf32, #tpu.memory_space<vmem>>, vector<16xf32>,
        tpu.vector_store %arg9[%swap3A_1098, %swap3A_1099], %add3A_1097 {strides = array<i32>} : memref<128x144xf32, #tpu.memory_space<vmem>>, vector<16xf32>,
        %max3A_1101 = arith.maxsi %masked_cummax3A_910, %max3A_983 : vector<16xi32>
        %sub3A_1102 = arith.constant 1 : i32
        %sub3A_1103 = vector.broadcast %sub3A_1102 : i32 to vector<16xi32>
        %sub3A_1104 = arith.subi %max3A_1101, %sub3A_1103 : vector<16xi32>
        %gather3A_1105 = tpu.vector_load_idx %arg10[%sub3A_1104] : memref<257xf32, #tpu.memory_space<vmem>>[vector<16xi32>], vector<16xf32>,
        %gather3A_1106 = tpu.vector_load_idx %arg10[%max3A_1101] : memref<257xf32, #tpu.memory_space<vmem>>[vector<16xi32>], vector<16xf32>,
        %gather3A_1107 = tpu.vector_load_idx %arg8[%add3A_992, %sub3A_1104] : memref<128x257xf32, #tpu.memory_space<vmem>>[vector<16xi32>, vector<16xi32>], vector<16xf32>,
        %gather3A_1108 = tpu.vector_load_idx %arg8[%add3A_992, %max3A_1101] : memref<128x257xf32, #tpu.memory_space<vmem>>[vector<16xi32>, vector<16xi32>], vector<16xf32>,
        %get3A_1109 = arith.constant 48 : index
        %get3A_1110 = tpu.vector_load %arg6[%get3A_1109] {strides = array<i32>} : memref<144xf32, #tpu.memory_space<vmem>>, vector<16xf32>,
        %sub3A_1111 = arith.subf %gather3A_1106, %gather3A_1105 : vector<16xf32>
        %sub3A_1112 = arith.subf %get3A_1110, %gather3A_1105 : vector<16xf32>
        %div3A_1113 = arith.divf %sub3A_1112, %sub3A_1111 : vector<16xf32>
        %eq3A_1114 = arith.constant 0.000000e+00 : f32
        %eq3A_1115 = vector.broadcast %eq3A_1114 : f32 to vector<16xf32>
        %eq3A_1116 = arith.cmpf oeq, %sub3A_1111, %eq3A_1115 : vector<16xf32>
        %gt3A_1117 = arith.constant 0.000000e+00 : f32
        %gt3A_1118 = vector.broadcast %gt3A_1117 : f32 to vector<16xf32>
        %gt3A_1119 = arith.cmpf ogt, %sub3A_1112, %gt3A_1118 : vector<16xf32>
        %jit3A_1120 = arith.constant 1.000000e+00 : f32
        %jit3A_1121 = arith.constant 0.000000e+00 : f32
        %broadcast_in_dim3A_1122 = vector.broadcast %jit3A_1120 : f32 to vector<16xf32>
        %broadcast_in_dim3A_1123 = vector.broadcast %jit3A_1121 : f32 to vector<16xf32>
        %select_n3A_1124 = arith.select %gt3A_1119, %broadcast_in_dim3A_1122, %broadcast_in_dim3A_1123 : vector<16xi1>, vector<16xf32>
        %select_n3A_1125 = arith.select %eq3A_1116, %select_n3A_1124, %div3A_1113 : vector<16xi1>, vector<16xf32>
        %jit3A_1126 = arith.constant 0.000000e+00 : f32
        %jit3A_1127 = arith.constant 1.000000e+00 : f32
        %max3A_1128 = vector.broadcast %jit3A_1126 : f32 to vector<16xf32>
        %max3A_1129 = arith.maximumf %max3A_1128, %select_n3A_1125 : vector<16xf32>
        %min3A_1130 = vector.broadcast %jit3A_1127 : f32 to vector<16xf32>
        %min3A_1131 = arith.minimumf %min3A_1130, %max3A_1129 : vector<16xf32>
        %sub3A_1132 = arith.subf %gather3A_1108, %gather3A_1107 : vector<16xf32>
        %mul3A_1133 = arith.mulf %min3A_1131, %sub3A_1132 : vector<16xf32>
        %add3A_1134 = arith.addf %gather3A_1107, %mul3A_1133 : vector<16xf32>
        %swap3A_1135 = arith.index_cast %mul3A_26 : i32 to index
        %swap3A_1136 = arith.constant 48 : index
        %swap3A_1137 = tpu.vector_load %arg9[%swap3A_1135, %swap3A_1136] {strides = array<i32>} : memref<128x144xf32, #tpu.memory_space<vmem>>, vector<16xf32>,
        tpu.vector_store %arg9[%swap3A_1135, %swap3A_1136], %add3A_1134 {strides = array<i32>} : memref<128x144xf32, #tpu.memory_space<vmem>>, vector<16xf32>,
        %max3A_1138 = arith.maxsi %masked_cummax3A_919, %max3A_984 : vector<16xi32>
        %sub3A_1139 = arith.constant 1 : i32
        %sub3A_1140 = vector.broadcast %sub3A_1139 : i32 to vector<16xi32>
        %sub3A_1141 = arith.subi %max3A_1138, %sub3A_1140 : vector<16xi32>
        %gather3A_1142 = tpu.vector_load_idx %arg10[%sub3A_1141] : memref<257xf32, #tpu.memory_space<vmem>>[vector<16xi32>], vector<16xf32>,
        %gather3A_1143 = tpu.vector_load_idx %arg10[%max3A_1138] : memref<257xf32, #tpu.memory_space<vmem>>[vector<16xi32>], vector<16xf32>,
        %gather3A_1144 = tpu.vector_load_idx %arg8[%add3A_992, %sub3A_1141] : memref<128x257xf32, #tpu.memory_space<vmem>>[vector<16xi32>, vector<16xi32>], vector<16xf32>,
        %gather3A_1145 = tpu.vector_load_idx %arg8[%add3A_992, %max3A_1138] : memref<128x257xf32, #tpu.memory_space<vmem>>[vector<16xi32>, vector<16xi32>], vector<16xf32>,
        %get3A_1146 = arith.constant 64 : index
        %get3A_1147 = tpu.vector_load %arg6[%get3A_1146] {strides = array<i32>} : memref<144xf32, #tpu.memory_space<vmem>>, vector<16xf32>,
        %sub3A_1148 = arith.subf %gather3A_1143, %gather3A_1142 : vector<16xf32>
        %sub3A_1149 = arith.subf %get3A_1147, %gather3A_1142 : vector<16xf32>
        %div3A_1150 = arith.divf %sub3A_1149, %sub3A_1148 : vector<16xf32>
        %eq3A_1151 = arith.constant 0.000000e+00 : f32
        %eq3A_1152 = vector.broadcast %eq3A_1151 : f32 to vector<16xf32>
        %eq3A_1153 = arith.cmpf oeq, %sub3A_1148, %eq3A_1152 : vector<16xf32>
        %gt3A_1154 = arith.constant 0.000000e+00 : f32
        %gt3A_1155 = vector.broadcast %gt3A_1154 : f32 to vector<16xf32>
        %gt3A_1156 = arith.cmpf ogt, %sub3A_1149, %gt3A_1155 : vector<16xf32>
        %jit3A_1157 = arith.constant 1.000000e+00 : f32
        %jit3A_1158 = arith.constant 0.000000e+00 : f32
        %broadcast_in_dim3A_1159 = vector.broadcast %jit3A_1157 : f32 to vector<16xf32>
        %broadcast_in_dim3A_1160 = vector.broadcast %jit3A_1158 : f32 to vector<16xf32>
        %select_n3A_1161 = arith.select %gt3A_1156, %broadcast_in_dim3A_1159, %broadcast_in_dim3A_1160 : vector<16xi1>, vector<16xf32>
        %select_n3A_1162 = arith.select %eq3A_1153, %select_n3A_1161, %div3A_1150 : vector<16xi1>, vector<16xf32>
        %jit3A_1163 = arith.constant 0.000000e+00 : f32
        %jit3A_1164 = arith.constant 1.000000e+00 : f32
        %max3A_1165 = vector.broadcast %jit3A_1163 : f32 to vector<16xf32>
        %max3A_1166 = arith.maximumf %max3A_1165, %select_n3A_1162 : vector<16xf32>
        %min3A_1167 = vector.broadcast %jit3A_1164 : f32 to vector<16xf32>
        %min3A_1168 = arith.minimumf %min3A_1167, %max3A_1166 : vector<16xf32>
        %sub3A_1169 = arith.subf %gather3A_1145, %gather3A_1144 : vector<16xf32>
        %mul3A_1170 = arith.mulf %min3A_1168, %sub3A_1169 : vector<16xf32>
        %add3A_1171 = arith.addf %gather3A_1144, %mul3A_1170 : vector<16xf32>
        %swap3A_1172 = arith.index_cast %mul3A_26 : i32 to index
        %swap3A_1173 = arith.constant 64 : index
        %swap3A_1174 = tpu.vector_load %arg9[%swap3A_1172, %swap3A_1173] {strides = array<i32>} : memref<128x144xf32, #tpu.memory_space<vmem>>, vector<16xf32>,
        tpu.vector_store %arg9[%swap3A_1172, %swap3A_1173], %add3A_1171 {strides = array<i32>} : memref<128x144xf32, #tpu.memory_space<vmem>>, vector<16xf32>,
        %max3A_1175 = arith.maxsi %masked_cummax3A_928, %max3A_985 : vector<16xi32>
        %sub3A_1176 = arith.constant 1 : i32
        %sub3A_1177 = vector.broadcast %sub3A_1176 : i32 to vector<16xi32>
        %sub3A_1178 = arith.subi %max3A_1175, %sub3A_1177 : vector<16xi32>
        %gather3A_1179 = tpu.vector_load_idx %arg10[%sub3A_1178] : memref<257xf32, #tpu.memory_space<vmem>>[vector<16xi32>], vector<16xf32>,
        %gather3A_1180 = tpu.vector_load_idx %arg10[%max3A_1175] : memref<257xf32, #tpu.memory_space<vmem>>[vector<16xi32>], vector<16xf32>,
        %gather3A_1181 = tpu.vector_load_idx %arg8[%add3A_992, %sub3A_1178] : memref<128x257xf32, #tpu.memory_space<vmem>>[vector<16xi32>, vector<16xi32>], vector<16xf32>,
        %gather3A_1182 = tpu.vector_load_idx %arg8[%add3A_992, %max3A_1175] : memref<128x257xf32, #tpu.memory_space<vmem>>[vector<16xi32>, vector<16xi32>], vector<16xf32>,
        %get3A_1183 = arith.constant 80 : index
        %get3A_1184 = tpu.vector_load %arg6[%get3A_1183] {strides = array<i32>} : memref<144xf32, #tpu.memory_space<vmem>>, vector<16xf32>,
        %sub3A_1185 = arith.subf %gather3A_1180, %gather3A_1179 : vector<16xf32>
        %sub3A_1186 = arith.subf %get3A_1184, %gather3A_1179 : vector<16xf32>
        %div3A_1187 = arith.divf %sub3A_1186, %sub3A_1185 : vector<16xf32>
        %eq3A_1188 = arith.constant 0.000000e+00 : f32
        %eq3A_1189 = vector.broadcast %eq3A_1188 : f32 to vector<16xf32>
        %eq3A_1190 = arith.cmpf oeq, %sub3A_1185, %eq3A_1189 : vector<16xf32>
        %gt3A_1191 = arith.constant 0.000000e+00 : f32
        %gt3A_1192 = vector.broadcast %gt3A_1191 : f32 to vector<16xf32>
        %gt3A_1193 = arith.cmpf ogt, %sub3A_1186, %gt3A_1192 : vector<16xf32>
        %jit3A_1194 = arith.constant 1.000000e+00 : f32
        %jit3A_1195 = arith.constant 0.000000e+00 : f32
        %broadcast_in_dim3A_1196 = vector.broadcast %jit3A_1194 : f32 to vector<16xf32>
        %broadcast_in_dim3A_1197 = vector.broadcast %jit3A_1195 : f32 to vector<16xf32>
        %select_n3A_1198 = arith.select %gt3A_1193, %broadcast_in_dim3A_1196, %broadcast_in_dim3A_1197 : vector<16xi1>, vector<16xf32>
        %select_n3A_1199 = arith.select %eq3A_1190, %select_n3A_1198, %div3A_1187 : vector<16xi1>, vector<16xf32>
        %jit3A_1200 = arith.constant 0.000000e+00 : f32
        %jit3A_1201 = arith.constant 1.000000e+00 : f32
        %max3A_1202 = vector.broadcast %jit3A_1200 : f32 to vector<16xf32>
        %max3A_1203 = arith.maximumf %max3A_1202, %select_n3A_1199 : vector<16xf32>
        %min3A_1204 = vector.broadcast %jit3A_1201 : f32 to vector<16xf32>
        %min3A_1205 = arith.minimumf %min3A_1204, %max3A_1203 : vector<16xf32>
        %sub3A_1206 = arith.subf %gather3A_1182, %gather3A_1181 : vector<16xf32>
        %mul3A_1207 = arith.mulf %min3A_1205, %sub3A_1206 : vector<16xf32>
        %add3A_1208 = arith.addf %gather3A_1181, %mul3A_1207 : vector<16xf32>
        %swap3A_1209 = arith.index_cast %mul3A_26 : i32 to index
        %swap3A_1210 = arith.constant 80 : index
        %swap3A_1211 = tpu.vector_load %arg9[%swap3A_1209, %swap3A_1210] {strides = array<i32>} : memref<128x144xf32, #tpu.memory_space<vmem>>, vector<16xf32>,
        tpu.vector_store %arg9[%swap3A_1209, %swap3A_1210], %add3A_1208 {strides = array<i32>} : memref<128x144xf32, #tpu.memory_space<vmem>>, vector<16xf32>,
        %max3A_1212 = arith.maxsi %masked_cummax3A_937, %max3A_986 : vector<16xi32>
        %sub3A_1213 = arith.constant 1 : i32
        %sub3A_1214 = vector.broadcast %sub3A_1213 : i32 to vector<16xi32>
        %sub3A_1215 = arith.subi %max3A_1212, %sub3A_1214 : vector<16xi32>
        %gather3A_1216 = tpu.vector_load_idx %arg10[%sub3A_1215] : memref<257xf32, #tpu.memory_space<vmem>>[vector<16xi32>], vector<16xf32>,
        %gather3A_1217 = tpu.vector_load_idx %arg10[%max3A_1212] : memref<257xf32, #tpu.memory_space<vmem>>[vector<16xi32>], vector<16xf32>,
        %gather3A_1218 = tpu.vector_load_idx %arg8[%add3A_992, %sub3A_1215] : memref<128x257xf32, #tpu.memory_space<vmem>>[vector<16xi32>, vector<16xi32>], vector<16xf32>,
        %gather3A_1219 = tpu.vector_load_idx %arg8[%add3A_992, %max3A_1212] : memref<128x257xf32, #tpu.memory_space<vmem>>[vector<16xi32>, vector<16xi32>], vector<16xf32>,
        %get3A_1220 = arith.constant 96 : index
        %get3A_1221 = tpu.vector_load %arg6[%get3A_1220] {strides = array<i32>} : memref<144xf32, #tpu.memory_space<vmem>>, vector<16xf32>,
        %sub3A_1222 = arith.subf %gather3A_1217, %gather3A_1216 : vector<16xf32>
        %sub3A_1223 = arith.subf %get3A_1221, %gather3A_1216 : vector<16xf32>
        %div3A_1224 = arith.divf %sub3A_1223, %sub3A_1222 : vector<16xf32>
        %eq3A_1225 = arith.constant 0.000000e+00 : f32
        %eq3A_1226 = vector.broadcast %eq3A_1225 : f32 to vector<16xf32>
        %eq3A_1227 = arith.cmpf oeq, %sub3A_1222, %eq3A_1226 : vector<16xf32>
        %gt3A_1228 = arith.constant 0.000000e+00 : f32
        %gt3A_1229 = vector.broadcast %gt3A_1228 : f32 to vector<16xf32>
        %gt3A_1230 = arith.cmpf ogt, %sub3A_1223, %gt3A_1229 : vector<16xf32>
        %jit3A_1231 = arith.constant 1.000000e+00 : f32
        %jit3A_1232 = arith.constant 0.000000e+00 : f32
        %broadcast_in_dim3A_1233 = vector.broadcast %jit3A_1231 : f32 to vector<16xf32>
        %broadcast_in_dim3A_1234 = vector.broadcast %jit3A_1232 : f32 to vector<16xf32>
        %select_n3A_1235 = arith.select %gt3A_1230, %broadcast_in_dim3A_1233, %broadcast_in_dim3A_1234 : vector<16xi1>, vector<16xf32>
        %select_n3A_1236 = arith.select %eq3A_1227, %select_n3A_1235, %div3A_1224 : vector<16xi1>, vector<16xf32>
        %jit3A_1237 = arith.constant 0.000000e+00 : f32
        %jit3A_1238 = arith.constant 1.000000e+00 : f32
        %max3A_1239 = vector.broadcast %jit3A_1237 : f32 to vector<16xf32>
        %max3A_1240 = arith.maximumf %max3A_1239, %select_n3A_1236 : vector<16xf32>
        %min3A_1241 = vector.broadcast %jit3A_1238 : f32 to vector<16xf32>
        %min3A_1242 = arith.minimumf %min3A_1241, %max3A_1240 : vector<16xf32>
        %sub3A_1243 = arith.subf %gather3A_1219, %gather3A_1218 : vector<16xf32>
        %mul3A_1244 = arith.mulf %min3A_1242, %sub3A_1243 : vector<16xf32>
        %add3A_1245 = arith.addf %gather3A_1218, %mul3A_1244 : vector<16xf32>
        %swap3A_1246 = arith.index_cast %mul3A_26 : i32 to index
        %swap3A_1247 = arith.constant 96 : index
        %swap3A_1248 = tpu.vector_load %arg9[%swap3A_1246, %swap3A_1247] {strides = array<i32>} : memref<128x144xf32, #tpu.memory_space<vmem>>, vector<16xf32>,
        tpu.vector_store %arg9[%swap3A_1246, %swap3A_1247], %add3A_1245 {strides = array<i32>} : memref<128x144xf32, #tpu.memory_space<vmem>>, vector<16xf32>,
        %max3A_1249 = arith.maxsi %masked_cummax3A_946, %max3A_987 : vector<16xi32>
        %sub3A_1250 = arith.constant 1 : i32
        %sub3A_1251 = vector.broadcast %sub3A_1250 : i32 to vector<16xi32>
        %sub3A_1252 = arith.subi %max3A_1249, %sub3A_1251 : vector<16xi32>
        %gather3A_1253 = tpu.vector_load_idx %arg10[%sub3A_1252] : memref<257xf32, #tpu.memory_space<vmem>>[vector<16xi32>], vector<16xf32>,
        %gather3A_1254 = tpu.vector_load_idx %arg10[%max3A_1249] : memref<257xf32, #tpu.memory_space<vmem>>[vector<16xi32>], vector<16xf32>,
        %gather3A_1255 = tpu.vector_load_idx %arg8[%add3A_992, %sub3A_1252] : memref<128x257xf32, #tpu.memory_space<vmem>>[vector<16xi32>, vector<16xi32>], vector<16xf32>,
        %gather3A_1256 = tpu.vector_load_idx %arg8[%add3A_992, %max3A_1249] : memref<128x257xf32, #tpu.memory_space<vmem>>[vector<16xi32>, vector<16xi32>], vector<16xf32>,
        %get3A_1257 = arith.constant 112 : index
        %get3A_1258 = tpu.vector_load %arg6[%get3A_1257] {strides = array<i32>} : memref<144xf32, #tpu.memory_space<vmem>>, vector<16xf32>,
        %sub3A_1259 = arith.subf %gather3A_1254, %gather3A_1253 : vector<16xf32>
        %sub3A_1260 = arith.subf %get3A_1258, %gather3A_1253 : vector<16xf32>
        %div3A_1261 = arith.divf %sub3A_1260, %sub3A_1259 : vector<16xf32>
        %eq3A_1262 = arith.constant 0.000000e+00 : f32
        %eq3A_1263 = vector.broadcast %eq3A_1262 : f32 to vector<16xf32>
        %eq3A_1264 = arith.cmpf oeq, %sub3A_1259, %eq3A_1263 : vector<16xf32>
        %gt3A_1265 = arith.constant 0.000000e+00 : f32
        %gt3A_1266 = vector.broadcast %gt3A_1265 : f32 to vector<16xf32>
        %gt3A_1267 = arith.cmpf ogt, %sub3A_1260, %gt3A_1266 : vector<16xf32>
        %jit3A_1268 = arith.constant 1.000000e+00 : f32
        %jit3A_1269 = arith.constant 0.000000e+00 : f32
        %broadcast_in_dim3A_1270 = vector.broadcast %jit3A_1268 : f32 to vector<16xf32>
        %broadcast_in_dim3A_1271 = vector.broadcast %jit3A_1269 : f32 to vector<16xf32>
        %select_n3A_1272 = arith.select %gt3A_1267, %broadcast_in_dim3A_1270, %broadcast_in_dim3A_1271 : vector<16xi1>, vector<16xf32>
        %select_n3A_1273 = arith.select %eq3A_1264, %select_n3A_1272, %div3A_1261 : vector<16xi1>, vector<16xf32>
        %jit3A_1274 = arith.constant 0.000000e+00 : f32
        %jit3A_1275 = arith.constant 1.000000e+00 : f32
        %max3A_1276 = vector.broadcast %jit3A_1274 : f32 to vector<16xf32>
        %max3A_1277 = arith.maximumf %max3A_1276, %select_n3A_1273 : vector<16xf32>
        %min3A_1278 = vector.broadcast %jit3A_1275 : f32 to vector<16xf32>
        %min3A_1279 = arith.minimumf %min3A_1278, %max3A_1277 : vector<16xf32>
        %sub3A_1280 = arith.subf %gather3A_1256, %gather3A_1255 : vector<16xf32>
        %mul3A_1281 = arith.mulf %min3A_1279, %sub3A_1280 : vector<16xf32>
        %add3A_1282 = arith.addf %gather3A_1255, %mul3A_1281 : vector<16xf32>
        %swap3A_1283 = arith.index_cast %mul3A_26 : i32 to index
        %swap3A_1284 = arith.constant 112 : index
        %swap3A_1285 = tpu.vector_load %arg9[%swap3A_1283, %swap3A_1284] {strides = array<i32>} : memref<128x144xf32, #tpu.memory_space<vmem>>, vector<16xf32>,
        tpu.vector_store %arg9[%swap3A_1283, %swap3A_1284], %add3A_1282 {strides = array<i32>} : memref<128x144xf32, #tpu.memory_space<vmem>>, vector<16xf32>,
        %max3A_1286 = arith.maxsi %masked_cummax3A_955, %max3A_988 : vector<16xi32>
        %sub3A_1287 = arith.constant 1 : i32
        %sub3A_1288 = vector.broadcast %sub3A_1287 : i32 to vector<16xi32>
        %sub3A_1289 = arith.subi %max3A_1286, %sub3A_1288 : vector<16xi32>
        %gather3A_1290 = tpu.vector_load_idx %arg10[%sub3A_1289] : memref<257xf32, #tpu.memory_space<vmem>>[vector<16xi32>], vector<16xf32>,
        %gather3A_1291 = tpu.vector_load_idx %arg10[%max3A_1286] : memref<257xf32, #tpu.memory_space<vmem>>[vector<16xi32>], vector<16xf32>,
        %gather3A_1292 = tpu.vector_load_idx %arg8[%add3A_992, %sub3A_1289] : memref<128x257xf32, #tpu.memory_space<vmem>>[vector<16xi32>, vector<16xi32>], vector<16xf32>,
        %gather3A_1293 = tpu.vector_load_idx %arg8[%add3A_992, %max3A_1286] : memref<128x257xf32, #tpu.memory_space<vmem>>[vector<16xi32>, vector<16xi32>], vector<16xf32>,
        %get3A_1294 = arith.constant 128 : index
        %get3A_1295 = tpu.vector_load %arg6[%get3A_1294] {strides = array<i32>} : memref<144xf32, #tpu.memory_space<vmem>>, vector<16xf32>,
        %sub3A_1296 = arith.subf %gather3A_1291, %gather3A_1290 : vector<16xf32>
        %sub3A_1297 = arith.subf %get3A_1295, %gather3A_1290 : vector<16xf32>
        %div3A_1298 = arith.divf %sub3A_1297, %sub3A_1296 : vector<16xf32>
        %eq3A_1299 = arith.constant 0.000000e+00 : f32
        %eq3A_1300 = vector.broadcast %eq3A_1299 : f32 to vector<16xf32>
        %eq3A_1301 = arith.cmpf oeq, %sub3A_1296, %eq3A_1300 : vector<16xf32>
        %gt3A_1302 = arith.constant 0.000000e+00 : f32
        %gt3A_1303 = vector.broadcast %gt3A_1302 : f32 to vector<16xf32>
        %gt3A_1304 = arith.cmpf ogt, %sub3A_1297, %gt3A_1303 : vector<16xf32>
        %jit3A_1305 = arith.constant 1.000000e+00 : f32
        %jit3A_1306 = arith.constant 0.000000e+00 : f32
        %broadcast_in_dim3A_1307 = vector.broadcast %jit3A_1305 : f32 to vector<16xf32>
        %broadcast_in_dim3A_1308 = vector.broadcast %jit3A_1306 : f32 to vector<16xf32>
        %select_n3A_1309 = arith.select %gt3A_1304, %broadcast_in_dim3A_1307, %broadcast_in_dim3A_1308 : vector<16xi1>, vector<16xf32>
        %select_n3A_1310 = arith.select %eq3A_1301, %select_n3A_1309, %div3A_1298 : vector<16xi1>, vector<16xf32>
        %jit3A_1311 = arith.constant 0.000000e+00 : f32
        %jit3A_1312 = arith.constant 1.000000e+00 : f32
        %max3A_1313 = vector.broadcast %jit3A_1311 : f32 to vector<16xf32>
        %max3A_1314 = arith.maximumf %max3A_1313, %select_n3A_1310 : vector<16xf32>
        %min3A_1315 = vector.broadcast %jit3A_1312 : f32 to vector<16xf32>
        %min3A_1316 = arith.minimumf %min3A_1315, %max3A_1314 : vector<16xf32>
        %sub3A_1317 = arith.subf %gather3A_1293, %gather3A_1292 : vector<16xf32>
        %mul3A_1318 = arith.mulf %min3A_1316, %sub3A_1317 : vector<16xf32>
        %add3A_1319 = arith.addf %gather3A_1292, %mul3A_1318 : vector<16xf32>
        %swap3A_1320 = arith.index_cast %mul3A_26 : i32 to index
        %swap3A_1321 = arith.constant 128 : index
        %swap3A_1322 = tpu.vector_load %arg9[%swap3A_1320, %swap3A_1321] {strides = array<i32>} : memref<128x144xf32, #tpu.memory_space<vmem>>, vector<16xf32>,
        tpu.vector_store %arg9[%swap3A_1320, %swap3A_1321], %add3A_1319 {strides = array<i32>} : memref<128x144xf32, #tpu.memory_space<vmem>>, vector<16xf32>,
        %mul3A_1323 = arith.constant 2 : i32
        %mul3A_1324 = arith.muli %mul3A_1323, %scan3A_23 : i32
        %add3A_1325 = arith.constant 1 : i32
        %add3A_1326 = arith.addi %mul3A_1324, %add3A_1325 : i32
        %broadcast_in_dim3A_1327 = arith.constant 0 : i32
        %broadcast_in_dim3A_1328 = vector.broadcast %broadcast_in_dim3A_1327 : i32 to vector<16xi32>
        %broadcast_in_dim3A_1329 = arith.constant 0.000000e+00 : f32
        %broadcast_in_dim3A_1330 = vector.broadcast %broadcast_in_dim3A_1329 : f32 to vector<16xf32>
        %swap3A_1331 = arith.constant 0 : index
        %swap3A_1332 = tpu.vector_load %arg13[%swap3A_1331] {strides = array<i32>} : memref<257xf32, #tpu.memory_space<vmem>>, vector<16xf32>,
        tpu.vector_store %arg13[%swap3A_1331], %broadcast_in_dim3A_1330 {strides = array<i32>} : memref<257xf32, #tpu.memory_space<vmem>>, vector<16xf32>,
        %swap3A_1333 = arith.constant 0 : index
        %swap3A_1334 = tpu.vector_load %arg15[%swap3A_1333] {strides = array<i32>} : memref<264xi32, #tpu.memory_space<vmem>>, vector<16xi32>,
        tpu.vector_store %arg15[%swap3A_1333], %broadcast_in_dim3A_1328 {strides = array<i32>} : memref<264xi32, #tpu.memory_space<vmem>>, vector<16xi32>,
        %get3A_1335 = arith.index_cast %add3A_1326 : i32 to index
        %get3A_1336 = arith.constant 0 : index
        %get3A_1337 = tpu.vector_load %arg7[%get3A_1335, %get3A_1336] {strides = array<i32>} : memref<128x256xf32, #tpu.memory_space<vmem>>, vector<16xf32>,
        %add3A_1338 = arith.constant 0.00999999977 : f32
        %add3A_1339 = vector.broadcast %add3A_1338 : f32 to vector<16xf32>
        %add3A_1340 = arith.addf %get3A_1337, %add3A_1339 : vector<16xf32>
        %broadcast_in_dim3A_1341 = arith.constant true
        %broadcast_in_dim3A_1342 = vector.broadcast %broadcast_in_dim3A_1341 : i1 to vector<16xi1>
        %masked_cumsum3A_1343 = tpu.scan <sum>, %add3A_1340 masked %broadcast_in_dim3A_1342 : vector<16xf32>, vector<16xi1> -> vector<16xf32>
        %get3A_1344 = arith.index_cast %add3A_1326 : i32 to index
        %get3A_1345 = arith.constant 16 : index
        %get3A_1346 = tpu.vector_load %arg7[%get3A_1344, %get3A_1345] {strides = array<i32>} : memref<128x256xf32, #tpu.memory_space<vmem>>, vector<16xf32>,
        %add3A_1347 = arith.constant 0.00999999977 : f32
        %add3A_1348 = vector.broadcast %add3A_1347 : f32 to vector<16xf32>
        %add3A_1349 = arith.addf %get3A_1346, %add3A_1348 : vector<16xf32>
        %broadcast_in_dim3A_1350 = arith.constant true
        %broadcast_in_dim3A_1351 = vector.broadcast %broadcast_in_dim3A_1350 : i1 to vector<16xi1>
        %masked_cumsum3A_1352 = tpu.scan <sum>, %add3A_1349 masked %broadcast_in_dim3A_1351 : vector<16xf32>, vector<16xi1> -> vector<16xf32>
        %get3A_1353 = arith.index_cast %add3A_1326 : i32 to index
        %get3A_1354 = arith.constant 32 : index
        %get3A_1355 = tpu.vector_load %arg7[%get3A_1353, %get3A_1354] {strides = array<i32>} : memref<128x256xf32, #tpu.memory_space<vmem>>, vector<16xf32>,
        %add3A_1356 = arith.constant 0.00999999977 : f32
        %add3A_1357 = vector.broadcast %add3A_1356 : f32 to vector<16xf32>
        %add3A_1358 = arith.addf %get3A_1355, %add3A_1357 : vector<16xf32>
        %broadcast_in_dim3A_1359 = arith.constant true
        %broadcast_in_dim3A_1360 = vector.broadcast %broadcast_in_dim3A_1359 : i1 to vector<16xi1>
        %masked_cumsum3A_1361 = tpu.scan <sum>, %add3A_1358 masked %broadcast_in_dim3A_1360 : vector<16xf32>, vector<16xi1> -> vector<16xf32>
        %get3A_1362 = arith.index_cast %add3A_1326 : i32 to index
        %get3A_1363 = arith.constant 48 : index
        %get3A_1364 = tpu.vector_load %arg7[%get3A_1362, %get3A_1363] {strides = array<i32>} : memref<128x256xf32, #tpu.memory_space<vmem>>, vector<16xf32>,
        %add3A_1365 = arith.constant 0.00999999977 : f32
        %add3A_1366 = vector.broadcast %add3A_1365 : f32 to vector<16xf32>
        %add3A_1367 = arith.addf %get3A_1364, %add3A_1366 : vector<16xf32>
        %broadcast_in_dim3A_1368 = arith.constant true
        %broadcast_in_dim3A_1369 = vector.broadcast %broadcast_in_dim3A_1368 : i1 to vector<16xi1>
        %masked_cumsum3A_1370 = tpu.scan <sum>, %add3A_1367 masked %broadcast_in_dim3A_1369 : vector<16xf32>, vector<16xi1> -> vector<16xf32>
        %get3A_1371 = arith.index_cast %add3A_1326 : i32 to index
        %get3A_1372 = arith.constant 64 : index
        %get3A_1373 = tpu.vector_load %arg7[%get3A_1371, %get3A_1372] {strides = array<i32>} : memref<128x256xf32, #tpu.memory_space<vmem>>, vector<16xf32>,
        %add3A_1374 = arith.constant 0.00999999977 : f32
        %add3A_1375 = vector.broadcast %add3A_1374 : f32 to vector<16xf32>
        %add3A_1376 = arith.addf %get3A_1373, %add3A_1375 : vector<16xf32>
        %broadcast_in_dim3A_1377 = arith.constant true
        %broadcast_in_dim3A_1378 = vector.broadcast %broadcast_in_dim3A_1377 : i1 to vector<16xi1>
        %masked_cumsum3A_1379 = tpu.scan <sum>, %add3A_1376 masked %broadcast_in_dim3A_1378 : vector<16xf32>, vector<16xi1> -> vector<16xf32>
        %get3A_1380 = arith.index_cast %add3A_1326 : i32 to index
        %get3A_1381 = arith.constant 80 : index
        %get3A_1382 = tpu.vector_load %arg7[%get3A_1380, %get3A_1381] {strides = array<i32>} : memref<128x256xf32, #tpu.memory_space<vmem>>, vector<16xf32>,
        %add3A_1383 = arith.constant 0.00999999977 : f32
        %add3A_1384 = vector.broadcast %add3A_1383 : f32 to vector<16xf32>
        %add3A_1385 = arith.addf %get3A_1382, %add3A_1384 : vector<16xf32>
        %broadcast_in_dim3A_1386 = arith.constant true
        %broadcast_in_dim3A_1387 = vector.broadcast %broadcast_in_dim3A_1386 : i1 to vector<16xi1>
        %masked_cumsum3A_1388 = tpu.scan <sum>, %add3A_1385 masked %broadcast_in_dim3A_1387 : vector<16xf32>, vector<16xi1> -> vector<16xf32>
        %get3A_1389 = arith.index_cast %add3A_1326 : i32 to index
        %get3A_1390 = arith.constant 96 : index
        %get3A_1391 = tpu.vector_load %arg7[%get3A_1389, %get3A_1390] {strides = array<i32>} : memref<128x256xf32, #tpu.memory_space<vmem>>, vector<16xf32>,
        %add3A_1392 = arith.constant 0.00999999977 : f32
        %add3A_1393 = vector.broadcast %add3A_1392 : f32 to vector<16xf32>
        %add3A_1394 = arith.addf %get3A_1391, %add3A_1393 : vector<16xf32>
        %broadcast_in_dim3A_1395 = arith.constant true
        %broadcast_in_dim3A_1396 = vector.broadcast %broadcast_in_dim3A_1395 : i1 to vector<16xi1>
        %masked_cumsum3A_1397 = tpu.scan <sum>, %add3A_1394 masked %broadcast_in_dim3A_1396 : vector<16xf32>, vector<16xi1> -> vector<16xf32>
        %get3A_1398 = arith.index_cast %add3A_1326 : i32 to index
        %get3A_1399 = arith.constant 112 : index
        %get3A_1400 = tpu.vector_load %arg7[%get3A_1398, %get3A_1399] {strides = array<i32>} : memref<128x256xf32, #tpu.memory_space<vmem>>, vector<16xf32>,
        %add3A_1401 = arith.constant 0.00999999977 : f32
        %add3A_1402 = vector.broadcast %add3A_1401 : f32 to vector<16xf32>
        %add3A_1403 = arith.addf %get3A_1400, %add3A_1402 : vector<16xf32>
        %broadcast_in_dim3A_1404 = arith.constant true
        %broadcast_in_dim3A_1405 = vector.broadcast %broadcast_in_dim3A_1404 : i1 to vector<16xi1>
        %masked_cumsum3A_1406 = tpu.scan <sum>, %add3A_1403 masked %broadcast_in_dim3A_1405 : vector<16xf32>, vector<16xi1> -> vector<16xf32>
        %broadcast_in_dim3A_1407 = vector.shape_cast %broadcast_in_dim3A_1 : vector<16xi32> to vector<16x1xi32>
        %gather3A_1408 = vector.shape_cast %broadcast_in_dim3A_1407 : vector<16x1xi32> to vector<16xi32>
        %gather3A_1409 = tpu.dynamic_gather %masked_cumsum3A_1343[%gather3A_1408] in [0] : vector<16xf32>, vector<16xi32> -> vector<16xf32>
        %broadcast_in_dim3A_1410 = vector.shape_cast %broadcast_in_dim3A_1 : vector<16xi32> to vector<16x1xi32>
        %gather3A_1411 = vector.shape_cast %broadcast_in_dim3A_1410 : vector<16x1xi32> to vector<16xi32>
        %gather3A_1412 = tpu.dynamic_gather %masked_cumsum3A_1352[%gather3A_1411] in [0] : vector<16xf32>, vector<16xi32> -> vector<16xf32>
        %broadcast_in_dim3A_1413 = vector.shape_cast %broadcast_in_dim3A_1 : vector<16xi32> to vector<16x1xi32>
        %gather3A_1414 = vector.shape_cast %broadcast_in_dim3A_1413 : vector<16x1xi32> to vector<16xi32>
        %gather3A_1415 = tpu.dynamic_gather %masked_cumsum3A_1361[%gather3A_1414] in [0] : vector<16xf32>, vector<16xi32> -> vector<16xf32>
        %broadcast_in_dim3A_1416 = vector.shape_cast %broadcast_in_dim3A_1 : vector<16xi32> to vector<16x1xi32>
        %gather3A_1417 = vector.shape_cast %broadcast_in_dim3A_1416 : vector<16x1xi32> to vector<16xi32>
        %gather3A_1418 = tpu.dynamic_gather %masked_cumsum3A_1370[%gather3A_1417] in [0] : vector<16xf32>, vector<16xi32> -> vector<16xf32>
        %broadcast_in_dim3A_1419 = vector.shape_cast %broadcast_in_dim3A_1 : vector<16xi32> to vector<16x1xi32>
        %gather3A_1420 = vector.shape_cast %broadcast_in_dim3A_1419 : vector<16x1xi32> to vector<16xi32>
        %gather3A_1421 = tpu.dynamic_gather %masked_cumsum3A_1379[%gather3A_1420] in [0] : vector<16xf32>, vector<16xi32> -> vector<16xf32>
        %broadcast_in_dim3A_1422 = vector.shape_cast %broadcast_in_dim3A_1 : vector<16xi32> to vector<16x1xi32>
        %gather3A_1423 = vector.shape_cast %broadcast_in_dim3A_1422 : vector<16x1xi32> to vector<16xi32>
        %gather3A_1424 = tpu.dynamic_gather %masked_cumsum3A_1388[%gather3A_1423] in [0] : vector<16xf32>, vector<16xi32> -> vector<16xf32>
        %broadcast_in_dim3A_1425 = vector.shape_cast %broadcast_in_dim3A_1 : vector<16xi32> to vector<16x1xi32>
        %gather3A_1426 = vector.shape_cast %broadcast_in_dim3A_1425 : vector<16x1xi32> to vector<16xi32>
        %gather3A_1427 = tpu.dynamic_gather %masked_cumsum3A_1397[%gather3A_1426] in [0] : vector<16xf32>, vector<16xi32> -> vector<16xf32>
        %broadcast_in_dim3A_1428 = vector.shape_cast %broadcast_in_dim3A_1 : vector<16xi32> to vector<16x1xi32>
        %gather3A_1429 = vector.shape_cast %broadcast_in_dim3A_1428 : vector<16x1xi32> to vector<16xi32>
        %gather3A_1430 = tpu.dynamic_gather %masked_cumsum3A_1406[%gather3A_1429] in [0] : vector<16xf32>, vector<16xi32> -> vector<16xf32>
        %add3A_1431 = arith.addf %broadcast_in_dim3A_1330, %gather3A_1409 : vector<16xf32>
        %add3A_1432 = arith.addf %add3A_1431, %gather3A_1412 : vector<16xf32>
        %add3A_1433 = arith.addf %add3A_1432, %gather3A_1415 : vector<16xf32>
        %add3A_1434 = arith.addf %add3A_1433, %gather3A_1418 : vector<16xf32>
        %add3A_1435 = arith.addf %add3A_1434, %gather3A_1421 : vector<16xf32>
        %add3A_1436 = arith.addf %add3A_1435, %gather3A_1424 : vector<16xf32>
        %add3A_1437 = arith.addf %add3A_1436, %gather3A_1427 : vector<16xf32>
        %add3A_1438 = arith.addf %add3A_1437, %gather3A_1430 : vector<16xf32>
        %add3A_1439 = arith.addf %masked_cumsum3A_1343, %broadcast_in_dim3A_1330 : vector<16xf32>
        %swap3A_1440 = arith.constant 1 : index
        %swap3A_1441 = tpu.vector_load %arg13[%swap3A_1440] {strides = array<i32>} : memref<257xf32, #tpu.memory_space<vmem>>, vector<16xf32>,
        tpu.vector_store %arg13[%swap3A_1440], %add3A_1439 {strides = array<i32>} : memref<257xf32, #tpu.memory_space<vmem>>, vector<16xf32>,
        %add3A_1442 = arith.addf %masked_cumsum3A_1352, %add3A_1431 : vector<16xf32>
        %swap3A_1443 = arith.constant 17 : index
        %swap3A_1444 = tpu.vector_load %arg13[%swap3A_1443] {strides = array<i32>} : memref<257xf32, #tpu.memory_space<vmem>>, vector<16xf32>,
        tpu.vector_store %arg13[%swap3A_1443], %add3A_1442 {strides = array<i32>} : memref<257xf32, #tpu.memory_space<vmem>>, vector<16xf32>,
        %add3A_1445 = arith.addf %masked_cumsum3A_1361, %add3A_1432 : vector<16xf32>
        %swap3A_1446 = arith.constant 33 : index
        %swap3A_1447 = tpu.vector_load %arg13[%swap3A_1446] {strides = array<i32>} : memref<257xf32, #tpu.memory_space<vmem>>, vector<16xf32>,
        tpu.vector_store %arg13[%swap3A_1446], %add3A_1445 {strides = array<i32>} : memref<257xf32, #tpu.memory_space<vmem>>, vector<16xf32>,
        %add3A_1448 = arith.addf %masked_cumsum3A_1370, %add3A_1433 : vector<16xf32>
        %swap3A_1449 = arith.constant 49 : index
        %swap3A_1450 = tpu.vector_load %arg13[%swap3A_1449] {strides = array<i32>} : memref<257xf32, #tpu.memory_space<vmem>>, vector<16xf32>,
        tpu.vector_store %arg13[%swap3A_1449], %add3A_1448 {strides = array<i32>} : memref<257xf32, #tpu.memory_space<vmem>>, vector<16xf32>,
        %add3A_1451 = arith.addf %masked_cumsum3A_1379, %add3A_1434 : vector<16xf32>
        %swap3A_1452 = arith.constant 65 : index
        %swap3A_1453 = tpu.vector_load %arg13[%swap3A_1452] {strides = array<i32>} : memref<257xf32, #tpu.memory_space<vmem>>, vector<16xf32>,
        tpu.vector_store %arg13[%swap3A_1452], %add3A_1451 {strides = array<i32>} : memref<257xf32, #tpu.memory_space<vmem>>, vector<16xf32>,
        %add3A_1454 = arith.addf %masked_cumsum3A_1388, %add3A_1435 : vector<16xf32>
        %swap3A_1455 = arith.constant 81 : index
        %swap3A_1456 = tpu.vector_load %arg13[%swap3A_1455] {strides = array<i32>} : memref<257xf32, #tpu.memory_space<vmem>>, vector<16xf32>,
        tpu.vector_store %arg13[%swap3A_1455], %add3A_1454 {strides = array<i32>} : memref<257xf32, #tpu.memory_space<vmem>>, vector<16xf32>,
        %add3A_1457 = arith.addf %masked_cumsum3A_1397, %add3A_1436 : vector<16xf32>
        %swap3A_1458 = arith.constant 97 : index
        %swap3A_1459 = tpu.vector_load %arg13[%swap3A_1458] {strides = array<i32>} : memref<257xf32, #tpu.memory_space<vmem>>, vector<16xf32>,
        tpu.vector_store %arg13[%swap3A_1458], %add3A_1457 {strides = array<i32>} : memref<257xf32, #tpu.memory_space<vmem>>, vector<16xf32>,
        %add3A_1460 = arith.addf %masked_cumsum3A_1406, %add3A_1437 : vector<16xf32>
        %swap3A_1461 = arith.constant 113 : index
        %swap3A_1462 = tpu.vector_load %arg13[%swap3A_1461] {strides = array<i32>} : memref<257xf32, #tpu.memory_space<vmem>>, vector<16xf32>,
        tpu.vector_store %arg13[%swap3A_1461], %add3A_1460 {strides = array<i32>} : memref<257xf32, #tpu.memory_space<vmem>>, vector<16xf32>,
        %get3A_1463 = arith.index_cast %add3A_1326 : i32 to index
        %get3A_1464 = arith.constant 128 : index
        %get3A_1465 = tpu.vector_load %arg7[%get3A_1463, %get3A_1464] {strides = array<i32>} : memref<128x256xf32, #tpu.memory_space<vmem>>, vector<16xf32>,
        %add3A_1466 = arith.constant 0.00999999977 : f32
        %add3A_1467 = vector.broadcast %add3A_1466 : f32 to vector<16xf32>
        %add3A_1468 = arith.addf %get3A_1465, %add3A_1467 : vector<16xf32>
        %broadcast_in_dim3A_1469 = arith.constant true
        %broadcast_in_dim3A_1470 = vector.broadcast %broadcast_in_dim3A_1469 : i1 to vector<16xi1>
        %masked_cumsum3A_1471 = tpu.scan <sum>, %add3A_1468 masked %broadcast_in_dim3A_1470 : vector<16xf32>, vector<16xi1> -> vector<16xf32>
        %get3A_1472 = arith.index_cast %add3A_1326 : i32 to index
        %get3A_1473 = arith.constant 144 : index
        %get3A_1474 = tpu.vector_load %arg7[%get3A_1472, %get3A_1473] {strides = array<i32>} : memref<128x256xf32, #tpu.memory_space<vmem>>, vector<16xf32>,
        %add3A_1475 = arith.constant 0.00999999977 : f32
        %add3A_1476 = vector.broadcast %add3A_1475 : f32 to vector<16xf32>
        %add3A_1477 = arith.addf %get3A_1474, %add3A_1476 : vector<16xf32>
        %broadcast_in_dim3A_1478 = arith.constant true
        %broadcast_in_dim3A_1479 = vector.broadcast %broadcast_in_dim3A_1478 : i1 to vector<16xi1>
        %masked_cumsum3A_1480 = tpu.scan <sum>, %add3A_1477 masked %broadcast_in_dim3A_1479 : vector<16xf32>, vector<16xi1> -> vector<16xf32>
        %get3A_1481 = arith.index_cast %add3A_1326 : i32 to index
        %get3A_1482 = arith.constant 160 : index
        %get3A_1483 = tpu.vector_load %arg7[%get3A_1481, %get3A_1482] {strides = array<i32>} : memref<128x256xf32, #tpu.memory_space<vmem>>, vector<16xf32>,
        %add3A_1484 = arith.constant 0.00999999977 : f32
        %add3A_1485 = vector.broadcast %add3A_1484 : f32 to vector<16xf32>
        %add3A_1486 = arith.addf %get3A_1483, %add3A_1485 : vector<16xf32>
        %broadcast_in_dim3A_1487 = arith.constant true
        %broadcast_in_dim3A_1488 = vector.broadcast %broadcast_in_dim3A_1487 : i1 to vector<16xi1>
        %masked_cumsum3A_1489 = tpu.scan <sum>, %add3A_1486 masked %broadcast_in_dim3A_1488 : vector<16xf32>, vector<16xi1> -> vector<16xf32>
        %get3A_1490 = arith.index_cast %add3A_1326 : i32 to index
        %get3A_1491 = arith.constant 176 : index
        %get3A_1492 = tpu.vector_load %arg7[%get3A_1490, %get3A_1491] {strides = array<i32>} : memref<128x256xf32, #tpu.memory_space<vmem>>, vector<16xf32>,
        %add3A_1493 = arith.constant 0.00999999977 : f32
        %add3A_1494 = vector.broadcast %add3A_1493 : f32 to vector<16xf32>
        %add3A_1495 = arith.addf %get3A_1492, %add3A_1494 : vector<16xf32>
        %broadcast_in_dim3A_1496 = arith.constant true
        %broadcast_in_dim3A_1497 = vector.broadcast %broadcast_in_dim3A_1496 : i1 to vector<16xi1>
        %masked_cumsum3A_1498 = tpu.scan <sum>, %add3A_1495 masked %broadcast_in_dim3A_1497 : vector<16xf32>, vector<16xi1> -> vector<16xf32>
        %get3A_1499 = arith.index_cast %add3A_1326 : i32 to index
        %get3A_1500 = arith.constant 192 : index
        %get3A_1501 = tpu.vector_load %arg7[%get3A_1499, %get3A_1500] {strides = array<i32>} : memref<128x256xf32, #tpu.memory_space<vmem>>, vector<16xf32>,
        %add3A_1502 = arith.constant 0.00999999977 : f32
        %add3A_1503 = vector.broadcast %add3A_1502 : f32 to vector<16xf32>
        %add3A_1504 = arith.addf %get3A_1501, %add3A_1503 : vector<16xf32>
        %broadcast_in_dim3A_1505 = arith.constant true
        %broadcast_in_dim3A_1506 = vector.broadcast %broadcast_in_dim3A_1505 : i1 to vector<16xi1>
        %masked_cumsum3A_1507 = tpu.scan <sum>, %add3A_1504 masked %broadcast_in_dim3A_1506 : vector<16xf32>, vector<16xi1> -> vector<16xf32>
        %get3A_1508 = arith.index_cast %add3A_1326 : i32 to index
        %get3A_1509 = arith.constant 208 : index
        %get3A_1510 = tpu.vector_load %arg7[%get3A_1508, %get3A_1509] {strides = array<i32>} : memref<128x256xf32, #tpu.memory_space<vmem>>, vector<16xf32>,
        %add3A_1511 = arith.constant 0.00999999977 : f32
        %add3A_1512 = vector.broadcast %add3A_1511 : f32 to vector<16xf32>
        %add3A_1513 = arith.addf %get3A_1510, %add3A_1512 : vector<16xf32>
        %broadcast_in_dim3A_1514 = arith.constant true
        %broadcast_in_dim3A_1515 = vector.broadcast %broadcast_in_dim3A_1514 : i1 to vector<16xi1>
        %masked_cumsum3A_1516 = tpu.scan <sum>, %add3A_1513 masked %broadcast_in_dim3A_1515 : vector<16xf32>, vector<16xi1> -> vector<16xf32>
        %get3A_1517 = arith.index_cast %add3A_1326 : i32 to index
        %get3A_1518 = arith.constant 224 : index
        %get3A_1519 = tpu.vector_load %arg7[%get3A_1517, %get3A_1518] {strides = array<i32>} : memref<128x256xf32, #tpu.memory_space<vmem>>, vector<16xf32>,
        %add3A_1520 = arith.constant 0.00999999977 : f32
        %add3A_1521 = vector.broadcast %add3A_1520 : f32 to vector<16xf32>
        %add3A_1522 = arith.addf %get3A_1519, %add3A_1521 : vector<16xf32>
        %broadcast_in_dim3A_1523 = arith.constant true
        %broadcast_in_dim3A_1524 = vector.broadcast %broadcast_in_dim3A_1523 : i1 to vector<16xi1>
        %masked_cumsum3A_1525 = tpu.scan <sum>, %add3A_1522 masked %broadcast_in_dim3A_1524 : vector<16xf32>, vector<16xi1> -> vector<16xf32>
        %get3A_1526 = arith.index_cast %add3A_1326 : i32 to index
        %get3A_1527 = arith.constant 240 : index
        %get3A_1528 = tpu.vector_load %arg7[%get3A_1526, %get3A_1527] {strides = array<i32>} : memref<128x256xf32, #tpu.memory_space<vmem>>, vector<16xf32>,
        %add3A_1529 = arith.constant 0.00999999977 : f32
        %add3A_1530 = vector.broadcast %add3A_1529 : f32 to vector<16xf32>
        %add3A_1531 = arith.addf %get3A_1528, %add3A_1530 : vector<16xf32>
        %broadcast_in_dim3A_1532 = arith.constant true
        %broadcast_in_dim3A_1533 = vector.broadcast %broadcast_in_dim3A_1532 : i1 to vector<16xi1>
        %masked_cumsum3A_1534 = tpu.scan <sum>, %add3A_1531 masked %broadcast_in_dim3A_1533 : vector<16xf32>, vector<16xi1> -> vector<16xf32>
        %broadcast_in_dim3A_1535 = vector.shape_cast %broadcast_in_dim3A_1 : vector<16xi32> to vector<16x1xi32>
        %gather3A_1536 = vector.shape_cast %broadcast_in_dim3A_1535 : vector<16x1xi32> to vector<16xi32>
        %gather3A_1537 = tpu.dynamic_gather %masked_cumsum3A_1471[%gather3A_1536] in [0] : vector<16xf32>, vector<16xi32> -> vector<16xf32>
        %broadcast_in_dim3A_1538 = vector.shape_cast %broadcast_in_dim3A_1 : vector<16xi32> to vector<16x1xi32>
        %gather3A_1539 = vector.shape_cast %broadcast_in_dim3A_1538 : vector<16x1xi32> to vector<16xi32>
        %gather3A_1540 = tpu.dynamic_gather %masked_cumsum3A_1480[%gather3A_1539] in [0] : vector<16xf32>, vector<16xi32> -> vector<16xf32>
        %broadcast_in_dim3A_1541 = vector.shape_cast %broadcast_in_dim3A_1 : vector<16xi32> to vector<16x1xi32>
        %gather3A_1542 = vector.shape_cast %broadcast_in_dim3A_1541 : vector<16x1xi32> to vector<16xi32>
        %gather3A_1543 = tpu.dynamic_gather %masked_cumsum3A_1489[%gather3A_1542] in [0] : vector<16xf32>, vector<16xi32> -> vector<16xf32>
        %broadcast_in_dim3A_1544 = vector.shape_cast %broadcast_in_dim3A_1 : vector<16xi32> to vector<16x1xi32>
        %gather3A_1545 = vector.shape_cast %broadcast_in_dim3A_1544 : vector<16x1xi32> to vector<16xi32>
        %gather3A_1546 = tpu.dynamic_gather %masked_cumsum3A_1498[%gather3A_1545] in [0] : vector<16xf32>, vector<16xi32> -> vector<16xf32>
        %broadcast_in_dim3A_1547 = vector.shape_cast %broadcast_in_dim3A_1 : vector<16xi32> to vector<16x1xi32>
        %gather3A_1548 = vector.shape_cast %broadcast_in_dim3A_1547 : vector<16x1xi32> to vector<16xi32>
        %gather3A_1549 = tpu.dynamic_gather %masked_cumsum3A_1507[%gather3A_1548] in [0] : vector<16xf32>, vector<16xi32> -> vector<16xf32>
        %broadcast_in_dim3A_1550 = vector.shape_cast %broadcast_in_dim3A_1 : vector<16xi32> to vector<16x1xi32>
        %gather3A_1551 = vector.shape_cast %broadcast_in_dim3A_1550 : vector<16x1xi32> to vector<16xi32>
        %gather3A_1552 = tpu.dynamic_gather %masked_cumsum3A_1516[%gather3A_1551] in [0] : vector<16xf32>, vector<16xi32> -> vector<16xf32>
        %broadcast_in_dim3A_1553 = vector.shape_cast %broadcast_in_dim3A_1 : vector<16xi32> to vector<16x1xi32>
        %gather3A_1554 = vector.shape_cast %broadcast_in_dim3A_1553 : vector<16x1xi32> to vector<16xi32>
        %gather3A_1555 = tpu.dynamic_gather %masked_cumsum3A_1525[%gather3A_1554] in [0] : vector<16xf32>, vector<16xi32> -> vector<16xf32>
        %broadcast_in_dim3A_1556 = vector.shape_cast %broadcast_in_dim3A_1 : vector<16xi32> to vector<16x1xi32>
        %gather3A_1557 = vector.shape_cast %broadcast_in_dim3A_1556 : vector<16x1xi32> to vector<16xi32>
        %gather3A_1558 = tpu.dynamic_gather %masked_cumsum3A_1534[%gather3A_1557] in [0] : vector<16xf32>, vector<16xi32> -> vector<16xf32>
        %add3A_1559 = arith.addf %add3A_1438, %gather3A_1537 : vector<16xf32>
        %add3A_1560 = arith.addf %add3A_1559, %gather3A_1540 : vector<16xf32>
        %add3A_1561 = arith.addf %add3A_1560, %gather3A_1543 : vector<16xf32>
        %add3A_1562 = arith.addf %add3A_1561, %gather3A_1546 : vector<16xf32>
        %add3A_1563 = arith.addf %add3A_1562, %gather3A_1549 : vector<16xf32>
        %add3A_1564 = arith.addf %add3A_1563, %gather3A_1552 : vector<16xf32>
        %add3A_1565 = arith.addf %add3A_1564, %gather3A_1555 : vector<16xf32>
        %add3A_1566 = arith.addf %add3A_1565, %gather3A_1558 : vector<16xf32>
        %add3A_1567 = arith.addf %masked_cumsum3A_1471, %add3A_1438 : vector<16xf32>
        %swap3A_1568 = arith.constant 129 : index
        %swap3A_1569 = tpu.vector_load %arg13[%swap3A_1568] {strides = array<i32>} : memref<257xf32, #tpu.memory_space<vmem>>, vector<16xf32>,
        tpu.vector_store %arg13[%swap3A_1568], %add3A_1567 {strides = array<i32>} : memref<257xf32, #tpu.memory_space<vmem>>, vector<16xf32>,
        %add3A_1570 = arith.addf %masked_cumsum3A_1480, %add3A_1559 : vector<16xf32>
        %swap3A_1571 = arith.constant 145 : index
        %swap3A_1572 = tpu.vector_load %arg13[%swap3A_1571] {strides = array<i32>} : memref<257xf32, #tpu.memory_space<vmem>>, vector<16xf32>,
        tpu.vector_store %arg13[%swap3A_1571], %add3A_1570 {strides = array<i32>} : memref<257xf32, #tpu.memory_space<vmem>>, vector<16xf32>,
        %add3A_1573 = arith.addf %masked_cumsum3A_1489, %add3A_1560 : vector<16xf32>
        %swap3A_1574 = arith.constant 161 : index
        %swap3A_1575 = tpu.vector_load %arg13[%swap3A_1574] {strides = array<i32>} : memref<257xf32, #tpu.memory_space<vmem>>, vector<16xf32>,
        tpu.vector_store %arg13[%swap3A_1574], %add3A_1573 {strides = array<i32>} : memref<257xf32, #tpu.memory_space<vmem>>, vector<16xf32>,
        %add3A_1576 = arith.addf %masked_cumsum3A_1498, %add3A_1561 : vector<16xf32>
        %swap3A_1577 = arith.constant 177 : index
        %swap3A_1578 = tpu.vector_load %arg13[%swap3A_1577] {strides = array<i32>} : memref<257xf32, #tpu.memory_space<vmem>>, vector<16xf32>,
        tpu.vector_store %arg13[%swap3A_1577], %add3A_1576 {strides = array<i32>} : memref<257xf32, #tpu.memory_space<vmem>>, vector<16xf32>,
        %add3A_1579 = arith.addf %masked_cumsum3A_1507, %add3A_1562 : vector<16xf32>
        %swap3A_1580 = arith.constant 193 : index
        %swap3A_1581 = tpu.vector_load %arg13[%swap3A_1580] {strides = array<i32>} : memref<257xf32, #tpu.memory_space<vmem>>, vector<16xf32>,
        tpu.vector_store %arg13[%swap3A_1580], %add3A_1579 {strides = array<i32>} : memref<257xf32, #tpu.memory_space<vmem>>, vector<16xf32>,
        %add3A_1582 = arith.addf %masked_cumsum3A_1516, %add3A_1563 : vector<16xf32>
        %swap3A_1583 = arith.constant 209 : index
        %swap3A_1584 = tpu.vector_load %arg13[%swap3A_1583] {strides = array<i32>} : memref<257xf32, #tpu.memory_space<vmem>>, vector<16xf32>,
        tpu.vector_store %arg13[%swap3A_1583], %add3A_1582 {strides = array<i32>} : memref<257xf32, #tpu.memory_space<vmem>>, vector<16xf32>,
        %add3A_1585 = arith.addf %masked_cumsum3A_1525, %add3A_1564 : vector<16xf32>
        %swap3A_1586 = arith.constant 225 : index
        %swap3A_1587 = tpu.vector_load %arg13[%swap3A_1586] {strides = array<i32>} : memref<257xf32, #tpu.memory_space<vmem>>, vector<16xf32>,
        tpu.vector_store %arg13[%swap3A_1586], %add3A_1585 {strides = array<i32>} : memref<257xf32, #tpu.memory_space<vmem>>, vector<16xf32>,
        %add3A_1588 = arith.addf %masked_cumsum3A_1534, %add3A_1565 : vector<16xf32>
        %swap3A_1589 = arith.constant 241 : index
        %swap3A_1590 = tpu.vector_load %arg13[%swap3A_1589] {strides = array<i32>} : memref<257xf32, #tpu.memory_space<vmem>>, vector<16xf32>,
        tpu.vector_store %arg13[%swap3A_1589], %add3A_1588 {strides = array<i32>} : memref<257xf32, #tpu.memory_space<vmem>>, vector<16xf32>,
        %div3A_1591 = arith.constant 1.000000e+00 : f32
        %div3A_1592 = vector.broadcast %div3A_1591 : f32 to vector<16xf32>
        %div3A_1593 = arith.divf %div3A_1592, %add3A_1566 : vector<16xf32>
        %get3A_1594 = arith.constant 1 : index
        %get3A_1595 = tpu.vector_load %arg13[%get3A_1594] {strides = array<i32>} : memref<257xf32, #tpu.memory_space<vmem>>, vector<16xf32>,
        %mul3A_1596 = arith.mulf %get3A_1595, %div3A_1593 : vector<16xf32>
        %min3A_1597 = arith.constant 1.000000e+00 : f32
        %min3A_1598 = vector.broadcast %min3A_1597 : f32 to vector<16xf32>
        %min3A_1599 = arith.minimumf %mul3A_1596, %min3A_1598 : vector<16xf32>
        %swap3A_1600 = arith.constant 1 : index
        %swap3A_1601 = tpu.vector_load %arg13[%swap3A_1600] {strides = array<i32>} : memref<257xf32, #tpu.memory_space<vmem>>, vector<16xf32>,
        tpu.vector_store %arg13[%swap3A_1600], %min3A_1599 {strides = array<i32>} : memref<257xf32, #tpu.memory_space<vmem>>, vector<16xf32>,
        %mul3A_1602 = arith.constant 1.290000e+02 : f32
        %mul3A_1603 = vector.broadcast %mul3A_1602 : f32 to vector<16xf32>
        %mul3A_1604 = arith.mulf %min3A_1599, %mul3A_1603 : vector<16xf32>
        %sub3A_1605 = arith.constant 5.000000e-01 : f32
        %sub3A_1606 = vector.broadcast %sub3A_1605 : f32 to vector<16xf32>
        %sub3A_1607 = arith.subf %mul3A_1604, %sub3A_1606 : vector<16xf32>
        %convert_element_type3A_1608 = arith.fptosi %sub3A_1607 : vector<16xf32> to vector<16xi32>
        %convert_element_type3A_1609 = arith.sitofp %convert_element_type3A_1608 : vector<16xi32> to vector<16xf32>
        %lt3A_1610 = arith.cmpf olt, %convert_element_type3A_1609, %sub3A_1607 : vector<16xf32>
        %jit3A_1611 = arith.constant 1 : i32
        %jit3A_1612 = arith.constant 0 : i32
        %broadcast_in_dim3A_1613 = vector.broadcast %jit3A_1611 : i32 to vector<16xi32>
        %broadcast_in_dim3A_1614 = vector.broadcast %jit3A_1612 : i32 to vector<16xi32>
        %select_n3A_1615 = arith.select %lt3A_1610, %broadcast_in_dim3A_1613, %broadcast_in_dim3A_1614 : vector<16xi1>, vector<16xi32>
        %add3A_1616 = arith.addi %convert_element_type3A_1608, %select_n3A_1615 : vector<16xi32>
        %min3A_1617 = arith.constant 129 : i32
        %min3A_1618 = vector.broadcast %min3A_1617 : i32 to vector<16xi32>
        %min3A_1619 = arith.minsi %add3A_1616, %min3A_1618 : vector<16xi32>
        %swap3A_1620 = arith.constant 1 : index
        %swap3A_1621 = tpu.vector_load %arg15[%swap3A_1620] {strides = array<i32>} : memref<264xi32, #tpu.memory_space<vmem>>, vector<16xi32>,
        tpu.vector_store %arg15[%swap3A_1620], %min3A_1619 {strides = array<i32>} : memref<264xi32, #tpu.memory_space<vmem>>, vector<16xi32>,
        %get3A_1622 = arith.constant 17 : index
        %get3A_1623 = tpu.vector_load %arg13[%get3A_1622] {strides = array<i32>} : memref<257xf32, #tpu.memory_space<vmem>>, vector<16xf32>,
        %mul3A_1624 = arith.mulf %get3A_1623, %div3A_1593 : vector<16xf32>
        %min3A_1625 = arith.constant 1.000000e+00 : f32
        %min3A_1626 = vector.broadcast %min3A_1625 : f32 to vector<16xf32>
        %min3A_1627 = arith.minimumf %mul3A_1624, %min3A_1626 : vector<16xf32>
        %swap3A_1628 = arith.constant 17 : index
        %swap3A_1629 = tpu.vector_load %arg13[%swap3A_1628] {strides = array<i32>} : memref<257xf32, #tpu.memory_space<vmem>>, vector<16xf32>,
        tpu.vector_store %arg13[%swap3A_1628], %min3A_1627 {strides = array<i32>} : memref<257xf32, #tpu.memory_space<vmem>>, vector<16xf32>,
        %mul3A_1630 = arith.constant 1.290000e+02 : f32
        %mul3A_1631 = vector.broadcast %mul3A_1630 : f32 to vector<16xf32>
        %mul3A_1632 = arith.mulf %min3A_1627, %mul3A_1631 : vector<16xf32>
        %sub3A_1633 = arith.constant 5.000000e-01 : f32
        %sub3A_1634 = vector.broadcast %sub3A_1633 : f32 to vector<16xf32>
        %sub3A_1635 = arith.subf %mul3A_1632, %sub3A_1634 : vector<16xf32>
        %convert_element_type3A_1636 = arith.fptosi %sub3A_1635 : vector<16xf32> to vector<16xi32>
        %convert_element_type3A_1637 = arith.sitofp %convert_element_type3A_1636 : vector<16xi32> to vector<16xf32>
        %lt3A_1638 = arith.cmpf olt, %convert_element_type3A_1637, %sub3A_1635 : vector<16xf32>
        %jit3A_1639 = arith.constant 1 : i32
        %jit3A_1640 = arith.constant 0 : i32
        %broadcast_in_dim3A_1641 = vector.broadcast %jit3A_1639 : i32 to vector<16xi32>
        %broadcast_in_dim3A_1642 = vector.broadcast %jit3A_1640 : i32 to vector<16xi32>
        %select_n3A_1643 = arith.select %lt3A_1638, %broadcast_in_dim3A_1641, %broadcast_in_dim3A_1642 : vector<16xi1>, vector<16xi32>
        %add3A_1644 = arith.addi %convert_element_type3A_1636, %select_n3A_1643 : vector<16xi32>
        %min3A_1645 = arith.constant 129 : i32
        %min3A_1646 = vector.broadcast %min3A_1645 : i32 to vector<16xi32>
        %min3A_1647 = arith.minsi %add3A_1644, %min3A_1646 : vector<16xi32>
        %swap3A_1648 = arith.constant 17 : index
        %swap3A_1649 = tpu.vector_load %arg15[%swap3A_1648] {strides = array<i32>} : memref<264xi32, #tpu.memory_space<vmem>>, vector<16xi32>,
        tpu.vector_store %arg15[%swap3A_1648], %min3A_1647 {strides = array<i32>} : memref<264xi32, #tpu.memory_space<vmem>>, vector<16xi32>,
        %get3A_1650 = arith.constant 33 : index
        %get3A_1651 = tpu.vector_load %arg13[%get3A_1650] {strides = array<i32>} : memref<257xf32, #tpu.memory_space<vmem>>, vector<16xf32>,
        %mul3A_1652 = arith.mulf %get3A_1651, %div3A_1593 : vector<16xf32>
        %min3A_1653 = arith.constant 1.000000e+00 : f32
        %min3A_1654 = vector.broadcast %min3A_1653 : f32 to vector<16xf32>
        %min3A_1655 = arith.minimumf %mul3A_1652, %min3A_1654 : vector<16xf32>
        %swap3A_1656 = arith.constant 33 : index
        %swap3A_1657 = tpu.vector_load %arg13[%swap3A_1656] {strides = array<i32>} : memref<257xf32, #tpu.memory_space<vmem>>, vector<16xf32>,
        tpu.vector_store %arg13[%swap3A_1656], %min3A_1655 {strides = array<i32>} : memref<257xf32, #tpu.memory_space<vmem>>, vector<16xf32>,
        %mul3A_1658 = arith.constant 1.290000e+02 : f32
        %mul3A_1659 = vector.broadcast %mul3A_1658 : f32 to vector<16xf32>
        %mul3A_1660 = arith.mulf %min3A_1655, %mul3A_1659 : vector<16xf32>
        %sub3A_1661 = arith.constant 5.000000e-01 : f32
        %sub3A_1662 = vector.broadcast %sub3A_1661 : f32 to vector<16xf32>
        %sub3A_1663 = arith.subf %mul3A_1660, %sub3A_1662 : vector<16xf32>
        %convert_element_type3A_1664 = arith.fptosi %sub3A_1663 : vector<16xf32> to vector<16xi32>
        %convert_element_type3A_1665 = arith.sitofp %convert_element_type3A_1664 : vector<16xi32> to vector<16xf32>
        %lt3A_1666 = arith.cmpf olt, %convert_element_type3A_1665, %sub3A_1663 : vector<16xf32>
        %jit3A_1667 = arith.constant 1 : i32
        %jit3A_1668 = arith.constant 0 : i32
        %broadcast_in_dim3A_1669 = vector.broadcast %jit3A_1667 : i32 to vector<16xi32>
        %broadcast_in_dim3A_1670 = vector.broadcast %jit3A_1668 : i32 to vector<16xi32>
        %select_n3A_1671 = arith.select %lt3A_1666, %broadcast_in_dim3A_1669, %broadcast_in_dim3A_1670 : vector<16xi1>, vector<16xi32>
        %add3A_1672 = arith.addi %convert_element_type3A_1664, %select_n3A_1671 : vector<16xi32>
        %min3A_1673 = arith.constant 129 : i32
        %min3A_1674 = vector.broadcast %min3A_1673 : i32 to vector<16xi32>
        %min3A_1675 = arith.minsi %add3A_1672, %min3A_1674 : vector<16xi32>
        %swap3A_1676 = arith.constant 33 : index
        %swap3A_1677 = tpu.vector_load %arg15[%swap3A_1676] {strides = array<i32>} : memref<264xi32, #tpu.memory_space<vmem>>, vector<16xi32>,
        tpu.vector_store %arg15[%swap3A_1676], %min3A_1675 {strides = array<i32>} : memref<264xi32, #tpu.memory_space<vmem>>, vector<16xi32>,
        %get3A_1678 = arith.constant 49 : index
        %get3A_1679 = tpu.vector_load %arg13[%get3A_1678] {strides = array<i32>} : memref<257xf32, #tpu.memory_space<vmem>>, vector<16xf32>,
        %mul3A_1680 = arith.mulf %get3A_1679, %div3A_1593 : vector<16xf32>
        %min3A_1681 = arith.constant 1.000000e+00 : f32
        %min3A_1682 = vector.broadcast %min3A_1681 : f32 to vector<16xf32>
        %min3A_1683 = arith.minimumf %mul3A_1680, %min3A_1682 : vector<16xf32>
        %swap3A_1684 = arith.constant 49 : index
        %swap3A_1685 = tpu.vector_load %arg13[%swap3A_1684] {strides = array<i32>} : memref<257xf32, #tpu.memory_space<vmem>>, vector<16xf32>,
        tpu.vector_store %arg13[%swap3A_1684], %min3A_1683 {strides = array<i32>} : memref<257xf32, #tpu.memory_space<vmem>>, vector<16xf32>,
        %mul3A_1686 = arith.constant 1.290000e+02 : f32
        %mul3A_1687 = vector.broadcast %mul3A_1686 : f32 to vector<16xf32>
        %mul3A_1688 = arith.mulf %min3A_1683, %mul3A_1687 : vector<16xf32>
        %sub3A_1689 = arith.constant 5.000000e-01 : f32
        %sub3A_1690 = vector.broadcast %sub3A_1689 : f32 to vector<16xf32>
        %sub3A_1691 = arith.subf %mul3A_1688, %sub3A_1690 : vector<16xf32>
        %convert_element_type3A_1692 = arith.fptosi %sub3A_1691 : vector<16xf32> to vector<16xi32>
        %convert_element_type3A_1693 = arith.sitofp %convert_element_type3A_1692 : vector<16xi32> to vector<16xf32>
        %lt3A_1694 = arith.cmpf olt, %convert_element_type3A_1693, %sub3A_1691 : vector<16xf32>
        %jit3A_1695 = arith.constant 1 : i32
        %jit3A_1696 = arith.constant 0 : i32
        %broadcast_in_dim3A_1697 = vector.broadcast %jit3A_1695 : i32 to vector<16xi32>
        %broadcast_in_dim3A_1698 = vector.broadcast %jit3A_1696 : i32 to vector<16xi32>
        %select_n3A_1699 = arith.select %lt3A_1694, %broadcast_in_dim3A_1697, %broadcast_in_dim3A_1698 : vector<16xi1>, vector<16xi32>
        %add3A_1700 = arith.addi %convert_element_type3A_1692, %select_n3A_1699 : vector<16xi32>
        %min3A_1701 = arith.constant 129 : i32
        %min3A_1702 = vector.broadcast %min3A_1701 : i32 to vector<16xi32>
        %min3A_1703 = arith.minsi %add3A_1700, %min3A_1702 : vector<16xi32>
        %swap3A_1704 = arith.constant 49 : index
        %swap3A_1705 = tpu.vector_load %arg15[%swap3A_1704] {strides = array<i32>} : memref<264xi32, #tpu.memory_space<vmem>>, vector<16xi32>,
        tpu.vector_store %arg15[%swap3A_1704], %min3A_1703 {strides = array<i32>} : memref<264xi32, #tpu.memory_space<vmem>>, vector<16xi32>,
        %get3A_1706 = arith.constant 65 : index
        %get3A_1707 = tpu.vector_load %arg13[%get3A_1706] {strides = array<i32>} : memref<257xf32, #tpu.memory_space<vmem>>, vector<16xf32>,
        %mul3A_1708 = arith.mulf %get3A_1707, %div3A_1593 : vector<16xf32>
        %min3A_1709 = arith.constant 1.000000e+00 : f32
        %min3A_1710 = vector.broadcast %min3A_1709 : f32 to vector<16xf32>
        %min3A_1711 = arith.minimumf %mul3A_1708, %min3A_1710 : vector<16xf32>
        %swap3A_1712 = arith.constant 65 : index
        %swap3A_1713 = tpu.vector_load %arg13[%swap3A_1712] {strides = array<i32>} : memref<257xf32, #tpu.memory_space<vmem>>, vector<16xf32>,
        tpu.vector_store %arg13[%swap3A_1712], %min3A_1711 {strides = array<i32>} : memref<257xf32, #tpu.memory_space<vmem>>, vector<16xf32>,
        %mul3A_1714 = arith.constant 1.290000e+02 : f32
        %mul3A_1715 = vector.broadcast %mul3A_1714 : f32 to vector<16xf32>
        %mul3A_1716 = arith.mulf %min3A_1711, %mul3A_1715 : vector<16xf32>
        %sub3A_1717 = arith.constant 5.000000e-01 : f32
        %sub3A_1718 = vector.broadcast %sub3A_1717 : f32 to vector<16xf32>
        %sub3A_1719 = arith.subf %mul3A_1716, %sub3A_1718 : vector<16xf32>
        %convert_element_type3A_1720 = arith.fptosi %sub3A_1719 : vector<16xf32> to vector<16xi32>
        %convert_element_type3A_1721 = arith.sitofp %convert_element_type3A_1720 : vector<16xi32> to vector<16xf32>
        %lt3A_1722 = arith.cmpf olt, %convert_element_type3A_1721, %sub3A_1719 : vector<16xf32>
        %jit3A_1723 = arith.constant 1 : i32
        %jit3A_1724 = arith.constant 0 : i32
        %broadcast_in_dim3A_1725 = vector.broadcast %jit3A_1723 : i32 to vector<16xi32>
        %broadcast_in_dim3A_1726 = vector.broadcast %jit3A_1724 : i32 to vector<16xi32>
        %select_n3A_1727 = arith.select %lt3A_1722, %broadcast_in_dim3A_1725, %broadcast_in_dim3A_1726 : vector<16xi1>, vector<16xi32>
        %add3A_1728 = arith.addi %convert_element_type3A_1720, %select_n3A_1727 : vector<16xi32>
        %min3A_1729 = arith.constant 129 : i32
        %min3A_1730 = vector.broadcast %min3A_1729 : i32 to vector<16xi32>
        %min3A_1731 = arith.minsi %add3A_1728, %min3A_1730 : vector<16xi32>
        %swap3A_1732 = arith.constant 65 : index
        %swap3A_1733 = tpu.vector_load %arg15[%swap3A_1732] {strides = array<i32>} : memref<264xi32, #tpu.memory_space<vmem>>, vector<16xi32>,
        tpu.vector_store %arg15[%swap3A_1732], %min3A_1731 {strides = array<i32>} : memref<264xi32, #tpu.memory_space<vmem>>, vector<16xi32>,
        %get3A_1734 = arith.constant 81 : index
        %get3A_1735 = tpu.vector_load %arg13[%get3A_1734] {strides = array<i32>} : memref<257xf32, #tpu.memory_space<vmem>>, vector<16xf32>,
        %mul3A_1736 = arith.mulf %get3A_1735, %div3A_1593 : vector<16xf32>
        %min3A_1737 = arith.constant 1.000000e+00 : f32
        %min3A_1738 = vector.broadcast %min3A_1737 : f32 to vector<16xf32>
        %min3A_1739 = arith.minimumf %mul3A_1736, %min3A_1738 : vector<16xf32>
        %swap3A_1740 = arith.constant 81 : index
        %swap3A_1741 = tpu.vector_load %arg13[%swap3A_1740] {strides = array<i32>} : memref<257xf32, #tpu.memory_space<vmem>>, vector<16xf32>,
        tpu.vector_store %arg13[%swap3A_1740], %min3A_1739 {strides = array<i32>} : memref<257xf32, #tpu.memory_space<vmem>>, vector<16xf32>,
        %mul3A_1742 = arith.constant 1.290000e+02 : f32
        %mul3A_1743 = vector.broadcast %mul3A_1742 : f32 to vector<16xf32>
        %mul3A_1744 = arith.mulf %min3A_1739, %mul3A_1743 : vector<16xf32>
        %sub3A_1745 = arith.constant 5.000000e-01 : f32
        %sub3A_1746 = vector.broadcast %sub3A_1745 : f32 to vector<16xf32>
        %sub3A_1747 = arith.subf %mul3A_1744, %sub3A_1746 : vector<16xf32>
        %convert_element_type3A_1748 = arith.fptosi %sub3A_1747 : vector<16xf32> to vector<16xi32>
        %convert_element_type3A_1749 = arith.sitofp %convert_element_type3A_1748 : vector<16xi32> to vector<16xf32>
        %lt3A_1750 = arith.cmpf olt, %convert_element_type3A_1749, %sub3A_1747 : vector<16xf32>
        %jit3A_1751 = arith.constant 1 : i32
        %jit3A_1752 = arith.constant 0 : i32
        %broadcast_in_dim3A_1753 = vector.broadcast %jit3A_1751 : i32 to vector<16xi32>
        %broadcast_in_dim3A_1754 = vector.broadcast %jit3A_1752 : i32 to vector<16xi32>
        %select_n3A_1755 = arith.select %lt3A_1750, %broadcast_in_dim3A_1753, %broadcast_in_dim3A_1754 : vector<16xi1>, vector<16xi32>
        %add3A_1756 = arith.addi %convert_element_type3A_1748, %select_n3A_1755 : vector<16xi32>
        %min3A_1757 = arith.constant 129 : i32
        %min3A_1758 = vector.broadcast %min3A_1757 : i32 to vector<16xi32>
        %min3A_1759 = arith.minsi %add3A_1756, %min3A_1758 : vector<16xi32>
        %swap3A_1760 = arith.constant 81 : index
        %swap3A_1761 = tpu.vector_load %arg15[%swap3A_1760] {strides = array<i32>} : memref<264xi32, #tpu.memory_space<vmem>>, vector<16xi32>,
        tpu.vector_store %arg15[%swap3A_1760], %min3A_1759 {strides = array<i32>} : memref<264xi32, #tpu.memory_space<vmem>>, vector<16xi32>,
        %get3A_1762 = arith.constant 97 : index
        %get3A_1763 = tpu.vector_load %arg13[%get3A_1762] {strides = array<i32>} : memref<257xf32, #tpu.memory_space<vmem>>, vector<16xf32>,
        %mul3A_1764 = arith.mulf %get3A_1763, %div3A_1593 : vector<16xf32>
        %min3A_1765 = arith.constant 1.000000e+00 : f32
        %min3A_1766 = vector.broadcast %min3A_1765 : f32 to vector<16xf32>
        %min3A_1767 = arith.minimumf %mul3A_1764, %min3A_1766 : vector<16xf32>
        %swap3A_1768 = arith.constant 97 : index
        %swap3A_1769 = tpu.vector_load %arg13[%swap3A_1768] {strides = array<i32>} : memref<257xf32, #tpu.memory_space<vmem>>, vector<16xf32>,
        tpu.vector_store %arg13[%swap3A_1768], %min3A_1767 {strides = array<i32>} : memref<257xf32, #tpu.memory_space<vmem>>, vector<16xf32>,
        %mul3A_1770 = arith.constant 1.290000e+02 : f32
        %mul3A_1771 = vector.broadcast %mul3A_1770 : f32 to vector<16xf32>
        %mul3A_1772 = arith.mulf %min3A_1767, %mul3A_1771 : vector<16xf32>
        %sub3A_1773 = arith.constant 5.000000e-01 : f32
        %sub3A_1774 = vector.broadcast %sub3A_1773 : f32 to vector<16xf32>
        %sub3A_1775 = arith.subf %mul3A_1772, %sub3A_1774 : vector<16xf32>
        %convert_element_type3A_1776 = arith.fptosi %sub3A_1775 : vector<16xf32> to vector<16xi32>
        %convert_element_type3A_1777 = arith.sitofp %convert_element_type3A_1776 : vector<16xi32> to vector<16xf32>
        %lt3A_1778 = arith.cmpf olt, %convert_element_type3A_1777, %sub3A_1775 : vector<16xf32>
        %jit3A_1779 = arith.constant 1 : i32
        %jit3A_1780 = arith.constant 0 : i32
        %broadcast_in_dim3A_1781 = vector.broadcast %jit3A_1779 : i32 to vector<16xi32>
        %broadcast_in_dim3A_1782 = vector.broadcast %jit3A_1780 : i32 to vector<16xi32>
        %select_n3A_1783 = arith.select %lt3A_1778, %broadcast_in_dim3A_1781, %broadcast_in_dim3A_1782 : vector<16xi1>, vector<16xi32>
        %add3A_1784 = arith.addi %convert_element_type3A_1776, %select_n3A_1783 : vector<16xi32>
        %min3A_1785 = arith.constant 129 : i32
        %min3A_1786 = vector.broadcast %min3A_1785 : i32 to vector<16xi32>
        %min3A_1787 = arith.minsi %add3A_1784, %min3A_1786 : vector<16xi32>
        %swap3A_1788 = arith.constant 97 : index
        %swap3A_1789 = tpu.vector_load %arg15[%swap3A_1788] {strides = array<i32>} : memref<264xi32, #tpu.memory_space<vmem>>, vector<16xi32>,
        tpu.vector_store %arg15[%swap3A_1788], %min3A_1787 {strides = array<i32>} : memref<264xi32, #tpu.memory_space<vmem>>, vector<16xi32>,
        %get3A_1790 = arith.constant 113 : index
        %get3A_1791 = tpu.vector_load %arg13[%get3A_1790] {strides = array<i32>} : memref<257xf32, #tpu.memory_space<vmem>>, vector<16xf32>,
        %mul3A_1792 = arith.mulf %get3A_1791, %div3A_1593 : vector<16xf32>
        %min3A_1793 = arith.constant 1.000000e+00 : f32
        %min3A_1794 = vector.broadcast %min3A_1793 : f32 to vector<16xf32>
        %min3A_1795 = arith.minimumf %mul3A_1792, %min3A_1794 : vector<16xf32>
        %swap3A_1796 = arith.constant 113 : index
        %swap3A_1797 = tpu.vector_load %arg13[%swap3A_1796] {strides = array<i32>} : memref<257xf32, #tpu.memory_space<vmem>>, vector<16xf32>,
        tpu.vector_store %arg13[%swap3A_1796], %min3A_1795 {strides = array<i32>} : memref<257xf32, #tpu.memory_space<vmem>>, vector<16xf32>,
        %mul3A_1798 = arith.constant 1.290000e+02 : f32
        %mul3A_1799 = vector.broadcast %mul3A_1798 : f32 to vector<16xf32>
        %mul3A_1800 = arith.mulf %min3A_1795, %mul3A_1799 : vector<16xf32>
        %sub3A_1801 = arith.constant 5.000000e-01 : f32
        %sub3A_1802 = vector.broadcast %sub3A_1801 : f32 to vector<16xf32>
        %sub3A_1803 = arith.subf %mul3A_1800, %sub3A_1802 : vector<16xf32>
        %convert_element_type3A_1804 = arith.fptosi %sub3A_1803 : vector<16xf32> to vector<16xi32>
        %convert_element_type3A_1805 = arith.sitofp %convert_element_type3A_1804 : vector<16xi32> to vector<16xf32>
        %lt3A_1806 = arith.cmpf olt, %convert_element_type3A_1805, %sub3A_1803 : vector<16xf32>
        %jit3A_1807 = arith.constant 1 : i32
        %jit3A_1808 = arith.constant 0 : i32
        %broadcast_in_dim3A_1809 = vector.broadcast %jit3A_1807 : i32 to vector<16xi32>
        %broadcast_in_dim3A_1810 = vector.broadcast %jit3A_1808 : i32 to vector<16xi32>
        %select_n3A_1811 = arith.select %lt3A_1806, %broadcast_in_dim3A_1809, %broadcast_in_dim3A_1810 : vector<16xi1>, vector<16xi32>
        %add3A_1812 = arith.addi %convert_element_type3A_1804, %select_n3A_1811 : vector<16xi32>
        %min3A_1813 = arith.constant 129 : i32
        %min3A_1814 = vector.broadcast %min3A_1813 : i32 to vector<16xi32>
        %min3A_1815 = arith.minsi %add3A_1812, %min3A_1814 : vector<16xi32>
        %swap3A_1816 = arith.constant 113 : index
        %swap3A_1817 = tpu.vector_load %arg15[%swap3A_1816] {strides = array<i32>} : memref<264xi32, #tpu.memory_space<vmem>>, vector<16xi32>,
        tpu.vector_store %arg15[%swap3A_1816], %min3A_1815 {strides = array<i32>} : memref<264xi32, #tpu.memory_space<vmem>>, vector<16xi32>,
        %get3A_1818 = arith.constant 129 : index
        %get3A_1819 = tpu.vector_load %arg13[%get3A_1818] {strides = array<i32>} : memref<257xf32, #tpu.memory_space<vmem>>, vector<16xf32>,
        %mul3A_1820 = arith.mulf %get3A_1819, %div3A_1593 : vector<16xf32>
        %min3A_1821 = arith.constant 1.000000e+00 : f32
        %min3A_1822 = vector.broadcast %min3A_1821 : f32 to vector<16xf32>
        %min3A_1823 = arith.minimumf %mul3A_1820, %min3A_1822 : vector<16xf32>
        %swap3A_1824 = arith.constant 129 : index
        %swap3A_1825 = tpu.vector_load %arg13[%swap3A_1824] {strides = array<i32>} : memref<257xf32, #tpu.memory_space<vmem>>, vector<16xf32>,
        tpu.vector_store %arg13[%swap3A_1824], %min3A_1823 {strides = array<i32>} : memref<257xf32, #tpu.memory_space<vmem>>, vector<16xf32>,
        %mul3A_1826 = arith.constant 1.290000e+02 : f32
        %mul3A_1827 = vector.broadcast %mul3A_1826 : f32 to vector<16xf32>
        %mul3A_1828 = arith.mulf %min3A_1823, %mul3A_1827 : vector<16xf32>
        %sub3A_1829 = arith.constant 5.000000e-01 : f32
        %sub3A_1830 = vector.broadcast %sub3A_1829 : f32 to vector<16xf32>
        %sub3A_1831 = arith.subf %mul3A_1828, %sub3A_1830 : vector<16xf32>
        %convert_element_type3A_1832 = arith.fptosi %sub3A_1831 : vector<16xf32> to vector<16xi32>
        %convert_element_type3A_1833 = arith.sitofp %convert_element_type3A_1832 : vector<16xi32> to vector<16xf32>
        %lt3A_1834 = arith.cmpf olt, %convert_element_type3A_1833, %sub3A_1831 : vector<16xf32>
        %jit3A_1835 = arith.constant 1 : i32
        %jit3A_1836 = arith.constant 0 : i32
        %broadcast_in_dim3A_1837 = vector.broadcast %jit3A_1835 : i32 to vector<16xi32>
        %broadcast_in_dim3A_1838 = vector.broadcast %jit3A_1836 : i32 to vector<16xi32>
        %select_n3A_1839 = arith.select %lt3A_1834, %broadcast_in_dim3A_1837, %broadcast_in_dim3A_1838 : vector<16xi1>, vector<16xi32>
        %add3A_1840 = arith.addi %convert_element_type3A_1832, %select_n3A_1839 : vector<16xi32>
        %min3A_1841 = arith.constant 129 : i32
        %min3A_1842 = vector.broadcast %min3A_1841 : i32 to vector<16xi32>
        %min3A_1843 = arith.minsi %add3A_1840, %min3A_1842 : vector<16xi32>
        %swap3A_1844 = arith.constant 129 : index
        %swap3A_1845 = tpu.vector_load %arg15[%swap3A_1844] {strides = array<i32>} : memref<264xi32, #tpu.memory_space<vmem>>, vector<16xi32>,
        tpu.vector_store %arg15[%swap3A_1844], %min3A_1843 {strides = array<i32>} : memref<264xi32, #tpu.memory_space<vmem>>, vector<16xi32>,
        %get3A_1846 = arith.constant 145 : index
        %get3A_1847 = tpu.vector_load %arg13[%get3A_1846] {strides = array<i32>} : memref<257xf32, #tpu.memory_space<vmem>>, vector<16xf32>,
        %mul3A_1848 = arith.mulf %get3A_1847, %div3A_1593 : vector<16xf32>
        %min3A_1849 = arith.constant 1.000000e+00 : f32
        %min3A_1850 = vector.broadcast %min3A_1849 : f32 to vector<16xf32>
        %min3A_1851 = arith.minimumf %mul3A_1848, %min3A_1850 : vector<16xf32>
        %swap3A_1852 = arith.constant 145 : index
        %swap3A_1853 = tpu.vector_load %arg13[%swap3A_1852] {strides = array<i32>} : memref<257xf32, #tpu.memory_space<vmem>>, vector<16xf32>,
        tpu.vector_store %arg13[%swap3A_1852], %min3A_1851 {strides = array<i32>} : memref<257xf32, #tpu.memory_space<vmem>>, vector<16xf32>,
        %mul3A_1854 = arith.constant 1.290000e+02 : f32
        %mul3A_1855 = vector.broadcast %mul3A_1854 : f32 to vector<16xf32>
        %mul3A_1856 = arith.mulf %min3A_1851, %mul3A_1855 : vector<16xf32>
        %sub3A_1857 = arith.constant 5.000000e-01 : f32
        %sub3A_1858 = vector.broadcast %sub3A_1857 : f32 to vector<16xf32>
        %sub3A_1859 = arith.subf %mul3A_1856, %sub3A_1858 : vector<16xf32>
        %convert_element_type3A_1860 = arith.fptosi %sub3A_1859 : vector<16xf32> to vector<16xi32>
        %convert_element_type3A_1861 = arith.sitofp %convert_element_type3A_1860 : vector<16xi32> to vector<16xf32>
        %lt3A_1862 = arith.cmpf olt, %convert_element_type3A_1861, %sub3A_1859 : vector<16xf32>
        %jit3A_1863 = arith.constant 1 : i32
        %jit3A_1864 = arith.constant 0 : i32
        %broadcast_in_dim3A_1865 = vector.broadcast %jit3A_1863 : i32 to vector<16xi32>
        %broadcast_in_dim3A_1866 = vector.broadcast %jit3A_1864 : i32 to vector<16xi32>
        %select_n3A_1867 = arith.select %lt3A_1862, %broadcast_in_dim3A_1865, %broadcast_in_dim3A_1866 : vector<16xi1>, vector<16xi32>
        %add3A_1868 = arith.addi %convert_element_type3A_1860, %select_n3A_1867 : vector<16xi32>
        %min3A_1869 = arith.constant 129 : i32
        %min3A_1870 = vector.broadcast %min3A_1869 : i32 to vector<16xi32>
        %min3A_1871 = arith.minsi %add3A_1868, %min3A_1870 : vector<16xi32>
        %swap3A_1872 = arith.constant 145 : index
        %swap3A_1873 = tpu.vector_load %arg15[%swap3A_1872] {strides = array<i32>} : memref<264xi32, #tpu.memory_space<vmem>>, vector<16xi32>,
        tpu.vector_store %arg15[%swap3A_1872], %min3A_1871 {strides = array<i32>} : memref<264xi32, #tpu.memory_space<vmem>>, vector<16xi32>,
        %get3A_1874 = arith.constant 161 : index
        %get3A_1875 = tpu.vector_load %arg13[%get3A_1874] {strides = array<i32>} : memref<257xf32, #tpu.memory_space<vmem>>, vector<16xf32>,
        %mul3A_1876 = arith.mulf %get3A_1875, %div3A_1593 : vector<16xf32>
        %min3A_1877 = arith.constant 1.000000e+00 : f32
        %min3A_1878 = vector.broadcast %min3A_1877 : f32 to vector<16xf32>
        %min3A_1879 = arith.minimumf %mul3A_1876, %min3A_1878 : vector<16xf32>
        %swap3A_1880 = arith.constant 161 : index
        %swap3A_1881 = tpu.vector_load %arg13[%swap3A_1880] {strides = array<i32>} : memref<257xf32, #tpu.memory_space<vmem>>, vector<16xf32>,
        tpu.vector_store %arg13[%swap3A_1880], %min3A_1879 {strides = array<i32>} : memref<257xf32, #tpu.memory_space<vmem>>, vector<16xf32>,
        %mul3A_1882 = arith.constant 1.290000e+02 : f32
        %mul3A_1883 = vector.broadcast %mul3A_1882 : f32 to vector<16xf32>
        %mul3A_1884 = arith.mulf %min3A_1879, %mul3A_1883 : vector<16xf32>
        %sub3A_1885 = arith.constant 5.000000e-01 : f32
        %sub3A_1886 = vector.broadcast %sub3A_1885 : f32 to vector<16xf32>
        %sub3A_1887 = arith.subf %mul3A_1884, %sub3A_1886 : vector<16xf32>
        %convert_element_type3A_1888 = arith.fptosi %sub3A_1887 : vector<16xf32> to vector<16xi32>
        %convert_element_type3A_1889 = arith.sitofp %convert_element_type3A_1888 : vector<16xi32> to vector<16xf32>
        %lt3A_1890 = arith.cmpf olt, %convert_element_type3A_1889, %sub3A_1887 : vector<16xf32>
        %jit3A_1891 = arith.constant 1 : i32
        %jit3A_1892 = arith.constant 0 : i32
        %broadcast_in_dim3A_1893 = vector.broadcast %jit3A_1891 : i32 to vector<16xi32>
        %broadcast_in_dim3A_1894 = vector.broadcast %jit3A_1892 : i32 to vector<16xi32>
        %select_n3A_1895 = arith.select %lt3A_1890, %broadcast_in_dim3A_1893, %broadcast_in_dim3A_1894 : vector<16xi1>, vector<16xi32>
        %add3A_1896 = arith.addi %convert_element_type3A_1888, %select_n3A_1895 : vector<16xi32>
        %min3A_1897 = arith.constant 129 : i32
        %min3A_1898 = vector.broadcast %min3A_1897 : i32 to vector<16xi32>
        %min3A_1899 = arith.minsi %add3A_1896, %min3A_1898 : vector<16xi32>
        %swap3A_1900 = arith.constant 161 : index
        %swap3A_1901 = tpu.vector_load %arg15[%swap3A_1900] {strides = array<i32>} : memref<264xi32, #tpu.memory_space<vmem>>, vector<16xi32>,
        tpu.vector_store %arg15[%swap3A_1900], %min3A_1899 {strides = array<i32>} : memref<264xi32, #tpu.memory_space<vmem>>, vector<16xi32>,
        %get3A_1902 = arith.constant 177 : index
        %get3A_1903 = tpu.vector_load %arg13[%get3A_1902] {strides = array<i32>} : memref<257xf32, #tpu.memory_space<vmem>>, vector<16xf32>,
        %mul3A_1904 = arith.mulf %get3A_1903, %div3A_1593 : vector<16xf32>
        %min3A_1905 = arith.constant 1.000000e+00 : f32
        %min3A_1906 = vector.broadcast %min3A_1905 : f32 to vector<16xf32>
        %min3A_1907 = arith.minimumf %mul3A_1904, %min3A_1906 : vector<16xf32>
        %swap3A_1908 = arith.constant 177 : index
        %swap3A_1909 = tpu.vector_load %arg13[%swap3A_1908] {strides = array<i32>} : memref<257xf32, #tpu.memory_space<vmem>>, vector<16xf32>,
        tpu.vector_store %arg13[%swap3A_1908], %min3A_1907 {strides = array<i32>} : memref<257xf32, #tpu.memory_space<vmem>>, vector<16xf32>,
        %mul3A_1910 = arith.constant 1.290000e+02 : f32
        %mul3A_1911 = vector.broadcast %mul3A_1910 : f32 to vector<16xf32>
        %mul3A_1912 = arith.mulf %min3A_1907, %mul3A_1911 : vector<16xf32>
        %sub3A_1913 = arith.constant 5.000000e-01 : f32
        %sub3A_1914 = vector.broadcast %sub3A_1913 : f32 to vector<16xf32>
        %sub3A_1915 = arith.subf %mul3A_1912, %sub3A_1914 : vector<16xf32>
        %convert_element_type3A_1916 = arith.fptosi %sub3A_1915 : vector<16xf32> to vector<16xi32>
        %convert_element_type3A_1917 = arith.sitofp %convert_element_type3A_1916 : vector<16xi32> to vector<16xf32>
        %lt3A_1918 = arith.cmpf olt, %convert_element_type3A_1917, %sub3A_1915 : vector<16xf32>
        %jit3A_1919 = arith.constant 1 : i32
        %jit3A_1920 = arith.constant 0 : i32
        %broadcast_in_dim3A_1921 = vector.broadcast %jit3A_1919 : i32 to vector<16xi32>
        %broadcast_in_dim3A_1922 = vector.broadcast %jit3A_1920 : i32 to vector<16xi32>
        %select_n3A_1923 = arith.select %lt3A_1918, %broadcast_in_dim3A_1921, %broadcast_in_dim3A_1922 : vector<16xi1>, vector<16xi32>
        %add3A_1924 = arith.addi %convert_element_type3A_1916, %select_n3A_1923 : vector<16xi32>
        %min3A_1925 = arith.constant 129 : i32
        %min3A_1926 = vector.broadcast %min3A_1925 : i32 to vector<16xi32>
        %min3A_1927 = arith.minsi %add3A_1924, %min3A_1926 : vector<16xi32>
        %swap3A_1928 = arith.constant 177 : index
        %swap3A_1929 = tpu.vector_load %arg15[%swap3A_1928] {strides = array<i32>} : memref<264xi32, #tpu.memory_space<vmem>>, vector<16xi32>,
        tpu.vector_store %arg15[%swap3A_1928], %min3A_1927 {strides = array<i32>} : memref<264xi32, #tpu.memory_space<vmem>>, vector<16xi32>,
        %get3A_1930 = arith.constant 193 : index
        %get3A_1931 = tpu.vector_load %arg13[%get3A_1930] {strides = array<i32>} : memref<257xf32, #tpu.memory_space<vmem>>, vector<16xf32>,
        %mul3A_1932 = arith.mulf %get3A_1931, %div3A_1593 : vector<16xf32>
        %min3A_1933 = arith.constant 1.000000e+00 : f32
        %min3A_1934 = vector.broadcast %min3A_1933 : f32 to vector<16xf32>
        %min3A_1935 = arith.minimumf %mul3A_1932, %min3A_1934 : vector<16xf32>
        %swap3A_1936 = arith.constant 193 : index
        %swap3A_1937 = tpu.vector_load %arg13[%swap3A_1936] {strides = array<i32>} : memref<257xf32, #tpu.memory_space<vmem>>, vector<16xf32>,
        tpu.vector_store %arg13[%swap3A_1936], %min3A_1935 {strides = array<i32>} : memref<257xf32, #tpu.memory_space<vmem>>, vector<16xf32>,
        %mul3A_1938 = arith.constant 1.290000e+02 : f32
        %mul3A_1939 = vector.broadcast %mul3A_1938 : f32 to vector<16xf32>
        %mul3A_1940 = arith.mulf %min3A_1935, %mul3A_1939 : vector<16xf32>
        %sub3A_1941 = arith.constant 5.000000e-01 : f32
        %sub3A_1942 = vector.broadcast %sub3A_1941 : f32 to vector<16xf32>
        %sub3A_1943 = arith.subf %mul3A_1940, %sub3A_1942 : vector<16xf32>
        %convert_element_type3A_1944 = arith.fptosi %sub3A_1943 : vector<16xf32> to vector<16xi32>
        %convert_element_type3A_1945 = arith.sitofp %convert_element_type3A_1944 : vector<16xi32> to vector<16xf32>
        %lt3A_1946 = arith.cmpf olt, %convert_element_type3A_1945, %sub3A_1943 : vector<16xf32>
        %jit3A_1947 = arith.constant 1 : i32
        %jit3A_1948 = arith.constant 0 : i32
        %broadcast_in_dim3A_1949 = vector.broadcast %jit3A_1947 : i32 to vector<16xi32>
        %broadcast_in_dim3A_1950 = vector.broadcast %jit3A_1948 : i32 to vector<16xi32>
        %select_n3A_1951 = arith.select %lt3A_1946, %broadcast_in_dim3A_1949, %broadcast_in_dim3A_1950 : vector<16xi1>, vector<16xi32>
        %add3A_1952 = arith.addi %convert_element_type3A_1944, %select_n3A_1951 : vector<16xi32>
        %min3A_1953 = arith.constant 129 : i32
        %min3A_1954 = vector.broadcast %min3A_1953 : i32 to vector<16xi32>
        %min3A_1955 = arith.minsi %add3A_1952, %min3A_1954 : vector<16xi32>
        %swap3A_1956 = arith.constant 193 : index
        %swap3A_1957 = tpu.vector_load %arg15[%swap3A_1956] {strides = array<i32>} : memref<264xi32, #tpu.memory_space<vmem>>, vector<16xi32>,
        tpu.vector_store %arg15[%swap3A_1956], %min3A_1955 {strides = array<i32>} : memref<264xi32, #tpu.memory_space<vmem>>, vector<16xi32>,
        %get3A_1958 = arith.constant 209 : index
        %get3A_1959 = tpu.vector_load %arg13[%get3A_1958] {strides = array<i32>} : memref<257xf32, #tpu.memory_space<vmem>>, vector<16xf32>,
        %mul3A_1960 = arith.mulf %get3A_1959, %div3A_1593 : vector<16xf32>
        %min3A_1961 = arith.constant 1.000000e+00 : f32
        %min3A_1962 = vector.broadcast %min3A_1961 : f32 to vector<16xf32>
        %min3A_1963 = arith.minimumf %mul3A_1960, %min3A_1962 : vector<16xf32>
        %swap3A_1964 = arith.constant 209 : index
        %swap3A_1965 = tpu.vector_load %arg13[%swap3A_1964] {strides = array<i32>} : memref<257xf32, #tpu.memory_space<vmem>>, vector<16xf32>,
        tpu.vector_store %arg13[%swap3A_1964], %min3A_1963 {strides = array<i32>} : memref<257xf32, #tpu.memory_space<vmem>>, vector<16xf32>,
        %mul3A_1966 = arith.constant 1.290000e+02 : f32
        %mul3A_1967 = vector.broadcast %mul3A_1966 : f32 to vector<16xf32>
        %mul3A_1968 = arith.mulf %min3A_1963, %mul3A_1967 : vector<16xf32>
        %sub3A_1969 = arith.constant 5.000000e-01 : f32
        %sub3A_1970 = vector.broadcast %sub3A_1969 : f32 to vector<16xf32>
        %sub3A_1971 = arith.subf %mul3A_1968, %sub3A_1970 : vector<16xf32>
        %convert_element_type3A_1972 = arith.fptosi %sub3A_1971 : vector<16xf32> to vector<16xi32>
        %convert_element_type3A_1973 = arith.sitofp %convert_element_type3A_1972 : vector<16xi32> to vector<16xf32>
        %lt3A_1974 = arith.cmpf olt, %convert_element_type3A_1973, %sub3A_1971 : vector<16xf32>
        %jit3A_1975 = arith.constant 1 : i32
        %jit3A_1976 = arith.constant 0 : i32
        %broadcast_in_dim3A_1977 = vector.broadcast %jit3A_1975 : i32 to vector<16xi32>
        %broadcast_in_dim3A_1978 = vector.broadcast %jit3A_1976 : i32 to vector<16xi32>
        %select_n3A_1979 = arith.select %lt3A_1974, %broadcast_in_dim3A_1977, %broadcast_in_dim3A_1978 : vector<16xi1>, vector<16xi32>
        %add3A_1980 = arith.addi %convert_element_type3A_1972, %select_n3A_1979 : vector<16xi32>
        %min3A_1981 = arith.constant 129 : i32
        %min3A_1982 = vector.broadcast %min3A_1981 : i32 to vector<16xi32>
        %min3A_1983 = arith.minsi %add3A_1980, %min3A_1982 : vector<16xi32>
        %swap3A_1984 = arith.constant 209 : index
        %swap3A_1985 = tpu.vector_load %arg15[%swap3A_1984] {strides = array<i32>} : memref<264xi32, #tpu.memory_space<vmem>>, vector<16xi32>,
        tpu.vector_store %arg15[%swap3A_1984], %min3A_1983 {strides = array<i32>} : memref<264xi32, #tpu.memory_space<vmem>>, vector<16xi32>,
        %get3A_1986 = arith.constant 225 : index
        %get3A_1987 = tpu.vector_load %arg13[%get3A_1986] {strides = array<i32>} : memref<257xf32, #tpu.memory_space<vmem>>, vector<16xf32>,
        %mul3A_1988 = arith.mulf %get3A_1987, %div3A_1593 : vector<16xf32>
        %min3A_1989 = arith.constant 1.000000e+00 : f32
        %min3A_1990 = vector.broadcast %min3A_1989 : f32 to vector<16xf32>
        %min3A_1991 = arith.minimumf %mul3A_1988, %min3A_1990 : vector<16xf32>
        %swap3A_1992 = arith.constant 225 : index
        %swap3A_1993 = tpu.vector_load %arg13[%swap3A_1992] {strides = array<i32>} : memref<257xf32, #tpu.memory_space<vmem>>, vector<16xf32>,
        tpu.vector_store %arg13[%swap3A_1992], %min3A_1991 {strides = array<i32>} : memref<257xf32, #tpu.memory_space<vmem>>, vector<16xf32>,
        %mul3A_1994 = arith.constant 1.290000e+02 : f32
        %mul3A_1995 = vector.broadcast %mul3A_1994 : f32 to vector<16xf32>
        %mul3A_1996 = arith.mulf %min3A_1991, %mul3A_1995 : vector<16xf32>
        %sub3A_1997 = arith.constant 5.000000e-01 : f32
        %sub3A_1998 = vector.broadcast %sub3A_1997 : f32 to vector<16xf32>
        %sub3A_1999 = arith.subf %mul3A_1996, %sub3A_1998 : vector<16xf32>
        %convert_element_type3A_2000 = arith.fptosi %sub3A_1999 : vector<16xf32> to vector<16xi32>
        %convert_element_type3A_2001 = arith.sitofp %convert_element_type3A_2000 : vector<16xi32> to vector<16xf32>
        %lt3A_2002 = arith.cmpf olt, %convert_element_type3A_2001, %sub3A_1999 : vector<16xf32>
        %jit3A_2003 = arith.constant 1 : i32
        %jit3A_2004 = arith.constant 0 : i32
        %broadcast_in_dim3A_2005 = vector.broadcast %jit3A_2003 : i32 to vector<16xi32>
        %broadcast_in_dim3A_2006 = vector.broadcast %jit3A_2004 : i32 to vector<16xi32>
        %select_n3A_2007 = arith.select %lt3A_2002, %broadcast_in_dim3A_2005, %broadcast_in_dim3A_2006 : vector<16xi1>, vector<16xi32>
        %add3A_2008 = arith.addi %convert_element_type3A_2000, %select_n3A_2007 : vector<16xi32>
        %min3A_2009 = arith.constant 129 : i32
        %min3A_2010 = vector.broadcast %min3A_2009 : i32 to vector<16xi32>
        %min3A_2011 = arith.minsi %add3A_2008, %min3A_2010 : vector<16xi32>
        %swap3A_2012 = arith.constant 225 : index
        %swap3A_2013 = tpu.vector_load %arg15[%swap3A_2012] {strides = array<i32>} : memref<264xi32, #tpu.memory_space<vmem>>, vector<16xi32>,
        tpu.vector_store %arg15[%swap3A_2012], %min3A_2011 {strides = array<i32>} : memref<264xi32, #tpu.memory_space<vmem>>, vector<16xi32>,
        %get3A_2014 = arith.constant 241 : index
        %get3A_2015 = tpu.vector_load %arg13[%get3A_2014] {strides = array<i32>} : memref<257xf32, #tpu.memory_space<vmem>>, vector<16xf32>,
        %mul3A_2016 = arith.mulf %get3A_2015, %div3A_1593 : vector<16xf32>
        %min3A_2017 = arith.constant 1.000000e+00 : f32
        %min3A_2018 = vector.broadcast %min3A_2017 : f32 to vector<16xf32>
        %min3A_2019 = arith.minimumf %mul3A_2016, %min3A_2018 : vector<16xf32>
        %swap3A_2020 = arith.constant 241 : index
        %swap3A_2021 = tpu.vector_load %arg13[%swap3A_2020] {strides = array<i32>} : memref<257xf32, #tpu.memory_space<vmem>>, vector<16xf32>,
        tpu.vector_store %arg13[%swap3A_2020], %min3A_2019 {strides = array<i32>} : memref<257xf32, #tpu.memory_space<vmem>>, vector<16xf32>,
        %mul3A_2022 = arith.constant 1.290000e+02 : f32
        %mul3A_2023 = vector.broadcast %mul3A_2022 : f32 to vector<16xf32>
        %mul3A_2024 = arith.mulf %min3A_2019, %mul3A_2023 : vector<16xf32>
        %sub3A_2025 = arith.constant 5.000000e-01 : f32
        %sub3A_2026 = vector.broadcast %sub3A_2025 : f32 to vector<16xf32>
        %sub3A_2027 = arith.subf %mul3A_2024, %sub3A_2026 : vector<16xf32>
        %convert_element_type3A_2028 = arith.fptosi %sub3A_2027 : vector<16xf32> to vector<16xi32>
        %convert_element_type3A_2029 = arith.sitofp %convert_element_type3A_2028 : vector<16xi32> to vector<16xf32>
        %lt3A_2030 = arith.cmpf olt, %convert_element_type3A_2029, %sub3A_2027 : vector<16xf32>
        %jit3A_2031 = arith.constant 1 : i32
        %jit3A_2032 = arith.constant 0 : i32
        %broadcast_in_dim3A_2033 = vector.broadcast %jit3A_2031 : i32 to vector<16xi32>
        %broadcast_in_dim3A_2034 = vector.broadcast %jit3A_2032 : i32 to vector<16xi32>
        %select_n3A_2035 = arith.select %lt3A_2030, %broadcast_in_dim3A_2033, %broadcast_in_dim3A_2034 : vector<16xi1>, vector<16xi32>
        %add3A_2036 = arith.addi %convert_element_type3A_2028, %select_n3A_2035 : vector<16xi32>
        %min3A_2037 = arith.constant 129 : i32
        %min3A_2038 = vector.broadcast %min3A_2037 : i32 to vector<16xi32>
        %min3A_2039 = arith.minsi %add3A_2036, %min3A_2038 : vector<16xi32>
        %swap3A_2040 = arith.constant 241 : index
        %swap3A_2041 = tpu.vector_load %arg15[%swap3A_2040] {strides = array<i32>} : memref<264xi32, #tpu.memory_space<vmem>>, vector<16xi32>,
        tpu.vector_store %arg15[%swap3A_2040], %min3A_2039 {strides = array<i32>} : memref<264xi32, #tpu.memory_space<vmem>>, vector<16xi32>,
        %swap3A_2042 = arith.constant 0 : index
        %swap3A_2043 = tpu.vector_load %arg14[%swap3A_2042] {strides = array<i32>} : memref<144xi32, #tpu.memory_space<vmem>>, vector<16xi32>,
        tpu.vector_store %arg14[%swap3A_2042], %broadcast_in_dim3A_1328 {strides = array<i32>} : memref<144xi32, #tpu.memory_space<vmem>>, vector<16xi32>,
        %swap3A_2044 = arith.constant 16 : index
        %swap3A_2045 = tpu.vector_load %arg14[%swap3A_2044] {strides = array<i32>} : memref<144xi32, #tpu.memory_space<vmem>>, vector<16xi32>,
        tpu.vector_store %arg14[%swap3A_2044], %broadcast_in_dim3A_1328 {strides = array<i32>} : memref<144xi32, #tpu.memory_space<vmem>>, vector<16xi32>,
        %swap3A_2046 = arith.constant 32 : index
        %swap3A_2047 = tpu.vector_load %arg14[%swap3A_2046] {strides = array<i32>} : memref<144xi32, #tpu.memory_space<vmem>>, vector<16xi32>,
        tpu.vector_store %arg14[%swap3A_2046], %broadcast_in_dim3A_1328 {strides = array<i32>} : memref<144xi32, #tpu.memory_space<vmem>>, vector<16xi32>,
        %swap3A_2048 = arith.constant 48 : index
        %swap3A_2049 = tpu.vector_load %arg14[%swap3A_2048] {strides = array<i32>} : memref<144xi32, #tpu.memory_space<vmem>>, vector<16xi32>,
        tpu.vector_store %arg14[%swap3A_2048], %broadcast_in_dim3A_1328 {strides = array<i32>} : memref<144xi32, #tpu.memory_space<vmem>>, vector<16xi32>,
        %swap3A_2050 = arith.constant 64 : index
        %swap3A_2051 = tpu.vector_load %arg14[%swap3A_2050] {strides = array<i32>} : memref<144xi32, #tpu.memory_space<vmem>>, vector<16xi32>,
        tpu.vector_store %arg14[%swap3A_2050], %broadcast_in_dim3A_1328 {strides = array<i32>} : memref<144xi32, #tpu.memory_space<vmem>>, vector<16xi32>,
        %swap3A_2052 = arith.constant 80 : index
        %swap3A_2053 = tpu.vector_load %arg14[%swap3A_2052] {strides = array<i32>} : memref<144xi32, #tpu.memory_space<vmem>>, vector<16xi32>,
        tpu.vector_store %arg14[%swap3A_2052], %broadcast_in_dim3A_1328 {strides = array<i32>} : memref<144xi32, #tpu.memory_space<vmem>>, vector<16xi32>,
        %swap3A_2054 = arith.constant 96 : index
        %swap3A_2055 = tpu.vector_load %arg14[%swap3A_2054] {strides = array<i32>} : memref<144xi32, #tpu.memory_space<vmem>>, vector<16xi32>,
        tpu.vector_store %arg14[%swap3A_2054], %broadcast_in_dim3A_1328 {strides = array<i32>} : memref<144xi32, #tpu.memory_space<vmem>>, vector<16xi32>,
        %swap3A_2056 = arith.constant 112 : index
        %swap3A_2057 = tpu.vector_load %arg14[%swap3A_2056] {strides = array<i32>} : memref<144xi32, #tpu.memory_space<vmem>>, vector<16xi32>,
        tpu.vector_store %arg14[%swap3A_2056], %broadcast_in_dim3A_1328 {strides = array<i32>} : memref<144xi32, #tpu.memory_space<vmem>>, vector<16xi32>,
        %swap3A_2058 = arith.constant 128 : index
        %swap3A_2059 = tpu.vector_load %arg14[%swap3A_2058] {strides = array<i32>} : memref<144xi32, #tpu.memory_space<vmem>>, vector<16xi32>,
        tpu.vector_store %arg14[%swap3A_2058], %broadcast_in_dim3A_1328 {strides = array<i32>} : memref<144xi32, #tpu.memory_space<vmem>>, vector<16xi32>,
        %get3A_2060 = arith.constant 0 : index
        %get3A_2061 = tpu.vector_load %arg15[%get3A_2060] {strides = array<i32>} : memref<264xi32, #tpu.memory_space<vmem>>, vector<16xi32>,
        %get3A_2062 = arith.constant 1 : index
        %get3A_2063 = tpu.vector_load %arg15[%get3A_2062] {strides = array<i32>} : memref<264xi32, #tpu.memory_space<vmem>>, vector<16xi32>,
        %ne3A_2064 = arith.cmpi ne, %get3A_2061, %get3A_2063 : vector<16xi32>
        %add3A_2065 = arith.constant 1 : i32
        %add3A_2066 = vector.broadcast %add3A_2065 : i32 to vector<16xi32>
        %add3A_2067 = arith.addi %iota3A, %add3A_2066 : vector<16xi32>
        tpu.vector_store_idx %arg14[%get3A_2061], %add3A_2067 masked %ne3A_2064 : memref<144xi32, #tpu.memory_space<vmem>>[vector<16xi32>], vector<16xi32>, vector<16xi1>
        %get3A_2068 = arith.constant 16 : index
        %get3A_2069 = tpu.vector_load %arg15[%get3A_2068] {strides = array<i32>} : memref<264xi32, #tpu.memory_space<vmem>>, vector<16xi32>,
        %get3A_2070 = arith.constant 17 : index
        %get3A_2071 = tpu.vector_load %arg15[%get3A_2070] {strides = array<i32>} : memref<264xi32, #tpu.memory_space<vmem>>, vector<16xi32>,
        %ne3A_2072 = arith.cmpi ne, %get3A_2069, %get3A_2071 : vector<16xi32>
        %add3A_2073 = arith.constant 17 : i32
        %add3A_2074 = vector.broadcast %add3A_2073 : i32 to vector<16xi32>
        %add3A_2075 = arith.addi %iota3A, %add3A_2074 : vector<16xi32>
        tpu.vector_store_idx %arg14[%get3A_2069], %add3A_2075 masked %ne3A_2072 : memref<144xi32, #tpu.memory_space<vmem>>[vector<16xi32>], vector<16xi32>, vector<16xi1>
        %get3A_2076 = arith.constant 32 : index
        %get3A_2077 = tpu.vector_load %arg15[%get3A_2076] {strides = array<i32>} : memref<264xi32, #tpu.memory_space<vmem>>, vector<16xi32>,
        %get3A_2078 = arith.constant 33 : index
        %get3A_2079 = tpu.vector_load %arg15[%get3A_2078] {strides = array<i32>} : memref<264xi32, #tpu.memory_space<vmem>>, vector<16xi32>,
        %ne3A_2080 = arith.cmpi ne, %get3A_2077, %get3A_2079 : vector<16xi32>
        %add3A_2081 = arith.constant 33 : i32
        %add3A_2082 = vector.broadcast %add3A_2081 : i32 to vector<16xi32>
        %add3A_2083 = arith.addi %iota3A, %add3A_2082 : vector<16xi32>
        tpu.vector_store_idx %arg14[%get3A_2077], %add3A_2083 masked %ne3A_2080 : memref<144xi32, #tpu.memory_space<vmem>>[vector<16xi32>], vector<16xi32>, vector<16xi1>
        %get3A_2084 = arith.constant 48 : index
        %get3A_2085 = tpu.vector_load %arg15[%get3A_2084] {strides = array<i32>} : memref<264xi32, #tpu.memory_space<vmem>>, vector<16xi32>,
        %get3A_2086 = arith.constant 49 : index
        %get3A_2087 = tpu.vector_load %arg15[%get3A_2086] {strides = array<i32>} : memref<264xi32, #tpu.memory_space<vmem>>, vector<16xi32>,
        %ne3A_2088 = arith.cmpi ne, %get3A_2085, %get3A_2087 : vector<16xi32>
        %add3A_2089 = arith.constant 49 : i32
        %add3A_2090 = vector.broadcast %add3A_2089 : i32 to vector<16xi32>
        %add3A_2091 = arith.addi %iota3A, %add3A_2090 : vector<16xi32>
        tpu.vector_store_idx %arg14[%get3A_2085], %add3A_2091 masked %ne3A_2088 : memref<144xi32, #tpu.memory_space<vmem>>[vector<16xi32>], vector<16xi32>, vector<16xi1>
        %get3A_2092 = arith.constant 64 : index
        %get3A_2093 = tpu.vector_load %arg15[%get3A_2092] {strides = array<i32>} : memref<264xi32, #tpu.memory_space<vmem>>, vector<16xi32>,
        %get3A_2094 = arith.constant 65 : index
        %get3A_2095 = tpu.vector_load %arg15[%get3A_2094] {strides = array<i32>} : memref<264xi32, #tpu.memory_space<vmem>>, vector<16xi32>,
        %ne3A_2096 = arith.cmpi ne, %get3A_2093, %get3A_2095 : vector<16xi32>
        %add3A_2097 = arith.constant 65 : i32
        %add3A_2098 = vector.broadcast %add3A_2097 : i32 to vector<16xi32>
        %add3A_2099 = arith.addi %iota3A, %add3A_2098 : vector<16xi32>
        tpu.vector_store_idx %arg14[%get3A_2093], %add3A_2099 masked %ne3A_2096 : memref<144xi32, #tpu.memory_space<vmem>>[vector<16xi32>], vector<16xi32>, vector<16xi1>
        %get3A_2100 = arith.constant 80 : index
        %get3A_2101 = tpu.vector_load %arg15[%get3A_2100] {strides = array<i32>} : memref<264xi32, #tpu.memory_space<vmem>>, vector<16xi32>,
        %get3A_2102 = arith.constant 81 : index
        %get3A_2103 = tpu.vector_load %arg15[%get3A_2102] {strides = array<i32>} : memref<264xi32, #tpu.memory_space<vmem>>, vector<16xi32>,
        %ne3A_2104 = arith.cmpi ne, %get3A_2101, %get3A_2103 : vector<16xi32>
        %add3A_2105 = arith.constant 81 : i32
        %add3A_2106 = vector.broadcast %add3A_2105 : i32 to vector<16xi32>
        %add3A_2107 = arith.addi %iota3A, %add3A_2106 : vector<16xi32>
        tpu.vector_store_idx %arg14[%get3A_2101], %add3A_2107 masked %ne3A_2104 : memref<144xi32, #tpu.memory_space<vmem>>[vector<16xi32>], vector<16xi32>, vector<16xi1>
        %get3A_2108 = arith.constant 96 : index
        %get3A_2109 = tpu.vector_load %arg15[%get3A_2108] {strides = array<i32>} : memref<264xi32, #tpu.memory_space<vmem>>, vector<16xi32>,
        %get3A_2110 = arith.constant 97 : index
        %get3A_2111 = tpu.vector_load %arg15[%get3A_2110] {strides = array<i32>} : memref<264xi32, #tpu.memory_space<vmem>>, vector<16xi32>,
        %ne3A_2112 = arith.cmpi ne, %get3A_2109, %get3A_2111 : vector<16xi32>
        %add3A_2113 = arith.constant 97 : i32
        %add3A_2114 = vector.broadcast %add3A_2113 : i32 to vector<16xi32>
        %add3A_2115 = arith.addi %iota3A, %add3A_2114 : vector<16xi32>
        tpu.vector_store_idx %arg14[%get3A_2109], %add3A_2115 masked %ne3A_2112 : memref<144xi32, #tpu.memory_space<vmem>>[vector<16xi32>], vector<16xi32>, vector<16xi1>
        %get3A_2116 = arith.constant 112 : index
        %get3A_2117 = tpu.vector_load %arg15[%get3A_2116] {strides = array<i32>} : memref<264xi32, #tpu.memory_space<vmem>>, vector<16xi32>,
        %get3A_2118 = arith.constant 113 : index
        %get3A_2119 = tpu.vector_load %arg15[%get3A_2118] {strides = array<i32>} : memref<264xi32, #tpu.memory_space<vmem>>, vector<16xi32>,
        %ne3A_2120 = arith.cmpi ne, %get3A_2117, %get3A_2119 : vector<16xi32>
        %add3A_2121 = arith.constant 113 : i32
        %add3A_2122 = vector.broadcast %add3A_2121 : i32 to vector<16xi32>
        %add3A_2123 = arith.addi %iota3A, %add3A_2122 : vector<16xi32>
        tpu.vector_store_idx %arg14[%get3A_2117], %add3A_2123 masked %ne3A_2120 : memref<144xi32, #tpu.memory_space<vmem>>[vector<16xi32>], vector<16xi32>, vector<16xi1>
        %get3A_2124 = arith.constant 128 : index
        %get3A_2125 = tpu.vector_load %arg15[%get3A_2124] {strides = array<i32>} : memref<264xi32, #tpu.memory_space<vmem>>, vector<16xi32>,
        %get3A_2126 = arith.constant 129 : index
        %get3A_2127 = tpu.vector_load %arg15[%get3A_2126] {strides = array<i32>} : memref<264xi32, #tpu.memory_space<vmem>>, vector<16xi32>,
        %ne3A_2128 = arith.cmpi ne, %get3A_2125, %get3A_2127 : vector<16xi32>
        %add3A_2129 = arith.constant 129 : i32
        %add3A_2130 = vector.broadcast %add3A_2129 : i32 to vector<16xi32>
        %add3A_2131 = arith.addi %iota3A, %add3A_2130 : vector<16xi32>
        tpu.vector_store_idx %arg14[%get3A_2125], %add3A_2131 masked %ne3A_2128 : memref<144xi32, #tpu.memory_space<vmem>>[vector<16xi32>], vector<16xi32>, vector<16xi1>
        %get3A_2132 = arith.constant 144 : index
        %get3A_2133 = tpu.vector_load %arg15[%get3A_2132] {strides = array<i32>} : memref<264xi32, #tpu.memory_space<vmem>>, vector<16xi32>,
        %get3A_2134 = arith.constant 145 : index
        %get3A_2135 = tpu.vector_load %arg15[%get3A_2134] {strides = array<i32>} : memref<264xi32, #tpu.memory_space<vmem>>, vector<16xi32>,
        %ne3A_2136 = arith.cmpi ne, %get3A_2133, %get3A_2135 : vector<16xi32>
        %add3A_2137 = arith.constant 145 : i32
        %add3A_2138 = vector.broadcast %add3A_2137 : i32 to vector<16xi32>
        %add3A_2139 = arith.addi %iota3A, %add3A_2138 : vector<16xi32>
        tpu.vector_store_idx %arg14[%get3A_2133], %add3A_2139 masked %ne3A_2136 : memref<144xi32, #tpu.memory_space<vmem>>[vector<16xi32>], vector<16xi32>, vector<16xi1>
        %get3A_2140 = arith.constant 160 : index
        %get3A_2141 = tpu.vector_load %arg15[%get3A_2140] {strides = array<i32>} : memref<264xi32, #tpu.memory_space<vmem>>, vector<16xi32>,
        %get3A_2142 = arith.constant 161 : index
        %get3A_2143 = tpu.vector_load %arg15[%get3A_2142] {strides = array<i32>} : memref<264xi32, #tpu.memory_space<vmem>>, vector<16xi32>,
        %ne3A_2144 = arith.cmpi ne, %get3A_2141, %get3A_2143 : vector<16xi32>
        %add3A_2145 = arith.constant 161 : i32
        %add3A_2146 = vector.broadcast %add3A_2145 : i32 to vector<16xi32>
        %add3A_2147 = arith.addi %iota3A, %add3A_2146 : vector<16xi32>
        tpu.vector_store_idx %arg14[%get3A_2141], %add3A_2147 masked %ne3A_2144 : memref<144xi32, #tpu.memory_space<vmem>>[vector<16xi32>], vector<16xi32>, vector<16xi1>
        %get3A_2148 = arith.constant 176 : index
        %get3A_2149 = tpu.vector_load %arg15[%get3A_2148] {strides = array<i32>} : memref<264xi32, #tpu.memory_space<vmem>>, vector<16xi32>,
        %get3A_2150 = arith.constant 177 : index
        %get3A_2151 = tpu.vector_load %arg15[%get3A_2150] {strides = array<i32>} : memref<264xi32, #tpu.memory_space<vmem>>, vector<16xi32>,
        %ne3A_2152 = arith.cmpi ne, %get3A_2149, %get3A_2151 : vector<16xi32>
        %add3A_2153 = arith.constant 177 : i32
        %add3A_2154 = vector.broadcast %add3A_2153 : i32 to vector<16xi32>
        %add3A_2155 = arith.addi %iota3A, %add3A_2154 : vector<16xi32>
        tpu.vector_store_idx %arg14[%get3A_2149], %add3A_2155 masked %ne3A_2152 : memref<144xi32, #tpu.memory_space<vmem>>[vector<16xi32>], vector<16xi32>, vector<16xi1>
        %get3A_2156 = arith.constant 192 : index
        %get3A_2157 = tpu.vector_load %arg15[%get3A_2156] {strides = array<i32>} : memref<264xi32, #tpu.memory_space<vmem>>, vector<16xi32>,
        %get3A_2158 = arith.constant 193 : index
        %get3A_2159 = tpu.vector_load %arg15[%get3A_2158] {strides = array<i32>} : memref<264xi32, #tpu.memory_space<vmem>>, vector<16xi32>,
        %ne3A_2160 = arith.cmpi ne, %get3A_2157, %get3A_2159 : vector<16xi32>
        %add3A_2161 = arith.constant 193 : i32
        %add3A_2162 = vector.broadcast %add3A_2161 : i32 to vector<16xi32>
        %add3A_2163 = arith.addi %iota3A, %add3A_2162 : vector<16xi32>
        tpu.vector_store_idx %arg14[%get3A_2157], %add3A_2163 masked %ne3A_2160 : memref<144xi32, #tpu.memory_space<vmem>>[vector<16xi32>], vector<16xi32>, vector<16xi1>
        %get3A_2164 = arith.constant 208 : index
        %get3A_2165 = tpu.vector_load %arg15[%get3A_2164] {strides = array<i32>} : memref<264xi32, #tpu.memory_space<vmem>>, vector<16xi32>,
        %get3A_2166 = arith.constant 209 : index
        %get3A_2167 = tpu.vector_load %arg15[%get3A_2166] {strides = array<i32>} : memref<264xi32, #tpu.memory_space<vmem>>, vector<16xi32>,
        %ne3A_2168 = arith.cmpi ne, %get3A_2165, %get3A_2167 : vector<16xi32>
        %add3A_2169 = arith.constant 209 : i32
        %add3A_2170 = vector.broadcast %add3A_2169 : i32 to vector<16xi32>
        %add3A_2171 = arith.addi %iota3A, %add3A_2170 : vector<16xi32>
        tpu.vector_store_idx %arg14[%get3A_2165], %add3A_2171 masked %ne3A_2168 : memref<144xi32, #tpu.memory_space<vmem>>[vector<16xi32>], vector<16xi32>, vector<16xi1>
        %get3A_2172 = arith.constant 224 : index
        %get3A_2173 = tpu.vector_load %arg15[%get3A_2172] {strides = array<i32>} : memref<264xi32, #tpu.memory_space<vmem>>, vector<16xi32>,
        %get3A_2174 = arith.constant 225 : index
        %get3A_2175 = tpu.vector_load %arg15[%get3A_2174] {strides = array<i32>} : memref<264xi32, #tpu.memory_space<vmem>>, vector<16xi32>,
        %ne3A_2176 = arith.cmpi ne, %get3A_2173, %get3A_2175 : vector<16xi32>
        %add3A_2177 = arith.constant 225 : i32
        %add3A_2178 = vector.broadcast %add3A_2177 : i32 to vector<16xi32>
        %add3A_2179 = arith.addi %iota3A, %add3A_2178 : vector<16xi32>
        tpu.vector_store_idx %arg14[%get3A_2173], %add3A_2179 masked %ne3A_2176 : memref<144xi32, #tpu.memory_space<vmem>>[vector<16xi32>], vector<16xi32>, vector<16xi1>
        %get3A_2180 = arith.constant 240 : index
        %get3A_2181 = tpu.vector_load %arg15[%get3A_2180] {strides = array<i32>} : memref<264xi32, #tpu.memory_space<vmem>>, vector<16xi32>,
        %get3A_2182 = arith.constant 241 : index
        %get3A_2183 = tpu.vector_load %arg15[%get3A_2182] {strides = array<i32>} : memref<264xi32, #tpu.memory_space<vmem>>, vector<16xi32>,
        %ne3A_2184 = arith.cmpi ne, %get3A_2181, %get3A_2183 : vector<16xi32>
        %add3A_2185 = arith.constant 241 : i32
        %add3A_2186 = vector.broadcast %add3A_2185 : i32 to vector<16xi32>
        %add3A_2187 = arith.addi %iota3A, %add3A_2186 : vector<16xi32>
        tpu.vector_store_idx %arg14[%get3A_2181], %add3A_2187 masked %ne3A_2184 : memref<144xi32, #tpu.memory_space<vmem>>[vector<16xi32>], vector<16xi32>, vector<16xi1>
        %get3A_2188 = arith.constant 0 : index
        %get3A_2189 = tpu.vector_load %arg14[%get3A_2188] {strides = array<i32>} : memref<144xi32, #tpu.memory_space<vmem>>, vector<16xi32>,
        %broadcast_in_dim3A_2190 = arith.constant true
        %broadcast_in_dim3A_2191 = vector.broadcast %broadcast_in_dim3A_2190 : i1 to vector<16xi1>
        %masked_cummax3A_2192 = arith.constant -2147483648 : i32
        %masked_cummax3A_2193 = vector.broadcast %masked_cummax3A_2192 : i32 to vector<16xi32>
        %masked_cummax3A_2194 = arith.xori %get3A_2189, %masked_cummax3A_2193 : vector<16xi32>
        %masked_cummax3A_2195 = tpu.scan <max>, %masked_cummax3A_2194 masked %broadcast_in_dim3A_2191 : vector<16xi32>, vector<16xi1> -> vector<16xi32>
        %masked_cummax3A_2196 = arith.xori %masked_cummax3A_2195, %masked_cummax3A_2193 : vector<16xi32>
        %get3A_2197 = arith.constant 16 : index
        %get3A_2198 = tpu.vector_load %arg14[%get3A_2197] {strides = array<i32>} : memref<144xi32, #tpu.memory_space<vmem>>, vector<16xi32>,
        %broadcast_in_dim3A_2199 = arith.constant true
        %broadcast_in_dim3A_2200 = vector.broadcast %broadcast_in_dim3A_2199 : i1 to vector<16xi1>
        %masked_cummax3A_2201 = arith.constant -2147483648 : i32
        %masked_cummax3A_2202 = vector.broadcast %masked_cummax3A_2201 : i32 to vector<16xi32>
        %masked_cummax3A_2203 = arith.xori %get3A_2198, %masked_cummax3A_2202 : vector<16xi32>
        %masked_cummax3A_2204 = tpu.scan <max>, %masked_cummax3A_2203 masked %broadcast_in_dim3A_2200 : vector<16xi32>, vector<16xi1> -> vector<16xi32>
        %masked_cummax3A_2205 = arith.xori %masked_cummax3A_2204, %masked_cummax3A_2202 : vector<16xi32>
        %get3A_2206 = arith.constant 32 : index
        %get3A_2207 = tpu.vector_load %arg14[%get3A_2206] {strides = array<i32>} : memref<144xi32, #tpu.memory_space<vmem>>, vector<16xi32>,
        %broadcast_in_dim3A_2208 = arith.constant true
        %broadcast_in_dim3A_2209 = vector.broadcast %broadcast_in_dim3A_2208 : i1 to vector<16xi1>
        %masked_cummax3A_2210 = arith.constant -2147483648 : i32
        %masked_cummax3A_2211 = vector.broadcast %masked_cummax3A_2210 : i32 to vector<16xi32>
        %masked_cummax3A_2212 = arith.xori %get3A_2207, %masked_cummax3A_2211 : vector<16xi32>
        %masked_cummax3A_2213 = tpu.scan <max>, %masked_cummax3A_2212 masked %broadcast_in_dim3A_2209 : vector<16xi32>, vector<16xi1> -> vector<16xi32>
        %masked_cummax3A_2214 = arith.xori %masked_cummax3A_2213, %masked_cummax3A_2211 : vector<16xi32>
        %get3A_2215 = arith.constant 48 : index
        %get3A_2216 = tpu.vector_load %arg14[%get3A_2215] {strides = array<i32>} : memref<144xi32, #tpu.memory_space<vmem>>, vector<16xi32>,
        %broadcast_in_dim3A_2217 = arith.constant true
        %broadcast_in_dim3A_2218 = vector.broadcast %broadcast_in_dim3A_2217 : i1 to vector<16xi1>
        %masked_cummax3A_2219 = arith.constant -2147483648 : i32
        %masked_cummax3A_2220 = vector.broadcast %masked_cummax3A_2219 : i32 to vector<16xi32>
        %masked_cummax3A_2221 = arith.xori %get3A_2216, %masked_cummax3A_2220 : vector<16xi32>
        %masked_cummax3A_2222 = tpu.scan <max>, %masked_cummax3A_2221 masked %broadcast_in_dim3A_2218 : vector<16xi32>, vector<16xi1> -> vector<16xi32>
        %masked_cummax3A_2223 = arith.xori %masked_cummax3A_2222, %masked_cummax3A_2220 : vector<16xi32>
        %get3A_2224 = arith.constant 64 : index
        %get3A_2225 = tpu.vector_load %arg14[%get3A_2224] {strides = array<i32>} : memref<144xi32, #tpu.memory_space<vmem>>, vector<16xi32>,
        %broadcast_in_dim3A_2226 = arith.constant true
        %broadcast_in_dim3A_2227 = vector.broadcast %broadcast_in_dim3A_2226 : i1 to vector<16xi1>
        %masked_cummax3A_2228 = arith.constant -2147483648 : i32
        %masked_cummax3A_2229 = vector.broadcast %masked_cummax3A_2228 : i32 to vector<16xi32>
        %masked_cummax3A_2230 = arith.xori %get3A_2225, %masked_cummax3A_2229 : vector<16xi32>
        %masked_cummax3A_2231 = tpu.scan <max>, %masked_cummax3A_2230 masked %broadcast_in_dim3A_2227 : vector<16xi32>, vector<16xi1> -> vector<16xi32>
        %masked_cummax3A_2232 = arith.xori %masked_cummax3A_2231, %masked_cummax3A_2229 : vector<16xi32>
        %get3A_2233 = arith.constant 80 : index
        %get3A_2234 = tpu.vector_load %arg14[%get3A_2233] {strides = array<i32>} : memref<144xi32, #tpu.memory_space<vmem>>, vector<16xi32>,
        %broadcast_in_dim3A_2235 = arith.constant true
        %broadcast_in_dim3A_2236 = vector.broadcast %broadcast_in_dim3A_2235 : i1 to vector<16xi1>
        %masked_cummax3A_2237 = arith.constant -2147483648 : i32
        %masked_cummax3A_2238 = vector.broadcast %masked_cummax3A_2237 : i32 to vector<16xi32>
        %masked_cummax3A_2239 = arith.xori %get3A_2234, %masked_cummax3A_2238 : vector<16xi32>
        %masked_cummax3A_2240 = tpu.scan <max>, %masked_cummax3A_2239 masked %broadcast_in_dim3A_2236 : vector<16xi32>, vector<16xi1> -> vector<16xi32>
        %masked_cummax3A_2241 = arith.xori %masked_cummax3A_2240, %masked_cummax3A_2238 : vector<16xi32>
        %get3A_2242 = arith.constant 96 : index
        %get3A_2243 = tpu.vector_load %arg14[%get3A_2242] {strides = array<i32>} : memref<144xi32, #tpu.memory_space<vmem>>, vector<16xi32>,
        %broadcast_in_dim3A_2244 = arith.constant true
        %broadcast_in_dim3A_2245 = vector.broadcast %broadcast_in_dim3A_2244 : i1 to vector<16xi1>
        %masked_cummax3A_2246 = arith.constant -2147483648 : i32
        %masked_cummax3A_2247 = vector.broadcast %masked_cummax3A_2246 : i32 to vector<16xi32>
        %masked_cummax3A_2248 = arith.xori %get3A_2243, %masked_cummax3A_2247 : vector<16xi32>
        %masked_cummax3A_2249 = tpu.scan <max>, %masked_cummax3A_2248 masked %broadcast_in_dim3A_2245 : vector<16xi32>, vector<16xi1> -> vector<16xi32>
        %masked_cummax3A_2250 = arith.xori %masked_cummax3A_2249, %masked_cummax3A_2247 : vector<16xi32>
        %get3A_2251 = arith.constant 112 : index
        %get3A_2252 = tpu.vector_load %arg14[%get3A_2251] {strides = array<i32>} : memref<144xi32, #tpu.memory_space<vmem>>, vector<16xi32>,
        %broadcast_in_dim3A_2253 = arith.constant true
        %broadcast_in_dim3A_2254 = vector.broadcast %broadcast_in_dim3A_2253 : i1 to vector<16xi1>
        %masked_cummax3A_2255 = arith.constant -2147483648 : i32
        %masked_cummax3A_2256 = vector.broadcast %masked_cummax3A_2255 : i32 to vector<16xi32>
        %masked_cummax3A_2257 = arith.xori %get3A_2252, %masked_cummax3A_2256 : vector<16xi32>
        %masked_cummax3A_2258 = tpu.scan <max>, %masked_cummax3A_2257 masked %broadcast_in_dim3A_2254 : vector<16xi32>, vector<16xi1> -> vector<16xi32>
        %masked_cummax3A_2259 = arith.xori %masked_cummax3A_2258, %masked_cummax3A_2256 : vector<16xi32>
        %get3A_2260 = arith.constant 128 : index
        %get3A_2261 = tpu.vector_load %arg14[%get3A_2260] {strides = array<i32>} : memref<144xi32, #tpu.memory_space<vmem>>, vector<16xi32>,
        %broadcast_in_dim3A_2262 = arith.constant true
        %broadcast_in_dim3A_2263 = vector.broadcast %broadcast_in_dim3A_2262 : i1 to vector<16xi1>
        %masked_cummax3A_2264 = arith.constant -2147483648 : i32
        %masked_cummax3A_2265 = vector.broadcast %masked_cummax3A_2264 : i32 to vector<16xi32>
        %masked_cummax3A_2266 = arith.xori %get3A_2261, %masked_cummax3A_2265 : vector<16xi32>
        %masked_cummax3A_2267 = tpu.scan <max>, %masked_cummax3A_2266 masked %broadcast_in_dim3A_2263 : vector<16xi32>, vector<16xi1> -> vector<16xi32>
        %masked_cummax3A_2268 = arith.xori %masked_cummax3A_2267, %masked_cummax3A_2265 : vector<16xi32>
        %broadcast_in_dim3A_2269 = vector.shape_cast %broadcast_in_dim3A_1 : vector<16xi32> to vector<16x1xi32>
        %gather3A_2270 = vector.shape_cast %broadcast_in_dim3A_2269 : vector<16x1xi32> to vector<16xi32>
        %gather3A_2271 = tpu.dynamic_gather %masked_cummax3A_2196[%gather3A_2270] in [0] : vector<16xi32>, vector<16xi32> -> vector<16xi32>
        %broadcast_in_dim3A_2272 = vector.shape_cast %broadcast_in_dim3A_1 : vector<16xi32> to vector<16x1xi32>
        %gather3A_2273 = vector.shape_cast %broadcast_in_dim3A_2272 : vector<16x1xi32> to vector<16xi32>
        %gather3A_2274 = tpu.dynamic_gather %masked_cummax3A_2205[%gather3A_2273] in [0] : vector<16xi32>, vector<16xi32> -> vector<16xi32>
        %broadcast_in_dim3A_2275 = vector.shape_cast %broadcast_in_dim3A_1 : vector<16xi32> to vector<16x1xi32>
        %gather3A_2276 = vector.shape_cast %broadcast_in_dim3A_2275 : vector<16x1xi32> to vector<16xi32>
        %gather3A_2277 = tpu.dynamic_gather %masked_cummax3A_2214[%gather3A_2276] in [0] : vector<16xi32>, vector<16xi32> -> vector<16xi32>
        %broadcast_in_dim3A_2278 = vector.shape_cast %broadcast_in_dim3A_1 : vector<16xi32> to vector<16x1xi32>
        %gather3A_2279 = vector.shape_cast %broadcast_in_dim3A_2278 : vector<16x1xi32> to vector<16xi32>
        %gather3A_2280 = tpu.dynamic_gather %masked_cummax3A_2223[%gather3A_2279] in [0] : vector<16xi32>, vector<16xi32> -> vector<16xi32>
        %broadcast_in_dim3A_2281 = vector.shape_cast %broadcast_in_dim3A_1 : vector<16xi32> to vector<16x1xi32>
        %gather3A_2282 = vector.shape_cast %broadcast_in_dim3A_2281 : vector<16x1xi32> to vector<16xi32>
        %gather3A_2283 = tpu.dynamic_gather %masked_cummax3A_2232[%gather3A_2282] in [0] : vector<16xi32>, vector<16xi32> -> vector<16xi32>
        %broadcast_in_dim3A_2284 = vector.shape_cast %broadcast_in_dim3A_1 : vector<16xi32> to vector<16x1xi32>
        %gather3A_2285 = vector.shape_cast %broadcast_in_dim3A_2284 : vector<16x1xi32> to vector<16xi32>
        %gather3A_2286 = tpu.dynamic_gather %masked_cummax3A_2241[%gather3A_2285] in [0] : vector<16xi32>, vector<16xi32> -> vector<16xi32>
        %broadcast_in_dim3A_2287 = vector.shape_cast %broadcast_in_dim3A_1 : vector<16xi32> to vector<16x1xi32>
        %gather3A_2288 = vector.shape_cast %broadcast_in_dim3A_2287 : vector<16x1xi32> to vector<16xi32>
        %gather3A_2289 = tpu.dynamic_gather %masked_cummax3A_2250[%gather3A_2288] in [0] : vector<16xi32>, vector<16xi32> -> vector<16xi32>
        %broadcast_in_dim3A_2290 = vector.shape_cast %broadcast_in_dim3A_1 : vector<16xi32> to vector<16x1xi32>
        %gather3A_2291 = vector.shape_cast %broadcast_in_dim3A_2290 : vector<16x1xi32> to vector<16xi32>
        %gather3A_2292 = tpu.dynamic_gather %masked_cummax3A_2259[%gather3A_2291] in [0] : vector<16xi32>, vector<16xi32> -> vector<16xi32>
        %broadcast_in_dim3A_2293 = vector.shape_cast %broadcast_in_dim3A_1 : vector<16xi32> to vector<16x1xi32>
        %gather3A_2294 = vector.shape_cast %broadcast_in_dim3A_2293 : vector<16x1xi32> to vector<16xi32>
        %gather3A_2295 = tpu.dynamic_gather %masked_cummax3A_2268[%gather3A_2294] in [0] : vector<16xi32>, vector<16xi32> -> vector<16xi32>
        %max3A_2296 = arith.maxsi %gather3A_2271, %gather3A_2274 : vector<16xi32>
        %max3A_2297 = arith.maxsi %max3A_2296, %gather3A_2277 : vector<16xi32>
        %max3A_2298 = arith.maxsi %max3A_2297, %gather3A_2280 : vector<16xi32>
        %max3A_2299 = arith.maxsi %max3A_2298, %gather3A_2283 : vector<16xi32>
        %max3A_2300 = arith.maxsi %max3A_2299, %gather3A_2286 : vector<16xi32>
        %max3A_2301 = arith.maxsi %max3A_2300, %gather3A_2289 : vector<16xi32>
        %max3A_2302 = arith.maxsi %max3A_2301, %gather3A_2292 : vector<16xi32>
        %broadcast_in_dim3A_2303 = arith.constant 0 : i32
        %broadcast_in_dim3A_2304 = vector.broadcast %broadcast_in_dim3A_2303 : i32 to vector<16xi32>
        %add3A_2305 = vector.broadcast %add3A_1326 : i32 to vector<16xi32>
        %add3A_2306 = arith.addi %broadcast_in_dim3A_2304, %add3A_2305 : vector<16xi32>
        %sub3A_2307 = arith.constant 1 : i32
        %sub3A_2308 = vector.broadcast %sub3A_2307 : i32 to vector<16xi32>
        %sub3A_2309 = arith.subi %masked_cummax3A_2196, %sub3A_2308 : vector<16xi32>
        %gather3A_2310 = tpu.vector_load_idx %arg13[%sub3A_2309] : memref<257xf32, #tpu.memory_space<vmem>>[vector<16xi32>], vector<16xf32>,
        %gather3A_2311 = tpu.vector_load_idx %arg13[%masked_cummax3A_2196] : memref<257xf32, #tpu.memory_space<vmem>>[vector<16xi32>], vector<16xf32>,
        %gather3A_2312 = tpu.vector_load_idx %arg8[%add3A_2306, %sub3A_2309] : memref<128x257xf32, #tpu.memory_space<vmem>>[vector<16xi32>, vector<16xi32>], vector<16xf32>,
        %gather3A_2313 = tpu.vector_load_idx %arg8[%add3A_2306, %masked_cummax3A_2196] : memref<128x257xf32, #tpu.memory_space<vmem>>[vector<16xi32>, vector<16xi32>], vector<16xf32>,
        %get3A_2314 = arith.constant 0 : index
        %get3A_2315 = tpu.vector_load %arg6[%get3A_2314] {strides = array<i32>} : memref<144xf32, #tpu.memory_space<vmem>>, vector<16xf32>,
        %sub3A_2316 = arith.subf %gather3A_2311, %gather3A_2310 : vector<16xf32>
        %sub3A_2317 = arith.subf %get3A_2315, %gather3A_2310 : vector<16xf32>
        %div3A_2318 = arith.divf %sub3A_2317, %sub3A_2316 : vector<16xf32>
        %eq3A_2319 = arith.constant 0.000000e+00 : f32
        %eq3A_2320 = vector.broadcast %eq3A_2319 : f32 to vector<16xf32>
        %eq3A_2321 = arith.cmpf oeq, %sub3A_2316, %eq3A_2320 : vector<16xf32>
        %gt3A_2322 = arith.constant 0.000000e+00 : f32
        %gt3A_2323 = vector.broadcast %gt3A_2322 : f32 to vector<16xf32>
        %gt3A_2324 = arith.cmpf ogt, %sub3A_2317, %gt3A_2323 : vector<16xf32>
        %jit3A_2325 = arith.constant 1.000000e+00 : f32
        %jit3A_2326 = arith.constant 0.000000e+00 : f32
        %broadcast_in_dim3A_2327 = vector.broadcast %jit3A_2325 : f32 to vector<16xf32>
        %broadcast_in_dim3A_2328 = vector.broadcast %jit3A_2326 : f32 to vector<16xf32>
        %select_n3A_2329 = arith.select %gt3A_2324, %broadcast_in_dim3A_2327, %broadcast_in_dim3A_2328 : vector<16xi1>, vector<16xf32>
        %select_n3A_2330 = arith.select %eq3A_2321, %select_n3A_2329, %div3A_2318 : vector<16xi1>, vector<16xf32>
        %jit3A_2331 = arith.constant 0.000000e+00 : f32
        %jit3A_2332 = arith.constant 1.000000e+00 : f32
        %max3A_2333 = vector.broadcast %jit3A_2331 : f32 to vector<16xf32>
        %max3A_2334 = arith.maximumf %max3A_2333, %select_n3A_2330 : vector<16xf32>
        %min3A_2335 = vector.broadcast %jit3A_2332 : f32 to vector<16xf32>
        %min3A_2336 = arith.minimumf %min3A_2335, %max3A_2334 : vector<16xf32>
        %sub3A_2337 = arith.subf %gather3A_2313, %gather3A_2312 : vector<16xf32>
        %mul3A_2338 = arith.mulf %min3A_2336, %sub3A_2337 : vector<16xf32>
        %add3A_2339 = arith.addf %gather3A_2312, %mul3A_2338 : vector<16xf32>
        %swap3A_2340 = arith.index_cast %add3A_1326 : i32 to index
        %swap3A_2341 = arith.constant 0 : index
        %swap3A_2342 = tpu.vector_load %arg9[%swap3A_2340, %swap3A_2341] {strides = array<i32>} : memref<128x144xf32, #tpu.memory_space<vmem>>, vector<16xf32>,
        tpu.vector_store %arg9[%swap3A_2340, %swap3A_2341], %add3A_2339 {strides = array<i32>} : memref<128x144xf32, #tpu.memory_space<vmem>>, vector<16xf32>,
        %max3A_2343 = arith.maxsi %masked_cummax3A_2205, %gather3A_2271 : vector<16xi32>
        %sub3A_2344 = arith.constant 1 : i32
        %sub3A_2345 = vector.broadcast %sub3A_2344 : i32 to vector<16xi32>
        %sub3A_2346 = arith.subi %max3A_2343, %sub3A_2345 : vector<16xi32>
        %gather3A_2347 = tpu.vector_load_idx %arg13[%sub3A_2346] : memref<257xf32, #tpu.memory_space<vmem>>[vector<16xi32>], vector<16xf32>,
        %gather3A_2348 = tpu.vector_load_idx %arg13[%max3A_2343] : memref<257xf32, #tpu.memory_space<vmem>>[vector<16xi32>], vector<16xf32>,
        %gather3A_2349 = tpu.vector_load_idx %arg8[%add3A_2306, %sub3A_2346] : memref<128x257xf32, #tpu.memory_space<vmem>>[vector<16xi32>, vector<16xi32>], vector<16xf32>,
        %gather3A_2350 = tpu.vector_load_idx %arg8[%add3A_2306, %max3A_2343] : memref<128x257xf32, #tpu.memory_space<vmem>>[vector<16xi32>, vector<16xi32>], vector<16xf32>,
        %get3A_2351 = arith.constant 16 : index
        %get3A_2352 = tpu.vector_load %arg6[%get3A_2351] {strides = array<i32>} : memref<144xf32, #tpu.memory_space<vmem>>, vector<16xf32>,
        %sub3A_2353 = arith.subf %gather3A_2348, %gather3A_2347 : vector<16xf32>
        %sub3A_2354 = arith.subf %get3A_2352, %gather3A_2347 : vector<16xf32>
        %div3A_2355 = arith.divf %sub3A_2354, %sub3A_2353 : vector<16xf32>
        %eq3A_2356 = arith.constant 0.000000e+00 : f32
        %eq3A_2357 = vector.broadcast %eq3A_2356 : f32 to vector<16xf32>
        %eq3A_2358 = arith.cmpf oeq, %sub3A_2353, %eq3A_2357 : vector<16xf32>
        %gt3A_2359 = arith.constant 0.000000e+00 : f32
        %gt3A_2360 = vector.broadcast %gt3A_2359 : f32 to vector<16xf32>
        %gt3A_2361 = arith.cmpf ogt, %sub3A_2354, %gt3A_2360 : vector<16xf32>
        %jit3A_2362 = arith.constant 1.000000e+00 : f32
        %jit3A_2363 = arith.constant 0.000000e+00 : f32
        %broadcast_in_dim3A_2364 = vector.broadcast %jit3A_2362 : f32 to vector<16xf32>
        %broadcast_in_dim3A_2365 = vector.broadcast %jit3A_2363 : f32 to vector<16xf32>
        %select_n3A_2366 = arith.select %gt3A_2361, %broadcast_in_dim3A_2364, %broadcast_in_dim3A_2365 : vector<16xi1>, vector<16xf32>
        %select_n3A_2367 = arith.select %eq3A_2358, %select_n3A_2366, %div3A_2355 : vector<16xi1>, vector<16xf32>
        %jit3A_2368 = arith.constant 0.000000e+00 : f32
        %jit3A_2369 = arith.constant 1.000000e+00 : f32
        %max3A_2370 = vector.broadcast %jit3A_2368 : f32 to vector<16xf32>
        %max3A_2371 = arith.maximumf %max3A_2370, %select_n3A_2367 : vector<16xf32>
        %min3A_2372 = vector.broadcast %jit3A_2369 : f32 to vector<16xf32>
        %min3A_2373 = arith.minimumf %min3A_2372, %max3A_2371 : vector<16xf32>
        %sub3A_2374 = arith.subf %gather3A_2350, %gather3A_2349 : vector<16xf32>
        %mul3A_2375 = arith.mulf %min3A_2373, %sub3A_2374 : vector<16xf32>
        %add3A_2376 = arith.addf %gather3A_2349, %mul3A_2375 : vector<16xf32>
        %swap3A_2377 = arith.index_cast %add3A_1326 : i32 to index
        %swap3A_2378 = arith.constant 16 : index
        %swap3A_2379 = tpu.vector_load %arg9[%swap3A_2377, %swap3A_2378] {strides = array<i32>} : memref<128x144xf32, #tpu.memory_space<vmem>>, vector<16xf32>,
        tpu.vector_store %arg9[%swap3A_2377, %swap3A_2378], %add3A_2376 {strides = array<i32>} : memref<128x144xf32, #tpu.memory_space<vmem>>, vector<16xf32>,
        %max3A_2380 = arith.maxsi %masked_cummax3A_2214, %max3A_2296 : vector<16xi32>
        %sub3A_2381 = arith.constant 1 : i32
        %sub3A_2382 = vector.broadcast %sub3A_2381 : i32 to vector<16xi32>
        %sub3A_2383 = arith.subi %max3A_2380, %sub3A_2382 : vector<16xi32>
        %gather3A_2384 = tpu.vector_load_idx %arg13[%sub3A_2383] : memref<257xf32, #tpu.memory_space<vmem>>[vector<16xi32>], vector<16xf32>,
        %gather3A_2385 = tpu.vector_load_idx %arg13[%max3A_2380] : memref<257xf32, #tpu.memory_space<vmem>>[vector<16xi32>], vector<16xf32>,
        %gather3A_2386 = tpu.vector_load_idx %arg8[%add3A_2306, %sub3A_2383] : memref<128x257xf32, #tpu.memory_space<vmem>>[vector<16xi32>, vector<16xi32>], vector<16xf32>,
        %gather3A_2387 = tpu.vector_load_idx %arg8[%add3A_2306, %max3A_2380] : memref<128x257xf32, #tpu.memory_space<vmem>>[vector<16xi32>, vector<16xi32>], vector<16xf32>,
        %get3A_2388 = arith.constant 32 : index
        %get3A_2389 = tpu.vector_load %arg6[%get3A_2388] {strides = array<i32>} : memref<144xf32, #tpu.memory_space<vmem>>, vector<16xf32>,
        %sub3A_2390 = arith.subf %gather3A_2385, %gather3A_2384 : vector<16xf32>
        %sub3A_2391 = arith.subf %get3A_2389, %gather3A_2384 : vector<16xf32>
        %div3A_2392 = arith.divf %sub3A_2391, %sub3A_2390 : vector<16xf32>
        %eq3A_2393 = arith.constant 0.000000e+00 : f32
        %eq3A_2394 = vector.broadcast %eq3A_2393 : f32 to vector<16xf32>
        %eq3A_2395 = arith.cmpf oeq, %sub3A_2390, %eq3A_2394 : vector<16xf32>
        %gt3A_2396 = arith.constant 0.000000e+00 : f32
        %gt3A_2397 = vector.broadcast %gt3A_2396 : f32 to vector<16xf32>
        %gt3A_2398 = arith.cmpf ogt, %sub3A_2391, %gt3A_2397 : vector<16xf32>
        %jit3A_2399 = arith.constant 1.000000e+00 : f32
        %jit3A_2400 = arith.constant 0.000000e+00 : f32
        %broadcast_in_dim3A_2401 = vector.broadcast %jit3A_2399 : f32 to vector<16xf32>
        %broadcast_in_dim3A_2402 = vector.broadcast %jit3A_2400 : f32 to vector<16xf32>
        %select_n3A_2403 = arith.select %gt3A_2398, %broadcast_in_dim3A_2401, %broadcast_in_dim3A_2402 : vector<16xi1>, vector<16xf32>
        %select_n3A_2404 = arith.select %eq3A_2395, %select_n3A_2403, %div3A_2392 : vector<16xi1>, vector<16xf32>
        %jit3A_2405 = arith.constant 0.000000e+00 : f32
        %jit3A_2406 = arith.constant 1.000000e+00 : f32
        %max3A_2407 = vector.broadcast %jit3A_2405 : f32 to vector<16xf32>
        %max3A_2408 = arith.maximumf %max3A_2407, %select_n3A_2404 : vector<16xf32>
        %min3A_2409 = vector.broadcast %jit3A_2406 : f32 to vector<16xf32>
        %min3A_2410 = arith.minimumf %min3A_2409, %max3A_2408 : vector<16xf32>
        %sub3A_2411 = arith.subf %gather3A_2387, %gather3A_2386 : vector<16xf32>
        %mul3A_2412 = arith.mulf %min3A_2410, %sub3A_2411 : vector<16xf32>
        %add3A_2413 = arith.addf %gather3A_2386, %mul3A_2412 : vector<16xf32>
        %swap3A_2414 = arith.index_cast %add3A_1326 : i32 to index
        %swap3A_2415 = arith.constant 32 : index
        %swap3A_2416 = tpu.vector_load %arg9[%swap3A_2414, %swap3A_2415] {strides = array<i32>} : memref<128x144xf32, #tpu.memory_space<vmem>>, vector<16xf32>,
        tpu.vector_store %arg9[%swap3A_2414, %swap3A_2415], %add3A_2413 {strides = array<i32>} : memref<128x144xf32, #tpu.memory_space<vmem>>, vector<16xf32>,
        %max3A_2417 = arith.maxsi %masked_cummax3A_2223, %max3A_2297 : vector<16xi32>
        %sub3A_2418 = arith.constant 1 : i32
        %sub3A_2419 = vector.broadcast %sub3A_2418 : i32 to vector<16xi32>
        %sub3A_2420 = arith.subi %max3A_2417, %sub3A_2419 : vector<16xi32>
        %gather3A_2421 = tpu.vector_load_idx %arg13[%sub3A_2420] : memref<257xf32, #tpu.memory_space<vmem>>[vector<16xi32>], vector<16xf32>,
        %gather3A_2422 = tpu.vector_load_idx %arg13[%max3A_2417] : memref<257xf32, #tpu.memory_space<vmem>>[vector<16xi32>], vector<16xf32>,
        %gather3A_2423 = tpu.vector_load_idx %arg8[%add3A_2306, %sub3A_2420] : memref<128x257xf32, #tpu.memory_space<vmem>>[vector<16xi32>, vector<16xi32>], vector<16xf32>,
        %gather3A_2424 = tpu.vector_load_idx %arg8[%add3A_2306, %max3A_2417] : memref<128x257xf32, #tpu.memory_space<vmem>>[vector<16xi32>, vector<16xi32>], vector<16xf32>,
        %get3A_2425 = arith.constant 48 : index
        %get3A_2426 = tpu.vector_load %arg6[%get3A_2425] {strides = array<i32>} : memref<144xf32, #tpu.memory_space<vmem>>, vector<16xf32>,
        %sub3A_2427 = arith.subf %gather3A_2422, %gather3A_2421 : vector<16xf32>
        %sub3A_2428 = arith.subf %get3A_2426, %gather3A_2421 : vector<16xf32>
        %div3A_2429 = arith.divf %sub3A_2428, %sub3A_2427 : vector<16xf32>
        %eq3A_2430 = arith.constant 0.000000e+00 : f32
        %eq3A_2431 = vector.broadcast %eq3A_2430 : f32 to vector<16xf32>
        %eq3A_2432 = arith.cmpf oeq, %sub3A_2427, %eq3A_2431 : vector<16xf32>
        %gt3A_2433 = arith.constant 0.000000e+00 : f32
        %gt3A_2434 = vector.broadcast %gt3A_2433 : f32 to vector<16xf32>
        %gt3A_2435 = arith.cmpf ogt, %sub3A_2428, %gt3A_2434 : vector<16xf32>
        %jit3A_2436 = arith.constant 1.000000e+00 : f32
        %jit3A_2437 = arith.constant 0.000000e+00 : f32
        %broadcast_in_dim3A_2438 = vector.broadcast %jit3A_2436 : f32 to vector<16xf32>
        %broadcast_in_dim3A_2439 = vector.broadcast %jit3A_2437 : f32 to vector<16xf32>
        %select_n3A_2440 = arith.select %gt3A_2435, %broadcast_in_dim3A_2438, %broadcast_in_dim3A_2439 : vector<16xi1>, vector<16xf32>
        %select_n3A_2441 = arith.select %eq3A_2432, %select_n3A_2440, %div3A_2429 : vector<16xi1>, vector<16xf32>
        %jit3A_2442 = arith.constant 0.000000e+00 : f32
        %jit3A_2443 = arith.constant 1.000000e+00 : f32
        %max3A_2444 = vector.broadcast %jit3A_2442 : f32 to vector<16xf32>
        %max3A_2445 = arith.maximumf %max3A_2444, %select_n3A_2441 : vector<16xf32>
        %min3A_2446 = vector.broadcast %jit3A_2443 : f32 to vector<16xf32>
        %min3A_2447 = arith.minimumf %min3A_2446, %max3A_2445 : vector<16xf32>
        %sub3A_2448 = arith.subf %gather3A_2424, %gather3A_2423 : vector<16xf32>
        %mul3A_2449 = arith.mulf %min3A_2447, %sub3A_2448 : vector<16xf32>
        %add3A_2450 = arith.addf %gather3A_2423, %mul3A_2449 : vector<16xf32>
        %swap3A_2451 = arith.index_cast %add3A_1326 : i32 to index
        %swap3A_2452 = arith.constant 48 : index
        %swap3A_2453 = tpu.vector_load %arg9[%swap3A_2451, %swap3A_2452] {strides = array<i32>} : memref<128x144xf32, #tpu.memory_space<vmem>>, vector<16xf32>,
        tpu.vector_store %arg9[%swap3A_2451, %swap3A_2452], %add3A_2450 {strides = array<i32>} : memref<128x144xf32, #tpu.memory_space<vmem>>, vector<16xf32>,
        %max3A_2454 = arith.maxsi %masked_cummax3A_2232, %max3A_2298 : vector<16xi32>
        %sub3A_2455 = arith.constant 1 : i32
        %sub3A_2456 = vector.broadcast %sub3A_2455 : i32 to vector<16xi32>
        %sub3A_2457 = arith.subi %max3A_2454, %sub3A_2456 : vector<16xi32>
        %gather3A_2458 = tpu.vector_load_idx %arg13[%sub3A_2457] : memref<257xf32, #tpu.memory_space<vmem>>[vector<16xi32>], vector<16xf32>,
        %gather3A_2459 = tpu.vector_load_idx %arg13[%max3A_2454] : memref<257xf32, #tpu.memory_space<vmem>>[vector<16xi32>], vector<16xf32>,
        %gather3A_2460 = tpu.vector_load_idx %arg8[%add3A_2306, %sub3A_2457] : memref<128x257xf32, #tpu.memory_space<vmem>>[vector<16xi32>, vector<16xi32>], vector<16xf32>,
        %gather3A_2461 = tpu.vector_load_idx %arg8[%add3A_2306, %max3A_2454] : memref<128x257xf32, #tpu.memory_space<vmem>>[vector<16xi32>, vector<16xi32>], vector<16xf32>,
        %get3A_2462 = arith.constant 64 : index
        %get3A_2463 = tpu.vector_load %arg6[%get3A_2462] {strides = array<i32>} : memref<144xf32, #tpu.memory_space<vmem>>, vector<16xf32>,
        %sub3A_2464 = arith.subf %gather3A_2459, %gather3A_2458 : vector<16xf32>
        %sub3A_2465 = arith.subf %get3A_2463, %gather3A_2458 : vector<16xf32>
        %div3A_2466 = arith.divf %sub3A_2465, %sub3A_2464 : vector<16xf32>
        %eq3A_2467 = arith.constant 0.000000e+00 : f32
        %eq3A_2468 = vector.broadcast %eq3A_2467 : f32 to vector<16xf32>
        %eq3A_2469 = arith.cmpf oeq, %sub3A_2464, %eq3A_2468 : vector<16xf32>
        %gt3A_2470 = arith.constant 0.000000e+00 : f32
        %gt3A_2471 = vector.broadcast %gt3A_2470 : f32 to vector<16xf32>
        %gt3A_2472 = arith.cmpf ogt, %sub3A_2465, %gt3A_2471 : vector<16xf32>
        %jit3A_2473 = arith.constant 1.000000e+00 : f32
        %jit3A_2474 = arith.constant 0.000000e+00 : f32
        %broadcast_in_dim3A_2475 = vector.broadcast %jit3A_2473 : f32 to vector<16xf32>
        %broadcast_in_dim3A_2476 = vector.broadcast %jit3A_2474 : f32 to vector<16xf32>
        %select_n3A_2477 = arith.select %gt3A_2472, %broadcast_in_dim3A_2475, %broadcast_in_dim3A_2476 : vector<16xi1>, vector<16xf32>
        %select_n3A_2478 = arith.select %eq3A_2469, %select_n3A_2477, %div3A_2466 : vector<16xi1>, vector<16xf32>
        %jit3A_2479 = arith.constant 0.000000e+00 : f32
        %jit3A_2480 = arith.constant 1.000000e+00 : f32
        %max3A_2481 = vector.broadcast %jit3A_2479 : f32 to vector<16xf32>
        %max3A_2482 = arith.maximumf %max3A_2481, %select_n3A_2478 : vector<16xf32>
        %min3A_2483 = vector.broadcast %jit3A_2480 : f32 to vector<16xf32>
        %min3A_2484 = arith.minimumf %min3A_2483, %max3A_2482 : vector<16xf32>
        %sub3A_2485 = arith.subf %gather3A_2461, %gather3A_2460 : vector<16xf32>
        %mul3A_2486 = arith.mulf %min3A_2484, %sub3A_2485 : vector<16xf32>
        %add3A_2487 = arith.addf %gather3A_2460, %mul3A_2486 : vector<16xf32>
        %swap3A_2488 = arith.index_cast %add3A_1326 : i32 to index
        %swap3A_2489 = arith.constant 64 : index
        %swap3A_2490 = tpu.vector_load %arg9[%swap3A_2488, %swap3A_2489] {strides = array<i32>} : memref<128x144xf32, #tpu.memory_space<vmem>>, vector<16xf32>,
        tpu.vector_store %arg9[%swap3A_2488, %swap3A_2489], %add3A_2487 {strides = array<i32>} : memref<128x144xf32, #tpu.memory_space<vmem>>, vector<16xf32>,
        %max3A_2491 = arith.maxsi %masked_cummax3A_2241, %max3A_2299 : vector<16xi32>
        %sub3A_2492 = arith.constant 1 : i32
        %sub3A_2493 = vector.broadcast %sub3A_2492 : i32 to vector<16xi32>
        %sub3A_2494 = arith.subi %max3A_2491, %sub3A_2493 : vector<16xi32>
        %gather3A_2495 = tpu.vector_load_idx %arg13[%sub3A_2494] : memref<257xf32, #tpu.memory_space<vmem>>[vector<16xi32>], vector<16xf32>,
        %gather3A_2496 = tpu.vector_load_idx %arg13[%max3A_2491] : memref<257xf32, #tpu.memory_space<vmem>>[vector<16xi32>], vector<16xf32>,
        %gather3A_2497 = tpu.vector_load_idx %arg8[%add3A_2306, %sub3A_2494] : memref<128x257xf32, #tpu.memory_space<vmem>>[vector<16xi32>, vector<16xi32>], vector<16xf32>,
        %gather3A_2498 = tpu.vector_load_idx %arg8[%add3A_2306, %max3A_2491] : memref<128x257xf32, #tpu.memory_space<vmem>>[vector<16xi32>, vector<16xi32>], vector<16xf32>,
        %get3A_2499 = arith.constant 80 : index
        %get3A_2500 = tpu.vector_load %arg6[%get3A_2499] {strides = array<i32>} : memref<144xf32, #tpu.memory_space<vmem>>, vector<16xf32>,
        %sub3A_2501 = arith.subf %gather3A_2496, %gather3A_2495 : vector<16xf32>
        %sub3A_2502 = arith.subf %get3A_2500, %gather3A_2495 : vector<16xf32>
        %div3A_2503 = arith.divf %sub3A_2502, %sub3A_2501 : vector<16xf32>
        %eq3A_2504 = arith.constant 0.000000e+00 : f32
        %eq3A_2505 = vector.broadcast %eq3A_2504 : f32 to vector<16xf32>
        %eq3A_2506 = arith.cmpf oeq, %sub3A_2501, %eq3A_2505 : vector<16xf32>
        %gt3A_2507 = arith.constant 0.000000e+00 : f32
        %gt3A_2508 = vector.broadcast %gt3A_2507 : f32 to vector<16xf32>
        %gt3A_2509 = arith.cmpf ogt, %sub3A_2502, %gt3A_2508 : vector<16xf32>
        %jit3A_2510 = arith.constant 1.000000e+00 : f32
        %jit3A_2511 = arith.constant 0.000000e+00 : f32
        %broadcast_in_dim3A_2512 = vector.broadcast %jit3A_2510 : f32 to vector<16xf32>
        %broadcast_in_dim3A_2513 = vector.broadcast %jit3A_2511 : f32 to vector<16xf32>
        %select_n3A_2514 = arith.select %gt3A_2509, %broadcast_in_dim3A_2512, %broadcast_in_dim3A_2513 : vector<16xi1>, vector<16xf32>
        %select_n3A_2515 = arith.select %eq3A_2506, %select_n3A_2514, %div3A_2503 : vector<16xi1>, vector<16xf32>
        %jit3A_2516 = arith.constant 0.000000e+00 : f32
        %jit3A_2517 = arith.constant 1.000000e+00 : f32
        %max3A_2518 = vector.broadcast %jit3A_2516 : f32 to vector<16xf32>
        %max3A_2519 = arith.maximumf %max3A_2518, %select_n3A_2515 : vector<16xf32>
        %min3A_2520 = vector.broadcast %jit3A_2517 : f32 to vector<16xf32>
        %min3A_2521 = arith.minimumf %min3A_2520, %max3A_2519 : vector<16xf32>
        %sub3A_2522 = arith.subf %gather3A_2498, %gather3A_2497 : vector<16xf32>
        %mul3A_2523 = arith.mulf %min3A_2521, %sub3A_2522 : vector<16xf32>
        %add3A_2524 = arith.addf %gather3A_2497, %mul3A_2523 : vector<16xf32>
        %swap3A_2525 = arith.index_cast %add3A_1326 : i32 to index
        %swap3A_2526 = arith.constant 80 : index
        %swap3A_2527 = tpu.vector_load %arg9[%swap3A_2525, %swap3A_2526] {strides = array<i32>} : memref<128x144xf32, #tpu.memory_space<vmem>>, vector<16xf32>,
        tpu.vector_store %arg9[%swap3A_2525, %swap3A_2526], %add3A_2524 {strides = array<i32>} : memref<128x144xf32, #tpu.memory_space<vmem>>, vector<16xf32>,
        %max3A_2528 = arith.maxsi %masked_cummax3A_2250, %max3A_2300 : vector<16xi32>
        %sub3A_2529 = arith.constant 1 : i32
        %sub3A_2530 = vector.broadcast %sub3A_2529 : i32 to vector<16xi32>
        %sub3A_2531 = arith.subi %max3A_2528, %sub3A_2530 : vector<16xi32>
        %gather3A_2532 = tpu.vector_load_idx %arg13[%sub3A_2531] : memref<257xf32, #tpu.memory_space<vmem>>[vector<16xi32>], vector<16xf32>,
        %gather3A_2533 = tpu.vector_load_idx %arg13[%max3A_2528] : memref<257xf32, #tpu.memory_space<vmem>>[vector<16xi32>], vector<16xf32>,
        %gather3A_2534 = tpu.vector_load_idx %arg8[%add3A_2306, %sub3A_2531] : memref<128x257xf32, #tpu.memory_space<vmem>>[vector<16xi32>, vector<16xi32>], vector<16xf32>,
        %gather3A_2535 = tpu.vector_load_idx %arg8[%add3A_2306, %max3A_2528] : memref<128x257xf32, #tpu.memory_space<vmem>>[vector<16xi32>, vector<16xi32>], vector<16xf32>,
        %get3A_2536 = arith.constant 96 : index
        %get3A_2537 = tpu.vector_load %arg6[%get3A_2536] {strides = array<i32>} : memref<144xf32, #tpu.memory_space<vmem>>, vector<16xf32>,
        %sub3A_2538 = arith.subf %gather3A_2533, %gather3A_2532 : vector<16xf32>
        %sub3A_2539 = arith.subf %get3A_2537, %gather3A_2532 : vector<16xf32>
        %div3A_2540 = arith.divf %sub3A_2539, %sub3A_2538 : vector<16xf32>
        %eq3A_2541 = arith.constant 0.000000e+00 : f32
        %eq3A_2542 = vector.broadcast %eq3A_2541 : f32 to vector<16xf32>
        %eq3A_2543 = arith.cmpf oeq, %sub3A_2538, %eq3A_2542 : vector<16xf32>
        %gt3A_2544 = arith.constant 0.000000e+00 : f32
        %gt3A_2545 = vector.broadcast %gt3A_2544 : f32 to vector<16xf32>
        %gt3A_2546 = arith.cmpf ogt, %sub3A_2539, %gt3A_2545 : vector<16xf32>
        %jit3A_2547 = arith.constant 1.000000e+00 : f32
        %jit3A_2548 = arith.constant 0.000000e+00 : f32
        %broadcast_in_dim3A_2549 = vector.broadcast %jit3A_2547 : f32 to vector<16xf32>
        %broadcast_in_dim3A_2550 = vector.broadcast %jit3A_2548 : f32 to vector<16xf32>
        %select_n3A_2551 = arith.select %gt3A_2546, %broadcast_in_dim3A_2549, %broadcast_in_dim3A_2550 : vector<16xi1>, vector<16xf32>
        %select_n3A_2552 = arith.select %eq3A_2543, %select_n3A_2551, %div3A_2540 : vector<16xi1>, vector<16xf32>
        %jit3A_2553 = arith.constant 0.000000e+00 : f32
        %jit3A_2554 = arith.constant 1.000000e+00 : f32
        %max3A_2555 = vector.broadcast %jit3A_2553 : f32 to vector<16xf32>
        %max3A_2556 = arith.maximumf %max3A_2555, %select_n3A_2552 : vector<16xf32>
        %min3A_2557 = vector.broadcast %jit3A_2554 : f32 to vector<16xf32>
        %min3A_2558 = arith.minimumf %min3A_2557, %max3A_2556 : vector<16xf32>
        %sub3A_2559 = arith.subf %gather3A_2535, %gather3A_2534 : vector<16xf32>
        %mul3A_2560 = arith.mulf %min3A_2558, %sub3A_2559 : vector<16xf32>
        %add3A_2561 = arith.addf %gather3A_2534, %mul3A_2560 : vector<16xf32>
        %swap3A_2562 = arith.index_cast %add3A_1326 : i32 to index
        %swap3A_2563 = arith.constant 96 : index
        %swap3A_2564 = tpu.vector_load %arg9[%swap3A_2562, %swap3A_2563] {strides = array<i32>} : memref<128x144xf32, #tpu.memory_space<vmem>>, vector<16xf32>,
        tpu.vector_store %arg9[%swap3A_2562, %swap3A_2563], %add3A_2561 {strides = array<i32>} : memref<128x144xf32, #tpu.memory_space<vmem>>, vector<16xf32>,
        %max3A_2565 = arith.maxsi %masked_cummax3A_2259, %max3A_2301 : vector<16xi32>
        %sub3A_2566 = arith.constant 1 : i32
        %sub3A_2567 = vector.broadcast %sub3A_2566 : i32 to vector<16xi32>
        %sub3A_2568 = arith.subi %max3A_2565, %sub3A_2567 : vector<16xi32>
        %gather3A_2569 = tpu.vector_load_idx %arg13[%sub3A_2568] : memref<257xf32, #tpu.memory_space<vmem>>[vector<16xi32>], vector<16xf32>,
        %gather3A_2570 = tpu.vector_load_idx %arg13[%max3A_2565] : memref<257xf32, #tpu.memory_space<vmem>>[vector<16xi32>], vector<16xf32>,
        %gather3A_2571 = tpu.vector_load_idx %arg8[%add3A_2306, %sub3A_2568] : memref<128x257xf32, #tpu.memory_space<vmem>>[vector<16xi32>, vector<16xi32>], vector<16xf32>,
        %gather3A_2572 = tpu.vector_load_idx %arg8[%add3A_2306, %max3A_2565] : memref<128x257xf32, #tpu.memory_space<vmem>>[vector<16xi32>, vector<16xi32>], vector<16xf32>,
        %get3A_2573 = arith.constant 112 : index
        %get3A_2574 = tpu.vector_load %arg6[%get3A_2573] {strides = array<i32>} : memref<144xf32, #tpu.memory_space<vmem>>, vector<16xf32>,
        %sub3A_2575 = arith.subf %gather3A_2570, %gather3A_2569 : vector<16xf32>
        %sub3A_2576 = arith.subf %get3A_2574, %gather3A_2569 : vector<16xf32>
        %div3A_2577 = arith.divf %sub3A_2576, %sub3A_2575 : vector<16xf32>
        %eq3A_2578 = arith.constant 0.000000e+00 : f32
        %eq3A_2579 = vector.broadcast %eq3A_2578 : f32 to vector<16xf32>
        %eq3A_2580 = arith.cmpf oeq, %sub3A_2575, %eq3A_2579 : vector<16xf32>
        %gt3A_2581 = arith.constant 0.000000e+00 : f32
        %gt3A_2582 = vector.broadcast %gt3A_2581 : f32 to vector<16xf32>
        %gt3A_2583 = arith.cmpf ogt, %sub3A_2576, %gt3A_2582 : vector<16xf32>
        %jit3A_2584 = arith.constant 1.000000e+00 : f32
        %jit3A_2585 = arith.constant 0.000000e+00 : f32
        %broadcast_in_dim3A_2586 = vector.broadcast %jit3A_2584 : f32 to vector<16xf32>
        %broadcast_in_dim3A_2587 = vector.broadcast %jit3A_2585 : f32 to vector<16xf32>
        %select_n3A_2588 = arith.select %gt3A_2583, %broadcast_in_dim3A_2586, %broadcast_in_dim3A_2587 : vector<16xi1>, vector<16xf32>
        %select_n3A_2589 = arith.select %eq3A_2580, %select_n3A_2588, %div3A_2577 : vector<16xi1>, vector<16xf32>
        %jit3A_2590 = arith.constant 0.000000e+00 : f32
        %jit3A_2591 = arith.constant 1.000000e+00 : f32
        %max3A_2592 = vector.broadcast %jit3A_2590 : f32 to vector<16xf32>
        %max3A_2593 = arith.maximumf %max3A_2592, %select_n3A_2589 : vector<16xf32>
        %min3A_2594 = vector.broadcast %jit3A_2591 : f32 to vector<16xf32>
        %min3A_2595 = arith.minimumf %min3A_2594, %max3A_2593 : vector<16xf32>
        %sub3A_2596 = arith.subf %gather3A_2572, %gather3A_2571 : vector<16xf32>
        %mul3A_2597 = arith.mulf %min3A_2595, %sub3A_2596 : vector<16xf32>
        %add3A_2598 = arith.addf %gather3A_2571, %mul3A_2597 : vector<16xf32>
        %swap3A_2599 = arith.index_cast %add3A_1326 : i32 to index
        %swap3A_2600 = arith.constant 112 : index
        %swap3A_2601 = tpu.vector_load %arg9[%swap3A_2599, %swap3A_2600] {strides = array<i32>} : memref<128x144xf32, #tpu.memory_space<vmem>>, vector<16xf32>,
        tpu.vector_store %arg9[%swap3A_2599, %swap3A_2600], %add3A_2598 {strides = array<i32>} : memref<128x144xf32, #tpu.memory_space<vmem>>, vector<16xf32>,
        %max3A_2602 = arith.maxsi %masked_cummax3A_2268, %max3A_2302 : vector<16xi32>
        %sub3A_2603 = arith.constant 1 : i32
        %sub3A_2604 = vector.broadcast %sub3A_2603 : i32 to vector<16xi32>
        %sub3A_2605 = arith.subi %max3A_2602, %sub3A_2604 : vector<16xi32>
        %gather3A_2606 = tpu.vector_load_idx %arg13[%sub3A_2605] : memref<257xf32, #tpu.memory_space<vmem>>[vector<16xi32>], vector<16xf32>,
        %gather3A_2607 = tpu.vector_load_idx %arg13[%max3A_2602] : memref<257xf32, #tpu.memory_space<vmem>>[vector<16xi32>], vector<16xf32>,
        %gather3A_2608 = tpu.vector_load_idx %arg8[%add3A_2306, %sub3A_2605] : memref<128x257xf32, #tpu.memory_space<vmem>>[vector<16xi32>, vector<16xi32>], vector<16xf32>,
        %gather3A_2609 = tpu.vector_load_idx %arg8[%add3A_2306, %max3A_2602] : memref<128x257xf32, #tpu.memory_space<vmem>>[vector<16xi32>, vector<16xi32>], vector<16xf32>,
        %get3A_2610 = arith.constant 128 : index
        %get3A_2611 = tpu.vector_load %arg6[%get3A_2610] {strides = array<i32>} : memref<144xf32, #tpu.memory_space<vmem>>, vector<16xf32>,
        %sub3A_2612 = arith.subf %gather3A_2607, %gather3A_2606 : vector<16xf32>
        %sub3A_2613 = arith.subf %get3A_2611, %gather3A_2606 : vector<16xf32>
        %div3A_2614 = arith.divf %sub3A_2613, %sub3A_2612 : vector<16xf32>
        %eq3A_2615 = arith.constant 0.000000e+00 : f32
        %eq3A_2616 = vector.broadcast %eq3A_2615 : f32 to vector<16xf32>
        %eq3A_2617 = arith.cmpf oeq, %sub3A_2612, %eq3A_2616 : vector<16xf32>
        %gt3A_2618 = arith.constant 0.000000e+00 : f32
        %gt3A_2619 = vector.broadcast %gt3A_2618 : f32 to vector<16xf32>
        %gt3A_2620 = arith.cmpf ogt, %sub3A_2613, %gt3A_2619 : vector<16xf32>
        %jit3A_2621 = arith.constant 1.000000e+00 : f32
        %jit3A_2622 = arith.constant 0.000000e+00 : f32
        %broadcast_in_dim3A_2623 = vector.broadcast %jit3A_2621 : f32 to vector<16xf32>
        %broadcast_in_dim3A_2624 = vector.broadcast %jit3A_2622 : f32 to vector<16xf32>
        %select_n3A_2625 = arith.select %gt3A_2620, %broadcast_in_dim3A_2623, %broadcast_in_dim3A_2624 : vector<16xi1>, vector<16xf32>
        %select_n3A_2626 = arith.select %eq3A_2617, %select_n3A_2625, %div3A_2614 : vector<16xi1>, vector<16xf32>
        %jit3A_2627 = arith.constant 0.000000e+00 : f32
        %jit3A_2628 = arith.constant 1.000000e+00 : f32
        %max3A_2629 = vector.broadcast %jit3A_2627 : f32 to vector<16xf32>
        %max3A_2630 = arith.maximumf %max3A_2629, %select_n3A_2626 : vector<16xf32>
        %min3A_2631 = vector.broadcast %jit3A_2628 : f32 to vector<16xf32>
        %min3A_2632 = arith.minimumf %min3A_2631, %max3A_2630 : vector<16xf32>
        %sub3A_2633 = arith.subf %gather3A_2609, %gather3A_2608 : vector<16xf32>
        %mul3A_2634 = arith.mulf %min3A_2632, %sub3A_2633 : vector<16xf32>
        %add3A_2635 = arith.addf %gather3A_2608, %mul3A_2634 : vector<16xf32>
        %swap3A_2636 = arith.index_cast %add3A_1326 : i32 to index
        %swap3A_2637 = arith.constant 128 : index
        %swap3A_2638 = tpu.vector_load %arg9[%swap3A_2636, %swap3A_2637] {strides = array<i32>} : memref<128x144xf32, #tpu.memory_space<vmem>>, vector<16xf32>,
        tpu.vector_store %arg9[%swap3A_2636, %swap3A_2637], %add3A_2635 {strides = array<i32>} : memref<128x144xf32, #tpu.memory_space<vmem>>, vector<16xf32>,
        %scan3A_2639 = arith.constant 0 : i32
        scf.yield %scan3A_2639 : i32
      }
      %scan3A_21 = arith.constant 64 : i32
      "tpu.region"() ({
        %run_scoped3A = tpu.sem_alloc : memref<!tpu.dma_semaphore, #tpu.memory_space<semaphore_mem>>
        %dma_start3A = arith.constant 0 : i32
        %dma_start3A_23 = tpu.memref_slice %arg5[%add3A_14, %dma_start3A] : memref<16384x144xf32, #tpu.memory_space<hbm>> -> memref<128x144xf32, #tpu.memory_space<hbm>>
        %dma_start3A_24 = arith.constant 0 : i32
        %dma_start3A_25 = tpu.memref_slice %arg5[%add3A_14, %dma_start3A_24] : memref<16384x144xf32, #tpu.memory_space<hbm>> -> memref<128x144xf32, #tpu.memory_space<hbm>>
        tpu.enqueue_dma source(%arg9 : memref<128x144xf32, #tpu.memory_space<vmem>>) target(%dma_start3A_25 : memref<128x144xf32, #tpu.memory_space<hbm>>) target_semaphore(%run_scoped3A : memref<!tpu.dma_semaphore, #tpu.memory_space<semaphore_mem>>)
        %dma_wait3A = arith.constant 0 : i32
        %dma_wait3A_26 = tpu.memref_slice %arg5[%add3A_14, %dma_wait3A] : memref<16384x144xf32, #tpu.memory_space<hbm>> -> memref<128x144xf32, #tpu.memory_space<hbm>>
        %dma_wait3A_27 = arith.constant 0 : i32
        %dma_wait3A_28 = tpu.memref_slice %arg5[%add3A_14, %dma_wait3A_27] : memref<16384x144xf32, #tpu.memory_space<hbm>> -> memref<128x144xf32, #tpu.memory_space<hbm>>
        tpu.wait_dma2 semaphore(%run_scoped3A : memref<!tpu.dma_semaphore, #tpu.memory_space<semaphore_mem>>) src(%arg9 : memref<128x144xf32, #tpu.memory_space<vmem>>) dst(%dma_wait3A_28 : memref<128x144xf32, #tpu.memory_space<hbm>>)
        tpu.yield
      }) : () -> ()
      %scan3A_22 = arith.constant 0 : i32
      scf.yield %scan3A_22 : i32
    }
    %scan3A_7 = arith.constant 4 : i32
    return
  }
}

module attributes {stable_mosaic.version = 14 : i64} {
  func.func @_tc_epilogue(%arg0: i32, %arg1: memref<256x3xf32, #tpu.memory_space<vmem>>, %arg2: memref<256x3xf32, #tpu.memory_space<vmem>>, %arg3: memref<256x144xf32, #tpu.memory_space<vmem>>, %arg4: memref<1x6xf32, #tpu.memory_space<vmem>>, %arg5: memref<128x384xf32, #tpu.memory_space<vmem>>, %arg6: memref<128x384xf32, #tpu.memory_space<vmem>>, %arg7: memref<128x384xf32, #tpu.memory_space<vmem>>, %arg8: memref<256x384xf32, #tpu.memory_space<vmem>>) attributes {dimension_semantics = [#tpu.dimension_semantics<arbitrary>], iteration_bounds = array<i64: 64>, scalar_prefetch = 0 : i64, scratch_operands = 0 : i64, tpu.core_type = #tpu.core_type<tc>, window_params = [{transform_indices = @transform_0, window_bounds = array<i64: 256, 3>}, {transform_indices = @transform_1, window_bounds = array<i64: 256, 3>}, {transform_indices = @transform_2, window_bounds = array<i64: 256, 144>}, {pipeline_mode = #tpu.pipeline_mode<synchronous>, transform_indices = @transform_3, window_bounds = array<i64: 1, 6>}, {pipeline_mode = #tpu.pipeline_mode<synchronous>, transform_indices = @transform_4, window_bounds = array<i64: 128, 384>}, {pipeline_mode = #tpu.pipeline_mode<synchronous>, transform_indices = @transform_5, window_bounds = array<i64: 128, 384>}, {pipeline_mode = #tpu.pipeline_mode<synchronous>, transform_indices = @transform_6, window_bounds = array<i64: 128, 384>}, {transform_indices = @transform_7, window_bounds = array<i64: 256, 384>}]} {
    %get3A = arith.constant 0 : index
    %get3A_0 = arith.constant 0 : index
    %get3A_1 = vector.load %arg3[%get3A, %get3A_0] : memref<256x144xf32, #tpu.memory_space<vmem>>, vector<256x129xf32>
    %get3A_2 = arith.constant 0 : index
    %get3A_3 = arith.constant 0 : index
    %get3A_4 = vector.load %arg1[%get3A_2, %get3A_3] : memref<256x3xf32, #tpu.memory_space<vmem>>, vector<256x3xf32>
    %get3A_5 = arith.constant 0 : index
    %get3A_6 = arith.constant 0 : index
    %get3A_7 = vector.load %arg2[%get3A_5, %get3A_6] : memref<256x3xf32, #tpu.memory_space<vmem>>, vector<256x3xf32>
    %get3A_8 = arith.constant 0 : index
    %get3A_9 = arith.constant 0 : index
    %get3A_10 = vector.load %arg4[%get3A_8, %get3A_9] : memref<1x6xf32, #tpu.memory_space<vmem>>, vector<1x3xf32>
    %get3A_11 = arith.constant 0 : index
    %get3A_12 = arith.constant 3 : index
    %get3A_13 = vector.load %arg4[%get3A_11, %get3A_12] : memref<1x6xf32, #tpu.memory_space<vmem>>, vector<1x3xf32>
    %sub3A = vector.broadcast %get3A_10 : vector<1x3xf32> to vector<256x3xf32>
    %sub3A_14 = arith.subf %sub3A, %get3A_4 : vector<256x3xf32>
    %add3A = arith.constant 1.000000e-15 : f32
    %add3A_15 = vector.broadcast %add3A : f32 to vector<256x3xf32>
    %add3A_16 = arith.addf %get3A_7, %add3A_15 : vector<256x3xf32>
    %div3A = arith.divf %sub3A_14, %add3A_16 : vector<256x3xf32>
    %sub3A_17 = vector.broadcast %get3A_13 : vector<1x3xf32> to vector<256x3xf32>
    %sub3A_18 = arith.subf %sub3A_17, %get3A_4 : vector<256x3xf32>
    %add3A_19 = arith.constant 1.000000e-15 : f32
    %add3A_20 = vector.broadcast %add3A_19 : f32 to vector<256x3xf32>
    %add3A_21 = arith.addf %get3A_7, %add3A_20 : vector<256x3xf32>
    %div3A_22 = arith.divf %sub3A_18, %add3A_21 : vector<256x3xf32>
    %lt3A = arith.cmpf olt, %div3A, %div3A_22 : vector<256x3xf32>
    %select_n3A = arith.select %lt3A, %div3A, %div3A_22 : vector<256x3xi1>, vector<256x3xf32>
    %gt3A = arith.cmpf ogt, %div3A, %div3A_22 : vector<256x3xf32>
    %select_n3A_23 = arith.select %gt3A, %div3A, %div3A_22 : vector<256x3xi1>, vector<256x3xf32>
    %reduce_max3A = arith.constant dense<0xFF800000> : vector<256xf32>
    %reduce_max3A_24 = vector.multi_reduction <maximumf>, %select_n3A, %reduce_max3A [1] : vector<256x3xf32> to vector<256xf32>
    %broadcast_in_dim3A = vector.shape_cast %reduce_max3A_24 : vector<256xf32> to vector<256x1xf32>
    %reduce_min3A = arith.constant dense<0x7F800000> : vector<256xf32>
    %reduce_min3A_25 = vector.multi_reduction <minimumf>, %select_n3A_23, %reduce_min3A [1] : vector<256x3xf32> to vector<256xf32>
    %broadcast_in_dim3A_26 = vector.shape_cast %reduce_min3A_25 : vector<256xf32> to vector<256x1xf32>
    %lt3A_27 = arith.cmpf olt, %broadcast_in_dim3A_26, %broadcast_in_dim3A : vector<256x1xf32>
    %jit3A = arith.constant 1.000000e+09 : f32
    %broadcast_in_dim3A_28 = vector.broadcast %jit3A : f32 to vector<256x1xf32>
    %select_n3A_29 = arith.select %lt3A_27, %broadcast_in_dim3A_28, %broadcast_in_dim3A : vector<256x1xi1>, vector<256x1xf32>
    %jit3A_30 = arith.constant 1.000000e+09 : f32
    %broadcast_in_dim3A_31 = vector.broadcast %jit3A_30 : f32 to vector<256x1xf32>
    %select_n3A_32 = arith.select %lt3A_27, %broadcast_in_dim3A_31, %broadcast_in_dim3A_26 : vector<256x1xi1>, vector<256x1xf32>
    %max3A = arith.constant 5.000000e-02 : f32
    %max3A_33 = vector.broadcast %max3A : f32 to vector<256x1xf32>
    %max3A_34 = arith.maximumf %select_n3A_29, %max3A_33 : vector<256x1xf32>
    %lt3A_35 = arith.constant 1.000000e+00 : f32
    %lt3A_36 = vector.broadcast %lt3A_35 : f32 to vector<256x1xf32>
    %lt3A_37 = arith.cmpf olt, %max3A_34, %lt3A_36 : vector<256x1xf32>
    %div3A_38 = arith.constant 2.000000e+00 : f32
    %div3A_39 = vector.broadcast %div3A_38 : f32 to vector<256x1xf32>
    %div3A_40 = arith.divf %max3A_34, %div3A_39 : vector<256x1xf32>
    %mul3A = arith.constant 2.000000e+00 : f32
    %mul3A_41 = vector.broadcast %mul3A : f32 to vector<256x1xf32>
    %mul3A_42 = arith.mulf %mul3A_41, %max3A_34 : vector<256x1xf32>
    %div3A_43 = arith.constant 1.000000e+00 : f32
    %div3A_44 = vector.broadcast %div3A_43 : f32 to vector<256x1xf32>
    %div3A_45 = arith.divf %div3A_44, %mul3A_42 : vector<256x1xf32>
    %sub3A_46 = arith.constant 1.000000e+00 : f32
    %sub3A_47 = vector.broadcast %sub3A_46 : f32 to vector<256x1xf32>
    %sub3A_48 = arith.subf %sub3A_47, %div3A_45 : vector<256x1xf32>
    %select_n3A_49 = arith.select %lt3A_37, %div3A_40, %sub3A_48 : vector<256x1xi1>, vector<256x1xf32>
    %lt3A_50 = arith.constant 1.000000e+00 : f32
    %lt3A_51 = vector.broadcast %lt3A_50 : f32 to vector<256x1xf32>
    %lt3A_52 = arith.cmpf olt, %select_n3A_32, %lt3A_51 : vector<256x1xf32>
    %div3A_53 = arith.constant 2.000000e+00 : f32
    %div3A_54 = vector.broadcast %div3A_53 : f32 to vector<256x1xf32>
    %div3A_55 = arith.divf %select_n3A_32, %div3A_54 : vector<256x1xf32>
    %mul3A_56 = arith.constant 2.000000e+00 : f32
    %mul3A_57 = vector.broadcast %mul3A_56 : f32 to vector<256x1xf32>
    %mul3A_58 = arith.mulf %mul3A_57, %select_n3A_32 : vector<256x1xf32>
    %div3A_59 = arith.constant 1.000000e+00 : f32
    %div3A_60 = vector.broadcast %div3A_59 : f32 to vector<256x1xf32>
    %div3A_61 = arith.divf %div3A_60, %mul3A_58 : vector<256x1xf32>
    %sub3A_62 = arith.constant 1.000000e+00 : f32
    %sub3A_63 = vector.broadcast %sub3A_62 : f32 to vector<256x1xf32>
    %sub3A_64 = arith.subf %sub3A_63, %div3A_61 : vector<256x1xf32>
    %select_n3A_65 = arith.select %lt3A_52, %div3A_55, %sub3A_64 : vector<256x1xi1>, vector<256x1xf32>
    %broadcast_in_dim3A_66 = arith.constant 1.000000e+00 : f32
    %broadcast_in_dim3A_67 = vector.broadcast %broadcast_in_dim3A_66 : f32 to vector<1x129xf32>
    %dot_general3A = arith.constant dense<0.000000e+00> : vector<256x129xf32>
    %dot_general3A_68 = tpu.matmul %select_n3A_49, %broadcast_in_dim3A_67, %dot_general3A {dimension_numbers = #tpu.dot_dimension_numbers<[1], [0], [0], [1], [0, 0, 1, 1], [], []>, precision = #tpu.contract_precision<fp32>, transpose_lhs_hint = false} : vector<256x1xf32>, vector<1x129xf32>, vector<256x129xf32> -> vector<256x129xf32>
    %dot_general3A_69 = arith.constant dense<0.000000e+00> : vector<256x129xf32>
    %dot_general3A_70 = tpu.matmul %select_n3A_65, %broadcast_in_dim3A_67, %dot_general3A_69 {dimension_numbers = #tpu.dot_dimension_numbers<[1], [0], [0], [1], [0, 0, 1, 1], [], []>, precision = #tpu.contract_precision<fp32>, transpose_lhs_hint = false} : vector<256x1xf32>, vector<1x129xf32>, vector<256x129xf32> -> vector<256x129xf32>
    %sub3A_71 = arith.constant 1.000000e+00 : f32
    %sub3A_72 = vector.broadcast %sub3A_71 : f32 to vector<256x129xf32>
    %sub3A_73 = arith.subf %sub3A_72, %get3A_1 : vector<256x129xf32>
    %mul3A_74 = arith.mulf %dot_general3A_68, %sub3A_73 : vector<256x129xf32>
    %mul3A_75 = arith.mulf %dot_general3A_70, %get3A_1 : vector<256x129xf32>
    %add3A_76 = arith.addf %mul3A_74, %mul3A_75 : vector<256x129xf32>
    %lt3A_77 = arith.constant 5.000000e-01 : f32
    %lt3A_78 = vector.broadcast %lt3A_77 : f32 to vector<256x129xf32>
    %lt3A_79 = arith.cmpf olt, %add3A_76, %lt3A_78 : vector<256x129xf32>
    %mul3A_80 = arith.constant 2.000000e+00 : f32
    %mul3A_81 = vector.broadcast %mul3A_80 : f32 to vector<256x129xf32>
    %mul3A_82 = arith.mulf %mul3A_81, %add3A_76 : vector<256x129xf32>
    %mul3A_83 = arith.constant 2.000000e+00 : f32
    %mul3A_84 = vector.broadcast %mul3A_83 : f32 to vector<256x129xf32>
    %mul3A_85 = arith.mulf %mul3A_84, %add3A_76 : vector<256x129xf32>
    %sub3A_86 = arith.constant 2.000000e+00 : f32
    %sub3A_87 = vector.broadcast %sub3A_86 : f32 to vector<256x129xf32>
    %sub3A_88 = arith.subf %sub3A_87, %mul3A_85 : vector<256x129xf32>
    %div3A_89 = arith.constant 1.000000e+00 : f32
    %div3A_90 = vector.broadcast %div3A_89 : f32 to vector<256x129xf32>
    %div3A_91 = arith.divf %div3A_90, %sub3A_88 : vector<256x129xf32>
    %select_n3A_92 = arith.select %lt3A_79, %mul3A_82, %div3A_91 : vector<256x129xi1>, vector<256x129xf32>
    %slice3A = vector.extract_strided_slice %select_n3A_92 {offsets = [0, 1], sizes = [256, 128], strides = [1, 1]} : vector<256x129xf32> to vector<256x128xf32>
    %slice3A_93 = vector.extract_strided_slice %select_n3A_92 {offsets = [0, 0], sizes = [256, 128], strides = [1, 1]} : vector<256x129xf32> to vector<256x128xf32>
    %add3A_94 = arith.addf %slice3A, %slice3A_93 : vector<256x128xf32>
    %mul3A_95 = arith.constant 5.000000e-01 : f32
    %mul3A_96 = vector.broadcast %mul3A_95 : f32 to vector<256x128xf32>
    %mul3A_97 = arith.mulf %add3A_94, %mul3A_96 : vector<256x128xf32>
    %iota3A = tpu.iota {dimensions = array<i32: 0>} : vector<3x128xi32>
    %eq3A = arith.constant 0 : i32
    %eq3A_98 = vector.broadcast %eq3A : i32 to vector<3x128xi32>
    %eq3A_99 = arith.cmpi eq, %iota3A, %eq3A_98 : vector<3x128xi32>
    %convert_element_type3A = arith.extui %eq3A_99 : vector<3x128xi1> to vector<3x128xi32>
    %convert_element_type3A_100 = arith.sitofp %convert_element_type3A : vector<3x128xi32> to vector<3x128xf32>
    %eq3A_101 = arith.constant 1 : i32
    %eq3A_102 = vector.broadcast %eq3A_101 : i32 to vector<3x128xi32>
    %eq3A_103 = arith.cmpi eq, %iota3A, %eq3A_102 : vector<3x128xi32>
    %convert_element_type3A_104 = arith.extui %eq3A_103 : vector<3x128xi1> to vector<3x128xi32>
    %convert_element_type3A_105 = arith.sitofp %convert_element_type3A_104 : vector<3x128xi32> to vector<3x128xf32>
    %eq3A_106 = arith.constant 2 : i32
    %eq3A_107 = vector.broadcast %eq3A_106 : i32 to vector<3x128xi32>
    %eq3A_108 = arith.cmpi eq, %iota3A, %eq3A_107 : vector<3x128xi32>
    %convert_element_type3A_109 = arith.extui %eq3A_108 : vector<3x128xi1> to vector<3x128xi32>
    %convert_element_type3A_110 = arith.sitofp %convert_element_type3A_109 : vector<3x128xi32> to vector<3x128xf32>
    %dot_general3A_111 = arith.constant dense<0.000000e+00> : vector<256x128xf32>
    %dot_general3A_112 = tpu.matmul %get3A_4, %convert_element_type3A_100, %dot_general3A_111 {dimension_numbers = #tpu.dot_dimension_numbers<[1], [0], [0], [1], [0, 0, 1, 1], [], []>, precision = #tpu.contract_precision<fp32>, transpose_lhs_hint = false} : vector<256x3xf32>, vector<3x128xf32>, vector<256x128xf32> -> vector<256x128xf32>
    %dot_general3A_113 = arith.constant dense<0.000000e+00> : vector<256x128xf32>
    %dot_general3A_114 = tpu.matmul %get3A_4, %convert_element_type3A_105, %dot_general3A_113 {dimension_numbers = #tpu.dot_dimension_numbers<[1], [0], [0], [1], [0, 0, 1, 1], [], []>, precision = #tpu.contract_precision<fp32>, transpose_lhs_hint = false} : vector<256x3xf32>, vector<3x128xf32>, vector<256x128xf32> -> vector<256x128xf32>
    %dot_general3A_115 = arith.constant dense<0.000000e+00> : vector<256x128xf32>
    %dot_general3A_116 = tpu.matmul %get3A_4, %convert_element_type3A_110, %dot_general3A_115 {dimension_numbers = #tpu.dot_dimension_numbers<[1], [0], [0], [1], [0, 0, 1, 1], [], []>, precision = #tpu.contract_precision<fp32>, transpose_lhs_hint = false} : vector<256x3xf32>, vector<3x128xf32>, vector<256x128xf32> -> vector<256x128xf32>
    %dot_general3A_117 = arith.constant dense<0.000000e+00> : vector<256x128xf32>
    %dot_general3A_118 = tpu.matmul %get3A_7, %convert_element_type3A_100, %dot_general3A_117 {dimension_numbers = #tpu.dot_dimension_numbers<[1], [0], [0], [1], [0, 0, 1, 1], [], []>, precision = #tpu.contract_precision<fp32>, transpose_lhs_hint = false} : vector<256x3xf32>, vector<3x128xf32>, vector<256x128xf32> -> vector<256x128xf32>
    %dot_general3A_119 = arith.constant dense<0.000000e+00> : vector<256x128xf32>
    %dot_general3A_120 = tpu.matmul %get3A_7, %convert_element_type3A_105, %dot_general3A_119 {dimension_numbers = #tpu.dot_dimension_numbers<[1], [0], [0], [1], [0, 0, 1, 1], [], []>, precision = #tpu.contract_precision<fp32>, transpose_lhs_hint = false} : vector<256x3xf32>, vector<3x128xf32>, vector<256x128xf32> -> vector<256x128xf32>
    %dot_general3A_121 = arith.constant dense<0.000000e+00> : vector<256x128xf32>
    %dot_general3A_122 = tpu.matmul %get3A_7, %convert_element_type3A_110, %dot_general3A_121 {dimension_numbers = #tpu.dot_dimension_numbers<[1], [0], [0], [1], [0, 0, 1, 1], [], []>, precision = #tpu.contract_precision<fp32>, transpose_lhs_hint = false} : vector<256x3xf32>, vector<3x128xf32>, vector<256x128xf32> -> vector<256x128xf32>
    %mul3A_123 = arith.mulf %dot_general3A_118, %mul3A_97 : vector<256x128xf32>
    %add3A_124 = arith.addf %dot_general3A_112, %mul3A_123 : vector<256x128xf32>
    %mul3A_125 = arith.mulf %dot_general3A_120, %mul3A_97 : vector<256x128xf32>
    %add3A_126 = arith.addf %dot_general3A_114, %mul3A_125 : vector<256x128xf32>
    %mul3A_127 = arith.mulf %dot_general3A_122, %mul3A_97 : vector<256x128xf32>
    %add3A_128 = arith.addf %dot_general3A_116, %mul3A_127 : vector<256x128xf32>
    %abs3A = math.absf %add3A_124 : vector<256x128xf32>
    %abs3A_129 = math.absf %add3A_126 : vector<256x128xf32>
    %abs3A_130 = math.absf %add3A_128 : vector<256x128xf32>
    %max3A_131 = arith.maximumf %abs3A_129, %abs3A_130 : vector<256x128xf32>
    %max3A_132 = arith.maximumf %abs3A, %max3A_131 : vector<256x128xf32>
    %div3A_133 = arith.constant 1.000000e+00 : f32
    %div3A_134 = vector.broadcast %div3A_133 : f32 to vector<256x128xf32>
    %div3A_135 = arith.divf %div3A_134, %max3A_132 : vector<256x128xf32>
    %sub3A_136 = arith.constant 2.000000e+00 : f32
    %sub3A_137 = vector.broadcast %sub3A_136 : f32 to vector<256x128xf32>
    %sub3A_138 = arith.subf %sub3A_137, %div3A_135 : vector<256x128xf32>
    %div3A_139 = arith.divf %sub3A_138, %max3A_132 : vector<256x128xf32>
    %eq3A_140 = arith.cmpf oeq, %abs3A, %max3A_132 : vector<256x128xf32>
    %eq3A_141 = arith.cmpf oeq, %abs3A_129, %max3A_132 : vector<256x128xf32>
    %not3A = arith.constant dense<true> : vector<256x128xi1>
    %not3A_142 = arith.xori %eq3A_140, %not3A : vector<256x128xi1>
    %and3A = arith.andi %eq3A_141, %not3A_142 : vector<256x128xi1>
    %eq3A_143 = arith.cmpf oeq, %abs3A_130, %max3A_132 : vector<256x128xf32>
    %not3A_144 = arith.constant dense<true> : vector<256x128xi1>
    %not3A_145 = arith.xori %eq3A_140, %not3A_144 : vector<256x128xi1>
    %and3A_146 = arith.andi %eq3A_143, %not3A_145 : vector<256x128xi1>
    %not3A_147 = arith.constant dense<true> : vector<256x128xi1>
    %not3A_148 = arith.xori %and3A, %not3A_147 : vector<256x128xi1>
    %and3A_149 = arith.andi %and3A_146, %not3A_148 : vector<256x128xi1>
    %select_n3A_150 = arith.select %eq3A_140, %div3A_139, %div3A_135 : vector<256x128xi1>, vector<256x128xf32>
    %select_n3A_151 = arith.select %and3A, %div3A_139, %div3A_135 : vector<256x128xi1>, vector<256x128xf32>
    %select_n3A_152 = arith.select %and3A_149, %div3A_139, %div3A_135 : vector<256x128xi1>, vector<256x128xf32>
    %lt3A_153 = arith.constant 1.000000e+00 : f32
    %lt3A_154 = vector.broadcast %lt3A_153 : f32 to vector<256x128xf32>
    %lt3A_155 = arith.cmpf olt, %max3A_132, %lt3A_154 : vector<256x128xf32>
    %mul3A_156 = arith.mulf %add3A_124, %select_n3A_150 : vector<256x128xf32>
    %select_n3A_157 = arith.select %lt3A_155, %add3A_124, %mul3A_156 : vector<256x128xi1>, vector<256x128xf32>
    %mul3A_158 = arith.mulf %add3A_126, %select_n3A_151 : vector<256x128xf32>
    %select_n3A_159 = arith.select %lt3A_155, %add3A_126, %mul3A_158 : vector<256x128xi1>, vector<256x128xf32>
    %mul3A_160 = arith.mulf %add3A_128, %select_n3A_152 : vector<256x128xf32>
    %select_n3A_161 = arith.select %lt3A_155, %add3A_128, %mul3A_160 : vector<256x128xi1>, vector<256x128xf32>
    %get3A_162 = arith.constant 0 : index
    %get3A_163 = arith.constant 0 : index
    %get3A_164 = vector.load %arg5[%get3A_162, %get3A_163] : memref<128x384xf32, #tpu.memory_space<vmem>>, vector<128x384xf32>
    %dot_general3A_165 = arith.constant dense<0.000000e+00> : vector<256x384xf32>
    %dot_general3A_166 = tpu.matmul %select_n3A_157, %get3A_164, %dot_general3A_165 {dimension_numbers = #tpu.dot_dimension_numbers<[1], [0], [0], [1], [0, 0, 1, 1], [], []>, transpose_lhs_hint = false} : vector<256x128xf32>, vector<128x384xf32>, vector<256x384xf32> -> vector<256x384xf32>
    %get3A_167 = arith.constant 0 : index
    %get3A_168 = arith.constant 0 : index
    %get3A_169 = vector.load %arg6[%get3A_167, %get3A_168] : memref<128x384xf32, #tpu.memory_space<vmem>>, vector<128x384xf32>
    %dot_general3A_170 = arith.constant dense<0.000000e+00> : vector<256x384xf32>
    %dot_general3A_171 = tpu.matmul %select_n3A_159, %get3A_169, %dot_general3A_170 {dimension_numbers = #tpu.dot_dimension_numbers<[1], [0], [0], [1], [0, 0, 1, 1], [], []>, transpose_lhs_hint = false} : vector<256x128xf32>, vector<128x384xf32>, vector<256x384xf32> -> vector<256x384xf32>
    %add3A_172 = arith.addf %dot_general3A_166, %dot_general3A_171 : vector<256x384xf32>
    %get3A_173 = arith.constant 0 : index
    %get3A_174 = arith.constant 0 : index
    %get3A_175 = vector.load %arg7[%get3A_173, %get3A_174] : memref<128x384xf32, #tpu.memory_space<vmem>>, vector<128x384xf32>
    %dot_general3A_176 = arith.constant dense<0.000000e+00> : vector<256x384xf32>
    %dot_general3A_177 = tpu.matmul %select_n3A_161, %get3A_175, %dot_general3A_176 {dimension_numbers = #tpu.dot_dimension_numbers<[1], [0], [0], [1], [0, 0, 1, 1], [], []>, transpose_lhs_hint = false} : vector<256x128xf32>, vector<128x384xf32>, vector<256x384xf32> -> vector<256x384xf32>
    %add3A_178 = arith.addf %add3A_172, %dot_general3A_177 : vector<256x384xf32>
    %swap3A = arith.constant 0 : index
    %swap3A_179 = arith.constant 0 : index
    %swap3A_180 = vector.load %arg8[%swap3A, %swap3A_179] : memref<256x384xf32, #tpu.memory_space<vmem>>, vector<256x384xf32>
    tpu.vector_store %arg8[%swap3A, %swap3A_179], %add3A_178 {strides = array<i32>} : memref<256x384xf32, #tpu.memory_space<vmem>>, vector<256x384xf32>,
    return
  }
  func.func @transform_0(%arg0: i32) -> (i32, i32) {
    %c0_i32 = arith.constant 0 : i32
    %c0_i32_0 = arith.constant 0 : i32
    return %arg0, %c0_i32 : i32, i32
  }
  func.func @transform_1(%arg0: i32) -> (i32, i32) {
    %c0_i32 = arith.constant 0 : i32
    %c0_i32_0 = arith.constant 0 : i32
    return %arg0, %c0_i32 : i32, i32
  }
  func.func @transform_2(%arg0: i32) -> (i32, i32) {
    %c0_i32 = arith.constant 0 : i32
    %c0_i32_0 = arith.constant 0 : i32
    return %arg0, %c0_i32 : i32, i32
  }
  func.func @transform_3(%arg0: i32) -> (i32, i32) {
    %c0_i32 = arith.constant 0 : i32
    %c0_i32_0 = arith.constant 0 : i32
    %c0_i32_1 = arith.constant 0 : i32
    return %c0_i32, %c0_i32_0 : i32, i32
  }
  func.func @transform_4(%arg0: i32) -> (i32, i32) {
    %c0_i32 = arith.constant 0 : i32
    %c0_i32_0 = arith.constant 0 : i32
    %c0_i32_1 = arith.constant 0 : i32
    return %c0_i32, %c0_i32_0 : i32, i32
  }
  func.func @transform_5(%arg0: i32) -> (i32, i32) {
    %c0_i32 = arith.constant 0 : i32
    %c0_i32_0 = arith.constant 0 : i32
    %c0_i32_1 = arith.constant 0 : i32
    return %c0_i32, %c0_i32_0 : i32, i32
  }
  func.func @transform_6(%arg0: i32) -> (i32, i32) {
    %c0_i32 = arith.constant 0 : i32
    %c0_i32_0 = arith.constant 0 : i32
    %c0_i32_1 = arith.constant 0 : i32
    return %c0_i32, %c0_i32_0 : i32, i32
  }
  func.func @transform_7(%arg0: i32) -> (i32, i32) {
    %c0_i32 = arith.constant 0 : i32
    %c0_i32_0 = arith.constant 0 : i32
    return %arg0, %c0_i32 : i32, i32
  }
}

</mosaic_0001>

<sc_bundles>
// kernel: kernel.4.cloned.1.call-start
scs
__scs_entry_jumppad:
0x0: {  	(pc) =	sbr.rel $0x88, $3  }
0x1: {  	(tag) =	ssettag $0x0;
	lr =	simm.s32 $0x1  }
0x2: {  	[smem:$0x3F9B] =	sst lr;
	_ =	strace $0xD0000000  }
0x3: {  	_ = 	snop  }
0x4: {  	_ = 	snop  }
0x5: {  	_ = 	snop  }
0x6: {  	_ = 	snop  }
0x7: {  	_ = 	snop  }
__scs_overlays_trampoline_lowered:
0x8: {  	[smem:$0x3FAA] =	sst s0  }
0x9: {  	[smem:$0x3FAB] =	sst s1  }
0xa: {  	[smem:$0x3FAC] =	sst s2  }
0xb: {  	[smem:$0x3FAD] =	sst s3  }
0xc: {  	[smem:$0x3FAE] =	sst s4  }
0xd: {  	[smem:$0x3FAF] =	sst s5  }
0xe: {  	[smem:$0x3FB0] =	sst s6  }
0xf: {  	[smem:$0x3FB1] =	sst s7  }
0x10: {  	[smem:$0x3FB2] =	sst s8  }
0x11: {  	[smem:$0x3FB3] =	sst s9;
	s0 =	simm.s32 @!p0 $0x0  }
0x12: {  	s1 =	sld [smem:$0x3F99];
	s0 =	simm.s32 @p0 $0x1  }
0x13: {  	[smem:$0x3FB4] =	sst s0;
	s0 =	simm.s32 @!p1 $0x0  }
0x14: {  	s2 =	sld [smem:$0x3F98];
	s0 =	simm.s32 @p1 $0x1  }
0x15: {  	[smem:$0x3FB5] =	sst s0;
	s0 =	simm.s32 @!p2 $0x0  }
0x16: {  	s3 =	sld [smem:$0x3FDB];
	s0 =	simm.s32 @p2 $0x1  }
0x17: {  	s4 =	simm.s32 $0x1BF5;
	[smem:$0x3FB7] =	sst s0  }
0x18: {  	s0 =	sld [smem:$0x3F9A];
	_ =	swait.ge [sflag:s4], $0x0  }
0x19: {  	s7 =	sld [smem:$0x3F9B]  }
0x1a: {  	s8 =	sadd.s32 $0xFFFFE003, lr  }
0x1b: {  	s9 =	sadd.s32 $0xFFFFFEF7, lr;
	s5 =	simm.s32 $0xFFFFFFFF;
	p2 =	slt.u32 s8, $0xFFFFF086  }
0x1c: {  	p1 =	slt.u32 s9, $0xF7A;
	s5 =	simm.s32 @!p2 $0x0  }
0x1d: {  	s5 =	simm.s32 @p1 $0x1;
	p0 =	seq.s32 s7, s2  }
0x1e: {  	s7 =	smul.u32 @!p0 $0xF7A, s2;
	p2 =	seq.s32 @!p0 s5, $0x0  }
0x1f: {  	s9 =	smul.u32 $0xF7A, s1;
	s8 =	simm.s32 @!p0 $0x1BF5;
	p2 =	por !p2, p0  }
0x20: {  	[sflag:s8] =	ssyncset.s32 @!p0 $0xFFFFF086;
	s6 =	sadd.s32 @!p0 s3, s7;
	s7 =	simm.s32 @!p0 $0x108  }
0x21: {  	s3 =	sadd.s32 s3, s9;
	s6 =	sadd.s32 @!p0 $0x88, s6;
	s7 =	simm.s32 @p2 $0x1082  }
0x22: {  	[simem:s7], [sflag:s8] =	dma.local @!p0 [hbm:s6], $0xF7A  }
0x23: {  	s9 =	sor.u32 $0xD0000000, s2;
	s6 =	simm.s32 $0x108;
	_ =	swait.ge @!p0 [sflag:s8], $0x0  }
0x24: {  	s3 =	sadd.s32 $0x88, s3;
	s6 =	simm.s32 @!p1 $0x1082;
	[sflag:s4] =	ssyncset.s32 $0xFFFFF086  }
0x25: {  	[simem:s6], [sflag:s4] =	dma.local [hbm:s3], $0xF7A  }
0x26: {  	[smem:$0x3F9B] =	sst s1;
	(tag) =	ssettag s2;
	_ =	strace s9  }
0x27: {  	s1 =	sld [smem:$0x3FAB]  }
0x28: {  	s2 =	sld [smem:$0x3FAC]  }
0x29: {  	s4 =	sld [smem:$0x3FAE]  }
0x2a: {  	p0 =	seq.s32 s5, $0x0;
	s5 =	sld [smem:$0x3FAF]  }
0x2b: {  	s6 =	sld [smem:$0x3FB0]  }
0x2c: {  	s7 =	sld [smem:$0x3FB1]  }
0x2d: {  	s3 =	simm.s32 $0x108;
	s8 =	sld [smem:$0x3FB2]  }
0x2e: {  	s3 =	simm.s32 @!p0 $0x1082;
	s9 =	sld [smem:$0x3FB3]  }
0x2f: {  	lr =	sadd.s32 s0, s3;
	s0 =	sld [smem:$0x3FAA]  }
0x30: {  	s3 =	sld [smem:$0x3FAD]  }
0x31: {  	[smem:$0x3FB6] =	sst s10  }
0x32: {  	s10 =	sld [smem:$0x3FB4];
	_ =	sdelay $0x3  }
0x33: {  	p0 =	seq.s32 s10, $0x1;
	s10 =	sld [smem:$0x3FB6];
	_ =	sdelay $0x3  }
0x34: {  	[smem:$0x3FB6] =	sst s10  }
0x35: {  	s10 =	sld [smem:$0x3FB5];
	_ =	sdelay $0x3  }
0x36: {  	p1 =	seq.s32 s10, $0x1;
	s10 =	sld [smem:$0x3FB6];
	_ =	sdelay $0x3  }
0x37: {  	[smem:$0x3FB6] =	sst s10  }
0x38: {  	s10 =	sld [smem:$0x3FB7]  }
0x39: {  	_ = 	snop;
	(pc) =	sbr.ind lr, $3  }
0x3a: {  	_ = 	snop  }
0x3b: {  	_ = 	snop  }
0x3c: {  	p2 =	seq.s32 s10, $0x1;
	s10 =	sld [smem:$0x3FB6]  }
0x3d: {  	_ =	shalt  }
0x3e: {  	_ =	shalt  }
0x3f: {  	_ =	shalt  }
0x40: {  	_ =	shalt  }
0x41: {  	_ =	shalt  }
0x42: {  	_ =	shalt  }
0x43: {  	_ =	shalt  }
0x44: {  	_ =	shalt  }
0x45: {  	_ =	shalt  }
0x46: {  	_ =	shalt  }
0x47: {  	_ =	shalt  }
0x48: {  	_ =	shalt  }
0x49: {  	_ =	shalt  }
0x4a: {  	_ =	shalt  }
0x4b: {  	_ =	shalt  }
0x4c: {  	_ =	shalt  }
0x4d: {  	_ =	shalt  }
0x4e: {  	_ =	shalt  }
0x4f: {  	_ =	shalt  }
0x50: {  	_ =	shalt  }
0x51: {  	_ =	shalt  }
0x52: {  	_ =	shalt  }
0x53: {  	_ =	shalt  }
0x54: {  	_ =	shalt  }
0x55: {  	_ =	shalt  }
0x56: {  	_ =	shalt  }
0x57: {  	_ =	shalt  }
0x58: {  	_ =	shalt  }
0x59: {  	_ =	shalt  }
0x5a: {  	_ =	shalt  }
0x5b: {  	_ =	shalt  }
0x5c: {  	_ =	shalt  }
0x5d: {  	_ =	shalt  }
0x5e: {  	_ =	shalt  }
0x5f: {  	_ =	shalt  }
0x60: {  	_ =	shalt  }
0x61: {  	_ =	shalt  }
0x62: {  	_ =	shalt  }
0x63: {  	_ =	shalt  }
0x64: {  	_ =	shalt  }
0x65: {  	_ =	shalt  }
0x66: {  	_ =	shalt  }
0x67: {  	_ =	shalt  }
0x68: {  	_ =	shalt  }
0x69: {  	_ =	shalt  }
0x6a: {  	_ =	shalt  }
0x6b: {  	_ =	shalt  }
0x6c: {  	_ =	shalt  }
0x6d: {  	_ =	shalt  }
0x6e: {  	_ =	shalt  }
0x6f: {  	_ =	shalt  }
0x70: {  	_ =	shalt  }
0x71: {  	_ =	shalt  }
0x72: {  	_ =	shalt  }
0x73: {  	_ =	shalt  }
0x74: {  	_ =	shalt  }
0x75: {  	_ =	shalt  }
0x76: {  	_ =	shalt  }
0x77: {  	_ =	shalt  }
0x78: {  	_ =	shalt  }
0x79: {  	_ =	shalt  }
0x7a: {  	_ =	shalt  }
0x7b: {  	_ =	shalt  }
0x7c: {  	_ =	shalt  }
0x7d: {  	_ =	shalt  }
0x7e: {  	_ =	shalt  }
0x7f: {  	_ =	shalt  }
0x80: {  	_ =	shalt  }
0x81: {  	_ =	shalt  }
0x82: {  	_ =	shalt  }
0x83: {  	_ =	shalt  }
0x84: {  	_ =	shalt  }
0x85: {  	_ =	shalt  }
0x86: {  	_ =	shalt  }
0x87: {  	_ =	shalt  }
.Lfunc_end0:
.L_simem_size_0:
called_computation_lowered:
.L_overlay_start_0:
0x88: {  	s2 =	sld [smem:$0x3FD9]  }
0x89: {  	s3 =	sld [smem:$0x3FFE];
	_ =	sdelay $0x1  }
0x8a: {  	s1 =	srdreg.scid  }
0x8b: {  	s0 =	sand.u32 $0x1, s1  }
0x8c: {  	s17 =	sshll.u32 s0, $0xA;
	s2 =	sadd.s32 s3, s2  }
0x8d: {  	s2 =	sadd.s32 s2, s17  }
0x8e: {  	[smem:$0x3FC2] =	sst s2  }
0x8f: {  	_ = 	snop  }
0x90: {  	s2 =	sld [smem:$0x3FC6]  }
0x91: {  	s18 =	sld [smem:$0x3FD0];
	(tm) =	ssettm $0x1  }
0x92: {  	s4 =	sld [smem:$0x3FFB];
	_ =	sdelay $0x3  }
0x93: {  	_ =	strace s4  }
0x94: {  	s4 =	sld [smem:$0x3FFC];
	_ =	sdelay $0x3  }
0x95: {  	_ =	strace s4  }
0x96: {  	s4 =	sld [smem:$0x3FFD];
	_ =	sdelay $0x3  }
0x97: {  	_ =	strace s4  }
0x98: {  	_ =	strace $0x8FFFFFFF  }
0x99: {  	s19 =	sld [smem:$0x3FDB];
	_ =	sdelay $0x1  }
0x9a: {  	s5 =	simm.s32 $_scs_section_size  }
0x9b: {  	s6 =	simm.s32 $_size__tile_overlayer_lowered;
	s7 =	simm.s32 $_tile_overlayer_lowered  }
0x9c: {  	s22 =	simm.s32 $0x1BFF;
	s21 =	sshll.u32 s7, $0x1;
	s4 =	sadd.s32 s5, s19  }
0x9d: {  	s8 =	simm.s32 $0x0;
	s20 =	sshll.u32 s6, $0x1;
	s6 =	sadd.s32 s21, s4  }
0x9e: {  	[timem:s8], [sflag:s22] =	dma.local [hbm:s6], s20  }
0x9f: {  	_ =	swait.ge [sflag:s22], s20  }
0xa0: {  	s5 =	ssub.s32 $0x0, s20;
	[sflag:s22] =	ssyncset.done $0x0  }
0xa1: {  	[sflag:s22] =	ssyncadd.s32 s5;
	_ =	sdelay $0x1  }
0xa2: {  	s23 =	simm.s32 $0x1B8B  }
0xa3: {  	_ =	swait.ge [sflag:s23], $0x1  }
0xa4: {  	[sflag:s23] =	ssyncset.done $0x0  }
0xa5: {  	s25 =	simm.s32 $0x1B8E;
	s24 =	sld [smem:$0x3FFE];
	[sflag:s23] =	ssyncadd.s32 $0xFFFFFFFF  }
0xa6: {  	s26 =	simm.s32 $execute0_lowered;
	[smem:$0x3FD2] =	sst s25  }
0xa7: {  	s6 =	sshll.u32 s26, $0x1;
	_ =	strace $0x80000046;
	[dreg:$0x1] =	wrdreg $0xFFFFFFFF  }
0xa8: {  	s28 =	simm.s32 $_size_execute0_lowered;
	s4 =	sadd.s32 s4, s6;
	[dreg:$0x0] =	wrdreg $0x0  }
0xa9: {  	s6 =	sshll.u32 s28, $0x1;
	[dreg:$0x2] =	wrdreg s4  }
0xaa: {  	[dreg:$0x3] =	wrdreg s6  }
0xab: {  	[dreg:$0x4] =	wrdreg $0xC0  }
0xac: {  	_ =	task [dreg:s8], $0x5FFFF  }
0xad: {  	[dreg:$0x1] =	wrdreg $0xFFFFFFFF  }
0xae: {  	[dreg:$0x0] =	wrdreg $0x60  }
0xaf: {  	[dreg:$0x2] =	wrdreg s18  }
0xb0: {  	[dreg:$0x3] =	wrdreg s2  }
0xb1: {  	[dreg:$0x4] =	wrdreg s24  }
0xb2: {  	[dreg:$0x5] =	wrdreg $0x9  }
0xb3: {  	_ =	task.clear_ibuf [dreg:s8], $0x6FFFF;
	_ =	strace $0x90000046  }
0xb4: {  	s29 =	simm.s32 $0x9;
	_ =	strace $0x80000048  }
0xb5: {  	_ =	swait.ge [sflag:s29], $0x1  }
0xb6: {  	[sflag:s29] =	ssyncadd.s32 $0xFFFFFFFF  }
0xb7: {  	_ =	strace $0x90000048  }
0xb8: {  	_ =	sfence  }
0xb9: {  	s30 =	sld [smem:$0x0];
	_ =	sdelay $0x2  }
0xba: {  	s31 =	sshll.u32 s1, $0xD;
	s1 =	sshrl.u32 s1, $0x2  }
0xbb: {  	s3 =	sand.u32 $0x4000, s31;
	s1 =	sadd.s32 s1, s30  }
0xbc: {  	s0 =	sor.u32 s3, s0;
	s1 =	sshll.u32 s1, $0x11  }
0xbd: {  	s0 =	sor.u32 s1, s0  }
0xbe: {  	s0 =	sadd.s32 $0x8F2B, s0  }
0xbf: {  	[sflag:s0] =	ssyncadd.remote.s32 $0x1  }
0xc0: {  	_ =	sfence.sel $0xFFFF  }
0xc1: {  	[dreg:$0x0] =	wrdreg $0xFFFFFFFF;
	(pc) =	sbr.abs _section_cstart, $3  }
0xc2: {  	[dreg:$0x1] =	wrdreg $0xFFFFFFFF  }
0xc3: {  	_ =	task.clear_ibuf [dreg:s8], $0x2FFFF;
	_ =	strace $0x9FFFFFFF  }
0xc4: {  	(tm) =	ssettm $0x7FFFFFFF  }
0xc5: {  	_ =	shalt  }
tec
execute0_lowered:
.L_overlay_start_1:
0x0: {  	(tag) =	ssettag $0x1  }
0x1: {  	s1 =	rddreg [dreg:$0x0]  }
0x2: {  	s2 =	rddreg [dreg:$0x1]  }
0x3: {  	s6 =	rddreg [dreg:$0x2]  }
0x4: {  	s0 =	rddreg [dreg:$0x3]  }
0x5: {  	s3 =	simm.s32 $0x0;
	s4 =	srdreg.scid;
	s10 =	simm.s32 $0x100  }
0x6: {  	v0 =	vimm.f32 $0.0e+00;
	v18 =	vlaneseq.u32;
	s11 =	simm.s32 $0x8100;
	s12 =	simm.s32 $0x1C280;
	s13 =	simm.s32 $0x1C100  }
0x7: {  	v1 =	vimm.s32 $0x0;
	v2 =	vimm.s32 $0xF;
	s14 =	simm.s32 $0x1C680;
	s15 =	simm.s32 $0x1C500;
	s16 =	simm.s32 $0x14100;
	v3 =	vadd.s32 $0x1, v18  }
0x8: {  	s17 =	simm.s32 $0x0;
	[smem:$0x7FF] =	sst s3;
	s7 =	sand.u32 $0x1, s4;
	v4 =	vadd.s32 $0x11, v18;
	v5 =	vadd.s32 $0x21, v18;
	v6 =	vadd.s32 $0x31, v18  }
0x9: {  	s5 =	sadd.s32 $0x200, s6;
	s4 =	stileid.u32;
	v7 =	vadd.s32 $0x41, v18;
	v8 =	vadd.s32 $0x51, v18;
	v9 =	vadd.s32 $0x61, v18;
	s8 =	ssub.s32 $0x2, s7  }
0xa: {  	s6 =	sadd.s32 $0x400, s6;
	v10 =	vadd.s32 $0x71, v18;
	v11 =	vadd.s32 $0x81, v18;
	v12 =	vadd.s32 $0x91, v18;
	_ =	strace $0x80000047;
	s9 =	sshrl.u32 s8, $0x1  }
0xb: {  	v13 =	vadd.s32 $0xA1, v18;
	v14 =	vadd.s32 $0xB1, v18;
	v15 =	vadd.s32 $0xC1, v18;
	s31 =	sshll.u32 s4, $0xA;
	s7 =	sshll.u32 s7, $0x9;
	s8 =	ssub.s32 s8, s9  }
0xc: {  	v16 =	vadd.s32 $0xD1, v18;
	v17 =	vadd.s32 $0xE1, v18;
	v18 =	vadd.s32 $0xF1, v18;
	s7 =	sor.u32 s7, s31;
	s9 =	simm.s32 $0x1;
	s8 =	smax.u32 s8, $0x1  }
.LBB2_1:
0xd: {  	[tilespmem:s3], [sflag:$0x1] =	stream.linear.gather [hbm4b:s5+s3], $0x100, $0x38;
	[tilespmem:$0x1C900] =	vst v63  }
0xe: {  	_ =	swait.ge [sflag:s9], $0x100  }
0xf: {  	[sflag:s9] =	ssyncset.done $0x0  }
0x10: {  	s18 =	simm.s32 $0x0;
	[sflag:s9] =	ssyncadd.s32 $0xFFFFFF00  }
.LBB2_2:
0x11: {  	s19 =	sshll.u32 s18, $0x7  }
0x12: {  	s20 =	sadd.s32 s7, s19  }
0x13: {  	s19 =	sshll.u32 s20, $0x5  }
0x14: {  	s21 =	sshrl.u32 s20, $0x3;
	s20 =	simm.s32 $0x0;
	s22 =	sadd.s32 s2, s19  }
0x15: {  	[tilespmem:s10], [sflag:$0x1] =	stream.linear.gather [hbm4b:s22+s20], $0x8000, $0x38;
	[tilespmem:$0x1C900] =	vst v63  }
0x16: {  	s21 =	smul.u32 $0x180, s21;
	_ =	swait.ge [sflag:s9], $0x8000  }
0x17: {  	[sflag:s9] =	ssyncset.done $0x0  }
0x18: {  	s21 =	sadd.s32 s1, s21;
	[sflag:s9] =	ssyncadd.s32 $0xFFFF8000  }
0x19: {  	[tilespmem:s11], [sflag:$0x1] =	stream.linear.gather [hbm4b:s21+s20], $0xC000, $0x38;
	[tilespmem:$0x1C900] =	vst v63  }
0x1a: {  	_ =	swait.ge [sflag:s9], $0xC000  }
0x1b: {  	[sflag:s9] =	ssyncset.done $0x0  }
0x1c: {  	s22 =	simm.s32 $0x0;
	s21 =	simm.s32 $0x0;
	[sflag:s9] =	ssyncadd.s32 $0xFFFF4000  }
.LBB2_3:
0x1d: {  	[tilespmem:$0x1C100] =	vst v0;
	s23 =	sand.u32 $0x7800, s20;
	s24 =	sand.u32 $0x300, s21  }
0x1e: {  	[tilespmem:$0x1C380] =	vst v1;
	s24 =	sor.u32 s24, s23  }
0x1f: {  	v19 =	vld [tilespmem:s24+$0x100];
	_ =	sdelay $0x1  }
0x20: {  	v20 =	vld [tilespmem:s24+$0x110];
	_ =	sdelay $0x1  }
0x21: {  	v21 =	vld [tilespmem:s24+$0x120]  }
0x22: {  	v19 =	vadd.f32 $9.999999770e-03, v19  }
0x23: {  	v22 =	vld [tilespmem:s24+$0x130]  }
0x24: {  	(xrf2) =	vadd.scan.msk.f32 $0xffff, v19;
	v19 =	vadd.f32 $9.999999770e-03, v20  }
0x25: {  	v20 =	vld [tilespmem:s24+$0x140]  }
0x26: {  	(xrf2) =	vadd.scan.msk.f32 $0xffff, v19;
	v19 =	vadd.f32 $9.999999770e-03, v21  }
0x27: {  	v50 =	vld [tilespmem:s24+$0x150]  }
0x28: {  	(xrf2) =	vadd.scan.msk.f32 $0xffff, v19;
	v19 =	vadd.f32 $9.999999770e-03, v22  }
0x29: {  	v51 =	vld [tilespmem:s24+$0x160]  }
0x2a: {  	(xrf2) =	vadd.scan.msk.f32 $0xffff, v19;
	v19 =	vadd.f32 $9.999999770e-03, v20;
	_ =	sdelay $0x1  }
0x2b: {  	(xrf2) =	vadd.scan.msk.f32 $0xffff, v19;
	v19 =	vadd.f32 $9.999999770e-03, v50  }
0x2c: {  	v20 =	vld [tilespmem:s24+$0x170]  }
0x2d: {  	v52, _, _ =	vpop (xrf2);
	(xrf2) =	vadd.scan.msk.f32 $0xffff, v19;
	v19 =	vadd.f32 $9.999999770e-03, v51  }
0x2e: {  	v53 =	vperm.xlane v52, v2  }
0x2f: {  	v23, _, _ =	vpop (xrf2);
	(xrf2) =	vadd.scan.msk.f32 $0xffff, v19  }
0x30: {  	v19 =	vperm.xlane v23, v2;
	v22 =	vadd.f32 $0.0e+00, v53  }
0x31: {  	v20 =	vadd.f32 $9.999999770e-03, v20;
	v24, _, _ =	vpop (xrf2)  }
0x32: {  	v25 =	vperm.xlane v24, v2;
	v19 =	vadd.f32 v19, v22  }
0x33: {  	v26, _, _ =	vpop (xrf2);
	(xrf2) =	vadd.scan.msk.f32 $0xffff, v20  }
0x34: {  	v20 =	vperm.xlane v26, v2;
	v25 =	vadd.f32 v25, v19  }
0x35: {  	v27, _, _ =	vpop (xrf2)  }
0x36: {  	v28 =	vperm.xlane v27, v2;
	v20 =	vadd.f32 v20, v25  }
0x37: {  	v21 =	vadd.f32 $0.0e+00, v52;
	v29, _, _ =	vpop (xrf2)  }
0x38: {  	v22 =	vadd.f32 v22, v23;
	v30 =	vperm.xlane v29, v2;
	v28 =	vadd.f32 v28, v20  }
0x39: {  	[tilespmem:$0x1C101] =	vst v21;
	v19 =	vadd.f32 v19, v24;
	v54, _, _ =	vpop (xrf2)  }
0x3a: {  	[tilespmem:$0x1C111] =	vst v22;
	v56 =	vadd.f32 v25, v26;
	v55 =	vperm.xlane v54, v2;
	v30 =	vadd.f32 v30, v28  }
0x3b: {  	[tilespmem:$0x1C121] =	vst v19;
	v19 =	vadd.f32 v20, v27  }
0x3c: {  	[tilespmem:$0x1C131] =	vst v56;
	v57 =	vadd.f32 v28, v29;
	v20 =	vadd.f32 v55, v30  }
0x3d: {  	[tilespmem:$0x1C141] =	vst v19;
	v19 =	vadd.f32 v30, v54;
	v58, _, _ =	vpop (xrf2)  }
0x3e: {  	[tilespmem:$0x1C151] =	vst v57;
	v59 =	vadd.f32 v20, v58  }
0x3f: {  	[tilespmem:$0x1C161] =	vst v19  }
0x40: {  	[tilespmem:$0x1C171] =	vst v59  }
0x41: {  	v19 =	vld [tilespmem:s24+$0x500]  }
0x42: {  	v22 =	vld [tilespmem:s24+$0x510]  }
0x43: {  	v60 =	vld [tilespmem:s24+$0x520];
	_ =	sdelay $0x2  }
0x44: {  	v19 =	vadd.f32 $9.999999770e-03, v19  }
0x45: {  	v22 =	vadd.f32 $9.999999770e-03, v22  }
0x46: {  	(xrf2) =	vadd.scan.msk.f32 $0xffff, v19;
	v19 =	vadd.f32 $9.999999770e-03, v60  }
0x47: {  	(xrf2) =	vadd.scan.msk.f32 $0xffff, v22  }
0x48: {  	(xrf2) =	vadd.scan.msk.f32 $0xffff, v19;
	_ =	sdelay $0x7  }
0x49: {  	v61, _, _ =	vpop (xrf2)  }
0x4a: {  	v62, _, _ =	vpop (xrf2)  }
0x4b: {  	v63, _, _ =	vpop (xrf2)  }
0x4c: {  	v19 =	vld [tilespmem:s24+$0x530];
	_ =	sdelay $0x1  }
0x4d: {  	v39 =	vld [tilespmem:s24+$0x540];
	_ =	sdelay $0x1  }
0x4e: {  	v40 =	vld [tilespmem:s24+$0x550]  }
0x4f: {  	v19 =	vadd.f32 $9.999999770e-03, v19  }
0x50: {  	v41 =	vld [tilespmem:s24+$0x560]  }
0x51: {  	(xrf2) =	vadd.scan.msk.f32 $0xffff, v19;
	v19 =	vadd.f32 $9.999999770e-03, v39  }
0x52: {  	v42 =	vld [tilespmem:s24+$0x570]  }
0x53: {  	(xrf2) =	vadd.scan.msk.f32 $0xffff, v19;
	v19 =	vadd.f32 $9.999999770e-03, v40  }
0x54: {  	v24 =	vperm.xlane v58, v2  }
0x55: {  	(xrf2) =	vadd.scan.msk.f32 $0xffff, v19;
	v19 =	vadd.f32 $9.999999770e-03, v41  }
0x56: {  	v20 =	vadd.f32 v24, v20;
	v43 =	vperm.xlane v61, v2  }
0x57: {  	(xrf2) =	vadd.scan.msk.f32 $0xffff, v19;
	v19 =	vadd.f32 $9.999999770e-03, v42  }
0x58: {  	v44 =	vperm.xlane v62, v2;
	v24 =	vadd.f32 v43, v20  }
0x59: {  	(xrf2) =	vadd.scan.msk.f32 $0xffff, v19  }
0x5a: {  	v26 =	vadd.f32 v44, v24;
	v19 =	vperm.xlane v63, v2  }
0x5b: {  	v45, _, _ =	vpop (xrf2)  }
0x5c: {  	v47 =	vadd.f32 v19, v26;
	v46 =	vperm.xlane v45, v2  }
0x5d: {  	v48, _, _ =	vpop (xrf2)  }
0x5e: {  	v19 =	vperm.xlane v48, v2;
	v28 =	vadd.f32 v46, v47  }
0x5f: {  	v31, _, _ =	vpop (xrf2)  }
0x60: {  	v32 =	vperm.xlane v31, v2;
	v33 =	vadd.f32 v19, v28  }
0x61: {  	v34, _, _ =	vpop (xrf2)  }
0x62: {  	v19 =	vperm.xlane v34, v2;
	v32 =	vadd.f32 v32, v33  }
0x63: {  	v35, _, _ =	vpop (xrf2)  }
0x64: {  	v36 =	vperm.xlane v35, v2;
	v37 =	vadd.f32 v19, v32;
	_ =	sdelay $0x1  }
0x65: {  	v19 =	vadd.f32 v36, v37;
	_ =	sdelay $0x1  }
0x66: {  	(erf) = vrcp.f32 v19;
	_ =	sdelay $0x2  }
0x67: {  	v49 =	vld [tilespmem:$0x1C111]  }
0x68: {  	v38 =	vld [tilespmem:$0x1C121]  }
0x69: {  	v54 =	vld [tilespmem:$0x1C131]  }
0x6a: {  	v59 =	vld [tilespmem:$0x1C141]  }
0x6b: {  	v23 =	vadd.f32 v26, v63;
	v63 =	vld [tilespmem:$0x1C151]  }
0x6c: {  	v20 =	vadd.f32 v61, v20;
	v22 =	vadd.f32 v24, v62  }
0x6d: {  	v26 =	vadd.f32 v47, v45;
	v27 =	vadd.f32 v28, v48;
	v19 =	vpop (erf)  }
0x6e: {  	v28 =	vadd.f32 v33, v31;
	v21 =	vmul.f32 v19, v21;
	v51 =	vmul.f32 v49, v19  }
0x6f: {  	v32 =	vadd.f32 v32, v34;
	v53 =	vmul.f32 v38, v19;
	v30 =	vmul.f32 v54, v19  }
0x70: {  	v36 =	vmul.f32 v59, v19;
	v38 =	vmul.f32 v63, v19;
	v21 =	vmin.f32 v21, $1.000000000e+00  }
0x71: {  	v42 =	vld [tilespmem:$0x1C171];
	v25 =	vmin.f32 v51, $1.000000000e+00;
	v29 =	vmin.f32 v53, $1.000000000e+00;
	v30 =	vmin.f32 v30, $1.000000000e+00  }
0x72: {  	v36 =	vmin.f32 v36, $1.000000000e+00;
	v39 =	vmul.f32 $1.290000000e+02, v21;
	v56 =	vmul.f32 $1.290000000e+02, v25  }
0x73: {  	v38 =	vmin.f32 v38, $1.000000000e+00;
	v58 =	vmul.f32 $1.290000000e+02, v29;
	v43 =	vmul.f32 $1.290000000e+02, v30  }
0x74: {  	v51 =	vmul.f32 $1.290000000e+02, v38;
	v50 =	vadd.f32 $-5.000000000e-01, v39;
	v24 =	vadd.f32 $-5.000000000e-01, v56  }
0x75: {  	v46 =	vmul.f32 $1.290000000e+02, v36;
	v33 =	vadd.f32 $-5.000000000e-01, v58;
	v45 =	vadd.f32 $-5.000000000e-01, v43  }
0x76: {  	v54 =	vadd.f32 $-5.000000000e-01, v51;
	v58 =	vmul.f32 v42, v19;
	v52 =	vtrunc.f32 v50  }
0x77: {  	v47 =	vld [tilespmem:$0x1C161];
	v34 =	vadd.f32 v37, v35;
	v60 =	vtrunc.f32 v24;
	v62 =	vtrunc.f32 v33  }
0x78: {  	v48 =	vadd.f32 $-5.000000000e-01, v46;
	v40 =	vtrunc.f32 v45;
	v56 =	vtrunc.f32 v54  }
0x79: {  	v39 =	vmin.f32 v58, $1.000000000e+00;
	v55 =	vcvt.f32.s32 v52;
	vm0 =	vgt.f32 v50, v52  }
0x7a: {  	v61 =	vcvt.f32.s32 v60;
	vm14 =	vgt.f32 v24, v60;
	v44 =	vcvt.f32.s32 v62  }
0x7b: {  	vm1 =	vgt.f32 v33, v62;
	v41 =	vcvt.f32.s32 v40;
	vm5 =	vgt.f32 v45, v40  }
0x7c: {  	v50 =	vtrunc.f32 v48;
	v52 =	vmul.f32 v47, v19;
	vm9 =	vgt.f32 v54, v56  }
0x7d: {  	[tilespmem:$0x1C280] =	vst v1;
	v63 =	vmul.f32 $1.290000000e+02, v39;
	v57 =	vsel vm0, $0x1, v1;
	v24 =	vsel vm14, $0x1, v1  }
0x7e: {  	[tilespmem:$0x1C181] =	vst v20;
	v33 =	vsel vm1, $0x1, v1;
	v49 =	vsel vm5, $0x1, v1;
	v20 =	vcvt.f32.s32 v50  }
0x7f: {  	[tilespmem:$0x1C290] =	vst v1;
	vm6 =	vgt.f32 v48, v50;
	v40 =	vsel vm9, $0x1, v1;
	v31 =	vadd.s32 v55, v57  }
0x80: {  	[tilespmem:$0x1C2A0] =	vst v1;
	v24 =	vadd.s32 v61, v24;
	v33 =	vadd.s32 v44, v33;
	v37 =	vadd.s32 v41, v49  }
0x81: {  	[tilespmem:$0x1C2B0] =	vst v1;
	v53 =	vsel vm6, $0x1, v1;
	v55 =	vld [tilespmem:$0x1C181];
	v35 =	vmin.f32 v52, $1.000000000e+00;
	v57 =	vcvt.f32.s32 v56  }
0x82: {  	[tilespmem:$0x1C191] =	vst v22;
	v46 =	vadd.f32 $-5.000000000e-01, v63;
	vm13 =	vlt.s32 v31, $0x81;
	vm15 =	vlt.s32 v24, $0x81  }
0x83: {  	[tilespmem:$0x1C2C0] =	vst v1;
	v60 =	vld [tilespmem:$0x1C191];
	vm4 =	vlt.s32 v33, $0x81;
	vm7 =	vlt.s32 v37, $0x81;
	v20 =	vadd.s32 v20, v53  }
0x84: {  	[tilespmem:$0x1C2D0] =	vst v1;
	v43 =	vmul.f32 $1.290000000e+02, v35;
	v31 =	vnsel vm13, $0x81, v31;
	v24 =	vnsel vm15, $0x81, v24  }
0x85: {  	[tilespmem:$0x1C1A1] =	vst v23;
	v33 =	vnsel vm4, $0x81, v33;
	v37 =	vnsel vm7, $0x81, v37;
	vm8 =	vlt.s32 v20, $0x81  }
0x86: {  	[tilespmem:$0x1C2E0] =	vst v1;
	v49 =	vld [tilespmem:$0x1C1A1];
	v22 =	vadd.s32 v57, v40;
	v50 =	vtrunc.f32 v46;
	v61 =	vmul.f32 v55, v19  }
0x87: {  	[tilespmem:$0x1C2F0] =	vst v1;
	v20 =	vnsel vm8, $0x81, v20;
	v59 =	vadd.f32 $-5.000000000e-01, v43;
	vm10 =	vlt.s32 v22, $0x81  }
0x88: {  	[tilespmem:$0x1C1B1] =	vst v26;
	v48 =	vmul.f32 v60, v19;
	v51 =	vcvt.f32.s32 v50;
	v23 =	vmin.f32 v61, $1.000000000e+00  }
0x89: {  	[tilespmem:$0x1C1C1] =	vst v27;
	v52 =	vld [tilespmem:$0x1C1B1];
	vm13 =	vgt.f32 v46, v50;
	v22 =	vnsel vm10, $0x81, v22;
	v47 =	vmul.f32 $1.290000000e+02, v23  }
0x8a: {  	[tilespmem:$0x1C1D1] =	vst v28;
	v53 =	vsel vm13, $0x1, v1;
	v62 =	vtrunc.f32 v59;
	v27 =	vmin.f32 v48, $1.000000000e+00  }
0x8b: {  	[tilespmem:$0x1C101] =	vst v21;
	v21 =	vadd.s32 v51, v53;
	v28 =	vmul.f32 v49, v19;
	v41 =	vadd.f32 $-5.000000000e-01, v47  }
0x8c: {  	[tilespmem:$0x1C300] =	vst v1;
	v44 =	vcvt.f32.s32 v62;
	vm11 =	vgt.f32 v59, v62;
	v55 =	vmul.f32 $1.290000000e+02, v27  }
0x8d: {  	[tilespmem:$0x1C1E1] =	vst v32;
	v62 =	vld [tilespmem:$0x1C1C1];
	v45 =	vsel vm11, $0x1, v1;
	v28 =	vmin.f32 v28, $1.000000000e+00;
	v54 =	vtrunc.f32 v41  }
0x8e: {  	[tilespmem:$0x1C1F1] =	vst v34;
	v61 =	vmul.f32 v52, v19;
	v26 =	vadd.s32 v44, v45;
	vm14 =	vgt.f32 v41, v54;
	v41 =	vld [tilespmem:$0x1C1D1]  }
0x8f: {  	[tilespmem:$0x1C3A1] =	vst v33;
	v58 =	vadd.f32 $-5.000000000e-01, v55;
	v33 =	vmul.f32 $1.290000000e+02, v28;
	vm12 =	vlt.s32 v26, $0x81  }
0x90: {  	[tilespmem:$0x1C121] =	vst v29;
	vm15 =	vlt.s32 v21, $0x81;
	v29 =	vmin.f32 v61, $1.000000000e+00;
	v59 =	vnsel vm12, $0x81, v26  }
0x91: {  	[tilespmem:$0x1C111] =	vst v25;
	v45 =	vld [tilespmem:$0x1C1E1];
	v60 =	vtrunc.f32 v58;
	v26 =	vadd.f32 $-5.000000000e-01, v33;
	v40 =	vmul.f32 $1.290000000e+02, v29  }
0x92: {  	[tilespmem:$0x1C381] =	vst v31;
	v48 =	vld [tilespmem:$0x1C1F1];
	v21 =	vnsel vm15, $0x81, v21;
	v63 =	vcvt.f32.s32 v60;
	v31 =	vmul.f32 v62, v19  }
0x93: {  	[tilespmem:$0x1C3C1] =	vst v20;
	vm4 =	vgt.f32 v58, v60;
	v20 =	vtrunc.f32 v26;
	v33 =	vmul.f32 v41, v19  }
0x94: {  	[tilespmem:$0x1C131] =	vst v30;
	v34 =	vsel vm4, $0x1, v1;
	v56 =	vcvt.f32.s32 v54;
	v42 =	vcvt.f32.s32 v20  }
0x95: {  	[tilespmem:$0x1C141] =	vst v36;
	vm6 =	vgt.f32 v26, v20;
	v44 =	vmin.f32 v31, $1.000000000e+00;
	v33 =	vmin.f32 v33, $1.000000000e+00  }
0x96: {  	[tilespmem:$0x1C151] =	vst v38;
	v31 =	vmul.f32 v45, v19;
	v57 =	vsel vm14, $0x1, v1;
	v50 =	vmul.f32 $1.290000000e+02, v33  }
0x97: {  	[tilespmem:$0x1C171] =	vst v39;
	v20 =	vsel vm6, $0x1, v1;
	v25 =	vadd.s32 v56, v57;
	v19 =	vmul.f32 v48, v19  }
0x98: {  	[tilespmem:$0x1C161] =	vst v35;
	v20 =	vadd.s32 v42, v20;
	v55 =	vmin.f32 v31, $1.000000000e+00;
	v53 =	vadd.f32 $-5.000000000e-01, v50  }
0x99: {  	[tilespmem:$0x1C391] =	vst v24;
	vm7 =	vlt.s32 v20, $0x81;
	v58 =	vmul.f32 $1.290000000e+02, v55;
	v19 =	vmin.f32 v19, $1.000000000e+00  }
0x9a: {  	[tilespmem:$0x1C3E1] =	vst v59;
	v20 =	vnsel vm7, $0x81, v20;
	v60 =	vmul.f32 $1.290000000e+02, v19;
	v57 =	vtrunc.f32 v53  }
0x9b: {  	[tilespmem:$0x1C421] =	vst v20;
	v20 =	vadd.f32 $-5.000000000e-01, v58;
	v59 =	vcvt.f32.s32 v57;
	vm12 =	vgt.f32 v53, v57  }
0x9c: {  	[tilespmem:$0x1C181] =	vst v23;
	v32 =	vadd.f32 $-5.000000000e-01, v40;
	v23 =	vadd.f32 $-5.000000000e-01, v60;
	v24 =	vsel vm12, $0x1, v1  }
0x9d: {  	[tilespmem:$0x1C3B1] =	vst v37;
	v30 =	vadd.s32 v63, v34;
	v62 =	vtrunc.f32 v20;
	v61 =	vadd.s32 v59, v24  }
0x9e: {  	[tilespmem:$0x1C1A1] =	vst v28;
	vm14 =	vgt.f32 v20, v62;
	v28 =	vtrunc.f32 v23;
	vm13 =	vlt.s32 v61, $0x81  }
0x9f: {  	[tilespmem:$0x1C1B1] =	vst v29;
	v29 =	vcvt.f32.s32 v28;
	vm15 =	vgt.f32 v23, v28;
	v20 =	vnsel vm13, $0x81, v61  }
0xa0: {  	vm5 =	vlt.s32 v30, $0x81;
	v43 =	vtrunc.f32 v32;
	[tilespmem:$0x1C451] =	vst v20;
	v20 =	vsel vm15, $0x1, v1  }
0xa1: {  	[tilespmem:$0x1C3D1] =	vst v22;
	v46 =	vmul.f32 $1.290000000e+02, v44;
	v30 =	vnsel vm5, $0x81, v30;
	v20 =	vadd.s32 v29, v20  }
0xa2: {  	v47 =	vcvt.f32.s32 v43;
	[tilespmem:$0x1C411] =	vst v30;
	v30 =	vld [tilespmem:$0x1C380];
	vm5 =	vlt.s32 v20, $0x81  }
0xa3: {  	vm8 =	vgt.f32 v32, v43;
	v34 =	vadd.f32 $-5.000000000e-01, v46;
	[tilespmem:$0x1C1F1] =	vst v19;
	v19 =	vnsel vm5, $0x81, v20;
	v20 =	vld [tilespmem:$0x1C381]  }
0xa4: {  	[tilespmem:$0x1C191] =	vst v27;
	vm2 =	vlt.s32 v25, $0x81;
	v32 =	vsel vm8, $0x1, v1  }
0xa5: {  	[tilespmem:$0x1C3F1] =	vst v21;
	v25 =	vnsel vm2, $0x81, v25;
	v49 =	vadd.s32 v47, v32;
	v51 =	vtrunc.f32 v34  }
0xa6: {  	[tilespmem:$0x1C1C1] =	vst v44;
	vm9 =	vlt.s32 v49, $0x81;
	v52 =	vcvt.f32.s32 v51;
	vm10 =	vgt.f32 v34, v51  }
0xa7: {  	[tilespmem:$0x1C1E1] =	vst v55;
	v21 =	vnsel vm9, $0x81, v49;
	v54 =	vsel vm10, $0x1, v1;
	v63 =	vcvt.f32.s32 v62  }
0xa8: {  	[tilespmem:$0x1C401] =	vst v25;
	v56 =	vadd.s32 v52, v54;
	v26 =	vsel vm14, $0x1, v1;
	vm6 =	vne.s32 v30, v20  }
0xa9: {  	[tilespmem:$0x1C431] =	vst v21;
	vm11 =	vlt.s32 v56, $0x81;
	v21 =	vadd.s32 v63, v26  }
0xaa: {  	[tilespmem:$0x1C1D1] =	vst v33;
	v22 =	vnsel vm11, $0x81, v56;
	vm4 =	vlt.s32 v21, $0x81  }
0xab: {  	[tilespmem:$0x1C441] =	vst v22;
	v21 =	vnsel vm4, $0x81, v21  }
0xac: {  	[tilespmem:$0x1C461] =	vst v21  }
0xad: {  	[tilespmem:$0x1C471] =	vst v19  }
0xae: {  	[tilespmem:v30+s12+$0x0] =	vst.idx.msk vm6, v3  }
0xaf: {  	v19 =	vld [tilespmem:$0x1C390]  }
0xb0: {  	v20 =	vld [tilespmem:$0x1C391];
	_ =	sdelay $0x4  }
0xb1: {  	vm7 =	vne.s32 v19, v20;
	_ =	sdelay $0x5  }
0xb2: {  	[tilespmem:v19+s12+$0x0] =	vst.idx.msk vm7, v4  }
0xb3: {  	v19 =	vld [tilespmem:$0x1C3A0]  }
0xb4: {  	v20 =	vld [tilespmem:$0x1C3A1];
	_ =	sdelay $0x4  }
0xb5: {  	vm8 =	vne.s32 v19, v20;
	_ =	sdelay $0x5  }
0xb6: {  	[tilespmem:v19+s12+$0x0] =	vst.idx.msk vm8, v5  }
0xb7: {  	v19 =	vld [tilespmem:$0x1C3B0]  }
0xb8: {  	v20 =	vld [tilespmem:$0x1C3B1];
	_ =	sdelay $0x4  }
0xb9: {  	vm9 =	vne.s32 v19, v20;
	_ =	sdelay $0x5  }
0xba: {  	[tilespmem:v19+s12+$0x0] =	vst.idx.msk vm9, v6  }
0xbb: {  	v19 =	vld [tilespmem:$0x1C3C0]  }
0xbc: {  	v20 =	vld [tilespmem:$0x1C3C1];
	_ =	sdelay $0x4  }
0xbd: {  	vm10 =	vne.s32 v19, v20;
	_ =	sdelay $0x5  }
0xbe: {  	[tilespmem:v19+s12+$0x0] =	vst.idx.msk vm10, v7  }
0xbf: {  	v19 =	vld [tilespmem:$0x1C3D0]  }
0xc0: {  	v20 =	vld [tilespmem:$0x1C3D1];
	_ =	sdelay $0x4  }
0xc1: {  	vm11 =	vne.s32 v19, v20;
	_ =	sdelay $0x5  }
0xc2: {  	[tilespmem:v19+s12+$0x0] =	vst.idx.msk vm11, v8  }
0xc3: {  	v19 =	vld [tilespmem:$0x1C3E0]  }
0xc4: {  	v20 =	vld [tilespmem:$0x1C3E1];
	_ =	sdelay $0x4  }
0xc5: {  	vm12 =	vne.s32 v19, v20;
	_ =	sdelay $0x5  }
0xc6: {  	[tilespmem:v19+s12+$0x0] =	vst.idx.msk vm12, v9  }
0xc7: {  	v19 =	vld [tilespmem:$0x1C3F0]  }
0xc8: {  	v20 =	vld [tilespmem:$0x1C3F1];
	_ =	sdelay $0x4  }
0xc9: {  	vm13 =	vne.s32 v19, v20;
	_ =	sdelay $0x5  }
0xca: {  	[tilespmem:v19+s12+$0x0] =	vst.idx.msk vm13, v10  }
0xcb: {  	v19 =	vld [tilespmem:$0x1C400]  }
0xcc: {  	v20 =	vld [tilespmem:$0x1C401];
	_ =	sdelay $0x4  }
0xcd: {  	vm14 =	vne.s32 v19, v20;
	_ =	sdelay $0x5  }
0xce: {  	[tilespmem:v19+s12+$0x0] =	vst.idx.msk vm14, v11  }
0xcf: {  	v19 =	vld [tilespmem:$0x1C410]  }
0xd0: {  	v20 =	vld [tilespmem:$0x1C411];
	_ =	sdelay $0x4  }
0xd1: {  	vm15 =	vne.s32 v19, v20;
	_ =	sdelay $0x5  }
0xd2: {  	[tilespmem:v19+s12+$0x0] =	vst.idx.msk vm15, v12  }
0xd3: {  	v19 =	vld [tilespmem:$0x1C420]  }
0xd4: {  	v20 =	vld [tilespmem:$0x1C421];
	_ =	sdelay $0x4  }
0xd5: {  	vm4 =	vne.s32 v19, v20;
	_ =	sdelay $0x5  }
0xd6: {  	[tilespmem:v19+s12+$0x0] =	vst.idx.msk vm4, v13  }
0xd7: {  	v19 =	vld [tilespmem:$0x1C430]  }
0xd8: {  	v20 =	vld [tilespmem:$0x1C431];
	_ =	sdelay $0x4  }
0xd9: {  	vm5 =	vne.s32 v19, v20;
	_ =	sdelay $0x5  }
0xda: {  	[tilespmem:v19+s12+$0x0] =	vst.idx.msk vm5, v14  }
0xdb: {  	v19 =	vld [tilespmem:$0x1C440]  }
0xdc: {  	v20 =	vld [tilespmem:$0x1C441];
	_ =	sdelay $0x4  }
0xdd: {  	vm6 =	vne.s32 v19, v20;
	_ =	sdelay $0x5  }
0xde: {  	[tilespmem:v19+s12+$0x0] =	vst.idx.msk vm6, v15  }
0xdf: {  	v19 =	vld [tilespmem:$0x1C450]  }
0xe0: {  	v20 =	vld [tilespmem:$0x1C451];
	_ =	sdelay $0x4  }
0xe1: {  	vm7 =	vne.s32 v19, v20;
	_ =	sdelay $0x5  }
0xe2: {  	[tilespmem:v19+s12+$0x0] =	vst.idx.msk vm7, v16  }
0xe3: {  	v19 =	vld [tilespmem:$0x1C460]  }
0xe4: {  	v20 =	vld [tilespmem:$0x1C461];
	_ =	sdelay $0x4  }
0xe5: {  	vm8 =	vne.s32 v19, v20;
	_ =	sdelay $0x5  }
0xe6: {  	[tilespmem:v19+s12+$0x0] =	vst.idx.msk vm8, v17  }
0xe7: {  	v19 =	vld [tilespmem:$0x1C470]  }
0xe8: {  	v20 =	vld [tilespmem:$0x1C471];
	_ =	sdelay $0x4  }
0xe9: {  	vm9 =	vne.s32 v19, v20;
	_ =	sdelay $0x5  }
0xea: {  	[tilespmem:v19+s12+$0x0] =	vst.idx.msk vm9, v18  }
0xeb: {  	v19 =	vld [tilespmem:$0x1C280];
	_ =	sdelay $0x4  }
0xec: {  	v19 =	vxor.u32 $0x80000000, v19  }
0xed: {  	(xrf0) =	vmax.scan.msk.u32 $0xffff, v19;
	_ =	sdelay $0x5  }
0xee: {  	v20, _, _ =	vpop (xrf0)  }
0xef: {  	v31 =	vadd.s32 $0x7FFFFFFF, v20  }
0xf0: {  	v32 =	vxor.u32 $0x80000000, v20;
	_ =	sdelay $0x3  }
0xf1: {  	v33 =	vld.idx.msk [tilespmem:v31+s13+$0x0], $0xffff  }
0xf2: {  	v34 =	vld.idx.msk [tilespmem:v32+s13+$0x0], $0xffff;
	_ =	sdelay $0x1  }
0xf3: {  	v35 =	vmov s22  }
0xf4: {  	v19 =	vshrl.u32 v35, $0x3  }
0xf5: {  	v25 =	vshll.u32 v35, $0x7;
	v19 =	vmul.u32 $0xC00, v19  }
0xf6: {  	v38 =	vand.u32 $0x7F, v20;
	v20 =	vshll.u32 v20, $0x3;
	v24 =	vsub.f32 v34, v33  }
0xf7: {  	v37 =	vld [tilespmem:$0x1C290];
	v36 =	vshll.u32 v31, $0x3;
	v21 =	vand.u32 $0x7F, v31;
	v39 =	vand.u32 $0xFFFFFC00, v20  }
0xf8: {  	v26 =	vand.u32 $0xFFFFFC00, v36;
	v40 =	vadd.s32 v19, v39;
	(erf) = vrcp.f32 v24  }
0xf9: {  	v20 =	vand.u32 $0x300, v25;
	v26 =	vadd.s32 v19, v26;
	v25 =	vor.u32 v38, v40  }
0xfa: {  	v21 =	vor.u32 v21, v26;
	v25 =	vor.u32 v20, v25  }
0xfb: {  	v41 =	vld [tilespmem:$0x0];
	v21 =	vor.u32 v20, v21  }
0xfc: {  	v27 =	vxor.u32 $0x80000000, v37  }
0xfd: {  	(xrf0) =	vmax.scan.msk.u32 $0xffff, v27;
	_ =	sdelay $0x1  }
0xfe: {  	v25 =	vld.idx.msk [tilespmem:v25+s11+$0x0], $0xffff  }
0xff: {  	v21 =	vld.idx.msk [tilespmem:v21+s11+$0x0], $0xffff;
	v23 =	vsub.f32 v41, v33  }
0x100: {  	v42 =	vpop (erf)  }
0x101: {  	vm10 =	vgt.f32 v23, $0.0e+00;
	v26 =	vmul.f32 v23, v42  }
0x102: {  	v44 =	vperm.xlane v32, v2;
	v43, _, _ =	vpop (xrf0);
	vm11 =	veq.f32 v24, $0.0e+00;
	v45 =	vsel vm10, $0x3F800000, v0  }
0x103: {  	v46 =	vxor.u32 $0x80000000, v43;
	v22 =	vsel vm11, v45, v26  }
0x104: {  	v47 =	vld [tilespmem:$0x1C2A0];
	vm12 =	vgt.s32 v46, v44;
	v49 =	vsub.f32 v25, v21;
	v22 =	vmax.f32 v22, $0.0e+00  }
0x105: {  	v48 =	vld [tilespmem:$0x1C2B0];
	v50 =	vsel vm12, v46, v44;
	v22 =	vmin.f32 v22, $1.000000000e+00  }
0x106: {  	v52 =	vadd.s32 $0xFFFFFFFF, v50;
	v24 =	vld [tilespmem:$0x1C2D0];
	v51 =	vmul.f32 v22, v49  }
0x107: {  	v25 =	vld [tilespmem:$0x1C2C0]  }
0x108: {  	v23 =	vld [tilespmem:$0x1C2E0];
	v31 =	vadd.f32 v51, v21  }
0x109: {  	v22 =	vld [tilespmem:$0x1C2F0]  }
0x10a: {  	v21 =	vld [tilespmem:$0x1C300];
	[tilespmem:s24+$0x14100] =	vst v31  }
0x10b: {  	v31 =	vld.idx.msk [tilespmem:v52+s13+$0x0], $0xffff  }
0x10c: {  	v33 =	vld.idx.msk [tilespmem:v50+s13+$0x0], $0xffff;
	_ =	sdelay $0x4  }
0x10d: {  	v53 =	vshll.u32 v52, $0x3;
	v33 =	vsub.f32 v33, v31  }
0x10e: {  	v54 =	vshll.u32 v50, $0x3;
	v32 =	vand.u32 $0x7F, v52;
	v34 =	vand.u32 $0xFFFFFC00, v53  }
0x10f: {  	v35 =	vand.u32 $0xFFFFFC00, v54;
	v34 =	vadd.s32 v19, v34;
	(erf) = vrcp.f32 v33  }
0x110: {  	v30 =	vand.u32 $0x7F, v50;
	v55 =	vadd.s32 v19, v35;
	v32 =	vor.u32 v32, v34  }
0x111: {  	v30 =	vor.u32 v30, v55;
	v32 =	vor.u32 v20, v32  }
0x112: {  	v30 =	vor.u32 v20, v30;
	v56 =	vld [tilespmem:$0x10]  }
0x113: {  	v29 =	vxor.u32 $0x80000000, v47  }
0x114: {  	(xrf0) =	vmax.scan.msk.u32 $0xffff, v29;
	_ =	sdelay $0x1  }
0x115: {  	v57 =	vld.idx.msk [tilespmem:v32+s11+$0x0], $0xffff  }
0x116: {  	v30 =	vld.idx.msk [tilespmem:v30+s11+$0x0], $0xffff;
	v31 =	vsub.f32 v56, v31  }
0x117: {  	v28 =	vperm.xlane v46, v2;
	v58 =	vpop (erf)  }
0x118: {  	vm13 =	vgt.f32 v31, $0.0e+00;
	v32 =	vmul.f32 v31, v58  }
0x119: {  	vm14 =	vgt.s32 v44, v28;
	v59, _, _ =	vpop (xrf0);
	vm15 =	veq.f32 v33, $0.0e+00;
	v60 =	vsel vm13, $0x3F800000, v0  }
0x11a: {  	v27 =	vsel vm14, v44, v28;
	v31 =	vxor.u32 $0x80000000, v59;
	v61 =	vsel vm15, v60, v32  }
0x11b: {  	v30 =	vsub.f32 v30, v57;
	vm4 =	vgt.s32 v31, v27;
	v28 =	vmax.f32 v61, $0.0e+00  }
0x11c: {  	v62 =	vsel vm4, v31, v27;
	v28 =	vmin.f32 v28, $1.000000000e+00  }
0x11d: {  	v63 =	vadd.s32 $0xFFFFFFFF, v62;
	v28 =	vmul.f32 v28, v30;
	_ =	sdelay $0x1  }
0x11e: {  	v28 =	vadd.f32 v28, v57;
	_ =	sdelay $0x1  }
0x11f: {  	[tilespmem:s24+$0x14110] =	vst v28  }
0x120: {  	v28 =	vld.idx.msk [tilespmem:v63+s13+$0x0], $0xffff  }
0x121: {  	v36 =	vld.idx.msk [tilespmem:v62+s13+$0x0], $0xffff;
	_ =	sdelay $0x4  }
0x122: {  	v38 =	vshll.u32 v62, $0x3;
	v29 =	vsub.f32 v36, v28  }
0x123: {  	v32 =	vand.u32 $0x7F, v62;
	v37 =	vshll.u32 v63, $0x3;
	v34 =	vand.u32 $0xFFFFFC00, v38  }
0x124: {  	v33 =	vand.u32 $0xFFFFFC00, v37;
	v39 =	vadd.s32 v19, v34;
	(erf) = vrcp.f32 v29  }
0x125: {  	v30 =	vand.u32 $0x7F, v63;
	v33 =	vadd.s32 v19, v33;
	v32 =	vor.u32 v32, v39  }
0x126: {  	v30 =	vor.u32 v30, v33;
	v32 =	vor.u32 v20, v32  }
0x127: {  	v30 =	vor.u32 v20, v30;
	v40 =	vld [tilespmem:$0x20]  }
0x128: {  	v26 =	vxor.u32 $0x80000000, v48  }
0x129: {  	(xrf0) =	vmax.scan.msk.u32 $0xffff, v26;
	_ =	sdelay $0x1  }
0x12a: {  	v42 =	vld.idx.msk [tilespmem:v32+s11+$0x0], $0xffff  }
0x12b: {  	v41 =	vld.idx.msk [tilespmem:v30+s11+$0x0], $0xffff;
	v28 =	vsub.f32 v40, v28  }
0x12c: {  	v31 =	vperm.xlane v31, v2;
	v43 =	vpop (erf)  }
0x12d: {  	vm5 =	vgt.f32 v28, $0.0e+00;
	v32 =	vmul.f32 v28, v43  }
0x12e: {  	v44, _, _ =	vpop (xrf0);
	vm1 =	vgt.s32 v27, v31;
	vm6 =	veq.f32 v29, $0.0e+00;
	v45 =	vsel vm5, $0x3F800000, v0  }
0x12f: {  	v27 =	vsel vm1, v27, v31;
	v28 =	vxor.u32 $0x80000000, v44;
	v29 =	vsel vm6, v45, v32  }
0x130: {  	v30 =	vsub.f32 v42, v41;
	vm7 =	vgt.s32 v28, v27;
	v29 =	vmax.f32 v29, $0.0e+00  }
0x131: {  	v31 =	vsel vm7, v28, v27;
	v29 =	vmin.f32 v29, $1.000000000e+00  }
0x132: {  	v46 =	vadd.s32 $0xFFFFFFFF, v31;
	v29 =	vmul.f32 v29, v30;
	_ =	sdelay $0x1  }
0x133: {  	v26 =	vadd.f32 v29, v41;
	_ =	sdelay $0x1  }
0x134: {  	[tilespmem:s24+$0x14120] =	vst v26  }
0x135: {  	v26 =	vld.idx.msk [tilespmem:v46+s13+$0x0], $0xffff  }
0x136: {  	v47 =	vld.idx.msk [tilespmem:v31+s13+$0x0], $0xffff;
	_ =	sdelay $0x4  }
0x137: {  	v49 =	vshll.u32 v31, $0x3;
	v48 =	vshll.u32 v46, $0x3;
	v29 =	vsub.f32 v47, v26  }
0x138: {  	v33 =	vand.u32 $0xFFFFFC00, v49;
	v32 =	vand.u32 $0xFFFFFC00, v48  }
0x139: {  	v30 =	vand.u32 $0x7F, v46;
	v32 =	vadd.s32 v19, v32;
	(erf) = vrcp.f32 v29  }
0x13a: {  	v50 =	vadd.s32 v19, v33;
	v30 =	vor.u32 v30, v32;
	v31 =	vand.u32 $0x7F, v31  }
0x13b: {  	v30 =	vor.u32 v20, v30;
	v31 =	vor.u32 v31, v50  }
0x13c: {  	v51 =	vld [tilespmem:$0x30];
	v31 =	vor.u32 v20, v31  }
0x13d: {  	v25 =	vxor.u32 $0x80000000, v25  }
0x13e: {  	(xrf0) =	vmax.scan.msk.u32 $0xffff, v25;
	_ =	sdelay $0x1  }
0x13f: {  	v52 =	vld.idx.msk [tilespmem:v30+s11+$0x0], $0xffff  }
0x140: {  	v26 =	vsub.f32 v51, v26;
	v53 =	vld.idx.msk [tilespmem:v31+s11+$0x0], $0xffff  }
0x141: {  	v28 =	vperm.xlane v28, v2;
	v54 =	vpop (erf)  }
0x142: {  	vm8 =	vgt.f32 v26, $0.0e+00;
	v31 =	vmul.f32 v26, v54  }
0x143: {  	v55, _, _ =	vpop (xrf0);
	vm1 =	vgt.s32 v27, v28;
	vm9 =	veq.f32 v29, $0.0e+00;
	v56 =	vsel vm8, $0x3F800000, v0  }
0x144: {  	v27 =	vsel vm1, v27, v28;
	v26 =	vxor.u32 $0x80000000, v55;
	v57 =	vsel vm9, v56, v31  }
0x145: {  	v58 =	vsub.f32 v53, v52;
	vm10 =	vgt.s32 v26, v27;
	v28 =	vmax.f32 v57, $0.0e+00  }
0x146: {  	v59 =	vsel vm10, v26, v27;
	v28 =	vmin.f32 v28, $1.000000000e+00  }
0x147: {  	v60 =	vadd.s32 $0xFFFFFFFF, v59;
	v28 =	vmul.f32 v28, v58;
	_ =	sdelay $0x1  }
0x148: {  	v25 =	vadd.f32 v28, v52;
	_ =	sdelay $0x1  }
0x149: {  	[tilespmem:s24+$0x14130] =	vst v25  }
0x14a: {  	v25 =	vld.idx.msk [tilespmem:v60+s13+$0x0], $0xffff  }
0x14b: {  	v61 =	vld.idx.msk [tilespmem:v59+s13+$0x0], $0xffff;
	_ =	sdelay $0x4  }
0x14c: {  	v63 =	vshll.u32 v59, $0x3;
	v28 =	vsub.f32 v61, v25  }
0x14d: {  	v30 =	vand.u32 $0x7F, v59;
	v62 =	vshll.u32 v60, $0x3;
	v32 =	vand.u32 $0xFFFFFC00, v63  }
0x14e: {  	v31 =	vand.u32 $0xFFFFFC00, v62;
	v33 =	vadd.s32 v19, v32;
	(erf) = vrcp.f32 v28  }
0x14f: {  	v29 =	vand.u32 $0x7F, v60;
	v31 =	vadd.s32 v19, v31;
	v30 =	vor.u32 v30, v33  }
0x150: {  	v29 =	vor.u32 v29, v31;
	v30 =	vor.u32 v20, v30  }
0x151: {  	v29 =	vor.u32 v20, v29;
	v34 =	vld [tilespmem:$0x40]  }
0x152: {  	v24 =	vxor.u32 $0x80000000, v24  }
0x153: {  	(xrf0) =	vmax.scan.msk.u32 $0xffff, v24;
	_ =	sdelay $0x1  }
0x154: {  	v36 =	vld.idx.msk [tilespmem:v30+s11+$0x0], $0xffff  }
0x155: {  	v35 =	vld.idx.msk [tilespmem:v29+s11+$0x0], $0xffff;
	v25 =	vsub.f32 v34, v25  }
0x156: {  	v26 =	vperm.xlane v26, v2;
	v37 =	vpop (erf)  }
0x157: {  	vm11 =	vgt.f32 v25, $0.0e+00;
	v30 =	vmul.f32 v25, v37  }
0x158: {  	v38, _, _ =	vpop (xrf0);
	vm1 =	vgt.s32 v27, v26;
	vm12 =	veq.f32 v28, $0.0e+00;
	v39 =	vsel vm11, $0x3F800000, v0  }
0x159: {  	v26 =	vsel vm1, v27, v26;
	v25 =	vxor.u32 $0x80000000, v38;
	v40 =	vsel vm12, v39, v30  }
0x15a: {  	v41 =	vsub.f32 v36, v35;
	vm13 =	vgt.s32 v25, v26;
	v27 =	vmax.f32 v40, $0.0e+00  }
0x15b: {  	v42 =	vsel vm13, v25, v26;
	v27 =	vmin.f32 v27, $1.000000000e+00  }
0x15c: {  	v43 =	vadd.s32 $0xFFFFFFFF, v42;
	v27 =	vmul.f32 v27, v41;
	_ =	sdelay $0x1  }
0x15d: {  	v24 =	vadd.f32 v27, v35;
	_ =	sdelay $0x1  }
0x15e: {  	[tilespmem:s24+$0x14140] =	vst v24  }
0x15f: {  	v24 =	vld.idx.msk [tilespmem:v43+s13+$0x0], $0xffff  }
0x160: {  	v44 =	vld.idx.msk [tilespmem:v42+s13+$0x0], $0xffff;
	_ =	sdelay $0x4  }
0x161: {  	v46 =	vshll.u32 v42, $0x3;
	v27 =	vsub.f32 v44, v24  }
0x162: {  	v29 =	vand.u32 $0x7F, v42;
	v45 =	vshll.u32 v43, $0x3;
	v31 =	vand.u32 $0xFFFFFC00, v46  }
0x163: {  	v30 =	vand.u32 $0xFFFFFC00, v45;
	v47 =	vadd.s32 v19, v31;
	(erf) = vrcp.f32 v27  }
0x164: {  	v28 =	vand.u32 $0x7F, v43;
	v30 =	vadd.s32 v19, v30;
	v29 =	vor.u32 v29, v47  }
0x165: {  	v28 =	vor.u32 v28, v30;
	v29 =	vor.u32 v20, v29  }
0x166: {  	v28 =	vor.u32 v20, v28;
	v48 =	vld [tilespmem:$0x50]  }
0x167: {  	v23 =	vxor.u32 $0x80000000, v23  }
0x168: {  	(xrf0) =	vmax.scan.msk.u32 $0xffff, v23;
	_ =	sdelay $0x1  }
0x169: {  	v50 =	vld.idx.msk [tilespmem:v29+s11+$0x0], $0xffff  }
0x16a: {  	v49 =	vld.idx.msk [tilespmem:v28+s11+$0x0], $0xffff;
	v24 =	vsub.f32 v48, v24  }
0x16b: {  	v25 =	vperm.xlane v25, v2;
	v51 =	vpop (erf)  }
0x16c: {  	vm14 =	vgt.f32 v24, $0.0e+00;
	v29 =	vmul.f32 v24, v51  }
0x16d: {  	v52, _, _ =	vpop (xrf0);
	vm1 =	vgt.s32 v26, v25;
	vm15 =	veq.f32 v27, $0.0e+00;
	v53 =	vsel vm14, $0x3F800000, v0  }
0x16e: {  	v25 =	vsel vm1, v26, v25;
	v24 =	vxor.u32 $0x80000000, v52;
	v54 =	vsel vm15, v53, v29  }
0x16f: {  	v55 =	vsub.f32 v50, v49;
	vm4 =	vgt.s32 v24, v25;
	v26 =	vmax.f32 v54, $0.0e+00  }
0x170: {  	v56 =	vsel vm4, v24, v25;
	v26 =	vmin.f32 v26, $1.000000000e+00  }
0x171: {  	v57 =	vadd.s32 $0xFFFFFFFF, v56;
	v26 =	vmul.f32 v26, v55;
	_ =	sdelay $0x1  }
0x172: {  	v23 =	vadd.f32 v26, v49;
	_ =	sdelay $0x1  }
0x173: {  	[tilespmem:s24+$0x14150] =	vst v23  }
0x174: {  	v23 =	vld.idx.msk [tilespmem:v57+s13+$0x0], $0xffff  }
0x175: {  	v58 =	vld.idx.msk [tilespmem:v56+s13+$0x0], $0xffff;
	_ =	sdelay $0x4  }
0x176: {  	v60 =	vshll.u32 v56, $0x3;
	v26 =	vsub.f32 v58, v23  }
0x177: {  	v28 =	vand.u32 $0x7F, v56;
	v59 =	vshll.u32 v57, $0x3;
	v30 =	vand.u32 $0xFFFFFC00, v60  }
0x178: {  	v29 =	vand.u32 $0xFFFFFC00, v59;
	v61 =	vadd.s32 v19, v30;
	(erf) = vrcp.f32 v26  }
0x179: {  	v27 =	vand.u32 $0x7F, v57;
	v29 =	vadd.s32 v19, v29;
	v28 =	vor.u32 v28, v61  }
0x17a: {  	v27 =	vor.u32 v27, v29;
	v28 =	vor.u32 v20, v28  }
0x17b: {  	v27 =	vor.u32 v20, v27;
	v62 =	vld [tilespmem:$0x60]  }
0x17c: {  	v22 =	vxor.u32 $0x80000000, v22  }
0x17d: {  	(xrf0) =	vmax.scan.msk.u32 $0xffff, v22;
	_ =	sdelay $0x1  }
0x17e: {  	v32 =	vld.idx.msk [tilespmem:v28+s11+$0x0], $0xffff  }
0x17f: {  	v63 =	vld.idx.msk [tilespmem:v27+s11+$0x0], $0xffff;
	v23 =	vsub.f32 v62, v23  }
0x180: {  	v24 =	vperm.xlane v24, v2;
	v33 =	vpop (erf)  }
0x181: {  	vm5 =	vgt.f32 v23, $0.0e+00;
	v28 =	vmul.f32 v23, v33  }
0x182: {  	v34, _, _ =	vpop (xrf0);
	vm1 =	vgt.s32 v25, v24;
	vm6 =	veq.f32 v26, $0.0e+00;
	v35 =	vsel vm5, $0x3F800000, v0  }
0x183: {  	v24 =	vsel vm1, v25, v24;
	v23 =	vxor.u32 $0x80000000, v34;
	v36 =	vsel vm6, v35, v28  }
0x184: {  	v37 =	vsub.f32 v32, v63;
	vm7 =	vgt.s32 v23, v24;
	v25 =	vmax.f32 v36, $0.0e+00  }
0x185: {  	v38 =	vsel vm7, v23, v24;
	v25 =	vmin.f32 v25, $1.000000000e+00  }
0x186: {  	v39 =	vadd.s32 $0xFFFFFFFF, v38;
	v25 =	vmul.f32 v25, v37;
	_ =	sdelay $0x1  }
0x187: {  	v22 =	vadd.f32 v25, v63;
	_ =	sdelay $0x1  }
0x188: {  	[tilespmem:s24+$0x14160] =	vst v22  }
0x189: {  	v22 =	vld.idx.msk [tilespmem:v39+s13+$0x0], $0xffff  }
0x18a: {  	v40 =	vld.idx.msk [tilespmem:v38+s13+$0x0], $0xffff;
	_ =	sdelay $0x4  }
0x18b: {  	v42 =	vshll.u32 v38, $0x3;
	v25 =	vsub.f32 v40, v22  }
0x18c: {  	v27 =	vand.u32 $0x7F, v38;
	v41 =	vshll.u32 v39, $0x3;
	v29 =	vand.u32 $0xFFFFFC00, v42  }
0x18d: {  	v28 =	vand.u32 $0xFFFFFC00, v41;
	v43 =	vadd.s32 v19, v29;
	(erf) = vrcp.f32 v25  }
0x18e: {  	v26 =	vand.u32 $0x7F, v39;
	v28 =	vadd.s32 v19, v28;
	v27 =	vor.u32 v27, v43  }
0x18f: {  	v26 =	vor.u32 v26, v28;
	v27 =	vor.u32 v20, v27  }
0x190: {  	v26 =	vor.u32 v20, v26;
	v44 =	vld [tilespmem:$0x70]  }
0x191: {  	v21 =	vxor.u32 $0x80000000, v21  }
0x192: {  	(xrf0) =	vmax.scan.msk.u32 $0xffff, v21;
	_ =	sdelay $0x1  }
0x193: {  	v46 =	vld.idx.msk [tilespmem:v27+s11+$0x0], $0xffff  }
0x194: {  	v45 =	vld.idx.msk [tilespmem:v26+s11+$0x0], $0xffff;
	v22 =	vsub.f32 v44, v22  }
0x195: {  	v23 =	vperm.xlane v23, v2;
	v47 =	vpop (erf)  }
0x196: {  	vm8 =	vgt.f32 v22, $0.0e+00;
	v27 =	vmul.f32 v22, v47  }
0x197: {  	v48, _, _ =	vpop (xrf0);
	vm1 =	vgt.s32 v24, v23;
	vm9 =	veq.f32 v25, $0.0e+00;
	v49 =	vsel vm8, $0x3F800000, v0  }
0x198: {  	v23 =	vsel vm1, v24, v23;
	v22 =	vxor.u32 $0x80000000, v48;
	v50 =	vsel vm9, v49, v27  }
0x199: {  	v51 =	vsub.f32 v46, v45;
	vm10 =	vgt.s32 v22, v23;
	v24 =	vmax.f32 v50, $0.0e+00  }
0x19a: {  	v22 =	vsel vm10, v22, v23;
	v24 =	vmin.f32 v24, $1.000000000e+00  }
0x19b: {  	v53 =	vadd.s32 $0xFFFFFFFF, v22;
	v52 =	vmul.f32 v24, v51;
	_ =	sdelay $0x1  }
0x19c: {  	v21 =	vadd.f32 v52, v45;
	_ =	sdelay $0x1  }
0x19d: {  	[tilespmem:s24+$0x14170] =	vst v21  }
0x19e: {  	v21 =	vld.idx.msk [tilespmem:v53+s13+$0x0], $0xffff  }
0x19f: {  	v54 =	vld.idx.msk [tilespmem:v22+s13+$0x0], $0xffff;
	_ =	sdelay $0x4  }
0x1a0: {  	v56 =	vshll.u32 v22, $0x3;
	v55 =	vshll.u32 v53, $0x3;
	v23 =	vsub.f32 v54, v21  }
0x1a1: {  	v26 =	vand.u32 $0xFFFFFC00, v56;
	v25 =	vand.u32 $0xFFFFFC00, v55  }
0x1a2: {  	v24 =	vand.u32 $0x7F, v53;
	v25 =	vadd.s32 v19, v25;
	(erf) = vrcp.f32 v23  }
0x1a3: {  	v19 =	vadd.s32 v19, v26;
	v24 =	vor.u32 v24, v25;
	v22 =	vand.u32 $0x7F, v22  }
0x1a4: {  	v24 =	vor.u32 v20, v24;
	v19 =	vor.u32 v22, v19  }
0x1a5: {  	v19 =	vor.u32 v20, v19;
	v20 =	vld [tilespmem:$0x80];
	_ =	sdelay $0x3  }
0x1a6: {  	v57 =	vld.idx.msk [tilespmem:v24+s11+$0x0], $0xffff  }
0x1a7: {  	v19 =	vld.idx.msk [tilespmem:v19+s11+$0x0], $0xffff;
	v20 =	vsub.f32 v20, v21  }
0x1a8: {  	v58 =	vpop (erf)  }
0x1a9: {  	vm11 =	vgt.f32 v20, $0.0e+00;
	v21 =	vmul.f32 v20, v58  }
0x1aa: {  	vm12 =	veq.f32 v23, $0.0e+00;
	v20 =	vsel vm11, $0x3F800000, v0  }
0x1ab: {  	v20 =	vsel vm12, v20, v21  }
0x1ac: {  	v19 =	vsub.f32 v19, v57;
	v20 =	vmax.f32 v20, $0.0e+00  }
0x1ad: {  	v20 =	vmin.f32 v20, $1.000000000e+00  }
0x1ae: {  	v19 =	vmul.f32 v20, v19;
	_ =	sdelay $0x1  }
0x1af: {  	v19 =	vadd.f32 v19, v57;
	_ =	sdelay $0x1  }
0x1b0: {  	s30 =	sadd.s32 $0x80, s21;
	[tilespmem:s24+$0x14500] =	vst v19  }
0x1b1: {  	s24 =	sand.u32 $0x380, s30;
	[tilespmem:$0x1C500] =	vst v0  }
0x1b2: {  	[tilespmem:$0x1C780] =	vst v1;
	s23 =	sor.u32 s23, s24  }
0x1b3: {  	v19 =	vld [tilespmem:s23+$0x100];
	_ =	sdelay $0x1  }
0x1b4: {  	v20 =	vld [tilespmem:s23+$0x110];
	_ =	sdelay $0x1  }
0x1b5: {  	v59 =	vld [tilespmem:s23+$0x120]  }
0x1b6: {  	v19 =	vadd.f32 $9.999999770e-03, v19  }
0x1b7: {  	v60 =	vld [tilespmem:s23+$0x130]  }
0x1b8: {  	(xrf2) =	vadd.scan.msk.f32 $0xffff, v19;
	v19 =	vadd.f32 $9.999999770e-03, v20  }
0x1b9: {  	v20 =	vld [tilespmem:s23+$0x140]  }
0x1ba: {  	(xrf2) =	vadd.scan.msk.f32 $0xffff, v19;
	v19 =	vadd.f32 $9.999999770e-03, v59  }
0x1bb: {  	v61 =	vld [tilespmem:s23+$0x150]  }
0x1bc: {  	(xrf2) =	vadd.scan.msk.f32 $0xffff, v19;
	v19 =	vadd.f32 $9.999999770e-03, v60  }
0x1bd: {  	v62 =	vld [tilespmem:s23+$0x160]  }
0x1be: {  	(xrf2) =	vadd.scan.msk.f32 $0xffff, v19;
	v19 =	vadd.f32 $9.999999770e-03, v20;
	_ =	sdelay $0x1  }
0x1bf: {  	(xrf2) =	vadd.scan.msk.f32 $0xffff, v19;
	v19 =	vadd.f32 $9.999999770e-03, v61  }
0x1c0: {  	v20 =	vld [tilespmem:s23+$0x170]  }
0x1c1: {  	v63, _, _ =	vpop (xrf2);
	(xrf2) =	vadd.scan.msk.f32 $0xffff, v19;
	v19 =	vadd.f32 $9.999999770e-03, v62  }
0x1c2: {  	v32 =	vperm.xlane v63, v2  }
0x1c3: {  	v33, _, _ =	vpop (xrf2);
	(xrf2) =	vadd.scan.msk.f32 $0xffff, v19  }
0x1c4: {  	v19 =	vperm.xlane v33, v2;
	v22 =	vadd.f32 $0.0e+00, v32  }
0x1c5: {  	v20 =	vadd.f32 $9.999999770e-03, v20;
	v34, _, _ =	vpop (xrf2)  }
0x1c6: {  	v35 =	vperm.xlane v34, v2;
	v19 =	vadd.f32 v19, v22  }
0x1c7: {  	v36, _, _ =	vpop (xrf2);
	(xrf2) =	vadd.scan.msk.f32 $0xffff, v20  }
0x1c8: {  	v20 =	vperm.xlane v36, v2;
	v25 =	vadd.f32 v35, v19  }
0x1c9: {  	v37, _, _ =	vpop (xrf2)  }
0x1ca: {  	v38 =	vperm.xlane v37, v2;
	v20 =	vadd.f32 v20, v25  }
0x1cb: {  	v21 =	vadd.f32 $0.0e+00, v63;
	v39, _, _ =	vpop (xrf2)  }
0x1cc: {  	v22 =	vadd.f32 v22, v33;
	v40 =	vperm.xlane v39, v2;
	v28 =	vadd.f32 v38, v20  }
0x1cd: {  	[tilespmem:$0x1C501] =	vst v21;
	v19 =	vadd.f32 v19, v34;
	v41, _, _ =	vpop (xrf2)  }
0x1ce: {  	[tilespmem:$0x1C511] =	vst v22;
	v43 =	vadd.f32 v25, v36;
	v42 =	vperm.xlane v41, v2;
	v30 =	vadd.f32 v40, v28  }
0x1cf: {  	[tilespmem:$0x1C521] =	vst v19;
	v19 =	vadd.f32 v20, v37  }
0x1d0: {  	[tilespmem:$0x1C531] =	vst v43;
	v44 =	vadd.f32 v28, v39;
	v20 =	vadd.f32 v42, v30  }
0x1d1: {  	[tilespmem:$0x1C541] =	vst v19;
	v19 =	vadd.f32 v30, v41;
	v45, _, _ =	vpop (xrf2)  }
0x1d2: {  	[tilespmem:$0x1C551] =	vst v44;
	v46 =	vadd.f32 v20, v45  }
0x1d3: {  	[tilespmem:$0x1C561] =	vst v19  }
0x1d4: {  	[tilespmem:$0x1C571] =	vst v46  }
0x1d5: {  	v19 =	vld [tilespmem:s23+$0x500];
	_ =	sdelay $0x1  }
0x1d6: {  	v22 =	vld [tilespmem:s23+$0x510];
	_ =	sdelay $0x1  }
0x1d7: {  	v47 =	vld [tilespmem:s23+$0x520]  }
0x1d8: {  	v19 =	vadd.f32 $9.999999770e-03, v19  }
0x1d9: {  	v48 =	vld [tilespmem:s23+$0x530]  }
0x1da: {  	(xrf2) =	vadd.scan.msk.f32 $0xffff, v19;
	v19 =	vadd.f32 $9.999999770e-03, v22  }
0x1db: {  	v49 =	vld [tilespmem:s23+$0x540]  }
0x1dc: {  	(xrf2) =	vadd.scan.msk.f32 $0xffff, v19;
	v19 =	vadd.f32 $9.999999770e-03, v47  }
0x1dd: {  	v50 =	vld [tilespmem:s23+$0x550]  }
0x1de: {  	(xrf2) =	vadd.scan.msk.f32 $0xffff, v19;
	v19 =	vadd.f32 $9.999999770e-03, v48  }
0x1df: {  	v51 =	vld [tilespmem:s23+$0x560]  }
0x1e0: {  	(xrf2) =	vadd.scan.msk.f32 $0xffff, v19;
	v19 =	vadd.f32 $9.999999770e-03, v49  }
0x1e1: {  	v52 =	vld [tilespmem:s23+$0x570]  }
0x1e2: {  	(xrf2) =	vadd.scan.msk.f32 $0xffff, v19;
	v19 =	vadd.f32 $9.999999770e-03, v50  }
0x1e3: {  	v53 =	vperm.xlane v45, v2  }
0x1e4: {  	v54, _, _ =	vpop (xrf2);
	(xrf2) =	vadd.scan.msk.f32 $0xffff, v19;
	v19 =	vadd.f32 $9.999999770e-03, v51  }
0x1e5: {  	v20 =	vadd.f32 v53, v20;
	v55 =	vperm.xlane v54, v2  }
0x1e6: {  	v56, _, _ =	vpop (xrf2);
	(xrf2) =	vadd.scan.msk.f32 $0xffff, v19;
	v19 =	vadd.f32 $9.999999770e-03, v52  }
0x1e7: {  	v57 =	vperm.xlane v56, v2;
	v23 =	vadd.f32 v55, v20  }
0x1e8: {  	v58, _, _ =	vpop (xrf2);
	(xrf2) =	vadd.scan.msk.f32 $0xffff, v19  }
0x1e9: {  	v19 =	vperm.xlane v58, v2;
	v22 =	vadd.f32 v57, v23  }
0x1ea: {  	v59, _, _ =	vpop (xrf2)  }
0x1eb: {  	v60 =	vperm.xlane v59, v2;
	v61 =	vadd.f32 v19, v22  }
0x1ec: {  	v62, _, _ =	vpop (xrf2)  }
0x1ed: {  	v19 =	vperm.xlane v62, v2;
	v28 =	vadd.f32 v60, v61  }
0x1ee: {  	v63, _, _ =	vpop (xrf2)  }
0x1ef: {  	v41 =	vperm.xlane v63, v2;
	v42 =	vadd.f32 v19, v28  }
0x1f0: {  	v43, _, _ =	vpop (xrf2)  }
0x1f1: {  	v19 =	vperm.xlane v43, v2;
	v32 =	vadd.f32 v41, v42  }
0x1f2: {  	v44, _, _ =	vpop (xrf2)  }
0x1f3: {  	v45 =	vperm.xlane v44, v2;
	v46 =	vadd.f32 v19, v32;
	_ =	sdelay $0x1  }
0x1f4: {  	v19 =	vadd.f32 v45, v46;
	_ =	sdelay $0x1  }
0x1f5: {  	(erf) = vrcp.f32 v19;
	_ =	sdelay $0x2  }
0x1f6: {  	v47 =	vld [tilespmem:$0x1C511]  }
0x1f7: {  	v48 =	vld [tilespmem:$0x1C521]  }
0x1f8: {  	v20 =	vadd.f32 v54, v20;
	v54 =	vld [tilespmem:$0x1C531]  }
0x1f9: {  	v26 =	vadd.f32 v61, v59;
	v59 =	vld [tilespmem:$0x1C541]  }
0x1fa: {  	v27 =	vadd.f32 v28, v62;
	v28 =	vadd.f32 v42, v63;
	v63 =	vld [tilespmem:$0x1C551]  }
0x1fb: {  	v34 =	vadd.f32 v46, v44;
	v46 =	vld [tilespmem:$0x1C561]  }
0x1fc: {  	v19 =	vpop (erf)  }
0x1fd: {  	v21 =	vmul.f32 v19, v21  }
0x1fe: {  	v51 =	vmul.f32 v47, v19;
	v53 =	vmul.f32 v48, v19  }
0x1ff: {  	v23 =	vadd.f32 v23, v56;
	v30 =	vmul.f32 v54, v19;
	v36 =	vmul.f32 v59, v19  }
0x200: {  	v22 =	vadd.f32 v22, v58;
	v38 =	vmul.f32 v63, v19;
	v54 =	vmul.f32 v46, v19  }
0x201: {  	v21 =	vmin.f32 v21, $1.000000000e+00;
	v25 =	vmin.f32 v51, $1.000000000e+00;
	v29 =	vmin.f32 v53, $1.000000000e+00  }
0x202: {  	v30 =	vmin.f32 v30, $1.000000000e+00;
	v36 =	vmin.f32 v36, $1.000000000e+00;
	v49 =	vmul.f32 $1.290000000e+02, v21  }
0x203: {  	v35 =	vmin.f32 v54, $1.000000000e+00;
	v56 =	vmul.f32 $1.290000000e+02, v25;
	v58 =	vmul.f32 $1.290000000e+02, v29  }
0x204: {  	v42 =	vmul.f32 $1.290000000e+02, v30;
	v45 =	vmul.f32 $1.290000000e+02, v36;
	v50 =	vadd.f32 $-5.000000000e-01, v49  }
0x205: {  	v59 =	vmul.f32 $1.290000000e+02, v35;
	v24 =	vadd.f32 $-5.000000000e-01, v56;
	v33 =	vadd.f32 $-5.000000000e-01, v58  }
0x206: {  	v44 =	vadd.f32 $-5.000000000e-01, v42;
	v49 =	vadd.f32 $-5.000000000e-01, v45;
	v52 =	vtrunc.f32 v50  }
0x207: {  	[tilespmem:$0x1C591] =	vst v23;
	v32 =	vadd.f32 v32, v43;
	v60 =	vtrunc.f32 v24;
	v62 =	vtrunc.f32 v33  }
0x208: {  	v63 =	vld [tilespmem:$0x1C591];
	v38 =	vmin.f32 v38, $1.000000000e+00;
	v47 =	vtrunc.f32 v44;
	v51 =	vtrunc.f32 v49  }
0x209: {  	v55 =	vcvt.f32.s32 v52;
	vm13 =	vgt.f32 v50, v52;
	v61 =	vcvt.f32.s32 v60  }
0x20a: {  	vm15 =	vgt.f32 v24, v60;
	v43 =	vcvt.f32.s32 v62;
	vm5 =	vgt.f32 v33, v62  }
0x20b: {  	v53 =	vld [tilespmem:$0x1C571];
	v48 =	vcvt.f32.s32 v47;
	vm7 =	vgt.f32 v44, v47;
	v52 =	vmul.f32 $1.290000000e+02, v38  }
0x20c: {  	[tilespmem:$0x1C581] =	vst v20;
	v20 =	vcvt.f32.s32 v51;
	vm8 =	vgt.f32 v49, v51;
	v62 =	vadd.f32 $-5.000000000e-01, v59  }
0x20d: {  	v51 =	vmul.f32 v63, v19;
	v57 =	vsel vm13, $0x1, v1;
	v24 =	vsel vm15, $0x1, v1  }
0x20e: {  	v33 =	vsel vm5, $0x1, v1;
	v50 =	vsel vm7, $0x1, v1;
	v31 =	vadd.s32 v55, v57  }
0x20f: {  	v24 =	vadd.s32 v61, v24;
	v33 =	vadd.s32 v43, v33;
	v37 =	vadd.s32 v48, v50  }
0x210: {  	v55 =	vsel vm8, $0x1, v1;
	v56 =	vadd.f32 $-5.000000000e-01, v52;
	v61 =	vmul.f32 v53, v19  }
0x211: {  	[tilespmem:$0x1C5C1] =	vst v27;
	v46 =	vtrunc.f32 v62;
	v27 =	vmin.f32 v51, $1.000000000e+00;
	vm14 =	vlt.s32 v31, $0x81  }
0x212: {  	[tilespmem:$0x1C680] =	vst v1;
	vm4 =	vlt.s32 v24, $0x81;
	vm6 =	vlt.s32 v33, $0x81;
	vm9 =	vlt.s32 v37, $0x81  }
0x213: {  	[tilespmem:$0x1C5A1] =	vst v22;
	v57 =	vld [tilespmem:$0x1C581];
	v20 =	vadd.s32 v20, v55;
	vm13 =	vgt.f32 v62, v46;
	v22 =	vcvt.f32.s32 v46  }
0x214: {  	[tilespmem:$0x1C5B1] =	vst v26;
	v52 =	vld [tilespmem:$0x1C5A1];
	v31 =	vnsel vm14, $0x81, v31;
	v24 =	vnsel vm4, $0x81, v24;
	v33 =	vnsel vm6, $0x81, v33  }
0x215: {  	[tilespmem:$0x1C5D1] =	vst v28;
	v55 =	vld [tilespmem:$0x1C5B1];
	v37 =	vnsel vm9, $0x81, v37;
	vm10 =	vlt.s32 v20, $0x81;
	v58 =	vtrunc.f32 v56  }
0x216: {  	[tilespmem:$0x1C690] =	vst v1;
	v46 =	vld [tilespmem:$0x1C5D1];
	v39 =	vmin.f32 v61, $1.000000000e+00;
	v48 =	vsel vm13, $0x1, v1;
	v60 =	vcvt.f32.s32 v58  }
0x217: {  	[tilespmem:$0x1C6A0] =	vst v1;
	vm11 =	vgt.f32 v56, v58;
	v20 =	vnsel vm10, $0x81, v20;
	v47 =	vmul.f32 $1.290000000e+02, v39  }
0x218: {  	[tilespmem:$0x1C6B0] =	vst v1;
	v22 =	vadd.s32 v22, v48;
	v58 =	vmul.f32 $1.290000000e+02, v27;
	v40 =	vsel vm11, $0x1, v1  }
0x219: {  	[tilespmem:$0x1C6C0] =	vst v1;
	vm14 =	vlt.s32 v22, $0x81;
	v23 =	vadd.s32 v60, v40;
	v45 =	vmul.f32 v57, v19  }
0x21a: {  	[tilespmem:$0x1C6D0] =	vst v1;
	v49 =	vadd.f32 $-5.000000000e-01, v47;
	v61 =	vadd.f32 $-5.000000000e-01, v58;
	v28 =	vmul.f32 v52, v19  }
0x21b: {  	[tilespmem:$0x1C7A1] =	vst v33;
	v40 =	vmul.f32 v55, v19;
	v33 =	vmul.f32 v46, v19;
	v26 =	vmin.f32 v45, $1.000000000e+00  }
0x21c: {  	[tilespmem:$0x1C6E0] =	vst v1;
	v22 =	vnsel vm14, $0x81, v22;
	v53 =	vtrunc.f32 v49;
	v50 =	vmul.f32 $1.290000000e+02, v26  }
0x21d: {  	[tilespmem:$0x1C6F0] =	vst v1;
	v63 =	vtrunc.f32 v61;
	v28 =	vmin.f32 v28, $1.000000000e+00;
	v54 =	vcvt.f32.s32 v53  }
0x21e: {  	[tilespmem:$0x1C5E1] =	vst v32;
	vm15 =	vgt.f32 v49, v53;
	v42 =	vcvt.f32.s32 v63;
	v41 =	vadd.f32 $-5.000000000e-01, v50  }
0x21f: {  	[tilespmem:$0x1C521] =	vst v29;
	vm6 =	vgt.f32 v61, v63;
	v43 =	vmul.f32 $1.290000000e+02, v28;
	v29 =	vmin.f32 v40, $1.000000000e+00  }
0x220: {  	[tilespmem:$0x1C5F1] =	vst v34;
	v33 =	vmin.f32 v33, $1.000000000e+00;
	v56 =	vsel vm15, $0x1, v1;
	v57 =	vtrunc.f32 v41  }
0x221: {  	[tilespmem:$0x1C501] =	vst v21;
	v45 =	vmul.f32 $1.290000000e+02, v29;
	v55 =	vmul.f32 $1.290000000e+02, v33;
	vm4 =	vgt.f32 v41, v57;
	v41 =	vld [tilespmem:$0x1C5C1]  }
0x222: {  	[tilespmem:$0x1C511] =	vst v25;
	v44 =	vsel vm6, $0x1, v1;
	v21 =	vadd.s32 v54, v56;
	v25 =	vadd.f32 $-5.000000000e-01, v43  }
0x223: {  	[tilespmem:$0x1C7E1] =	vst v22;
	v50 =	vld [tilespmem:$0x1C5E1];
	vm5 =	vlt.s32 v21, $0x81;
	v32 =	vadd.f32 $-5.000000000e-01, v45;
	v22 =	vadd.f32 $-5.000000000e-01, v55  }
0x224: {  	[tilespmem:$0x1C7C1] =	vst v20;
	v53 =	vld [tilespmem:$0x1C5F1];
	v21 =	vnsel vm5, $0x81, v21;
	v20 =	vtrunc.f32 v25;
	v59 =	vcvt.f32.s32 v57  }
0x225: {  	[tilespmem:$0x1C700] =	vst v1;
	v47 =	vcvt.f32.s32 v20;
	vm9 =	vgt.f32 v25, v20;
	v48 =	vtrunc.f32 v32  }
0x226: {  	[tilespmem:$0x1C781] =	vst v31;
	v60 =	vsel vm4, $0x1, v1;
	v20 =	vsel vm9, $0x1, v1;
	v31 =	vmul.f32 v41, v19  }
0x227: {  	[tilespmem:$0x1C531] =	vst v30;
	v52 =	vcvt.f32.s32 v48;
	vm11 =	vgt.f32 v32, v48;
	v62 =	vadd.s32 v59, v60  }
0x228: {  	[tilespmem:$0x1C541] =	vst v36;
	v20 =	vadd.s32 v47, v20;
	v49 =	vmin.f32 v31, $1.000000000e+00;
	v31 =	vmul.f32 v50, v19  }
0x229: {  	[tilespmem:$0x1C551] =	vst v38;
	v60 =	vtrunc.f32 v22;
	vm7 =	vlt.s32 v62, $0x81;
	v19 =	vmul.f32 v53, v19  }
0x22a: {  	[tilespmem:$0x1C561] =	vst v35;
	vm10 =	vlt.s32 v20, $0x81;
	vm15 =	vgt.f32 v22, v60;
	v58 =	vmin.f32 v31, $1.000000000e+00  }
0x22b: {  	[tilespmem:$0x1C791] =	vst v24;
	v24 =	vnsel vm7, $0x81, v62;
	v19 =	vmin.f32 v19, $1.000000000e+00;
	v61 =	vmul.f32 $1.290000000e+02, v58  }
0x22c: {  	v20 =	vnsel vm10, $0x81, v20;
	v62 =	vcvt.f32.s32 v60;
	[tilespmem:$0x1C801] =	vst v24;
	v63 =	vmul.f32 $1.290000000e+02, v19  }
0x22d: {  	v32 =	vsel vm11, $0x1, v1;
	[tilespmem:$0x1C821] =	vst v20;
	v24 =	vsel vm15, $0x1, v1;
	v20 =	vadd.f32 $-5.000000000e-01, v61  }
0x22e: {  	[tilespmem:$0x1C5A1] =	vst v28;
	v28 =	vadd.s32 v62, v24;
	v51 =	vmul.f32 $1.290000000e+02, v49;
	v22 =	vadd.f32 $-5.000000000e-01, v63  }
0x22f: {  	[tilespmem:$0x1C5B1] =	vst v29;
	v54 =	vadd.s32 v52, v32;
	vm4 =	vlt.s32 v28, $0x81;
	v29 =	vtrunc.f32 v20  }
0x230: {  	[tilespmem:$0x1C591] =	vst v27;
	v34 =	vadd.f32 $-5.000000000e-01, v51;
	v32 =	vtrunc.f32 v22;
	vm5 =	vgt.f32 v20, v29  }
0x231: {  	[tilespmem:$0x1C5D1] =	vst v33;
	v20 =	vnsel vm4, $0x81, v28;
	v33 =	vcvt.f32.s32 v32;
	vm6 =	vgt.f32 v22, v32  }
0x232: {  	vm12 =	vlt.s32 v23, $0x81;
	v30 =	vadd.s32 v42, v44;
	[tilespmem:$0x1C851] =	vst v20;
	v20 =	vsel vm6, $0x1, v1  }
0x233: {  	[tilespmem:$0x1C7B1] =	vst v37;
	vm8 =	vlt.s32 v30, $0x81;
	v56 =	vtrunc.f32 v34;
	v20 =	vadd.s32 v33, v20  }
0x234: {  	[tilespmem:$0x1C571] =	vst v39;
	v30 =	vnsel vm8, $0x81, v30;
	vm13 =	vgt.f32 v34, v56;
	v34 =	vld [tilespmem:$0x1C780];
	vm8 =	vlt.s32 v20, $0x81  }
0x235: {  	v23 =	vnsel vm12, $0x81, v23;
	[tilespmem:$0x1C5F1] =	vst v19;
	v19 =	vnsel vm8, $0x81, v20;
	v20 =	vld [tilespmem:$0x1C781]  }
0x236: {  	[tilespmem:$0x1C7D1] =	vst v23  }
0x237: {  	[tilespmem:$0x1C581] =	vst v26  }
0x238: {  	[tilespmem:$0x1C7F1] =	vst v21;
	vm12 =	vlt.s32 v54, $0x81;
	v57 =	vcvt.f32.s32 v56  }
0x239: {  	[tilespmem:$0x1C811] =	vst v30;
	v21 =	vnsel vm12, $0x81, v54;
	v26 =	vsel vm13, $0x1, v1;
	v30 =	vcvt.f32.s32 v29  }
0x23a: {  	[tilespmem:$0x1C831] =	vst v21;
	v59 =	vadd.s32 v57, v26;
	v31 =	vsel vm5, $0x1, v1;
	vm9 =	vne.s32 v34, v20  }
0x23b: {  	[tilespmem:$0x1C5C1] =	vst v49;
	vm14 =	vlt.s32 v59, $0x81;
	v21 =	vadd.s32 v30, v31  }
0x23c: {  	[tilespmem:$0x1C5E1] =	vst v58;
	v23 =	vnsel vm14, $0x81, v59;
	vm7 =	vlt.s32 v21, $0x81  }
0x23d: {  	[tilespmem:$0x1C841] =	vst v23;
	v21 =	vnsel vm7, $0x81, v21  }
0x23e: {  	[tilespmem:$0x1C861] =	vst v21  }
0x23f: {  	[tilespmem:$0x1C871] =	vst v19  }
0x240: {  	[tilespmem:v34+s14+$0x0] =	vst.idx.msk vm9, v3  }
0x241: {  	v19 =	vld [tilespmem:$0x1C790]  }
0x242: {  	v20 =	vld [tilespmem:$0x1C791];
	_ =	sdelay $0x4  }
0x243: {  	vm10 =	vne.s32 v19, v20;
	_ =	sdelay $0x5  }
0x244: {  	[tilespmem:v19+s14+$0x0] =	vst.idx.msk vm10, v4  }
0x245: {  	v19 =	vld [tilespmem:$0x1C7A0]  }
0x246: {  	v20 =	vld [tilespmem:$0x1C7A1];
	_ =	sdelay $0x4  }
0x247: {  	vm11 =	vne.s32 v19, v20;
	_ =	sdelay $0x5  }
0x248: {  	[tilespmem:v19+s14+$0x0] =	vst.idx.msk vm11, v5  }
0x249: {  	v19 =	vld [tilespmem:$0x1C7B0]  }
0x24a: {  	v20 =	vld [tilespmem:$0x1C7B1];
	_ =	sdelay $0x4  }
0x24b: {  	vm12 =	vne.s32 v19, v20;
	_ =	sdelay $0x5  }
0x24c: {  	[tilespmem:v19+s14+$0x0] =	vst.idx.msk vm12, v6  }
0x24d: {  	v19 =	vld [tilespmem:$0x1C7C0]  }
0x24e: {  	v20 =	vld [tilespmem:$0x1C7C1];
	_ =	sdelay $0x4  }
0x24f: {  	vm13 =	vne.s32 v19, v20;
	_ =	sdelay $0x5  }
0x250: {  	[tilespmem:v19+s14+$0x0] =	vst.idx.msk vm13, v7  }
0x251: {  	v19 =	vld [tilespmem:$0x1C7D0]  }
0x252: {  	v20 =	vld [tilespmem:$0x1C7D1];
	_ =	sdelay $0x4  }
0x253: {  	vm14 =	vne.s32 v19, v20;
	_ =	sdelay $0x5  }
0x254: {  	[tilespmem:v19+s14+$0x0] =	vst.idx.msk vm14, v8  }
0x255: {  	v19 =	vld [tilespmem:$0x1C7E0]  }
0x256: {  	v20 =	vld [tilespmem:$0x1C7E1];
	_ =	sdelay $0x4  }
0x257: {  	vm15 =	vne.s32 v19, v20;
	_ =	sdelay $0x5  }
0x258: {  	[tilespmem:v19+s14+$0x0] =	vst.idx.msk vm15, v9  }
0x259: {  	v19 =	vld [tilespmem:$0x1C7F0]  }
0x25a: {  	v20 =	vld [tilespmem:$0x1C7F1];
	_ =	sdelay $0x4  }
0x25b: {  	vm4 =	vne.s32 v19, v20;
	_ =	sdelay $0x5  }
0x25c: {  	[tilespmem:v19+s14+$0x0] =	vst.idx.msk vm4, v10  }
0x25d: {  	v19 =	vld [tilespmem:$0x1C800]  }
0x25e: {  	v20 =	vld [tilespmem:$0x1C801];
	_ =	sdelay $0x4  }
0x25f: {  	vm5 =	vne.s32 v19, v20;
	_ =	sdelay $0x5  }
0x260: {  	[tilespmem:v19+s14+$0x0] =	vst.idx.msk vm5, v11  }
0x261: {  	v19 =	vld [tilespmem:$0x1C810]  }
0x262: {  	v20 =	vld [tilespmem:$0x1C811];
	_ =	sdelay $0x4  }
0x263: {  	vm6 =	vne.s32 v19, v20;
	_ =	sdelay $0x5  }
0x264: {  	[tilespmem:v19+s14+$0x0] =	vst.idx.msk vm6, v12  }
0x265: {  	v19 =	vld [tilespmem:$0x1C820]  }
0x266: {  	v20 =	vld [tilespmem:$0x1C821];
	_ =	sdelay $0x4  }
0x267: {  	vm7 =	vne.s32 v19, v20;
	_ =	sdelay $0x5  }
0x268: {  	[tilespmem:v19+s14+$0x0] =	vst.idx.msk vm7, v13  }
0x269: {  	v19 =	vld [tilespmem:$0x1C830]  }
0x26a: {  	v20 =	vld [tilespmem:$0x1C831];
	_ =	sdelay $0x4  }
0x26b: {  	vm8 =	vne.s32 v19, v20;
	_ =	sdelay $0x5  }
0x26c: {  	[tilespmem:v19+s14+$0x0] =	vst.idx.msk vm8, v14  }
0x26d: {  	v19 =	vld [tilespmem:$0x1C840]  }
0x26e: {  	v20 =	vld [tilespmem:$0x1C841];
	_ =	sdelay $0x4  }
0x26f: {  	vm9 =	vne.s32 v19, v20;
	_ =	sdelay $0x5  }
0x270: {  	[tilespmem:v19+s14+$0x0] =	vst.idx.msk vm9, v15  }
0x271: {  	v19 =	vld [tilespmem:$0x1C850]  }
0x272: {  	v20 =	vld [tilespmem:$0x1C851];
	_ =	sdelay $0x4  }
0x273: {  	vm10 =	vne.s32 v19, v20;
	_ =	sdelay $0x5  }
0x274: {  	[tilespmem:v19+s14+$0x0] =	vst.idx.msk vm10, v16  }
0x275: {  	v19 =	vld [tilespmem:$0x1C860]  }
0x276: {  	v20 =	vld [tilespmem:$0x1C861];
	_ =	sdelay $0x4  }
0x277: {  	vm11 =	vne.s32 v19, v20;
	_ =	sdelay $0x5  }
0x278: {  	[tilespmem:v19+s14+$0x0] =	vst.idx.msk vm11, v17  }
0x279: {  	v19 =	vld [tilespmem:$0x1C870]  }
0x27a: {  	v20 =	vld [tilespmem:$0x1C871];
	_ =	sdelay $0x4  }
0x27b: {  	vm12 =	vne.s32 v19, v20;
	_ =	sdelay $0x5  }
0x27c: {  	[tilespmem:v19+s14+$0x0] =	vst.idx.msk vm12, v18  }
0x27d: {  	v19 =	vld [tilespmem:$0x1C680];
	_ =	sdelay $0x4  }
0x27e: {  	v19 =	vxor.u32 $0x80000000, v19  }
0x27f: {  	(xrf0) =	vmax.scan.msk.u32 $0xffff, v19;
	_ =	sdelay $0x5  }
0x280: {  	v20, _, _ =	vpop (xrf0)  }
0x281: {  	v35 =	vadd.s32 $0x7FFFFFFF, v20  }
0x282: {  	v36 =	vxor.u32 $0x80000000, v20;
	_ =	sdelay $0x3  }
0x283: {  	v37 =	vld.idx.msk [tilespmem:v35+s15+$0x0], $0xffff  }
0x284: {  	v38 =	vld.idx.msk [tilespmem:v36+s15+$0x0], $0xffff  }
0x285: {  	s31 =	sadd.s32 $0x1, s22  }
0x286: {  	v39 =	vmov s31  }
0x287: {  	v19 =	vshrl.u32 v39, $0x3  }
0x288: {  	v25 =	vshll.u32 v39, $0x7;
	v19 =	vmul.u32 $0xC00, v19  }
0x289: {  	v42 =	vand.u32 $0x7F, v20;
	v20 =	vshll.u32 v20, $0x3;
	v24 =	vsub.f32 v38, v37  }
0x28a: {  	v41 =	vld [tilespmem:$0x1C690];
	v40 =	vshll.u32 v35, $0x3;
	v21 =	vand.u32 $0x7F, v35;
	v43 =	vand.u32 $0xFFFFFC00, v20  }
0x28b: {  	v26 =	vand.u32 $0xFFFFFC00, v40;
	v44 =	vadd.s32 v19, v43;
	(erf) = vrcp.f32 v24  }
0x28c: {  	v20 =	vand.u32 $0x380, v25;
	v26 =	vadd.s32 v19, v26;
	v25 =	vor.u32 v42, v44  }
0x28d: {  	v21 =	vor.u32 v21, v26;
	v25 =	vor.u32 v20, v25  }
0x28e: {  	v45 =	vld [tilespmem:$0x0];
	v21 =	vor.u32 v20, v21  }
0x28f: {  	v27 =	vxor.u32 $0x80000000, v41  }
0x290: {  	(xrf0) =	vmax.scan.msk.u32 $0xffff, v27;
	_ =	sdelay $0x1  }
0x291: {  	v25 =	vld.idx.msk [tilespmem:v25+s11+$0x0], $0xffff  }
0x292: {  	v21 =	vld.idx.msk [tilespmem:v21+s11+$0x0], $0xffff;
	v23 =	vsub.f32 v45, v37  }
0x293: {  	v46 =	vpop (erf)  }
0x294: {  	vm13 =	vgt.f32 v23, $0.0e+00;
	v26 =	vmul.f32 v23, v46  }
0x295: {  	v48 =	vperm.xlane v36, v2;
	v47, _, _ =	vpop (xrf0);
	vm14 =	veq.f32 v24, $0.0e+00;
	v49 =	vsel vm13, $0x3F800000, v0  }
0x296: {  	v50 =	vxor.u32 $0x80000000, v47;
	v22 =	vsel vm14, v49, v26  }
0x297: {  	v51 =	vld [tilespmem:$0x1C6A0];
	vm15 =	vgt.s32 v50, v48;
	v53 =	vsub.f32 v25, v21;
	v22 =	vmax.f32 v22, $0.0e+00  }
0x298: {  	v52 =	vld [tilespmem:$0x1C6B0];
	v54 =	vsel vm15, v50, v48;
	v22 =	vmin.f32 v22, $1.000000000e+00  }
0x299: {  	v56 =	vadd.s32 $0xFFFFFFFF, v54;
	v24 =	vld [tilespmem:$0x1C6D0];
	v55 =	vmul.f32 v22, v53  }
0x29a: {  	v25 =	vld [tilespmem:$0x1C6C0]  }
0x29b: {  	v23 =	vld [tilespmem:$0x1C6E0];
	v31 =	vadd.f32 v55, v21  }
0x29c: {  	v22 =	vld [tilespmem:$0x1C6F0]  }
0x29d: {  	v21 =	vld [tilespmem:$0x1C700];
	[tilespmem:s23+$0x14100] =	vst v31  }
0x29e: {  	v31 =	vld.idx.msk [tilespmem:v56+s15+$0x0], $0xffff  }
0x29f: {  	v33 =	vld.idx.msk [tilespmem:v54+s15+$0x0], $0xffff;
	_ =	sdelay $0x4  }
0x2a0: {  	v57 =	vshll.u32 v56, $0x3;
	v33 =	vsub.f32 v33, v31  }
0x2a1: {  	v58 =	vshll.u32 v54, $0x3;
	v32 =	vand.u32 $0x7F, v56;
	v34 =	vand.u32 $0xFFFFFC00, v57  }
0x2a2: {  	v35 =	vand.u32 $0xFFFFFC00, v58;
	v34 =	vadd.s32 v19, v34;
	(erf) = vrcp.f32 v33  }
0x2a3: {  	v30 =	vand.u32 $0x7F, v54;
	v59 =	vadd.s32 v19, v35;
	v32 =	vor.u32 v32, v34  }
0x2a4: {  	v30 =	vor.u32 v30, v59;
	v32 =	vor.u32 v20, v32  }
0x2a5: {  	v30 =	vor.u32 v20, v30;
	v60 =	vld [tilespmem:$0x10]  }
0x2a6: {  	v29 =	vxor.u32 $0x80000000, v51  }
0x2a7: {  	(xrf0) =	vmax.scan.msk.u32 $0xffff, v29;
	_ =	sdelay $0x1  }
0x2a8: {  	v61 =	vld.idx.msk [tilespmem:v32+s11+$0x0], $0xffff  }
0x2a9: {  	v30 =	vld.idx.msk [tilespmem:v30+s11+$0x0], $0xffff;
	v31 =	vsub.f32 v60, v31  }
0x2aa: {  	v28 =	vperm.xlane v50, v2;
	v62 =	vpop (erf)  }
0x2ab: {  	vm4 =	vgt.f32 v31, $0.0e+00;
	v32 =	vmul.f32 v31, v62  }
0x2ac: {  	vm5 =	vgt.s32 v48, v28;
	v63, _, _ =	vpop (xrf0);
	vm6 =	veq.f32 v33, $0.0e+00;
	v36 =	vsel vm4, $0x3F800000, v0  }
0x2ad: {  	v27 =	vsel vm5, v48, v28;
	v31 =	vxor.u32 $0x80000000, v63;
	v37 =	vsel vm6, v36, v32  }
0x2ae: {  	v30 =	vsub.f32 v30, v61;
	vm7 =	vgt.s32 v31, v27;
	v28 =	vmax.f32 v37, $0.0e+00  }
0x2af: {  	v38 =	vsel vm7, v31, v27;
	v28 =	vmin.f32 v28, $1.000000000e+00  }
0x2b0: {  	v39 =	vadd.s32 $0xFFFFFFFF, v38;
	v28 =	vmul.f32 v28, v30;
	_ =	sdelay $0x1  }
0x2b1: {  	v28 =	vadd.f32 v28, v61;
	_ =	sdelay $0x1  }
0x2b2: {  	[tilespmem:s23+$0x14110] =	vst v28  }
0x2b3: {  	v28 =	vld.idx.msk [tilespmem:v39+s15+$0x0], $0xffff  }
0x2b4: {  	v40 =	vld.idx.msk [tilespmem:v38+s15+$0x0], $0xffff;
	_ =	sdelay $0x4  }
0x2b5: {  	v42 =	vshll.u32 v38, $0x3;
	v29 =	vsub.f32 v40, v28  }
0x2b6: {  	v32 =	vand.u32 $0x7F, v38;
	v41 =	vshll.u32 v39, $0x3;
	v34 =	vand.u32 $0xFFFFFC00, v42  }
0x2b7: {  	v33 =	vand.u32 $0xFFFFFC00, v41;
	v43 =	vadd.s32 v19, v34;
	(erf) = vrcp.f32 v29  }
0x2b8: {  	v30 =	vand.u32 $0x7F, v39;
	v33 =	vadd.s32 v19, v33;
	v32 =	vor.u32 v32, v43  }
0x2b9: {  	v30 =	vor.u32 v30, v33;
	v32 =	vor.u32 v20, v32  }
0x2ba: {  	v30 =	vor.u32 v20, v30;
	v44 =	vld [tilespmem:$0x20]  }
0x2bb: {  	v26 =	vxor.u32 $0x80000000, v52  }
0x2bc: {  	(xrf0) =	vmax.scan.msk.u32 $0xffff, v26;
	_ =	sdelay $0x1  }
0x2bd: {  	v46 =	vld.idx.msk [tilespmem:v32+s11+$0x0], $0xffff  }
0x2be: {  	v45 =	vld.idx.msk [tilespmem:v30+s11+$0x0], $0xffff;
	v28 =	vsub.f32 v44, v28  }
0x2bf: {  	v31 =	vperm.xlane v31, v2;
	v47 =	vpop (erf)  }
0x2c0: {  	vm8 =	vgt.f32 v28, $0.0e+00;
	v32 =	vmul.f32 v28, v47  }
0x2c1: {  	v48, _, _ =	vpop (xrf0);
	vm1 =	vgt.s32 v27, v31;
	vm9 =	veq.f32 v29, $0.0e+00;
	v49 =	vsel vm8, $0x3F800000, v0  }
0x2c2: {  	v27 =	vsel vm1, v27, v31;
	v28 =	vxor.u32 $0x80000000, v48;
	v29 =	vsel vm9, v49, v32  }
0x2c3: {  	v30 =	vsub.f32 v46, v45;
	vm10 =	vgt.s32 v28, v27;
	v29 =	vmax.f32 v29, $0.0e+00  }
0x2c4: {  	v31 =	vsel vm10, v28, v27;
	v29 =	vmin.f32 v29, $1.000000000e+00  }
0x2c5: {  	v50 =	vadd.s32 $0xFFFFFFFF, v31;
	v29 =	vmul.f32 v29, v30;
	_ =	sdelay $0x1  }
0x2c6: {  	v26 =	vadd.f32 v29, v45;
	_ =	sdelay $0x1  }
0x2c7: {  	[tilespmem:s23+$0x14120] =	vst v26  }
0x2c8: {  	v26 =	vld.idx.msk [tilespmem:v50+s15+$0x0], $0xffff  }
0x2c9: {  	v51 =	vld.idx.msk [tilespmem:v31+s15+$0x0], $0xffff;
	_ =	sdelay $0x4  }
0x2ca: {  	v53 =	vshll.u32 v31, $0x3;
	v52 =	vshll.u32 v50, $0x3;
	v29 =	vsub.f32 v51, v26  }
0x2cb: {  	v33 =	vand.u32 $0xFFFFFC00, v53;
	v32 =	vand.u32 $0xFFFFFC00, v52  }
0x2cc: {  	v30 =	vand.u32 $0x7F, v50;
	v32 =	vadd.s32 v19, v32;
	(erf) = vrcp.f32 v29  }
0x2cd: {  	v54 =	vadd.s32 v19, v33;
	v30 =	vor.u32 v30, v32;
	v31 =	vand.u32 $0x7F, v31  }
0x2ce: {  	v30 =	vor.u32 v20, v30;
	v31 =	vor.u32 v31, v54  }
0x2cf: {  	v55 =	vld [tilespmem:$0x30];
	v31 =	vor.u32 v20, v31  }
0x2d0: {  	v25 =	vxor.u32 $0x80000000, v25  }
0x2d1: {  	(xrf0) =	vmax.scan.msk.u32 $0xffff, v25;
	_ =	sdelay $0x1  }
0x2d2: {  	v56 =	vld.idx.msk [tilespmem:v30+s11+$0x0], $0xffff  }
0x2d3: {  	v26 =	vsub.f32 v55, v26;
	v57 =	vld.idx.msk [tilespmem:v31+s11+$0x0], $0xffff  }
0x2d4: {  	v28 =	vperm.xlane v28, v2;
	v58 =	vpop (erf)  }
0x2d5: {  	vm11 =	vgt.f32 v26, $0.0e+00;
	v31 =	vmul.f32 v26, v58  }
0x2d6: {  	v59, _, _ =	vpop (xrf0);
	vm1 =	vgt.s32 v27, v28;
	vm12 =	veq.f32 v29, $0.0e+00;
	v60 =	vsel vm11, $0x3F800000, v0  }
0x2d7: {  	v27 =	vsel vm1, v27, v28;
	v26 =	vxor.u32 $0x80000000, v59;
	v61 =	vsel vm12, v60, v31  }
0x2d8: {  	v62 =	vsub.f32 v57, v56;
	vm13 =	vgt.s32 v26, v27;
	v28 =	vmax.f32 v61, $0.0e+00  }
0x2d9: {  	v63 =	vsel vm13, v26, v27;
	v28 =	vmin.f32 v28, $1.000000000e+00  }
0x2da: {  	v34 =	vadd.s32 $0xFFFFFFFF, v63;
	v28 =	vmul.f32 v28, v62;
	_ =	sdelay $0x1  }
0x2db: {  	v25 =	vadd.f32 v28, v56;
	_ =	sdelay $0x1  }
0x2dc: {  	[tilespmem:s23+$0x14130] =	vst v25  }
0x2dd: {  	v25 =	vld.idx.msk [tilespmem:v34+s15+$0x0], $0xffff  }
0x2de: {  	v35 =	vld.idx.msk [tilespmem:v63+s15+$0x0], $0xffff;
	_ =	sdelay $0x4  }
0x2df: {  	v37 =	vshll.u32 v63, $0x3;
	v28 =	vsub.f32 v35, v25  }
0x2e0: {  	v30 =	vand.u32 $0x7F, v63;
	v36 =	vshll.u32 v34, $0x3;
	v32 =	vand.u32 $0xFFFFFC00, v37  }
0x2e1: {  	v31 =	vand.u32 $0xFFFFFC00, v36;
	v38 =	vadd.s32 v19, v32;
	(erf) = vrcp.f32 v28  }
0x2e2: {  	v29 =	vand.u32 $0x7F, v34;
	v31 =	vadd.s32 v19, v31;
	v30 =	vor.u32 v30, v38  }
0x2e3: {  	v29 =	vor.u32 v29, v31;
	v30 =	vor.u32 v20, v30  }
0x2e4: {  	v29 =	vor.u32 v20, v29;
	v39 =	vld [tilespmem:$0x40]  }
0x2e5: {  	v24 =	vxor.u32 $0x80000000, v24  }
0x2e6: {  	(xrf0) =	vmax.scan.msk.u32 $0xffff, v24;
	_ =	sdelay $0x1  }
0x2e7: {  	v41 =	vld.idx.msk [tilespmem:v30+s11+$0x0], $0xffff  }
0x2e8: {  	v40 =	vld.idx.msk [tilespmem:v29+s11+$0x0], $0xffff;
	v25 =	vsub.f32 v39, v25  }
0x2e9: {  	v26 =	vperm.xlane v26, v2;
	v42 =	vpop (erf)  }
0x2ea: {  	vm14 =	vgt.f32 v25, $0.0e+00;
	v30 =	vmul.f32 v25, v42  }
0x2eb: {  	v43, _, _ =	vpop (xrf0);
	vm1 =	vgt.s32 v27, v26;
	vm15 =	veq.f32 v28, $0.0e+00;
	v44 =	vsel vm14, $0x3F800000, v0  }
0x2ec: {  	v26 =	vsel vm1, v27, v26;
	v25 =	vxor.u32 $0x80000000, v43;
	v45 =	vsel vm15, v44, v30  }
0x2ed: {  	v46 =	vsub.f32 v41, v40;
	vm4 =	vgt.s32 v25, v26;
	v27 =	vmax.f32 v45, $0.0e+00  }
0x2ee: {  	v47 =	vsel vm4, v25, v26;
	v27 =	vmin.f32 v27, $1.000000000e+00  }
0x2ef: {  	v48 =	vadd.s32 $0xFFFFFFFF, v47;
	v27 =	vmul.f32 v27, v46;
	_ =	sdelay $0x1  }
0x2f0: {  	v24 =	vadd.f32 v27, v40;
	_ =	sdelay $0x1  }
0x2f1: {  	[tilespmem:s23+$0x14140] =	vst v24  }
0x2f2: {  	v24 =	vld.idx.msk [tilespmem:v48+s15+$0x0], $0xffff  }
0x2f3: {  	v49 =	vld.idx.msk [tilespmem:v47+s15+$0x0], $0xffff;
	_ =	sdelay $0x4  }
0x2f4: {  	v51 =	vshll.u32 v47, $0x3;
	v27 =	vsub.f32 v49, v24  }
0x2f5: {  	v29 =	vand.u32 $0x7F, v47;
	v50 =	vshll.u32 v48, $0x3;
	v31 =	vand.u32 $0xFFFFFC00, v51  }
0x2f6: {  	v30 =	vand.u32 $0xFFFFFC00, v50;
	v52 =	vadd.s32 v19, v31;
	(erf) = vrcp.f32 v27  }
0x2f7: {  	v28 =	vand.u32 $0x7F, v48;
	v30 =	vadd.s32 v19, v30;
	v29 =	vor.u32 v29, v52  }
0x2f8: {  	v28 =	vor.u32 v28, v30;
	v29 =	vor.u32 v20, v29  }
0x2f9: {  	v28 =	vor.u32 v20, v28;
	v53 =	vld [tilespmem:$0x50]  }
0x2fa: {  	v23 =	vxor.u32 $0x80000000, v23  }
0x2fb: {  	(xrf0) =	vmax.scan.msk.u32 $0xffff, v23;
	_ =	sdelay $0x1  }
0x2fc: {  	v55 =	vld.idx.msk [tilespmem:v29+s11+$0x0], $0xffff  }
0x2fd: {  	v54 =	vld.idx.msk [tilespmem:v28+s11+$0x0], $0xffff;
	v24 =	vsub.f32 v53, v24  }
0x2fe: {  	v25 =	vperm.xlane v25, v2;
	v56 =	vpop (erf)  }
0x2ff: {  	vm5 =	vgt.f32 v24, $0.0e+00;
	v29 =	vmul.f32 v24, v56  }
0x300: {  	v57, _, _ =	vpop (xrf0);
	vm1 =	vgt.s32 v26, v25;
	vm6 =	veq.f32 v27, $0.0e+00;
	v58 =	vsel vm5, $0x3F800000, v0  }
0x301: {  	v25 =	vsel vm1, v26, v25;
	v24 =	vxor.u32 $0x80000000, v57;
	v59 =	vsel vm6, v58, v29  }
0x302: {  	v60 =	vsub.f32 v55, v54;
	vm7 =	vgt.s32 v24, v25;
	v26 =	vmax.f32 v59, $0.0e+00  }
0x303: {  	v61 =	vsel vm7, v24, v25;
	v26 =	vmin.f32 v26, $1.000000000e+00  }
0x304: {  	v62 =	vadd.s32 $0xFFFFFFFF, v61;
	v26 =	vmul.f32 v26, v60;
	_ =	sdelay $0x1  }
0x305: {  	v23 =	vadd.f32 v26, v54;
	_ =	sdelay $0x1  }
0x306: {  	[tilespmem:s23+$0x14150] =	vst v23  }
0x307: {  	v23 =	vld.idx.msk [tilespmem:v62+s15+$0x0], $0xffff  }
0x308: {  	v63 =	vld.idx.msk [tilespmem:v61+s15+$0x0], $0xffff;
	_ =	sdelay $0x4  }
0x309: {  	v33 =	vshll.u32 v61, $0x3;
	v26 =	vsub.f32 v63, v23  }
0x30a: {  	v28 =	vand.u32 $0x7F, v61;
	v32 =	vshll.u32 v62, $0x3;
	v30 =	vand.u32 $0xFFFFFC00, v33  }
0x30b: {  	v29 =	vand.u32 $0xFFFFFC00, v32;
	v34 =	vadd.s32 v19, v30;
	(erf) = vrcp.f32 v26  }
0x30c: {  	v27 =	vand.u32 $0x7F, v62;
	v29 =	vadd.s32 v19, v29;
	v28 =	vor.u32 v28, v34  }
0x30d: {  	v27 =	vor.u32 v27, v29;
	v28 =	vor.u32 v20, v28  }
0x30e: {  	v27 =	vor.u32 v20, v27;
	v35 =	vld [tilespmem:$0x60]  }
0x30f: {  	v22 =	vxor.u32 $0x80000000, v22  }
0x310: {  	(xrf0) =	vmax.scan.msk.u32 $0xffff, v22;
	_ =	sdelay $0x1  }
0x311: {  	v37 =	vld.idx.msk [tilespmem:v28+s11+$0x0], $0xffff  }
0x312: {  	v36 =	vld.idx.msk [tilespmem:v27+s11+$0x0], $0xffff;
	v23 =	vsub.f32 v35, v23  }
0x313: {  	v24 =	vperm.xlane v24, v2;
	v38 =	vpop (erf)  }
0x314: {  	vm8 =	vgt.f32 v23, $0.0e+00;
	v28 =	vmul.f32 v23, v38  }
0x315: {  	v39, _, _ =	vpop (xrf0);
	vm1 =	vgt.s32 v25, v24;
	vm9 =	veq.f32 v26, $0.0e+00;
	v40 =	vsel vm8, $0x3F800000, v0  }
0x316: {  	v24 =	vsel vm1, v25, v24;
	v23 =	vxor.u32 $0x80000000, v39;
	v41 =	vsel vm9, v40, v28  }
0x317: {  	v42 =	vsub.f32 v37, v36;
	vm10 =	vgt.s32 v23, v24;
	v25 =	vmax.f32 v41, $0.0e+00  }
0x318: {  	v43 =	vsel vm10, v23, v24;
	v25 =	vmin.f32 v25, $1.000000000e+00  }
0x319: {  	v44 =	vadd.s32 $0xFFFFFFFF, v43;
	v25 =	vmul.f32 v25, v42;
	_ =	sdelay $0x1  }
0x31a: {  	v22 =	vadd.f32 v25, v36;
	_ =	sdelay $0x1  }
0x31b: {  	[tilespmem:s23+$0x14160] =	vst v22  }
0x31c: {  	v22 =	vld.idx.msk [tilespmem:v44+s15+$0x0], $0xffff  }
0x31d: {  	v45 =	vld.idx.msk [tilespmem:v43+s15+$0x0], $0xffff;
	_ =	sdelay $0x4  }
0x31e: {  	v47 =	vshll.u32 v43, $0x3;
	v25 =	vsub.f32 v45, v22  }
0x31f: {  	v27 =	vand.u32 $0x7F, v43;
	v46 =	vshll.u32 v44, $0x3;
	v29 =	vand.u32 $0xFFFFFC00, v47  }
0x320: {  	v28 =	vand.u32 $0xFFFFFC00, v46;
	v48 =	vadd.s32 v19, v29;
	(erf) = vrcp.f32 v25  }
0x321: {  	v26 =	vand.u32 $0x7F, v44;
	v28 =	vadd.s32 v19, v28;
	v27 =	vor.u32 v27, v48  }
0x322: {  	v26 =	vor.u32 v26, v28;
	v27 =	vor.u32 v20, v27  }
0x323: {  	v26 =	vor.u32 v20, v26;
	v49 =	vld [tilespmem:$0x70]  }
0x324: {  	v21 =	vxor.u32 $0x80000000, v21  }
0x325: {  	(xrf0) =	vmax.scan.msk.u32 $0xffff, v21;
	_ =	sdelay $0x1  }
0x326: {  	v51 =	vld.idx.msk [tilespmem:v27+s11+$0x0], $0xffff  }
0x327: {  	v50 =	vld.idx.msk [tilespmem:v26+s11+$0x0], $0xffff;
	v22 =	vsub.f32 v49, v22  }
0x328: {  	v23 =	vperm.xlane v23, v2;
	v52 =	vpop (erf)  }
0x329: {  	vm11 =	vgt.f32 v22, $0.0e+00;
	v27 =	vmul.f32 v22, v52  }
0x32a: {  	v53, _, _ =	vpop (xrf0);
	vm1 =	vgt.s32 v24, v23;
	vm12 =	veq.f32 v25, $0.0e+00;
	v54 =	vsel vm11, $0x3F800000, v0  }
0x32b: {  	v23 =	vsel vm1, v24, v23;
	v22 =	vxor.u32 $0x80000000, v53;
	v55 =	vsel vm12, v54, v27  }
0x32c: {  	v56 =	vsub.f32 v51, v50;
	vm13 =	vgt.s32 v22, v23;
	v24 =	vmax.f32 v55, $0.0e+00  }
0x32d: {  	v22 =	vsel vm13, v22, v23;
	v24 =	vmin.f32 v24, $1.000000000e+00  }
0x32e: {  	v58 =	vadd.s32 $0xFFFFFFFF, v22;
	v57 =	vmul.f32 v24, v56;
	_ =	sdelay $0x1  }
0x32f: {  	v21 =	vadd.f32 v57, v50;
	_ =	sdelay $0x1  }
0x330: {  	[tilespmem:s23+$0x14170] =	vst v21  }
0x331: {  	v21 =	vld.idx.msk [tilespmem:v58+s15+$0x0], $0xffff  }
0x332: {  	v59 =	vld.idx.msk [tilespmem:v22+s15+$0x0], $0xffff;
	_ =	sdelay $0x4  }
0x333: {  	v61 =	vshll.u32 v22, $0x3;
	v60 =	vshll.u32 v58, $0x3;
	v23 =	vsub.f32 v59, v21  }
0x334: {  	v26 =	vand.u32 $0xFFFFFC00, v61;
	v25 =	vand.u32 $0xFFFFFC00, v60  }
0x335: {  	v24 =	vand.u32 $0x7F, v58;
	v25 =	vadd.s32 v19, v25;
	(erf) = vrcp.f32 v23  }
0x336: {  	v19 =	vadd.s32 v19, v26;
	v24 =	vor.u32 v24, v25;
	v22 =	vand.u32 $0x7F, v22  }
0x337: {  	v24 =	vor.u32 v20, v24;
	v19 =	vor.u32 v22, v19  }
0x338: {  	v19 =	vor.u32 v20, v19;
	v20 =	vld [tilespmem:$0x80];
	_ =	sdelay $0x3  }
0x339: {  	v62 =	vld.idx.msk [tilespmem:v24+s11+$0x0], $0xffff  }
0x33a: {  	v19 =	vld.idx.msk [tilespmem:v19+s11+$0x0], $0xffff;
	v20 =	vsub.f32 v20, v21  }
0x33b: {  	v63 =	vpop (erf)  }
0x33c: {  	vm14 =	vgt.f32 v20, $0.0e+00;
	v21 =	vmul.f32 v20, v63  }
0x33d: {  	vm15 =	veq.f32 v23, $0.0e+00;
	v20 =	vsel vm14, $0x3F800000, v0  }
0x33e: {  	v20 =	vsel vm15, v20, v21  }
0x33f: {  	v19 =	vsub.f32 v19, v62;
	v20 =	vmax.f32 v20, $0.0e+00  }
0x340: {  	p0 =	sne.s32 s22, $0x7E;
	v20 =	vmin.f32 v20, $1.000000000e+00  }
.Ltmp0:
0x341: {  	v19 =	vmul.f32 v20, v19;
	(pc) =	sbr.rel @p0 .LBB2_3-.Ltmp0, $3  }
0x342: {  	_ = 	snop  }
0x343: {  	v19 =	vadd.f32 v19, v62;
	_ =	sdelay $0x1  }
0x344: {  	s21 =	sadd.s32 $0x100, s21;
	s20 =	sadd.s32 $0x200, s20;
	s22 =	sadd.s32 $0x2, s22;
	[tilespmem:s23+$0x14500] =	vst v19  }
0x345: {  	s18 =	sadd.s32 $0x1, s18  }
0x346: {  	p0 =	sne.s32 s18, $0x4  }
.Ltmp1:
0x347: {  	s19 =	sadd.s32 s6, s19;
	(pc) =	sbr.rel @p0 .LBB2_2-.Ltmp1, $4  }
0x348: {  	[hbm4b:s19+s3] =	stream.linear.scatter [tilespmem:s16], [sflag:$0x1], $0x8000, $0x38;
	[tilespmem:$0x1C900] =	vst v63  }
0x349: {  	_ =	swait.ge [sflag:s9], $0x8000  }
0x34a: {  	[sflag:s9] =	ssyncset.done $0x0  }
0x34b: {  	[sflag:s9] =	ssyncadd.s32 $0xFFFF8000  }
0x34c: {  	s17 =	sadd.s32 $0x1, s17  }
0x34d: {  	p0 =	sne.s32 s17, s8  }
.Ltmp2:
0x34e: {  	_ = 	snop;
	(pc) =	sbr.rel @p0 .LBB2_1-.Ltmp2, $1  }
0x34f: {  	_ =	sdelay $0x3  }
0x350: {  	_ =	sfence.sel $0x180000  }
0x351: {  	[bflag:$0x0] =	sbarrier.arrive $0xFFFF  }
0x352: {  	p0 =	sne.s32 s4, $0x0;
	_ =	strace $0x90000047  }
0x353: {  	s0 =	sadd.s32 @!p0 $0x100000, s0;
	[bflag:$0x2] =	sbarrier.arrive $0xFFFF  }
0x354: {  	[sflag:s0] =	ssyncadd.tile.s32 @!p0 $0x1;
	_ =	shalt  }
.Lfunc_end2:
_tile_overlayer_lowered:
.L_overlay_start_2:
0x355: {  	(tag) =	ssettag $0x2  }
0x356: {  	s0 =	rddreg [dreg:$0x0];
	s2 =	stileid.u32  }
0x357: {  	s1 =	rddreg [dreg:$0x1];
	p0 =	sne.s32 s2, $0x0  }
0x358: {  	s3 =	rddreg [dreg:$0x2];
	[bflag:$0x3] =	sbarrier.arrive $0xFFFF;
	s2 =	simm.s32 @!p0 $0x1C01  }
0x359: {  	[timem:s3], [sflag:s2] =	dma.local @!p0 [hbm:s0], s1  }
0x35a: {  	s0 =	simm.s32 @!p0 $0x1  }
0x35b: {  	_ =	swait.ge @!p0 [sflag:s0], s1  }
0x35c: {  	s1 =	ssub.s32 @!p0 $0x0, s1;
	[sflag:s0] =	ssyncset.done @!p0 $0x0  }
0x35d: {  	[sflag:s0] =	ssyncadd.s32 @!p0 s1  }
0x35e: {  	[bflag:$0x3] =	sbarrier.arrive $0xFFFF  }
0x35f: {  	_ =	shalt  }

</sc_bundles>
